<compile_context>
chip_gen: v7x
topology: tpu7x:2x2x1
jax: 0.10.2.dev20260603
libtpu: 0.0.44.dev20260713+nightly
codegen_flags: <defaults>
</compile_context>

<pallas_src>
import functools

import jax
import jax.numpy as jnp
from jax import lax
from jax.experimental import pallas as pl
from jax.experimental.pallas import tpu as pltpu
from jax.experimental.pallas import tpu_sc as plsc

N = 10000
D = 128
E = 320000
P = 2
NT = 16
CH = 112
CPG = 6
NGRP = 30
NGRP_PAD = 31
NPAIR = 15
WPP = 6
EPT = NGRP * CPG * CH
NROW = 10112
RPT = NROW // NT
DW = 16
PAD_DST = N

_mesh = plsc.VectorSubcoreMesh(core_axis_name="c", subcore_axis_name="s")


@functools.partial(
    pl.kernel,
    out_type=(
        jax.ShapeDtypeStruct((P, NROW, D), jnp.float32),
        jax.ShapeDtypeStruct((P, NROW, DW), jnp.float32),
    ),
    mesh=_mesh,
    scratch_types=[
        pltpu.VMEM((N // 2,), jnp.int32),
        pltpu.VMEM((CPG, CH), jnp.int32),
        pltpu.VMEM((CPG, CH), jnp.int32),
        pltpu.VMEM((CPG, CH), jnp.int32),
        pltpu.VMEM((CPG, CH), jnp.int32),
        pltpu.VMEM((4, CH), jnp.int32),
        pltpu.VMEM((2, CH, D), jnp.float32),
        pltpu.VMEM((CH, DW), jnp.float32),
        pltpu.VMEM_SHARED((NROW, D), jnp.float32),
        pltpu.VMEM_SHARED((NROW, DW), jnp.float32),
        pltpu.SemaphoreType.DMA,
        pltpu.SemaphoreType.DMA,
        pltpu.SemaphoreType.DMA,
        pltpu.SemaphoreType.DMA,
    ],
    compiler_params=pltpu.CompilerParams(needs_layout_passes=False,
                                         use_tc_tiling_on_sc=False),
)
def _sc_aggregate(feat_hbm, fidx_hbm, src_hbm, dst_hbm, acc_hbm, deg_hbm,
                  fidx_v, src_g0, src_g1, dst_g0, dst_g1, cidx_v, rows_v,
                  ones_v, acc_sh, deg_sh, isem, gsem, ssem, dsem):
    c = lax.axis_index("c")
    s = lax.axis_index("s")
    zero16 = jnp.zeros((16,), jnp.float32)
    one16 = jnp.ones((16,), jnp.float32)

    def zero_bufs(i, _):
        for u in range(D // 16):
            rows_v[0, i, pl.ds(u * 16, 16)] = zero16
        ones_v[i, :] = zero16
        return 0

    lax.fori_loop(0, CH, zero_bufs, 0)

    for k in range(5):
        pltpu.sync_copy(rows_v.at[0],
                        acc_sh.at[pl.ds(s * RPT + k * CH, CH)])
        pltpu.sync_copy(ones_v, deg_sh.at[pl.ds(s * RPT + k * CH, CH)])
    pltpu.sync_copy(rows_v.at[0, pl.ds(0, RPT - 5 * CH)],
                    acc_sh.at[pl.ds(s * RPT + 5 * CH, RPT - 5 * CH)])
    pltpu.sync_copy(ones_v.at[pl.ds(0, RPT - 5 * CH)],
                    deg_sh.at[pl.ds(s * RPT + 5 * CH, RPT - 5 * CH)])

    def set_ones(i, _):
        ones_v[i, :] = one16
        return 0

    lax.fori_loop(0, CH, set_ones, 0)

    plsc.subcore_barrier()

    def fire_idx(sbuf, k, cb):
        pltpu.async_copy(fidx_hbm.at[src_g.at[sbuf, k]], cidx_v.at[cb], isem)

    def fire_row(cb, rb):
        pltpu.async_copy(feat_hbm.at[cidx_v.at[cb]], rows_v.at[rb], gsem)

    def fire_scat(rb, dbuf, k):
        pltpu.async_copy(rows_v.at[rb], acc_sh.at[dst_g.at[dbuf, k]], ssem,
                         add=True)
        pltpu.async_copy(ones_v, deg_sh.at[dst_g.at[dbuf, k]], dsem, add=True)

    def drain_idx(times):
        for _ in range(times):
            pltpu.make_async_copy(fidx_hbm.at[src_g.at[0, 0]],
                                  cidx_v.at[0], isem).wait()

    def drain_row(times):
        for _ in range(times):
            pltpu.make_async_copy(feat_hbm.at[cidx_v.at[0]],
                                  rows_v.at[0], gsem).wait()

    def drain_scat(times):
        for _ in range(times):
            pltpu.make_async_copy(rows_v.at[0],
                                  acc_sh.at[dst_g.at[0, 0]], ssem).wait()
            pltpu.make_async_copy(ones_v,
                                  deg_sh.at[dst_g.at[0, 0]], dsem).wait()

    srcb = (src_g0, src_g1)
    dstb = (dst_g0, dst_g1)

    def compose_idx(sbuf, k, cb):
        for u in range(CH // 16):
            sv = srcb[sbuf][k, pl.ds(u * 16, 16)]
            w = plsc.load_gather(fidx_v, [lax.shift_right_logical(sv, 1)])
            sh = (sv & 1) * 16
            cidx_v[cb, pl.ds(u * 16, 16)] = (
                lax.shift_right_logical(w, sh) & 0xFFFF)

    def fire_row(cb, rb):
        pltpu.async_copy(feat_hbm.at[cidx_v.at[cb]], rows_v.at[rb], gsem)

    def fire_scat(rb, dbuf, k):
        pltpu.async_copy(rows_v.at[rb], acc_sh.at[dstb[dbuf].at[k]], ssem,
                         add=True)
        pltpu.async_copy(ones_v, deg_sh.at[dstb[dbuf].at[k]], dsem, add=True)

    def drain_row(times):
        for _ in range(times):
            pltpu.make_async_copy(feat_hbm.at[cidx_v.at[0]],
                                  rows_v.at[0], gsem).wait()

    def drain_scat(times):
        for _ in range(times):
            pltpu.make_async_copy(rows_v.at[0],
                                  acc_sh.at[dst_g0.at[0]], ssem).wait()
            pltpu.make_async_copy(ones_v,
                                  deg_sh.at[dst_g0.at[0]], dsem).wait()

    def load_group(g, buf):
        pltpu.sync_copy(src_hbm.at[c, s, pl.ds(g * CPG, CPG)], srcb[buf])
        pltpu.sync_copy(dst_hbm.at[c, s, pl.ds(g * CPG, CPG)], dstb[buf])

    pltpu.sync_copy(fidx_hbm.at[c], fidx_v)
    load_group(0, 0)
    compose_idx(0, 0, 0)
    compose_idx(0, 1, 1)

    def pair(gg, _):
        for v in range(WPP):
            j0, j1 = 2 * v, 2 * v + 1
            c0, c1 = j0 % 4, j1 % 4
            n0, n1 = (j0 + 2) % 4, (j1 + 2) % 4
            b0, b1 = j0 // CPG, j1 // CPG
            nb0, nb1 = ((j0 + 2) // CPG) % 2, ((j1 + 2) // CPG) % 2
            if v == 0:
                @pl.when(gg > 0)
                def _():
                    drain_scat(2)
            else:
                drain_scat(2)
            fire_row(c0, 0)
            fire_row(c1, 1)
            compose_idx(nb0, (j0 + 2) % CPG, n0)
            compose_idx(nb1, (j1 + 2) % CPG, n1)
            if v == 1:
                load_group(2 * gg + 1, 1)
            if v == 4:
                load_group(2 * gg + 2, 0)
            drain_row(2)
            fire_scat(0, b0, j0 % CPG)
            fire_scat(1, b1, j1 % CPG)
        return 0

    lax.fori_loop(0, NPAIR, pair, 0)

    drain_scat(2)

    plsc.subcore_barrier()

    pltpu.sync_copy(acc_sh.at[pl.ds(s * RPT, RPT)],
                    acc_hbm.at[c, pl.ds(s * RPT, RPT)])
    pltpu.sync_copy(deg_sh.at[pl.ds(s * RPT, RPT)],
                    deg_hbm.at[c, pl.ds(s * RPT, RPT)])


NB = 8
BLK = NROW // NB
NBC = 10
BLKC = N // NBC


def _tc_norm_att(acc_ref, deg_ref, watt_ref, batt_ref, h_ref, msum_ref):
    i = pl.program_id(1)
    a = acc_ref[0]
    d = deg_ref[0][:, 0:1]
    x = a / jnp.maximum(d, 1.0)
    h = jnp.where(x > 0, x, jnp.exp(jnp.minimum(x, 0.0)) - 1.0)
    h_ref[0] = h
    m = jnp.tanh(
        lax.dot_general(h, watt_ref[...], (((1,), (0,)), ((), ())),
                        precision=lax.Precision.HIGHEST,
                        preferred_element_type=jnp.float32)
        + batt_ref[...])
    rows = lax.broadcasted_iota(jnp.int32, (BLK, 1), 0) + i * BLK
    m = jnp.where(rows < N, m, 0.0)
    part = jnp.sum(m, axis=0, keepdims=True)

    @pl.when(i == 0)
    def _():
        msum_ref[...] = jnp.zeros_like(msum_ref)

    msum_ref[...] += part[None]


def _tc_combine_fc(h_ref, msum_ref, qatt_ref, wfct_ref, bfc_ref,
                   hout_ref, hfc_ref):
    sco = jnp.sum(msum_ref[:, 0, :] * qatt_ref[...], axis=1) / float(N)
    m = jnp.maximum(sco[0], sco[1])
    e = jnp.exp(sco - m)
    beta = e / jnp.sum(e)
    o = h_ref[0] * beta[0] + h_ref[1] * beta[1]
    hout_ref[...] = o
    hfc_ref[...] = (
        lax.dot_general(o, wfct_ref[...], (((1,), (0,)), ((), ())),
                        precision=lax.Precision.HIGHEST,
                        preferred_element_type=jnp.float32)
        + bfc_ref[...])


def kernel(features, type_mask, edge_index, feature_idxes,
           W_att, b_att, q_att, W_fc, b_fc):
    del type_mask
    src = edge_index[:, 0, :].astype(jnp.int32)
    dst = edge_index[:, 1, :].astype(jnp.int32)
    pad = NT * NGRP * CPG * CH - E
    src = jnp.pad(src, ((0, 0), (0, pad))).reshape(P, NT, NGRP * CPG, CH)
    dst = jnp.pad(dst, ((0, 0), (0, pad)),
                  constant_values=PAD_DST).reshape(P, NT, NGRP * CPG, CH)
    src = jnp.pad(src, ((0, 0), (0, 0), (0, CPG), (0, 0)))
    dst = jnp.pad(dst, ((0, 0), (0, 0), (0, CPG), (0, 0)))
    f2 = feature_idxes.astype(jnp.int32).reshape(P, N // 2, 2)
    fidx = f2[..., 0] | (f2[..., 1] << 16)

    acc, deg = _sc_aggregate(features, fidx, src, dst)

    h, msum = pl.pallas_call(
        _tc_norm_att,
        grid=(P, NB),
        in_specs=[
            pl.BlockSpec((1, BLK, D), lambda p, i: (p, i, 0)),
            pl.BlockSpec((1, BLK, DW), lambda p, i: (p, i, 0)),
            pl.BlockSpec((D, D), lambda p, i: (0, 0)),
            pl.BlockSpec((1, D), lambda p, i: (0, 0)),
        ],
        out_specs=[
            pl.BlockSpec((1, BLK, D), lambda p, i: (p, i, 0)),
            pl.BlockSpec((1, 8, D), lambda p, i: (p, 0, 0)),
        ],
        out_shape=[
            jax.ShapeDtypeStruct((P, NROW, D), jnp.float32),
            jax.ShapeDtypeStruct((P, 8, D), jnp.float32),
        ],
    )(acc, deg, W_att, b_att.reshape(1, D))

    hout, hfc = pl.pallas_call(
        _tc_combine_fc,
        grid=(NBC,),
        in_specs=[
            pl.BlockSpec((P, BLKC, D), lambda i: (0, i, 0)),
            pl.BlockSpec((P, 8, D), lambda i: (0, 0, 0)),
            pl.BlockSpec((1, D), lambda i: (0, 0)),
            pl.BlockSpec((D, D), lambda i: (0, 0)),
            pl.BlockSpec((1, D), lambda i: (0, 0)),
        ],
        out_specs=[
            pl.BlockSpec((BLKC, D), lambda i: (i, 0)),
            pl.BlockSpec((BLKC, D), lambda i: (i, 0)),
        ],
        out_shape=[
            jax.ShapeDtypeStruct((N, D), jnp.float32),
            jax.ShapeDtypeStruct((N, D), jnp.float32),
        ],
    )(h, msum, q_att.reshape(1, D), W_fc.T, b_fc.reshape(1, D))

    return (hfc, hout)

# --- scband reference (transcript-rebuilt; emitter-appended) ---
"""Pipeline reference for scband-shgnn-nc-layer-5334349382321 (READ-ONLY COPY).

The authoritative reference and input builder live on the scoring server;
editing this copy changes nothing except your own understanding.
"""

import jax, jax.numpy as jnp
import numpy as np

N_NODES = 10000
N_METAPATHS = 2
N_EDGES = 320000
IN_DIM = 128
OUT_DIM = 128


def setup_inputs(seed: int = 0) -> dict:
    key = jax.random.key(seed)
    ks = jax.random.split(key, 10)
    features = jax.random.normal(ks[0], (N_NODES, IN_DIM), dtype=jnp.float32)
    # all nodes are of the center ntype (type 0)
    type_mask = jnp.zeros((N_NODES,), dtype=jnp.int64)
    # per-metapath edge lists: edge_index[p, 0] = src (into metapath node set), edge_index[p, 1] = dst (center node id)
    edge_index = jax.random.randint(ks[1], (N_METAPATHS, 2, N_EDGES), 0, N_NODES, dtype=jnp.int64)
    # per-metapath mapping from metapath-graph node id -> global feature row
    feature_idxes = jax.random.randint(ks[2], (N_METAPATHS, N_NODES), 0, N_NODES, dtype=jnp.int64)
    # learned parameters (ctr_ntype semantic attention + output fc, xavier-style scale)
    W_att = jax.random.normal(ks[3], (IN_DIM, IN_DIM), dtype=jnp.float32) * (1.414 / np.sqrt(IN_DIM))
    b_att = jnp.zeros((IN_DIM,), dtype=jnp.float32)
    q_att = jax.random.normal(ks[4], (IN_DIM,), dtype=jnp.float32) * (1.0 / np.sqrt(IN_DIM))
    W_fc = jax.random.normal(ks[5], (OUT_DIM, IN_DIM), dtype=jnp.float32) * (1.414 / np.sqrt(IN_DIM))
    b_fc = jnp.zeros((OUT_DIM,), dtype=jnp.float32)
    return {"features": features, "type_mask": type_mask, "edge_index": edge_index,
            "feature_idxes": feature_idxes, "W_att": W_att, "b_att": b_att,
            "q_att": q_att, "W_fc": W_fc, "b_fc": b_fc}


def _ctr_ntype_specific(features, edge_index, feature_idxes, W_att, b_att, q_att, n_ctr):
    # SHGNN center-ntype-specific layer: per-metapath mean aggregation (GCN-style) over the
    # metapath-instance graph followed by semantic attention over metapaths.
    P = edge_index.shape[0]
    metapath_outs = []
    for p in range(P):
        feat_p = jnp.take(features, feature_idxes[p], axis=0)          # gather metapath node features
        src = edge_index[p, 0]
        dst = edge_index[p, 1]
        msg = jnp.take(feat_p, src, axis=0)                            # per-edge gather
        agg = jax.ops.segment_sum(msg, dst, num_segments=n_ctr)        # scatter-add to center nodes
        deg = jax.ops.segment_sum(jnp.ones((src.shape[0],), dtype=features.dtype), dst, num_segments=n_ctr)
        h_p = agg / jnp.maximum(deg, 1.0)[:, None]
        h_p = jax.nn.elu(h_p)
        metapath_outs.append(h_p)
    stacked = jnp.stack(metapath_outs, axis=0)                         # [P, n_ctr, d]
    # semantic attention across metapaths
    s = jnp.mean(jnp.tanh(stacked @ W_att + b_att) @ q_att, axis=1)    # [P]
    beta = jax.nn.softmax(s)
    out = jnp.einsum('p,pnd->nd', beta, stacked)                       # [n_ctr, d]
    return out


def reference(features, type_mask, edge_index, feature_idxes, W_att, b_att, q_att, W_fc, b_fc):
    n_total = type_mask.shape[0]
    n_ctr = n_total  # all nodes are type 0 in this setup
    ctr_out = _ctr_ntype_specific(features, edge_index, feature_idxes, W_att, b_att, q_att, n_ctr)
    ctr_idx = jnp.nonzero(type_mask == 0, size=n_ctr)[0]
    h = jnp.zeros((n_total, features.shape[1]), dtype=features.dtype)
    h = h.at[ctr_idx].set(ctr_out)                                     # scatter-overwrite
    h_fc = h @ W_fc.T + b_fc                                           # fc_switch == False path
    return (h_fc, h)

if __name__ == "__main__":
    import jax
    _d = setup_inputs()
    print(jax.jit(kernel)(*tuple(_d.values())))

</pallas_src>

<mosaic_0001>
#map = affine_map<(d0, d1) -> (0, 0)>
#map1 = affine_map<(d0, d1) -> (0, 0, 0, 0)>
#map2 = affine_map<(d0, d1) -> (0, 0, 0)>
module attributes {stable_mosaic.version = 14 : i64} {
  func.func @_sc_aggregate(%arg0: i32, %arg1: i32, %arg2: memref<10000x128xf32, #tpu.memory_space<hbm>>, %arg3: memref<2x5000xi32, #tpu.memory_space<hbm>>, %arg4: memref<2x16x186x112xi32, #tpu.memory_space<hbm>>, %arg5: memref<2x16x186x112xi32, #tpu.memory_space<hbm>>, %arg6: memref<2x10112x128xf32, #tpu.memory_space<hbm>>, %arg7: memref<2x10112x16xf32, #tpu.memory_space<hbm>>, %arg8: memref<5000xi32, #tpu.memory_space<vmem>>, %arg9: memref<6x112xi32, #tpu.memory_space<vmem>>, %arg10: memref<6x112xi32, #tpu.memory_space<vmem>>, %arg11: memref<6x112xi32, #tpu.memory_space<vmem>>, %arg12: memref<6x112xi32, #tpu.memory_space<vmem>>, %arg13: memref<4x112xi32, #tpu.memory_space<vmem>>, %arg14: memref<2x112x128xf32, #tpu.memory_space<vmem>>, %arg15: memref<112x16xf32, #tpu.memory_space<vmem>>, %arg16: memref<10112x128xf32, #tpu.memory_space<vmem_shared>>, %arg17: memref<10112x16xf32, #tpu.memory_space<vmem_shared>>, %arg18: memref<!tpu.dma_semaphore, #tpu.memory_space<semaphore_mem>>, %arg19: memref<!tpu.dma_semaphore, #tpu.memory_space<semaphore_mem>>, %arg20: memref<!tpu.dma_semaphore, #tpu.memory_space<semaphore_mem>>, %arg21: memref<!tpu.dma_semaphore, #tpu.memory_space<semaphore_mem>>) attributes {dimension_semantics = [#tpu.dimension_semantics<core_parallel>, #tpu.dimension_semantics<subcore_parallel>], iteration_bounds = array<i64: 2, 16>, scalar_prefetch = 0 : i64, scratch_operands = 14 : i64, tpu.core_type = #tpu.core_type<sc_vector_subcore>, window_params = [{transform_indices = #map}, {transform_indices = #map}, {transform_indices = #map1}, {transform_indices = #map1}, {transform_indices = #map2}, {transform_indices = #map2}]} {
    %broadcast_in_dim3A = arith.constant 0.000000e+00 : f32
    %broadcast_in_dim3A_0 = vector.broadcast %broadcast_in_dim3A : f32 to vector<16xf32>
    %broadcast_in_dim3A_1 = arith.constant 1.000000e+00 : f32
    %broadcast_in_dim3A_2 = vector.broadcast %broadcast_in_dim3A_1 : f32 to vector<16xf32>
    %scan3A = arith.constant 0 : i32
    %scan3A_3 = arith.constant 0 : i32
    %scan3A_4 = arith.constant 112 : i32
    %scan3A_5 = arith.addi %scan3A_3, %scan3A_4 : i32
    %scan3A_6 = arith.constant 1 : i32
    %scan3A_7 = scf.for %scan3A_423 = %scan3A_3 to %scan3A_5 step %scan3A_6 iter_args(%scan3A_424 = %scan3A) -> (i32)  : i32 {
      %swap3A_425 = arith.constant 0 : i32
      %swap3A_426 = arith.index_cast %swap3A_425 : i32 to index
      %swap3A_427 = arith.index_cast %scan3A_423 : i32 to index
      %swap3A_428 = arith.constant 0 : index
      %swap3A_429 = tpu.vector_load %arg14[%swap3A_426, %swap3A_427, %swap3A_428] {strides = array<i32>} : memref<2x112x128xf32, #tpu.memory_space<vmem>>, vector<16xf32>,
      tpu.vector_store %arg14[%swap3A_426, %swap3A_427, %swap3A_428], %broadcast_in_dim3A_0 {strides = array<i32>} : memref<2x112x128xf32, #tpu.memory_space<vmem>>, vector<16xf32>,
      %swap3A_430 = arith.constant 0 : i32
      %swap3A_431 = arith.index_cast %swap3A_430 : i32 to index
      %swap3A_432 = arith.index_cast %scan3A_423 : i32 to index
      %swap3A_433 = arith.constant 16 : index
      %swap3A_434 = tpu.vector_load %arg14[%swap3A_431, %swap3A_432, %swap3A_433] {strides = array<i32>} : memref<2x112x128xf32, #tpu.memory_space<vmem>>, vector<16xf32>,
      tpu.vector_store %arg14[%swap3A_431, %swap3A_432, %swap3A_433], %broadcast_in_dim3A_0 {strides = array<i32>} : memref<2x112x128xf32, #tpu.memory_space<vmem>>, vector<16xf32>,
      %swap3A_435 = arith.constant 0 : i32
      %swap3A_436 = arith.index_cast %swap3A_435 : i32 to index
      %swap3A_437 = arith.index_cast %scan3A_423 : i32 to index
      %swap3A_438 = arith.constant 32 : index
      %swap3A_439 = tpu.vector_load %arg14[%swap3A_436, %swap3A_437, %swap3A_438] {strides = array<i32>} : memref<2x112x128xf32, #tpu.memory_space<vmem>>, vector<16xf32>,
      tpu.vector_store %arg14[%swap3A_436, %swap3A_437, %swap3A_438], %broadcast_in_dim3A_0 {strides = array<i32>} : memref<2x112x128xf32, #tpu.memory_space<vmem>>, vector<16xf32>,
      %swap3A_440 = arith.constant 0 : i32
      %swap3A_441 = arith.index_cast %swap3A_440 : i32 to index
      %swap3A_442 = arith.index_cast %scan3A_423 : i32 to index
      %swap3A_443 = arith.constant 48 : index
      %swap3A_444 = tpu.vector_load %arg14[%swap3A_441, %swap3A_442, %swap3A_443] {strides = array<i32>} : memref<2x112x128xf32, #tpu.memory_space<vmem>>, vector<16xf32>,
      tpu.vector_store %arg14[%swap3A_441, %swap3A_442, %swap3A_443], %broadcast_in_dim3A_0 {strides = array<i32>} : memref<2x112x128xf32, #tpu.memory_space<vmem>>, vector<16xf32>,
      %swap3A_445 = arith.constant 0 : i32
      %swap3A_446 = arith.index_cast %swap3A_445 : i32 to index
      %swap3A_447 = arith.index_cast %scan3A_423 : i32 to index
      %swap3A_448 = arith.constant 64 : index
      %swap3A_449 = tpu.vector_load %arg14[%swap3A_446, %swap3A_447, %swap3A_448] {strides = array<i32>} : memref<2x112x128xf32, #tpu.memory_space<vmem>>, vector<16xf32>,
      tpu.vector_store %arg14[%swap3A_446, %swap3A_447, %swap3A_448], %broadcast_in_dim3A_0 {strides = array<i32>} : memref<2x112x128xf32, #tpu.memory_space<vmem>>, vector<16xf32>,
      %swap3A_450 = arith.constant 0 : i32
      %swap3A_451 = arith.index_cast %swap3A_450 : i32 to index
      %swap3A_452 = arith.index_cast %scan3A_423 : i32 to index
      %swap3A_453 = arith.constant 80 : index
      %swap3A_454 = tpu.vector_load %arg14[%swap3A_451, %swap3A_452, %swap3A_453] {strides = array<i32>} : memref<2x112x128xf32, #tpu.memory_space<vmem>>, vector<16xf32>,
      tpu.vector_store %arg14[%swap3A_451, %swap3A_452, %swap3A_453], %broadcast_in_dim3A_0 {strides = array<i32>} : memref<2x112x128xf32, #tpu.memory_space<vmem>>, vector<16xf32>,
      %swap3A_455 = arith.constant 0 : i32
      %swap3A_456 = arith.index_cast %swap3A_455 : i32 to index
      %swap3A_457 = arith.index_cast %scan3A_423 : i32 to index
      %swap3A_458 = arith.constant 96 : index
      %swap3A_459 = tpu.vector_load %arg14[%swap3A_456, %swap3A_457, %swap3A_458] {strides = array<i32>} : memref<2x112x128xf32, #tpu.memory_space<vmem>>, vector<16xf32>,
      tpu.vector_store %arg14[%swap3A_456, %swap3A_457, %swap3A_458], %broadcast_in_dim3A_0 {strides = array<i32>} : memref<2x112x128xf32, #tpu.memory_space<vmem>>, vector<16xf32>,
      %swap3A_460 = arith.constant 0 : i32
      %swap3A_461 = arith.index_cast %swap3A_460 : i32 to index
      %swap3A_462 = arith.index_cast %scan3A_423 : i32 to index
      %swap3A_463 = arith.constant 112 : index
      %swap3A_464 = tpu.vector_load %arg14[%swap3A_461, %swap3A_462, %swap3A_463] {strides = array<i32>} : memref<2x112x128xf32, #tpu.memory_space<vmem>>, vector<16xf32>,
      tpu.vector_store %arg14[%swap3A_461, %swap3A_462, %swap3A_463], %broadcast_in_dim3A_0 {strides = array<i32>} : memref<2x112x128xf32, #tpu.memory_space<vmem>>, vector<16xf32>,
      %swap3A_465 = arith.index_cast %scan3A_423 : i32 to index
      %swap3A_466 = arith.constant 0 : index
      %swap3A_467 = tpu.vector_load %arg15[%swap3A_465, %swap3A_466] {strides = array<i32>} : memref<112x16xf32, #tpu.memory_space<vmem>>, vector<16xf32>,
      tpu.vector_store %arg15[%swap3A_465, %swap3A_466], %broadcast_in_dim3A_0 {strides = array<i32>} : memref<112x16xf32, #tpu.memory_space<vmem>>, vector<16xf32>,
      %scan3A_468 = arith.constant 0 : i32
      scf.yield %scan3A_468 : i32
    }
    %scan3A_8 = arith.constant 112 : i32
    %mul3A = arith.constant 632 : i32
    %mul3A_9 = arith.muli %arg1, %mul3A : i32
    %add3A = arith.constant 0 : i32
    %add3A_10 = arith.addi %mul3A_9, %add3A : i32
    %run_scoped3A = arith.constant 0 : i32
    "tpu.region"() ({
      %run_scoped3A_423 = tpu.sem_alloc : memref<!tpu.dma_semaphore, #tpu.memory_space<semaphore_mem>>
      %dma_start3A = arith.constant 0 : i32
      %dma_start3A_424 = arith.constant 0 : i32
      %dma_start3A_425 = tpu.memref_slice %arg14[%run_scoped3A, %dma_start3A, %dma_start3A_424] : memref<2x112x128xf32, #tpu.memory_space<vmem>> -> memref<1x112x128xf32, #tpu.memory_space<vmem>>
      %dma_start3A_426 = tpu.memref_squeeze %dma_start3A_425 : memref<1x112x128xf32, #tpu.memory_space<vmem>> -> memref<112x128xf32, #tpu.memory_space<vmem>>
      %dma_start3A_427 = arith.constant 0 : i32
      %dma_start3A_428 = tpu.memref_slice %arg16[%add3A_10, %dma_start3A_427] : memref<10112x128xf32, #tpu.memory_space<vmem_shared>> -> memref<112x128xf32, #tpu.memory_space<vmem_shared>>
      %dma_start3A_429 = arith.constant 0 : i32
      %dma_start3A_430 = tpu.memref_slice %arg16[%add3A_10, %dma_start3A_429] : memref<10112x128xf32, #tpu.memory_space<vmem_shared>> -> memref<112x128xf32, #tpu.memory_space<vmem_shared>>
      %dma_start3A_431 = arith.constant 0 : i32
      %dma_start3A_432 = arith.constant 0 : i32
      %dma_start3A_433 = tpu.memref_slice %arg14[%run_scoped3A, %dma_start3A_431, %dma_start3A_432] : memref<2x112x128xf32, #tpu.memory_space<vmem>> -> memref<1x112x128xf32, #tpu.memory_space<vmem>>
      %dma_start3A_434 = tpu.memref_squeeze %dma_start3A_433 : memref<1x112x128xf32, #tpu.memory_space<vmem>> -> memref<112x128xf32, #tpu.memory_space<vmem>>
      tpu.enqueue_dma source(%dma_start3A_434 : memref<112x128xf32, #tpu.memory_space<vmem>>) target(%dma_start3A_430 : memref<112x128xf32, #tpu.memory_space<vmem_shared>>) target_semaphore(%run_scoped3A_423 : memref<!tpu.dma_semaphore, #tpu.memory_space<semaphore_mem>>)
      %dma_wait3A_435 = arith.constant 0 : i32
      %dma_wait3A_436 = arith.constant 0 : i32
      %dma_wait3A_437 = tpu.memref_slice %arg14[%run_scoped3A, %dma_wait3A_435, %dma_wait3A_436] : memref<2x112x128xf32, #tpu.memory_space<vmem>> -> memref<1x112x128xf32, #tpu.memory_space<vmem>>
      %dma_wait3A_438 = tpu.memref_squeeze %dma_wait3A_437 : memref<1x112x128xf32, #tpu.memory_space<vmem>> -> memref<112x128xf32, #tpu.memory_space<vmem>>
      %dma_wait3A_439 = arith.constant 0 : i32
      %dma_wait3A_440 = tpu.memref_slice %arg16[%add3A_10, %dma_wait3A_439] : memref<10112x128xf32, #tpu.memory_space<vmem_shared>> -> memref<112x128xf32, #tpu.memory_space<vmem_shared>>
      %dma_wait3A_441 = arith.constant 0 : i32
      %dma_wait3A_442 = tpu.memref_slice %arg16[%add3A_10, %dma_wait3A_441] : memref<10112x128xf32, #tpu.memory_space<vmem_shared>> -> memref<112x128xf32, #tpu.memory_space<vmem_shared>>
      %dma_wait3A_443 = arith.constant 0 : i32
      %dma_wait3A_444 = arith.constant 0 : i32
      %dma_wait3A_445 = tpu.memref_slice %arg14[%run_scoped3A, %dma_wait3A_443, %dma_wait3A_444] : memref<2x112x128xf32, #tpu.memory_space<vmem>> -> memref<1x112x128xf32, #tpu.memory_space<vmem>>
      %dma_wait3A_446 = tpu.memref_squeeze %dma_wait3A_445 : memref<1x112x128xf32, #tpu.memory_space<vmem>> -> memref<112x128xf32, #tpu.memory_space<vmem>>
      tpu.wait_dma2 semaphore(%run_scoped3A_423 : memref<!tpu.dma_semaphore, #tpu.memory_space<semaphore_mem>>) src(%dma_wait3A_446 : memref<112x128xf32, #tpu.memory_space<vmem>>) dst(%dma_wait3A_442 : memref<112x128xf32, #tpu.memory_space<vmem_shared>>)
      tpu.yield
    }) : () -> ()
    %mul3A_11 = arith.constant 632 : i32
    %mul3A_12 = arith.muli %arg1, %mul3A_11 : i32
    %add3A_13 = arith.constant 0 : i32
    %add3A_14 = arith.addi %mul3A_12, %add3A_13 : i32
    "tpu.region"() ({
      %run_scoped3A_423 = tpu.sem_alloc : memref<!tpu.dma_semaphore, #tpu.memory_space<semaphore_mem>>
      %dma_start3A = arith.constant 0 : i32
      %dma_start3A_424 = tpu.memref_slice %arg17[%add3A_14, %dma_start3A] : memref<10112x16xf32, #tpu.memory_space<vmem_shared>> -> memref<112x16xf32, #tpu.memory_space<vmem_shared>>
      %dma_start3A_425 = arith.constant 0 : i32
      %dma_start3A_426 = tpu.memref_slice %arg17[%add3A_14, %dma_start3A_425] : memref<10112x16xf32, #tpu.memory_space<vmem_shared>> -> memref<112x16xf32, #tpu.memory_space<vmem_shared>>
      tpu.enqueue_dma source(%arg15 : memref<112x16xf32, #tpu.memory_space<vmem>>) target(%dma_start3A_426 : memref<112x16xf32, #tpu.memory_space<vmem_shared>>) target_semaphore(%run_scoped3A_423 : memref<!tpu.dma_semaphore, #tpu.memory_space<semaphore_mem>>)
      %dma_wait3A_427 = arith.constant 0 : i32
      %dma_wait3A_428 = tpu.memref_slice %arg17[%add3A_14, %dma_wait3A_427] : memref<10112x16xf32, #tpu.memory_space<vmem_shared>> -> memref<112x16xf32, #tpu.memory_space<vmem_shared>>
      %dma_wait3A_429 = arith.constant 0 : i32
      %dma_wait3A_430 = tpu.memref_slice %arg17[%add3A_14, %dma_wait3A_429] : memref<10112x16xf32, #tpu.memory_space<vmem_shared>> -> memref<112x16xf32, #tpu.memory_space<vmem_shared>>
      tpu.wait_dma2 semaphore(%run_scoped3A_423 : memref<!tpu.dma_semaphore, #tpu.memory_space<semaphore_mem>>) src(%arg15 : memref<112x16xf32, #tpu.memory_space<vmem>>) dst(%dma_wait3A_430 : memref<112x16xf32, #tpu.memory_space<vmem_shared>>)
      tpu.yield
    }) : () -> ()
    %mul3A_15 = arith.constant 632 : i32
    %mul3A_16 = arith.muli %arg1, %mul3A_15 : i32
    %add3A_17 = arith.constant 112 : i32
    %add3A_18 = arith.addi %mul3A_16, %add3A_17 : i32
    %run_scoped3A_19 = arith.constant 0 : i32
    "tpu.region"() ({
      %run_scoped3A_423 = tpu.sem_alloc : memref<!tpu.dma_semaphore, #tpu.memory_space<semaphore_mem>>
      %dma_start3A = arith.constant 0 : i32
      %dma_start3A_424 = arith.constant 0 : i32
      %dma_start3A_425 = tpu.memref_slice %arg14[%run_scoped3A_19, %dma_start3A, %dma_start3A_424] : memref<2x112x128xf32, #tpu.memory_space<vmem>> -> memref<1x112x128xf32, #tpu.memory_space<vmem>>
      %dma_start3A_426 = tpu.memref_squeeze %dma_start3A_425 : memref<1x112x128xf32, #tpu.memory_space<vmem>> -> memref<112x128xf32, #tpu.memory_space<vmem>>
      %dma_start3A_427 = arith.constant 0 : i32
      %dma_start3A_428 = tpu.memref_slice %arg16[%add3A_18, %dma_start3A_427] : memref<10112x128xf32, #tpu.memory_space<vmem_shared>> -> memref<112x128xf32, #tpu.memory_space<vmem_shared>>
      %dma_start3A_429 = arith.constant 0 : i32
      %dma_start3A_430 = tpu.memref_slice %arg16[%add3A_18, %dma_start3A_429] : memref<10112x128xf32, #tpu.memory_space<vmem_shared>> -> memref<112x128xf32, #tpu.memory_space<vmem_shared>>
      %dma_start3A_431 = arith.constant 0 : i32
      %dma_start3A_432 = arith.constant 0 : i32
      %dma_start3A_433 = tpu.memref_slice %arg14[%run_scoped3A_19, %dma_start3A_431, %dma_start3A_432] : memref<2x112x128xf32, #tpu.memory_space<vmem>> -> memref<1x112x128xf32, #tpu.memory_space<vmem>>
      %dma_start3A_434 = tpu.memref_squeeze %dma_start3A_433 : memref<1x112x128xf32, #tpu.memory_space<vmem>> -> memref<112x128xf32, #tpu.memory_space<vmem>>
      tpu.enqueue_dma source(%dma_start3A_434 : memref<112x128xf32, #tpu.memory_space<vmem>>) target(%dma_start3A_430 : memref<112x128xf32, #tpu.memory_space<vmem_shared>>) target_semaphore(%run_scoped3A_423 : memref<!tpu.dma_semaphore, #tpu.memory_space<semaphore_mem>>)
      %dma_wait3A_435 = arith.constant 0 : i32
      %dma_wait3A_436 = arith.constant 0 : i32
      %dma_wait3A_437 = tpu.memref_slice %arg14[%run_scoped3A_19, %dma_wait3A_435, %dma_wait3A_436] : memref<2x112x128xf32, #tpu.memory_space<vmem>> -> memref<1x112x128xf32, #tpu.memory_space<vmem>>
      %dma_wait3A_438 = tpu.memref_squeeze %dma_wait3A_437 : memref<1x112x128xf32, #tpu.memory_space<vmem>> -> memref<112x128xf32, #tpu.memory_space<vmem>>
      %dma_wait3A_439 = arith.constant 0 : i32
      %dma_wait3A_440 = tpu.memref_slice %arg16[%add3A_18, %dma_wait3A_439] : memref<10112x128xf32, #tpu.memory_space<vmem_shared>> -> memref<112x128xf32, #tpu.memory_space<vmem_shared>>
      %dma_wait3A_441 = arith.constant 0 : i32
      %dma_wait3A_442 = tpu.memref_slice %arg16[%add3A_18, %dma_wait3A_441] : memref<10112x128xf32, #tpu.memory_space<vmem_shared>> -> memref<112x128xf32, #tpu.memory_space<vmem_shared>>
      %dma_wait3A_443 = arith.constant 0 : i32
      %dma_wait3A_444 = arith.constant 0 : i32
      %dma_wait3A_445 = tpu.memref_slice %arg14[%run_scoped3A_19, %dma_wait3A_443, %dma_wait3A_444] : memref<2x112x128xf32, #tpu.memory_space<vmem>> -> memref<1x112x128xf32, #tpu.memory_space<vmem>>
      %dma_wait3A_446 = tpu.memref_squeeze %dma_wait3A_445 : memref<1x112x128xf32, #tpu.memory_space<vmem>> -> memref<112x128xf32, #tpu.memory_space<vmem>>
      tpu.wait_dma2 semaphore(%run_scoped3A_423 : memref<!tpu.dma_semaphore, #tpu.memory_space<semaphore_mem>>) src(%dma_wait3A_446 : memref<112x128xf32, #tpu.memory_space<vmem>>) dst(%dma_wait3A_442 : memref<112x128xf32, #tpu.memory_space<vmem_shared>>)
      tpu.yield
    }) : () -> ()
    %mul3A_20 = arith.constant 632 : i32
    %mul3A_21 = arith.muli %arg1, %mul3A_20 : i32
    %add3A_22 = arith.constant 112 : i32
    %add3A_23 = arith.addi %mul3A_21, %add3A_22 : i32
    "tpu.region"() ({
      %run_scoped3A_423 = tpu.sem_alloc : memref<!tpu.dma_semaphore, #tpu.memory_space<semaphore_mem>>
      %dma_start3A = arith.constant 0 : i32
      %dma_start3A_424 = tpu.memref_slice %arg17[%add3A_23, %dma_start3A] : memref<10112x16xf32, #tpu.memory_space<vmem_shared>> -> memref<112x16xf32, #tpu.memory_space<vmem_shared>>
      %dma_start3A_425 = arith.constant 0 : i32
      %dma_start3A_426 = tpu.memref_slice %arg17[%add3A_23, %dma_start3A_425] : memref<10112x16xf32, #tpu.memory_space<vmem_shared>> -> memref<112x16xf32, #tpu.memory_space<vmem_shared>>
      tpu.enqueue_dma source(%arg15 : memref<112x16xf32, #tpu.memory_space<vmem>>) target(%dma_start3A_426 : memref<112x16xf32, #tpu.memory_space<vmem_shared>>) target_semaphore(%run_scoped3A_423 : memref<!tpu.dma_semaphore, #tpu.memory_space<semaphore_mem>>)
      %dma_wait3A_427 = arith.constant 0 : i32
      %dma_wait3A_428 = tpu.memref_slice %arg17[%add3A_23, %dma_wait3A_427] : memref<10112x16xf32, #tpu.memory_space<vmem_shared>> -> memref<112x16xf32, #tpu.memory_space<vmem_shared>>
      %dma_wait3A_429 = arith.constant 0 : i32
      %dma_wait3A_430 = tpu.memref_slice %arg17[%add3A_23, %dma_wait3A_429] : memref<10112x16xf32, #tpu.memory_space<vmem_shared>> -> memref<112x16xf32, #tpu.memory_space<vmem_shared>>
      tpu.wait_dma2 semaphore(%run_scoped3A_423 : memref<!tpu.dma_semaphore, #tpu.memory_space<semaphore_mem>>) src(%arg15 : memref<112x16xf32, #tpu.memory_space<vmem>>) dst(%dma_wait3A_430 : memref<112x16xf32, #tpu.memory_space<vmem_shared>>)
      tpu.yield
    }) : () -> ()
    %mul3A_24 = arith.constant 632 : i32
    %mul3A_25 = arith.muli %arg1, %mul3A_24 : i32
    %add3A_26 = arith.constant 224 : i32
    %add3A_27 = arith.addi %mul3A_25, %add3A_26 : i32
    %run_scoped3A_28 = arith.constant 0 : i32
    "tpu.region"() ({
      %run_scoped3A_423 = tpu.sem_alloc : memref<!tpu.dma_semaphore, #tpu.memory_space<semaphore_mem>>
      %dma_start3A = arith.constant 0 : i32
      %dma_start3A_424 = arith.constant 0 : i32
      %dma_start3A_425 = tpu.memref_slice %arg14[%run_scoped3A_28, %dma_start3A, %dma_start3A_424] : memref<2x112x128xf32, #tpu.memory_space<vmem>> -> memref<1x112x128xf32, #tpu.memory_space<vmem>>
      %dma_start3A_426 = tpu.memref_squeeze %dma_start3A_425 : memref<1x112x128xf32, #tpu.memory_space<vmem>> -> memref<112x128xf32, #tpu.memory_space<vmem>>
      %dma_start3A_427 = arith.constant 0 : i32
      %dma_start3A_428 = tpu.memref_slice %arg16[%add3A_27, %dma_start3A_427] : memref<10112x128xf32, #tpu.memory_space<vmem_shared>> -> memref<112x128xf32, #tpu.memory_space<vmem_shared>>
      %dma_start3A_429 = arith.constant 0 : i32
      %dma_start3A_430 = tpu.memref_slice %arg16[%add3A_27, %dma_start3A_429] : memref<10112x128xf32, #tpu.memory_space<vmem_shared>> -> memref<112x128xf32, #tpu.memory_space<vmem_shared>>
      %dma_start3A_431 = arith.constant 0 : i32
      %dma_start3A_432 = arith.constant 0 : i32
      %dma_start3A_433 = tpu.memref_slice %arg14[%run_scoped3A_28, %dma_start3A_431, %dma_start3A_432] : memref<2x112x128xf32, #tpu.memory_space<vmem>> -> memref<1x112x128xf32, #tpu.memory_space<vmem>>
      %dma_start3A_434 = tpu.memref_squeeze %dma_start3A_433 : memref<1x112x128xf32, #tpu.memory_space<vmem>> -> memref<112x128xf32, #tpu.memory_space<vmem>>
      tpu.enqueue_dma source(%dma_start3A_434 : memref<112x128xf32, #tpu.memory_space<vmem>>) target(%dma_start3A_430 : memref<112x128xf32, #tpu.memory_space<vmem_shared>>) target_semaphore(%run_scoped3A_423 : memref<!tpu.dma_semaphore, #tpu.memory_space<semaphore_mem>>)
      %dma_wait3A_435 = arith.constant 0 : i32
      %dma_wait3A_436 = arith.constant 0 : i32
      %dma_wait3A_437 = tpu.memref_slice %arg14[%run_scoped3A_28, %dma_wait3A_435, %dma_wait3A_436] : memref<2x112x128xf32, #tpu.memory_space<vmem>> -> memref<1x112x128xf32, #tpu.memory_space<vmem>>
      %dma_wait3A_438 = tpu.memref_squeeze %dma_wait3A_437 : memref<1x112x128xf32, #tpu.memory_space<vmem>> -> memref<112x128xf32, #tpu.memory_space<vmem>>
      %dma_wait3A_439 = arith.constant 0 : i32
      %dma_wait3A_440 = tpu.memref_slice %arg16[%add3A_27, %dma_wait3A_439] : memref<10112x128xf32, #tpu.memory_space<vmem_shared>> -> memref<112x128xf32, #tpu.memory_space<vmem_shared>>
      %dma_wait3A_441 = arith.constant 0 : i32
      %dma_wait3A_442 = tpu.memref_slice %arg16[%add3A_27, %dma_wait3A_441] : memref<10112x128xf32, #tpu.memory_space<vmem_shared>> -> memref<112x128xf32, #tpu.memory_space<vmem_shared>>
      %dma_wait3A_443 = arith.constant 0 : i32
      %dma_wait3A_444 = arith.constant 0 : i32
      %dma_wait3A_445 = tpu.memref_slice %arg14[%run_scoped3A_28, %dma_wait3A_443, %dma_wait3A_444] : memref<2x112x128xf32, #tpu.memory_space<vmem>> -> memref<1x112x128xf32, #tpu.memory_space<vmem>>
      %dma_wait3A_446 = tpu.memref_squeeze %dma_wait3A_445 : memref<1x112x128xf32, #tpu.memory_space<vmem>> -> memref<112x128xf32, #tpu.memory_space<vmem>>
      tpu.wait_dma2 semaphore(%run_scoped3A_423 : memref<!tpu.dma_semaphore, #tpu.memory_space<semaphore_mem>>) src(%dma_wait3A_446 : memref<112x128xf32, #tpu.memory_space<vmem>>) dst(%dma_wait3A_442 : memref<112x128xf32, #tpu.memory_space<vmem_shared>>)
      tpu.yield
    }) : () -> ()
    %mul3A_29 = arith.constant 632 : i32
    %mul3A_30 = arith.muli %arg1, %mul3A_29 : i32
    %add3A_31 = arith.constant 224 : i32
    %add3A_32 = arith.addi %mul3A_30, %add3A_31 : i32
    "tpu.region"() ({
      %run_scoped3A_423 = tpu.sem_alloc : memref<!tpu.dma_semaphore, #tpu.memory_space<semaphore_mem>>
      %dma_start3A = arith.constant 0 : i32
      %dma_start3A_424 = tpu.memref_slice %arg17[%add3A_32, %dma_start3A] : memref<10112x16xf32, #tpu.memory_space<vmem_shared>> -> memref<112x16xf32, #tpu.memory_space<vmem_shared>>
      %dma_start3A_425 = arith.constant 0 : i32
      %dma_start3A_426 = tpu.memref_slice %arg17[%add3A_32, %dma_start3A_425] : memref<10112x16xf32, #tpu.memory_space<vmem_shared>> -> memref<112x16xf32, #tpu.memory_space<vmem_shared>>
      tpu.enqueue_dma source(%arg15 : memref<112x16xf32, #tpu.memory_space<vmem>>) target(%dma_start3A_426 : memref<112x16xf32, #tpu.memory_space<vmem_shared>>) target_semaphore(%run_scoped3A_423 : memref<!tpu.dma_semaphore, #tpu.memory_space<semaphore_mem>>)
      %dma_wait3A_427 = arith.constant 0 : i32
      %dma_wait3A_428 = tpu.memref_slice %arg17[%add3A_32, %dma_wait3A_427] : memref<10112x16xf32, #tpu.memory_space<vmem_shared>> -> memref<112x16xf32, #tpu.memory_space<vmem_shared>>
      %dma_wait3A_429 = arith.constant 0 : i32
      %dma_wait3A_430 = tpu.memref_slice %arg17[%add3A_32, %dma_wait3A_429] : memref<10112x16xf32, #tpu.memory_space<vmem_shared>> -> memref<112x16xf32, #tpu.memory_space<vmem_shared>>
      tpu.wait_dma2 semaphore(%run_scoped3A_423 : memref<!tpu.dma_semaphore, #tpu.memory_space<semaphore_mem>>) src(%arg15 : memref<112x16xf32, #tpu.memory_space<vmem>>) dst(%dma_wait3A_430 : memref<112x16xf32, #tpu.memory_space<vmem_shared>>)
      tpu.yield
    }) : () -> ()
    %mul3A_33 = arith.constant 632 : i32
    %mul3A_34 = arith.muli %arg1, %mul3A_33 : i32
    %add3A_35 = arith.constant 336 : i32
    %add3A_36 = arith.addi %mul3A_34, %add3A_35 : i32
    %run_scoped3A_37 = arith.constant 0 : i32
    "tpu.region"() ({
      %run_scoped3A_423 = tpu.sem_alloc : memref<!tpu.dma_semaphore, #tpu.memory_space<semaphore_mem>>
      %dma_start3A = arith.constant 0 : i32
      %dma_start3A_424 = arith.constant 0 : i32
      %dma_start3A_425 = tpu.memref_slice %arg14[%run_scoped3A_37, %dma_start3A, %dma_start3A_424] : memref<2x112x128xf32, #tpu.memory_space<vmem>> -> memref<1x112x128xf32, #tpu.memory_space<vmem>>
      %dma_start3A_426 = tpu.memref_squeeze %dma_start3A_425 : memref<1x112x128xf32, #tpu.memory_space<vmem>> -> memref<112x128xf32, #tpu.memory_space<vmem>>
      %dma_start3A_427 = arith.constant 0 : i32
      %dma_start3A_428 = tpu.memref_slice %arg16[%add3A_36, %dma_start3A_427] : memref<10112x128xf32, #tpu.memory_space<vmem_shared>> -> memref<112x128xf32, #tpu.memory_space<vmem_shared>>
      %dma_start3A_429 = arith.constant 0 : i32
      %dma_start3A_430 = tpu.memref_slice %arg16[%add3A_36, %dma_start3A_429] : memref<10112x128xf32, #tpu.memory_space<vmem_shared>> -> memref<112x128xf32, #tpu.memory_space<vmem_shared>>
      %dma_start3A_431 = arith.constant 0 : i32
      %dma_start3A_432 = arith.constant 0 : i32
      %dma_start3A_433 = tpu.memref_slice %arg14[%run_scoped3A_37, %dma_start3A_431, %dma_start3A_432] : memref<2x112x128xf32, #tpu.memory_space<vmem>> -> memref<1x112x128xf32, #tpu.memory_space<vmem>>
      %dma_start3A_434 = tpu.memref_squeeze %dma_start3A_433 : memref<1x112x128xf32, #tpu.memory_space<vmem>> -> memref<112x128xf32, #tpu.memory_space<vmem>>
      tpu.enqueue_dma source(%dma_start3A_434 : memref<112x128xf32, #tpu.memory_space<vmem>>) target(%dma_start3A_430 : memref<112x128xf32, #tpu.memory_space<vmem_shared>>) target_semaphore(%run_scoped3A_423 : memref<!tpu.dma_semaphore, #tpu.memory_space<semaphore_mem>>)
      %dma_wait3A_435 = arith.constant 0 : i32
      %dma_wait3A_436 = arith.constant 0 : i32
      %dma_wait3A_437 = tpu.memref_slice %arg14[%run_scoped3A_37, %dma_wait3A_435, %dma_wait3A_436] : memref<2x112x128xf32, #tpu.memory_space<vmem>> -> memref<1x112x128xf32, #tpu.memory_space<vmem>>
      %dma_wait3A_438 = tpu.memref_squeeze %dma_wait3A_437 : memref<1x112x128xf32, #tpu.memory_space<vmem>> -> memref<112x128xf32, #tpu.memory_space<vmem>>
      %dma_wait3A_439 = arith.constant 0 : i32
      %dma_wait3A_440 = tpu.memref_slice %arg16[%add3A_36, %dma_wait3A_439] : memref<10112x128xf32, #tpu.memory_space<vmem_shared>> -> memref<112x128xf32, #tpu.memory_space<vmem_shared>>
      %dma_wait3A_441 = arith.constant 0 : i32
      %dma_wait3A_442 = tpu.memref_slice %arg16[%add3A_36, %dma_wait3A_441] : memref<10112x128xf32, #tpu.memory_space<vmem_shared>> -> memref<112x128xf32, #tpu.memory_space<vmem_shared>>
      %dma_wait3A_443 = arith.constant 0 : i32
      %dma_wait3A_444 = arith.constant 0 : i32
      %dma_wait3A_445 = tpu.memref_slice %arg14[%run_scoped3A_37, %dma_wait3A_443, %dma_wait3A_444] : memref<2x112x128xf32, #tpu.memory_space<vmem>> -> memref<1x112x128xf32, #tpu.memory_space<vmem>>
      %dma_wait3A_446 = tpu.memref_squeeze %dma_wait3A_445 : memref<1x112x128xf32, #tpu.memory_space<vmem>> -> memref<112x128xf32, #tpu.memory_space<vmem>>
      tpu.wait_dma2 semaphore(%run_scoped3A_423 : memref<!tpu.dma_semaphore, #tpu.memory_space<semaphore_mem>>) src(%dma_wait3A_446 : memref<112x128xf32, #tpu.memory_space<vmem>>) dst(%dma_wait3A_442 : memref<112x128xf32, #tpu.memory_space<vmem_shared>>)
      tpu.yield
    }) : () -> ()
    %mul3A_38 = arith.constant 632 : i32
    %mul3A_39 = arith.muli %arg1, %mul3A_38 : i32
    %add3A_40 = arith.constant 336 : i32
    %add3A_41 = arith.addi %mul3A_39, %add3A_40 : i32
    "tpu.region"() ({
      %run_scoped3A_423 = tpu.sem_alloc : memref<!tpu.dma_semaphore, #tpu.memory_space<semaphore_mem>>
      %dma_start3A = arith.constant 0 : i32
      %dma_start3A_424 = tpu.memref_slice %arg17[%add3A_41, %dma_start3A] : memref<10112x16xf32, #tpu.memory_space<vmem_shared>> -> memref<112x16xf32, #tpu.memory_space<vmem_shared>>
      %dma_start3A_425 = arith.constant 0 : i32
      %dma_start3A_426 = tpu.memref_slice %arg17[%add3A_41, %dma_start3A_425] : memref<10112x16xf32, #tpu.memory_space<vmem_shared>> -> memref<112x16xf32, #tpu.memory_space<vmem_shared>>
      tpu.enqueue_dma source(%arg15 : memref<112x16xf32, #tpu.memory_space<vmem>>) target(%dma_start3A_426 : memref<112x16xf32, #tpu.memory_space<vmem_shared>>) target_semaphore(%run_scoped3A_423 : memref<!tpu.dma_semaphore, #tpu.memory_space<semaphore_mem>>)
      %dma_wait3A_427 = arith.constant 0 : i32
      %dma_wait3A_428 = tpu.memref_slice %arg17[%add3A_41, %dma_wait3A_427] : memref<10112x16xf32, #tpu.memory_space<vmem_shared>> -> memref<112x16xf32, #tpu.memory_space<vmem_shared>>
      %dma_wait3A_429 = arith.constant 0 : i32
      %dma_wait3A_430 = tpu.memref_slice %arg17[%add3A_41, %dma_wait3A_429] : memref<10112x16xf32, #tpu.memory_space<vmem_shared>> -> memref<112x16xf32, #tpu.memory_space<vmem_shared>>
      tpu.wait_dma2 semaphore(%run_scoped3A_423 : memref<!tpu.dma_semaphore, #tpu.memory_space<semaphore_mem>>) src(%arg15 : memref<112x16xf32, #tpu.memory_space<vmem>>) dst(%dma_wait3A_430 : memref<112x16xf32, #tpu.memory_space<vmem_shared>>)
      tpu.yield
    }) : () -> ()
    %mul3A_42 = arith.constant 632 : i32
    %mul3A_43 = arith.muli %arg1, %mul3A_42 : i32
    %add3A_44 = arith.constant 448 : i32
    %add3A_45 = arith.addi %mul3A_43, %add3A_44 : i32
    %run_scoped3A_46 = arith.constant 0 : i32
    "tpu.region"() ({
      %run_scoped3A_423 = tpu.sem_alloc : memref<!tpu.dma_semaphore, #tpu.memory_space<semaphore_mem>>
      %dma_start3A = arith.constant 0 : i32
      %dma_start3A_424 = arith.constant 0 : i32
      %dma_start3A_425 = tpu.memref_slice %arg14[%run_scoped3A_46, %dma_start3A, %dma_start3A_424] : memref<2x112x128xf32, #tpu.memory_space<vmem>> -> memref<1x112x128xf32, #tpu.memory_space<vmem>>
      %dma_start3A_426 = tpu.memref_squeeze %dma_start3A_425 : memref<1x112x128xf32, #tpu.memory_space<vmem>> -> memref<112x128xf32, #tpu.memory_space<vmem>>
      %dma_start3A_427 = arith.constant 0 : i32
      %dma_start3A_428 = tpu.memref_slice %arg16[%add3A_45, %dma_start3A_427] : memref<10112x128xf32, #tpu.memory_space<vmem_shared>> -> memref<112x128xf32, #tpu.memory_space<vmem_shared>>
      %dma_start3A_429 = arith.constant 0 : i32
      %dma_start3A_430 = tpu.memref_slice %arg16[%add3A_45, %dma_start3A_429] : memref<10112x128xf32, #tpu.memory_space<vmem_shared>> -> memref<112x128xf32, #tpu.memory_space<vmem_shared>>
      %dma_start3A_431 = arith.constant 0 : i32
      %dma_start3A_432 = arith.constant 0 : i32
      %dma_start3A_433 = tpu.memref_slice %arg14[%run_scoped3A_46, %dma_start3A_431, %dma_start3A_432] : memref<2x112x128xf32, #tpu.memory_space<vmem>> -> memref<1x112x128xf32, #tpu.memory_space<vmem>>
      %dma_start3A_434 = tpu.memref_squeeze %dma_start3A_433 : memref<1x112x128xf32, #tpu.memory_space<vmem>> -> memref<112x128xf32, #tpu.memory_space<vmem>>
      tpu.enqueue_dma source(%dma_start3A_434 : memref<112x128xf32, #tpu.memory_space<vmem>>) target(%dma_start3A_430 : memref<112x128xf32, #tpu.memory_space<vmem_shared>>) target_semaphore(%run_scoped3A_423 : memref<!tpu.dma_semaphore, #tpu.memory_space<semaphore_mem>>)
      %dma_wait3A_435 = arith.constant 0 : i32
      %dma_wait3A_436 = arith.constant 0 : i32
      %dma_wait3A_437 = tpu.memref_slice %arg14[%run_scoped3A_46, %dma_wait3A_435, %dma_wait3A_436] : memref<2x112x128xf32, #tpu.memory_space<vmem>> -> memref<1x112x128xf32, #tpu.memory_space<vmem>>
      %dma_wait3A_438 = tpu.memref_squeeze %dma_wait3A_437 : memref<1x112x128xf32, #tpu.memory_space<vmem>> -> memref<112x128xf32, #tpu.memory_space<vmem>>
      %dma_wait3A_439 = arith.constant 0 : i32
      %dma_wait3A_440 = tpu.memref_slice %arg16[%add3A_45, %dma_wait3A_439] : memref<10112x128xf32, #tpu.memory_space<vmem_shared>> -> memref<112x128xf32, #tpu.memory_space<vmem_shared>>
      %dma_wait3A_441 = arith.constant 0 : i32
      %dma_wait3A_442 = tpu.memref_slice %arg16[%add3A_45, %dma_wait3A_441] : memref<10112x128xf32, #tpu.memory_space<vmem_shared>> -> memref<112x128xf32, #tpu.memory_space<vmem_shared>>
      %dma_wait3A_443 = arith.constant 0 : i32
      %dma_wait3A_444 = arith.constant 0 : i32
      %dma_wait3A_445 = tpu.memref_slice %arg14[%run_scoped3A_46, %dma_wait3A_443, %dma_wait3A_444] : memref<2x112x128xf32, #tpu.memory_space<vmem>> -> memref<1x112x128xf32, #tpu.memory_space<vmem>>
      %dma_wait3A_446 = tpu.memref_squeeze %dma_wait3A_445 : memref<1x112x128xf32, #tpu.memory_space<vmem>> -> memref<112x128xf32, #tpu.memory_space<vmem>>
      tpu.wait_dma2 semaphore(%run_scoped3A_423 : memref<!tpu.dma_semaphore, #tpu.memory_space<semaphore_mem>>) src(%dma_wait3A_446 : memref<112x128xf32, #tpu.memory_space<vmem>>) dst(%dma_wait3A_442 : memref<112x128xf32, #tpu.memory_space<vmem_shared>>)
      tpu.yield
    }) : () -> ()
    %mul3A_47 = arith.constant 632 : i32
    %mul3A_48 = arith.muli %arg1, %mul3A_47 : i32
    %add3A_49 = arith.constant 448 : i32
    %add3A_50 = arith.addi %mul3A_48, %add3A_49 : i32
    "tpu.region"() ({
      %run_scoped3A_423 = tpu.sem_alloc : memref<!tpu.dma_semaphore, #tpu.memory_space<semaphore_mem>>
      %dma_start3A = arith.constant 0 : i32
      %dma_start3A_424 = tpu.memref_slice %arg17[%add3A_50, %dma_start3A] : memref<10112x16xf32, #tpu.memory_space<vmem_shared>> -> memref<112x16xf32, #tpu.memory_space<vmem_shared>>
      %dma_start3A_425 = arith.constant 0 : i32
      %dma_start3A_426 = tpu.memref_slice %arg17[%add3A_50, %dma_start3A_425] : memref<10112x16xf32, #tpu.memory_space<vmem_shared>> -> memref<112x16xf32, #tpu.memory_space<vmem_shared>>
      tpu.enqueue_dma source(%arg15 : memref<112x16xf32, #tpu.memory_space<vmem>>) target(%dma_start3A_426 : memref<112x16xf32, #tpu.memory_space<vmem_shared>>) target_semaphore(%run_scoped3A_423 : memref<!tpu.dma_semaphore, #tpu.memory_space<semaphore_mem>>)
      %dma_wait3A_427 = arith.constant 0 : i32
      %dma_wait3A_428 = tpu.memref_slice %arg17[%add3A_50, %dma_wait3A_427] : memref<10112x16xf32, #tpu.memory_space<vmem_shared>> -> memref<112x16xf32, #tpu.memory_space<vmem_shared>>
      %dma_wait3A_429 = arith.constant 0 : i32
      %dma_wait3A_430 = tpu.memref_slice %arg17[%add3A_50, %dma_wait3A_429] : memref<10112x16xf32, #tpu.memory_space<vmem_shared>> -> memref<112x16xf32, #tpu.memory_space<vmem_shared>>
      tpu.wait_dma2 semaphore(%run_scoped3A_423 : memref<!tpu.dma_semaphore, #tpu.memory_space<semaphore_mem>>) src(%arg15 : memref<112x16xf32, #tpu.memory_space<vmem>>) dst(%dma_wait3A_430 : memref<112x16xf32, #tpu.memory_space<vmem_shared>>)
      tpu.yield
    }) : () -> ()
    %mul3A_51 = arith.constant 632 : i32
    %mul3A_52 = arith.muli %arg1, %mul3A_51 : i32
    %add3A_53 = arith.constant 560 : i32
    %add3A_54 = arith.addi %mul3A_52, %add3A_53 : i32
    %run_scoped3A_55 = arith.constant 0 : i32
    "tpu.region"() ({
      %run_scoped3A_423 = tpu.sem_alloc : memref<!tpu.dma_semaphore, #tpu.memory_space<semaphore_mem>>
      %dma_start3A = arith.constant 0 : i32
      %dma_start3A_424 = arith.constant 0 : i32
      %dma_start3A_425 = tpu.memref_slice %arg14[%run_scoped3A_55, %dma_start3A, %dma_start3A_424] : memref<2x112x128xf32, #tpu.memory_space<vmem>> -> memref<1x72x128xf32, #tpu.memory_space<vmem>>
      %dma_start3A_426 = tpu.memref_squeeze %dma_start3A_425 : memref<1x72x128xf32, #tpu.memory_space<vmem>> -> memref<72x128xf32, #tpu.memory_space<vmem>>
      %dma_start3A_427 = arith.constant 0 : i32
      %dma_start3A_428 = tpu.memref_slice %arg16[%add3A_54, %dma_start3A_427] : memref<10112x128xf32, #tpu.memory_space<vmem_shared>> -> memref<72x128xf32, #tpu.memory_space<vmem_shared>>
      %dma_start3A_429 = arith.constant 0 : i32
      %dma_start3A_430 = tpu.memref_slice %arg16[%add3A_54, %dma_start3A_429] : memref<10112x128xf32, #tpu.memory_space<vmem_shared>> -> memref<72x128xf32, #tpu.memory_space<vmem_shared>>
      %dma_start3A_431 = arith.constant 0 : i32
      %dma_start3A_432 = arith.constant 0 : i32
      %dma_start3A_433 = tpu.memref_slice %arg14[%run_scoped3A_55, %dma_start3A_431, %dma_start3A_432] : memref<2x112x128xf32, #tpu.memory_space<vmem>> -> memref<1x72x128xf32, #tpu.memory_space<vmem>>
      %dma_start3A_434 = tpu.memref_squeeze %dma_start3A_433 : memref<1x72x128xf32, #tpu.memory_space<vmem>> -> memref<72x128xf32, #tpu.memory_space<vmem>>
      tpu.enqueue_dma source(%dma_start3A_434 : memref<72x128xf32, #tpu.memory_space<vmem>>) target(%dma_start3A_430 : memref<72x128xf32, #tpu.memory_space<vmem_shared>>) target_semaphore(%run_scoped3A_423 : memref<!tpu.dma_semaphore, #tpu.memory_space<semaphore_mem>>)
      %dma_wait3A_435 = arith.constant 0 : i32
      %dma_wait3A_436 = arith.constant 0 : i32
      %dma_wait3A_437 = tpu.memref_slice %arg14[%run_scoped3A_55, %dma_wait3A_435, %dma_wait3A_436] : memref<2x112x128xf32, #tpu.memory_space<vmem>> -> memref<1x72x128xf32, #tpu.memory_space<vmem>>
      %dma_wait3A_438 = tpu.memref_squeeze %dma_wait3A_437 : memref<1x72x128xf32, #tpu.memory_space<vmem>> -> memref<72x128xf32, #tpu.memory_space<vmem>>
      %dma_wait3A_439 = arith.constant 0 : i32
      %dma_wait3A_440 = tpu.memref_slice %arg16[%add3A_54, %dma_wait3A_439] : memref<10112x128xf32, #tpu.memory_space<vmem_shared>> -> memref<72x128xf32, #tpu.memory_space<vmem_shared>>
      %dma_wait3A_441 = arith.constant 0 : i32
      %dma_wait3A_442 = tpu.memref_slice %arg16[%add3A_54, %dma_wait3A_441] : memref<10112x128xf32, #tpu.memory_space<vmem_shared>> -> memref<72x128xf32, #tpu.memory_space<vmem_shared>>
      %dma_wait3A_443 = arith.constant 0 : i32
      %dma_wait3A_444 = arith.constant 0 : i32
      %dma_wait3A_445 = tpu.memref_slice %arg14[%run_scoped3A_55, %dma_wait3A_443, %dma_wait3A_444] : memref<2x112x128xf32, #tpu.memory_space<vmem>> -> memref<1x72x128xf32, #tpu.memory_space<vmem>>
      %dma_wait3A_446 = tpu.memref_squeeze %dma_wait3A_445 : memref<1x72x128xf32, #tpu.memory_space<vmem>> -> memref<72x128xf32, #tpu.memory_space<vmem>>
      tpu.wait_dma2 semaphore(%run_scoped3A_423 : memref<!tpu.dma_semaphore, #tpu.memory_space<semaphore_mem>>) src(%dma_wait3A_446 : memref<72x128xf32, #tpu.memory_space<vmem>>) dst(%dma_wait3A_442 : memref<72x128xf32, #tpu.memory_space<vmem_shared>>)
      tpu.yield
    }) : () -> ()
    %mul3A_56 = arith.constant 632 : i32
    %mul3A_57 = arith.muli %arg1, %mul3A_56 : i32
    %add3A_58 = arith.constant 560 : i32
    %add3A_59 = arith.addi %mul3A_57, %add3A_58 : i32
    "tpu.region"() ({
      %run_scoped3A_423 = tpu.sem_alloc : memref<!tpu.dma_semaphore, #tpu.memory_space<semaphore_mem>>
      %dma_start3A = arith.constant 0 : i32
      %dma_start3A_424 = arith.constant 0 : i32
      %dma_start3A_425 = tpu.memref_slice %arg15[%dma_start3A, %dma_start3A_424] : memref<112x16xf32, #tpu.memory_space<vmem>> -> memref<72x16xf32, #tpu.memory_space<vmem>>
      %dma_start3A_426 = arith.constant 0 : i32
      %dma_start3A_427 = tpu.memref_slice %arg17[%add3A_59, %dma_start3A_426] : memref<10112x16xf32, #tpu.memory_space<vmem_shared>> -> memref<72x16xf32, #tpu.memory_space<vmem_shared>>
      %dma_start3A_428 = arith.constant 0 : i32
      %dma_start3A_429 = tpu.memref_slice %arg17[%add3A_59, %dma_start3A_428] : memref<10112x16xf32, #tpu.memory_space<vmem_shared>> -> memref<72x16xf32, #tpu.memory_space<vmem_shared>>
      %dma_start3A_430 = arith.constant 0 : i32
      %dma_start3A_431 = arith.constant 0 : i32
      %dma_start3A_432 = tpu.memref_slice %arg15[%dma_start3A_430, %dma_start3A_431] : memref<112x16xf32, #tpu.memory_space<vmem>> -> memref<72x16xf32, #tpu.memory_space<vmem>>
      tpu.enqueue_dma source(%dma_start3A_432 : memref<72x16xf32, #tpu.memory_space<vmem>>) target(%dma_start3A_429 : memref<72x16xf32, #tpu.memory_space<vmem_shared>>) target_semaphore(%run_scoped3A_423 : memref<!tpu.dma_semaphore, #tpu.memory_space<semaphore_mem>>)
      %dma_wait3A_433 = arith.constant 0 : i32
      %dma_wait3A_434 = arith.constant 0 : i32
      %dma_wait3A_435 = tpu.memref_slice %arg15[%dma_wait3A_433, %dma_wait3A_434] : memref<112x16xf32, #tpu.memory_space<vmem>> -> memref<72x16xf32, #tpu.memory_space<vmem>>
      %dma_wait3A_436 = arith.constant 0 : i32
      %dma_wait3A_437 = tpu.memref_slice %arg17[%add3A_59, %dma_wait3A_436] : memref<10112x16xf32, #tpu.memory_space<vmem_shared>> -> memref<72x16xf32, #tpu.memory_space<vmem_shared>>
      %dma_wait3A_438 = arith.constant 0 : i32
      %dma_wait3A_439 = tpu.memref_slice %arg17[%add3A_59, %dma_wait3A_438] : memref<10112x16xf32, #tpu.memory_space<vmem_shared>> -> memref<72x16xf32, #tpu.memory_space<vmem_shared>>
      %dma_wait3A_440 = arith.constant 0 : i32
      %dma_wait3A_441 = arith.constant 0 : i32
      %dma_wait3A_442 = tpu.memref_slice %arg15[%dma_wait3A_440, %dma_wait3A_441] : memref<112x16xf32, #tpu.memory_space<vmem>> -> memref<72x16xf32, #tpu.memory_space<vmem>>
      tpu.wait_dma2 semaphore(%run_scoped3A_423 : memref<!tpu.dma_semaphore, #tpu.memory_space<semaphore_mem>>) src(%dma_wait3A_442 : memref<72x16xf32, #tpu.memory_space<vmem>>) dst(%dma_wait3A_439 : memref<72x16xf32, #tpu.memory_space<vmem_shared>>)
      tpu.yield
    }) : () -> ()
    %scan3A_60 = arith.constant 0 : i32
    %scan3A_61 = arith.constant 0 : i32
    %scan3A_62 = arith.constant 112 : i32
    %scan3A_63 = arith.addi %scan3A_61, %scan3A_62 : i32
    %scan3A_64 = arith.constant 1 : i32
    %scan3A_65 = scf.for %scan3A_423 = %scan3A_61 to %scan3A_63 step %scan3A_64 iter_args(%scan3A_424 = %scan3A_60) -> (i32)  : i32 {
      %swap3A_425 = arith.index_cast %scan3A_423 : i32 to index
      %swap3A_426 = arith.constant 0 : index
      %swap3A_427 = tpu.vector_load %arg15[%swap3A_425, %swap3A_426] {strides = array<i32>} : memref<112x16xf32, #tpu.memory_space<vmem>>, vector<16xf32>,
      tpu.vector_store %arg15[%swap3A_425, %swap3A_426], %broadcast_in_dim3A_2 {strides = array<i32>} : memref<112x16xf32, #tpu.memory_space<vmem>>, vector<16xf32>,
      %scan3A_428 = arith.constant 0 : i32
      scf.yield %scan3A_428 : i32
    }
    %scan3A_66 = arith.constant 112 : i32
    %barrier3A = arith.constant 0 : index
    tpu.barrier barrier_id(%barrier3A)
    "tpu.region"() ({
      %run_scoped3A_423 = tpu.sem_alloc : memref<!tpu.dma_semaphore, #tpu.memory_space<semaphore_mem>>
      %dma_start3A = arith.constant 0 : i32
      %dma_start3A_424 = tpu.memref_slice %arg3[%arg0, %dma_start3A] : memref<2x5000xi32, #tpu.memory_space<hbm>> -> memref<1x5000xi32, #tpu.memory_space<hbm>>
      %dma_start3A_425 = tpu.memref_squeeze %dma_start3A_424 : memref<1x5000xi32, #tpu.memory_space<hbm>> -> memref<5000xi32, #tpu.memory_space<hbm>>
      %dma_start3A_426 = arith.constant 0 : i32
      %dma_start3A_427 = tpu.memref_slice %arg3[%arg0, %dma_start3A_426] : memref<2x5000xi32, #tpu.memory_space<hbm>> -> memref<1x5000xi32, #tpu.memory_space<hbm>>
      %dma_start3A_428 = tpu.memref_squeeze %dma_start3A_427 : memref<1x5000xi32, #tpu.memory_space<hbm>> -> memref<5000xi32, #tpu.memory_space<hbm>>
      tpu.enqueue_dma source(%dma_start3A_428 : memref<5000xi32, #tpu.memory_space<hbm>>) target(%arg8 : memref<5000xi32, #tpu.memory_space<vmem>>) target_semaphore(%run_scoped3A_423 : memref<!tpu.dma_semaphore, #tpu.memory_space<semaphore_mem>>)
      %dma_wait3A_429 = arith.constant 0 : i32
      %dma_wait3A_430 = tpu.memref_slice %arg3[%arg0, %dma_wait3A_429] : memref<2x5000xi32, #tpu.memory_space<hbm>> -> memref<1x5000xi32, #tpu.memory_space<hbm>>
      %dma_wait3A_431 = tpu.memref_squeeze %dma_wait3A_430 : memref<1x5000xi32, #tpu.memory_space<hbm>> -> memref<5000xi32, #tpu.memory_space<hbm>>
      %dma_wait3A_432 = arith.constant 0 : i32
      %dma_wait3A_433 = tpu.memref_slice %arg3[%arg0, %dma_wait3A_432] : memref<2x5000xi32, #tpu.memory_space<hbm>> -> memref<1x5000xi32, #tpu.memory_space<hbm>>
      %dma_wait3A_434 = tpu.memref_squeeze %dma_wait3A_433 : memref<1x5000xi32, #tpu.memory_space<hbm>> -> memref<5000xi32, #tpu.memory_space<hbm>>
      tpu.wait_dma2 semaphore(%run_scoped3A_423 : memref<!tpu.dma_semaphore, #tpu.memory_space<semaphore_mem>>) src(%dma_wait3A_434 : memref<5000xi32, #tpu.memory_space<hbm>>) dst(%arg8 : memref<5000xi32, #tpu.memory_space<vmem>>)
      tpu.yield
    }) : () -> ()
    "tpu.region"() ({
      %run_scoped3A_423 = tpu.sem_alloc : memref<!tpu.dma_semaphore, #tpu.memory_space<semaphore_mem>>
      %dma_start3A = arith.constant 0 : i32
      %dma_start3A_424 = arith.constant 0 : i32
      %dma_start3A_425 = tpu.memref_slice %arg4[%arg0, %arg1, %dma_start3A, %dma_start3A_424] : memref<2x16x186x112xi32, #tpu.memory_space<hbm>> -> memref<1x1x6x112xi32, #tpu.memory_space<hbm>>
      %dma_start3A_426 = tpu.memref_squeeze %dma_start3A_425 : memref<1x1x6x112xi32, #tpu.memory_space<hbm>> -> memref<6x112xi32, #tpu.memory_space<hbm>>
      %dma_start3A_427 = arith.constant 0 : i32
      %dma_start3A_428 = arith.constant 0 : i32
      %dma_start3A_429 = tpu.memref_slice %arg4[%arg0, %arg1, %dma_start3A_427, %dma_start3A_428] : memref<2x16x186x112xi32, #tpu.memory_space<hbm>> -> memref<1x1x6x112xi32, #tpu.memory_space<hbm>>
      %dma_start3A_430 = tpu.memref_squeeze %dma_start3A_429 : memref<1x1x6x112xi32, #tpu.memory_space<hbm>> -> memref<6x112xi32, #tpu.memory_space<hbm>>
      tpu.enqueue_dma source(%dma_start3A_430 : memref<6x112xi32, #tpu.memory_space<hbm>>) target(%arg9 : memref<6x112xi32, #tpu.memory_space<vmem>>) target_semaphore(%run_scoped3A_423 : memref<!tpu.dma_semaphore, #tpu.memory_space<semaphore_mem>>)
      %dma_wait3A_431 = arith.constant 0 : i32
      %dma_wait3A_432 = arith.constant 0 : i32
      %dma_wait3A_433 = tpu.memref_slice %arg4[%arg0, %arg1, %dma_wait3A_431, %dma_wait3A_432] : memref<2x16x186x112xi32, #tpu.memory_space<hbm>> -> memref<1x1x6x112xi32, #tpu.memory_space<hbm>>
      %dma_wait3A_434 = tpu.memref_squeeze %dma_wait3A_433 : memref<1x1x6x112xi32, #tpu.memory_space<hbm>> -> memref<6x112xi32, #tpu.memory_space<hbm>>
      %dma_wait3A_435 = arith.constant 0 : i32
      %dma_wait3A_436 = arith.constant 0 : i32
      %dma_wait3A_437 = tpu.memref_slice %arg4[%arg0, %arg1, %dma_wait3A_435, %dma_wait3A_436] : memref<2x16x186x112xi32, #tpu.memory_space<hbm>> -> memref<1x1x6x112xi32, #tpu.memory_space<hbm>>
      %dma_wait3A_438 = tpu.memref_squeeze %dma_wait3A_437 : memref<1x1x6x112xi32, #tpu.memory_space<hbm>> -> memref<6x112xi32, #tpu.memory_space<hbm>>
      tpu.wait_dma2 semaphore(%run_scoped3A_423 : memref<!tpu.dma_semaphore, #tpu.memory_space<semaphore_mem>>) src(%dma_wait3A_438 : memref<6x112xi32, #tpu.memory_space<hbm>>) dst(%arg9 : memref<6x112xi32, #tpu.memory_space<vmem>>)
      tpu.yield
    }) : () -> ()
    "tpu.region"() ({
      %run_scoped3A_423 = tpu.sem_alloc : memref<!tpu.dma_semaphore, #tpu.memory_space<semaphore_mem>>
      %dma_start3A = arith.constant 0 : i32
      %dma_start3A_424 = arith.constant 0 : i32
      %dma_start3A_425 = tpu.memref_slice %arg5[%arg0, %arg1, %dma_start3A, %dma_start3A_424] : memref<2x16x186x112xi32, #tpu.memory_space<hbm>> -> memref<1x1x6x112xi32, #tpu.memory_space<hbm>>
      %dma_start3A_426 = tpu.memref_squeeze %dma_start3A_425 : memref<1x1x6x112xi32, #tpu.memory_space<hbm>> -> memref<6x112xi32, #tpu.memory_space<hbm>>
      %dma_start3A_427 = arith.constant 0 : i32
      %dma_start3A_428 = arith.constant 0 : i32
      %dma_start3A_429 = tpu.memref_slice %arg5[%arg0, %arg1, %dma_start3A_427, %dma_start3A_428] : memref<2x16x186x112xi32, #tpu.memory_space<hbm>> -> memref<1x1x6x112xi32, #tpu.memory_space<hbm>>
      %dma_start3A_430 = tpu.memref_squeeze %dma_start3A_429 : memref<1x1x6x112xi32, #tpu.memory_space<hbm>> -> memref<6x112xi32, #tpu.memory_space<hbm>>
      tpu.enqueue_dma source(%dma_start3A_430 : memref<6x112xi32, #tpu.memory_space<hbm>>) target(%arg11 : memref<6x112xi32, #tpu.memory_space<vmem>>) target_semaphore(%run_scoped3A_423 : memref<!tpu.dma_semaphore, #tpu.memory_space<semaphore_mem>>)
      %dma_wait3A_431 = arith.constant 0 : i32
      %dma_wait3A_432 = arith.constant 0 : i32
      %dma_wait3A_433 = tpu.memref_slice %arg5[%arg0, %arg1, %dma_wait3A_431, %dma_wait3A_432] : memref<2x16x186x112xi32, #tpu.memory_space<hbm>> -> memref<1x1x6x112xi32, #tpu.memory_space<hbm>>
      %dma_wait3A_434 = tpu.memref_squeeze %dma_wait3A_433 : memref<1x1x6x112xi32, #tpu.memory_space<hbm>> -> memref<6x112xi32, #tpu.memory_space<hbm>>
      %dma_wait3A_435 = arith.constant 0 : i32
      %dma_wait3A_436 = arith.constant 0 : i32
      %dma_wait3A_437 = tpu.memref_slice %arg5[%arg0, %arg1, %dma_wait3A_435, %dma_wait3A_436] : memref<2x16x186x112xi32, #tpu.memory_space<hbm>> -> memref<1x1x6x112xi32, #tpu.memory_space<hbm>>
      %dma_wait3A_438 = tpu.memref_squeeze %dma_wait3A_437 : memref<1x1x6x112xi32, #tpu.memory_space<hbm>> -> memref<6x112xi32, #tpu.memory_space<hbm>>
      tpu.wait_dma2 semaphore(%run_scoped3A_423 : memref<!tpu.dma_semaphore, #tpu.memory_space<semaphore_mem>>) src(%dma_wait3A_438 : memref<6x112xi32, #tpu.memory_space<hbm>>) dst(%arg11 : memref<6x112xi32, #tpu.memory_space<vmem>>)
      tpu.yield
    }) : () -> ()
    %get3A = arith.constant 0 : i32
    %get3A_67 = arith.index_cast %get3A : i32 to index
    %get3A_68 = arith.constant 0 : index
    %get3A_69 = tpu.vector_load %arg9[%get3A_67, %get3A_68] {strides = array<i32>} : memref<6x112xi32, #tpu.memory_space<vmem>>, vector<16xi32>,
    %shift_right_logical3A = arith.constant 1 : i32
    %shift_right_logical3A_70 = vector.broadcast %shift_right_logical3A : i32 to vector<16xi32>
    %shift_right_logical3A_71 = arith.shrui %get3A_69, %shift_right_logical3A_70 : vector<16xi32>
    %gather3A = tpu.vector_load_idx %arg8[%shift_right_logical3A_71] : memref<5000xi32, #tpu.memory_space<vmem>>[vector<16xi32>], vector<16xi32>,
    %and3A = arith.constant 1 : i32
    %and3A_72 = vector.broadcast %and3A : i32 to vector<16xi32>
    %and3A_73 = arith.andi %get3A_69, %and3A_72 : vector<16xi32>
    %mul3A_74 = arith.constant 16 : i32
    %mul3A_75 = vector.broadcast %mul3A_74 : i32 to vector<16xi32>
    %mul3A_76 = arith.muli %and3A_73, %mul3A_75 : vector<16xi32>
    %shift_right_logical3A_77 = arith.shrui %gather3A, %mul3A_76 : vector<16xi32>
    %and3A_78 = arith.constant 65535 : i32
    %and3A_79 = vector.broadcast %and3A_78 : i32 to vector<16xi32>
    %and3A_80 = arith.andi %shift_right_logical3A_77, %and3A_79 : vector<16xi32>
    %swap3A = arith.constant 0 : i32
    %swap3A_81 = arith.index_cast %swap3A : i32 to index
    %swap3A_82 = arith.constant 0 : index
    %swap3A_83 = tpu.vector_load %arg13[%swap3A_81, %swap3A_82] {strides = array<i32>} : memref<4x112xi32, #tpu.memory_space<vmem>>, vector<16xi32>,
    tpu.vector_store %arg13[%swap3A_81, %swap3A_82], %and3A_80 {strides = array<i32>} : memref<4x112xi32, #tpu.memory_space<vmem>>, vector<16xi32>,
    %get3A_84 = arith.constant 0 : i32
    %get3A_85 = arith.index_cast %get3A_84 : i32 to index
    %get3A_86 = arith.constant 16 : index
    %get3A_87 = tpu.vector_load %arg9[%get3A_85, %get3A_86] {strides = array<i32>} : memref<6x112xi32, #tpu.memory_space<vmem>>, vector<16xi32>,
    %shift_right_logical3A_88 = arith.constant 1 : i32
    %shift_right_logical3A_89 = vector.broadcast %shift_right_logical3A_88 : i32 to vector<16xi32>
    %shift_right_logical3A_90 = arith.shrui %get3A_87, %shift_right_logical3A_89 : vector<16xi32>
    %gather3A_91 = tpu.vector_load_idx %arg8[%shift_right_logical3A_90] : memref<5000xi32, #tpu.memory_space<vmem>>[vector<16xi32>], vector<16xi32>,
    %and3A_92 = arith.constant 1 : i32
    %and3A_93 = vector.broadcast %and3A_92 : i32 to vector<16xi32>
    %and3A_94 = arith.andi %get3A_87, %and3A_93 : vector<16xi32>
    %mul3A_95 = arith.constant 16 : i32
    %mul3A_96 = vector.broadcast %mul3A_95 : i32 to vector<16xi32>
    %mul3A_97 = arith.muli %and3A_94, %mul3A_96 : vector<16xi32>
    %shift_right_logical3A_98 = arith.shrui %gather3A_91, %mul3A_97 : vector<16xi32>
    %and3A_99 = arith.constant 65535 : i32
    %and3A_100 = vector.broadcast %and3A_99 : i32 to vector<16xi32>
    %and3A_101 = arith.andi %shift_right_logical3A_98, %and3A_100 : vector<16xi32>
    %swap3A_102 = arith.constant 0 : i32
    %swap3A_103 = arith.index_cast %swap3A_102 : i32 to index
    %swap3A_104 = arith.constant 16 : index
    %swap3A_105 = tpu.vector_load %arg13[%swap3A_103, %swap3A_104] {strides = array<i32>} : memref<4x112xi32, #tpu.memory_space<vmem>>, vector<16xi32>,
    tpu.vector_store %arg13[%swap3A_103, %swap3A_104], %and3A_101 {strides = array<i32>} : memref<4x112xi32, #tpu.memory_space<vmem>>, vector<16xi32>,
    %get3A_106 = arith.constant 0 : i32
    %get3A_107 = arith.index_cast %get3A_106 : i32 to index
    %get3A_108 = arith.constant 32 : index
    %get3A_109 = tpu.vector_load %arg9[%get3A_107, %get3A_108] {strides = array<i32>} : memref<6x112xi32, #tpu.memory_space<vmem>>, vector<16xi32>,
    %shift_right_logical3A_110 = arith.constant 1 : i32
    %shift_right_logical3A_111 = vector.broadcast %shift_right_logical3A_110 : i32 to vector<16xi32>
    %shift_right_logical3A_112 = arith.shrui %get3A_109, %shift_right_logical3A_111 : vector<16xi32>
    %gather3A_113 = tpu.vector_load_idx %arg8[%shift_right_logical3A_112] : memref<5000xi32, #tpu.memory_space<vmem>>[vector<16xi32>], vector<16xi32>,
    %and3A_114 = arith.constant 1 : i32
    %and3A_115 = vector.broadcast %and3A_114 : i32 to vector<16xi32>
    %and3A_116 = arith.andi %get3A_109, %and3A_115 : vector<16xi32>
    %mul3A_117 = arith.constant 16 : i32
    %mul3A_118 = vector.broadcast %mul3A_117 : i32 to vector<16xi32>
    %mul3A_119 = arith.muli %and3A_116, %mul3A_118 : vector<16xi32>
    %shift_right_logical3A_120 = arith.shrui %gather3A_113, %mul3A_119 : vector<16xi32>
    %and3A_121 = arith.constant 65535 : i32
    %and3A_122 = vector.broadcast %and3A_121 : i32 to vector<16xi32>
    %and3A_123 = arith.andi %shift_right_logical3A_120, %and3A_122 : vector<16xi32>
    %swap3A_124 = arith.constant 0 : i32
    %swap3A_125 = arith.index_cast %swap3A_124 : i32 to index
    %swap3A_126 = arith.constant 32 : index
    %swap3A_127 = tpu.vector_load %arg13[%swap3A_125, %swap3A_126] {strides = array<i32>} : memref<4x112xi32, #tpu.memory_space<vmem>>, vector<16xi32>,
    tpu.vector_store %arg13[%swap3A_125, %swap3A_126], %and3A_123 {strides = array<i32>} : memref<4x112xi32, #tpu.memory_space<vmem>>, vector<16xi32>,
    %get3A_128 = arith.constant 0 : i32
    %get3A_129 = arith.index_cast %get3A_128 : i32 to index
    %get3A_130 = arith.constant 48 : index
    %get3A_131 = tpu.vector_load %arg9[%get3A_129, %get3A_130] {strides = array<i32>} : memref<6x112xi32, #tpu.memory_space<vmem>>, vector<16xi32>,
    %shift_right_logical3A_132 = arith.constant 1 : i32
    %shift_right_logical3A_133 = vector.broadcast %shift_right_logical3A_132 : i32 to vector<16xi32>
    %shift_right_logical3A_134 = arith.shrui %get3A_131, %shift_right_logical3A_133 : vector<16xi32>
    %gather3A_135 = tpu.vector_load_idx %arg8[%shift_right_logical3A_134] : memref<5000xi32, #tpu.memory_space<vmem>>[vector<16xi32>], vector<16xi32>,
    %and3A_136 = arith.constant 1 : i32
    %and3A_137 = vector.broadcast %and3A_136 : i32 to vector<16xi32>
    %and3A_138 = arith.andi %get3A_131, %and3A_137 : vector<16xi32>
    %mul3A_139 = arith.constant 16 : i32
    %mul3A_140 = vector.broadcast %mul3A_139 : i32 to vector<16xi32>
    %mul3A_141 = arith.muli %and3A_138, %mul3A_140 : vector<16xi32>
    %shift_right_logical3A_142 = arith.shrui %gather3A_135, %mul3A_141 : vector<16xi32>
    %and3A_143 = arith.constant 65535 : i32
    %and3A_144 = vector.broadcast %and3A_143 : i32 to vector<16xi32>
    %and3A_145 = arith.andi %shift_right_logical3A_142, %and3A_144 : vector<16xi32>
    %swap3A_146 = arith.constant 0 : i32
    %swap3A_147 = arith.index_cast %swap3A_146 : i32 to index
    %swap3A_148 = arith.constant 48 : index
    %swap3A_149 = tpu.vector_load %arg13[%swap3A_147, %swap3A_148] {strides = array<i32>} : memref<4x112xi32, #tpu.memory_space<vmem>>, vector<16xi32>,
    tpu.vector_store %arg13[%swap3A_147, %swap3A_148], %and3A_145 {strides = array<i32>} : memref<4x112xi32, #tpu.memory_space<vmem>>, vector<16xi32>,
    %get3A_150 = arith.constant 0 : i32
    %get3A_151 = arith.index_cast %get3A_150 : i32 to index
    %get3A_152 = arith.constant 64 : index
    %get3A_153 = tpu.vector_load %arg9[%get3A_151, %get3A_152] {strides = array<i32>} : memref<6x112xi32, #tpu.memory_space<vmem>>, vector<16xi32>,
    %shift_right_logical3A_154 = arith.constant 1 : i32
    %shift_right_logical3A_155 = vector.broadcast %shift_right_logical3A_154 : i32 to vector<16xi32>
    %shift_right_logical3A_156 = arith.shrui %get3A_153, %shift_right_logical3A_155 : vector<16xi32>
    %gather3A_157 = tpu.vector_load_idx %arg8[%shift_right_logical3A_156] : memref<5000xi32, #tpu.memory_space<vmem>>[vector<16xi32>], vector<16xi32>,
    %and3A_158 = arith.constant 1 : i32
    %and3A_159 = vector.broadcast %and3A_158 : i32 to vector<16xi32>
    %and3A_160 = arith.andi %get3A_153, %and3A_159 : vector<16xi32>
    %mul3A_161 = arith.constant 16 : i32
    %mul3A_162 = vector.broadcast %mul3A_161 : i32 to vector<16xi32>
    %mul3A_163 = arith.muli %and3A_160, %mul3A_162 : vector<16xi32>
    %shift_right_logical3A_164 = arith.shrui %gather3A_157, %mul3A_163 : vector<16xi32>
    %and3A_165 = arith.constant 65535 : i32
    %and3A_166 = vector.broadcast %and3A_165 : i32 to vector<16xi32>
    %and3A_167 = arith.andi %shift_right_logical3A_164, %and3A_166 : vector<16xi32>
    %swap3A_168 = arith.constant 0 : i32
    %swap3A_169 = arith.index_cast %swap3A_168 : i32 to index
    %swap3A_170 = arith.constant 64 : index
    %swap3A_171 = tpu.vector_load %arg13[%swap3A_169, %swap3A_170] {strides = array<i32>} : memref<4x112xi32, #tpu.memory_space<vmem>>, vector<16xi32>,
    tpu.vector_store %arg13[%swap3A_169, %swap3A_170], %and3A_167 {strides = array<i32>} : memref<4x112xi32, #tpu.memory_space<vmem>>, vector<16xi32>,
    %get3A_172 = arith.constant 0 : i32
    %get3A_173 = arith.index_cast %get3A_172 : i32 to index
    %get3A_174 = arith.constant 80 : index
    %get3A_175 = tpu.vector_load %arg9[%get3A_173, %get3A_174] {strides = array<i32>} : memref<6x112xi32, #tpu.memory_space<vmem>>, vector<16xi32>,
    %shift_right_logical3A_176 = arith.constant 1 : i32
    %shift_right_logical3A_177 = vector.broadcast %shift_right_logical3A_176 : i32 to vector<16xi32>
    %shift_right_logical3A_178 = arith.shrui %get3A_175, %shift_right_logical3A_177 : vector<16xi32>
    %gather3A_179 = tpu.vector_load_idx %arg8[%shift_right_logical3A_178] : memref<5000xi32, #tpu.memory_space<vmem>>[vector<16xi32>], vector<16xi32>,
    %and3A_180 = arith.constant 1 : i32
    %and3A_181 = vector.broadcast %and3A_180 : i32 to vector<16xi32>
    %and3A_182 = arith.andi %get3A_175, %and3A_181 : vector<16xi32>
    %mul3A_183 = arith.constant 16 : i32
    %mul3A_184 = vector.broadcast %mul3A_183 : i32 to vector<16xi32>
    %mul3A_185 = arith.muli %and3A_182, %mul3A_184 : vector<16xi32>
    %shift_right_logical3A_186 = arith.shrui %gather3A_179, %mul3A_185 : vector<16xi32>
    %and3A_187 = arith.constant 65535 : i32
    %and3A_188 = vector.broadcast %and3A_187 : i32 to vector<16xi32>
    %and3A_189 = arith.andi %shift_right_logical3A_186, %and3A_188 : vector<16xi32>
    %swap3A_190 = arith.constant 0 : i32
    %swap3A_191 = arith.index_cast %swap3A_190 : i32 to index
    %swap3A_192 = arith.constant 80 : index
    %swap3A_193 = tpu.vector_load %arg13[%swap3A_191, %swap3A_192] {strides = array<i32>} : memref<4x112xi32, #tpu.memory_space<vmem>>, vector<16xi32>,
    tpu.vector_store %arg13[%swap3A_191, %swap3A_192], %and3A_189 {strides = array<i32>} : memref<4x112xi32, #tpu.memory_space<vmem>>, vector<16xi32>,
    %get3A_194 = arith.constant 0 : i32
    %get3A_195 = arith.index_cast %get3A_194 : i32 to index
    %get3A_196 = arith.constant 96 : index
    %get3A_197 = tpu.vector_load %arg9[%get3A_195, %get3A_196] {strides = array<i32>} : memref<6x112xi32, #tpu.memory_space<vmem>>, vector<16xi32>,
    %shift_right_logical3A_198 = arith.constant 1 : i32
    %shift_right_logical3A_199 = vector.broadcast %shift_right_logical3A_198 : i32 to vector<16xi32>
    %shift_right_logical3A_200 = arith.shrui %get3A_197, %shift_right_logical3A_199 : vector<16xi32>
    %gather3A_201 = tpu.vector_load_idx %arg8[%shift_right_logical3A_200] : memref<5000xi32, #tpu.memory_space<vmem>>[vector<16xi32>], vector<16xi32>,
    %and3A_202 = arith.constant 1 : i32
    %and3A_203 = vector.broadcast %and3A_202 : i32 to vector<16xi32>
    %and3A_204 = arith.andi %get3A_197, %and3A_203 : vector<16xi32>
    %mul3A_205 = arith.constant 16 : i32
    %mul3A_206 = vector.broadcast %mul3A_205 : i32 to vector<16xi32>
    %mul3A_207 = arith.muli %and3A_204, %mul3A_206 : vector<16xi32>
    %shift_right_logical3A_208 = arith.shrui %gather3A_201, %mul3A_207 : vector<16xi32>
    %and3A_209 = arith.constant 65535 : i32
    %and3A_210 = vector.broadcast %and3A_209 : i32 to vector<16xi32>
    %and3A_211 = arith.andi %shift_right_logical3A_208, %and3A_210 : vector<16xi32>
    %swap3A_212 = arith.constant 0 : i32
    %swap3A_213 = arith.index_cast %swap3A_212 : i32 to index
    %swap3A_214 = arith.constant 96 : index
    %swap3A_215 = tpu.vector_load %arg13[%swap3A_213, %swap3A_214] {strides = array<i32>} : memref<4x112xi32, #tpu.memory_space<vmem>>, vector<16xi32>,
    tpu.vector_store %arg13[%swap3A_213, %swap3A_214], %and3A_211 {strides = array<i32>} : memref<4x112xi32, #tpu.memory_space<vmem>>, vector<16xi32>,
    %get3A_216 = arith.constant 1 : i32
    %get3A_217 = arith.index_cast %get3A_216 : i32 to index
    %get3A_218 = arith.constant 0 : index
    %get3A_219 = tpu.vector_load %arg9[%get3A_217, %get3A_218] {strides = array<i32>} : memref<6x112xi32, #tpu.memory_space<vmem>>, vector<16xi32>,
    %shift_right_logical3A_220 = arith.constant 1 : i32
    %shift_right_logical3A_221 = vector.broadcast %shift_right_logical3A_220 : i32 to vector<16xi32>
    %shift_right_logical3A_222 = arith.shrui %get3A_219, %shift_right_logical3A_221 : vector<16xi32>
    %gather3A_223 = tpu.vector_load_idx %arg8[%shift_right_logical3A_222] : memref<5000xi32, #tpu.memory_space<vmem>>[vector<16xi32>], vector<16xi32>,
    %and3A_224 = arith.constant 1 : i32
    %and3A_225 = vector.broadcast %and3A_224 : i32 to vector<16xi32>
    %and3A_226 = arith.andi %get3A_219, %and3A_225 : vector<16xi32>
    %mul3A_227 = arith.constant 16 : i32
    %mul3A_228 = vector.broadcast %mul3A_227 : i32 to vector<16xi32>
    %mul3A_229 = arith.muli %and3A_226, %mul3A_228 : vector<16xi32>
    %shift_right_logical3A_230 = arith.shrui %gather3A_223, %mul3A_229 : vector<16xi32>
    %and3A_231 = arith.constant 65535 : i32
    %and3A_232 = vector.broadcast %and3A_231 : i32 to vector<16xi32>
    %and3A_233 = arith.andi %shift_right_logical3A_230, %and3A_232 : vector<16xi32>
    %swap3A_234 = arith.constant 1 : i32
    %swap3A_235 = arith.index_cast %swap3A_234 : i32 to index
    %swap3A_236 = arith.constant 0 : index
    %swap3A_237 = tpu.vector_load %arg13[%swap3A_235, %swap3A_236] {strides = array<i32>} : memref<4x112xi32, #tpu.memory_space<vmem>>, vector<16xi32>,
    tpu.vector_store %arg13[%swap3A_235, %swap3A_236], %and3A_233 {strides = array<i32>} : memref<4x112xi32, #tpu.memory_space<vmem>>, vector<16xi32>,
    %get3A_238 = arith.constant 1 : i32
    %get3A_239 = arith.index_cast %get3A_238 : i32 to index
    %get3A_240 = arith.constant 16 : index
    %get3A_241 = tpu.vector_load %arg9[%get3A_239, %get3A_240] {strides = array<i32>} : memref<6x112xi32, #tpu.memory_space<vmem>>, vector<16xi32>,
    %shift_right_logical3A_242 = arith.constant 1 : i32
    %shift_right_logical3A_243 = vector.broadcast %shift_right_logical3A_242 : i32 to vector<16xi32>
    %shift_right_logical3A_244 = arith.shrui %get3A_241, %shift_right_logical3A_243 : vector<16xi32>
    %gather3A_245 = tpu.vector_load_idx %arg8[%shift_right_logical3A_244] : memref<5000xi32, #tpu.memory_space<vmem>>[vector<16xi32>], vector<16xi32>,
    %and3A_246 = arith.constant 1 : i32
    %and3A_247 = vector.broadcast %and3A_246 : i32 to vector<16xi32>
    %and3A_248 = arith.andi %get3A_241, %and3A_247 : vector<16xi32>
    %mul3A_249 = arith.constant 16 : i32
    %mul3A_250 = vector.broadcast %mul3A_249 : i32 to vector<16xi32>
    %mul3A_251 = arith.muli %and3A_248, %mul3A_250 : vector<16xi32>
    %shift_right_logical3A_252 = arith.shrui %gather3A_245, %mul3A_251 : vector<16xi32>
    %and3A_253 = arith.constant 65535 : i32
    %and3A_254 = vector.broadcast %and3A_253 : i32 to vector<16xi32>
    %and3A_255 = arith.andi %shift_right_logical3A_252, %and3A_254 : vector<16xi32>
    %swap3A_256 = arith.constant 1 : i32
    %swap3A_257 = arith.index_cast %swap3A_256 : i32 to index
    %swap3A_258 = arith.constant 16 : index
    %swap3A_259 = tpu.vector_load %arg13[%swap3A_257, %swap3A_258] {strides = array<i32>} : memref<4x112xi32, #tpu.memory_space<vmem>>, vector<16xi32>,
    tpu.vector_store %arg13[%swap3A_257, %swap3A_258], %and3A_255 {strides = array<i32>} : memref<4x112xi32, #tpu.memory_space<vmem>>, vector<16xi32>,
    %get3A_260 = arith.constant 1 : i32
    %get3A_261 = arith.index_cast %get3A_260 : i32 to index
    %get3A_262 = arith.constant 32 : index
    %get3A_263 = tpu.vector_load %arg9[%get3A_261, %get3A_262] {strides = array<i32>} : memref<6x112xi32, #tpu.memory_space<vmem>>, vector<16xi32>,
    %shift_right_logical3A_264 = arith.constant 1 : i32
    %shift_right_logical3A_265 = vector.broadcast %shift_right_logical3A_264 : i32 to vector<16xi32>
    %shift_right_logical3A_266 = arith.shrui %get3A_263, %shift_right_logical3A_265 : vector<16xi32>
    %gather3A_267 = tpu.vector_load_idx %arg8[%shift_right_logical3A_266] : memref<5000xi32, #tpu.memory_space<vmem>>[vector<16xi32>], vector<16xi32>,
    %and3A_268 = arith.constant 1 : i32
    %and3A_269 = vector.broadcast %and3A_268 : i32 to vector<16xi32>
    %and3A_270 = arith.andi %get3A_263, %and3A_269 : vector<16xi32>
    %mul3A_271 = arith.constant 16 : i32
    %mul3A_272 = vector.broadcast %mul3A_271 : i32 to vector<16xi32>
    %mul3A_273 = arith.muli %and3A_270, %mul3A_272 : vector<16xi32>
    %shift_right_logical3A_274 = arith.shrui %gather3A_267, %mul3A_273 : vector<16xi32>
    %and3A_275 = arith.constant 65535 : i32
    %and3A_276 = vector.broadcast %and3A_275 : i32 to vector<16xi32>
    %and3A_277 = arith.andi %shift_right_logical3A_274, %and3A_276 : vector<16xi32>
    %swap3A_278 = arith.constant 1 : i32
    %swap3A_279 = arith.index_cast %swap3A_278 : i32 to index
    %swap3A_280 = arith.constant 32 : index
    %swap3A_281 = tpu.vector_load %arg13[%swap3A_279, %swap3A_280] {strides = array<i32>} : memref<4x112xi32, #tpu.memory_space<vmem>>, vector<16xi32>,
    tpu.vector_store %arg13[%swap3A_279, %swap3A_280], %and3A_277 {strides = array<i32>} : memref<4x112xi32, #tpu.memory_space<vmem>>, vector<16xi32>,
    %get3A_282 = arith.constant 1 : i32
    %get3A_283 = arith.index_cast %get3A_282 : i32 to index
    %get3A_284 = arith.constant 48 : index
    %get3A_285 = tpu.vector_load %arg9[%get3A_283, %get3A_284] {strides = array<i32>} : memref<6x112xi32, #tpu.memory_space<vmem>>, vector<16xi32>,
    %shift_right_logical3A_286 = arith.constant 1 : i32
    %shift_right_logical3A_287 = vector.broadcast %shift_right_logical3A_286 : i32 to vector<16xi32>
    %shift_right_logical3A_288 = arith.shrui %get3A_285, %shift_right_logical3A_287 : vector<16xi32>
    %gather3A_289 = tpu.vector_load_idx %arg8[%shift_right_logical3A_288] : memref<5000xi32, #tpu.memory_space<vmem>>[vector<16xi32>], vector<16xi32>,
    %and3A_290 = arith.constant 1 : i32
    %and3A_291 = vector.broadcast %and3A_290 : i32 to vector<16xi32>
    %and3A_292 = arith.andi %get3A_285, %and3A_291 : vector<16xi32>
    %mul3A_293 = arith.constant 16 : i32
    %mul3A_294 = vector.broadcast %mul3A_293 : i32 to vector<16xi32>
    %mul3A_295 = arith.muli %and3A_292, %mul3A_294 : vector<16xi32>
    %shift_right_logical3A_296 = arith.shrui %gather3A_289, %mul3A_295 : vector<16xi32>
    %and3A_297 = arith.constant 65535 : i32
    %and3A_298 = vector.broadcast %and3A_297 : i32 to vector<16xi32>
    %and3A_299 = arith.andi %shift_right_logical3A_296, %and3A_298 : vector<16xi32>
    %swap3A_300 = arith.constant 1 : i32
    %swap3A_301 = arith.index_cast %swap3A_300 : i32 to index
    %swap3A_302 = arith.constant 48 : index
    %swap3A_303 = tpu.vector_load %arg13[%swap3A_301, %swap3A_302] {strides = array<i32>} : memref<4x112xi32, #tpu.memory_space<vmem>>, vector<16xi32>,
    tpu.vector_store %arg13[%swap3A_301, %swap3A_302], %and3A_299 {strides = array<i32>} : memref<4x112xi32, #tpu.memory_space<vmem>>, vector<16xi32>,
    %get3A_304 = arith.constant 1 : i32
    %get3A_305 = arith.index_cast %get3A_304 : i32 to index
    %get3A_306 = arith.constant 64 : index
    %get3A_307 = tpu.vector_load %arg9[%get3A_305, %get3A_306] {strides = array<i32>} : memref<6x112xi32, #tpu.memory_space<vmem>>, vector<16xi32>,
    %shift_right_logical3A_308 = arith.constant 1 : i32
    %shift_right_logical3A_309 = vector.broadcast %shift_right_logical3A_308 : i32 to vector<16xi32>
    %shift_right_logical3A_310 = arith.shrui %get3A_307, %shift_right_logical3A_309 : vector<16xi32>
    %gather3A_311 = tpu.vector_load_idx %arg8[%shift_right_logical3A_310] : memref<5000xi32, #tpu.memory_space<vmem>>[vector<16xi32>], vector<16xi32>,
    %and3A_312 = arith.constant 1 : i32
    %and3A_313 = vector.broadcast %and3A_312 : i32 to vector<16xi32>
    %and3A_314 = arith.andi %get3A_307, %and3A_313 : vector<16xi32>
    %mul3A_315 = arith.constant 16 : i32
    %mul3A_316 = vector.broadcast %mul3A_315 : i32 to vector<16xi32>
    %mul3A_317 = arith.muli %and3A_314, %mul3A_316 : vector<16xi32>
    %shift_right_logical3A_318 = arith.shrui %gather3A_311, %mul3A_317 : vector<16xi32>
    %and3A_319 = arith.constant 65535 : i32
    %and3A_320 = vector.broadcast %and3A_319 : i32 to vector<16xi32>
    %and3A_321 = arith.andi %shift_right_logical3A_318, %and3A_320 : vector<16xi32>
    %swap3A_322 = arith.constant 1 : i32
    %swap3A_323 = arith.index_cast %swap3A_322 : i32 to index
    %swap3A_324 = arith.constant 64 : index
    %swap3A_325 = tpu.vector_load %arg13[%swap3A_323, %swap3A_324] {strides = array<i32>} : memref<4x112xi32, #tpu.memory_space<vmem>>, vector<16xi32>,
    tpu.vector_store %arg13[%swap3A_323, %swap3A_324], %and3A_321 {strides = array<i32>} : memref<4x112xi32, #tpu.memory_space<vmem>>, vector<16xi32>,
    %get3A_326 = arith.constant 1 : i32
    %get3A_327 = arith.index_cast %get3A_326 : i32 to index
    %get3A_328 = arith.constant 80 : index
    %get3A_329 = tpu.vector_load %arg9[%get3A_327, %get3A_328] {strides = array<i32>} : memref<6x112xi32, #tpu.memory_space<vmem>>, vector<16xi32>,
    %shift_right_logical3A_330 = arith.constant 1 : i32
    %shift_right_logical3A_331 = vector.broadcast %shift_right_logical3A_330 : i32 to vector<16xi32>
    %shift_right_logical3A_332 = arith.shrui %get3A_329, %shift_right_logical3A_331 : vector<16xi32>
    %gather3A_333 = tpu.vector_load_idx %arg8[%shift_right_logical3A_332] : memref<5000xi32, #tpu.memory_space<vmem>>[vector<16xi32>], vector<16xi32>,
    %and3A_334 = arith.constant 1 : i32
    %and3A_335 = vector.broadcast %and3A_334 : i32 to vector<16xi32>
    %and3A_336 = arith.andi %get3A_329, %and3A_335 : vector<16xi32>
    %mul3A_337 = arith.constant 16 : i32
    %mul3A_338 = vector.broadcast %mul3A_337 : i32 to vector<16xi32>
    %mul3A_339 = arith.muli %and3A_336, %mul3A_338 : vector<16xi32>
    %shift_right_logical3A_340 = arith.shrui %gather3A_333, %mul3A_339 : vector<16xi32>
    %and3A_341 = arith.constant 65535 : i32
    %and3A_342 = vector.broadcast %and3A_341 : i32 to vector<16xi32>
    %and3A_343 = arith.andi %shift_right_logical3A_340, %and3A_342 : vector<16xi32>
    %swap3A_344 = arith.constant 1 : i32
    %swap3A_345 = arith.index_cast %swap3A_344 : i32 to index
    %swap3A_346 = arith.constant 80 : index
    %swap3A_347 = tpu.vector_load %arg13[%swap3A_345, %swap3A_346] {strides = array<i32>} : memref<4x112xi32, #tpu.memory_space<vmem>>, vector<16xi32>,
    tpu.vector_store %arg13[%swap3A_345, %swap3A_346], %and3A_343 {strides = array<i32>} : memref<4x112xi32, #tpu.memory_space<vmem>>, vector<16xi32>,
    %get3A_348 = arith.constant 1 : i32
    %get3A_349 = arith.index_cast %get3A_348 : i32 to index
    %get3A_350 = arith.constant 96 : index
    %get3A_351 = tpu.vector_load %arg9[%get3A_349, %get3A_350] {strides = array<i32>} : memref<6x112xi32, #tpu.memory_space<vmem>>, vector<16xi32>,
    %shift_right_logical3A_352 = arith.constant 1 : i32
    %shift_right_logical3A_353 = vector.broadcast %shift_right_logical3A_352 : i32 to vector<16xi32>
    %shift_right_logical3A_354 = arith.shrui %get3A_351, %shift_right_logical3A_353 : vector<16xi32>
    %gather3A_355 = tpu.vector_load_idx %arg8[%shift_right_logical3A_354] : memref<5000xi32, #tpu.memory_space<vmem>>[vector<16xi32>], vector<16xi32>,
    %and3A_356 = arith.constant 1 : i32
    %and3A_357 = vector.broadcast %and3A_356 : i32 to vector<16xi32>
    %and3A_358 = arith.andi %get3A_351, %and3A_357 : vector<16xi32>
    %mul3A_359 = arith.constant 16 : i32
    %mul3A_360 = vector.broadcast %mul3A_359 : i32 to vector<16xi32>
    %mul3A_361 = arith.muli %and3A_358, %mul3A_360 : vector<16xi32>
    %shift_right_logical3A_362 = arith.shrui %gather3A_355, %mul3A_361 : vector<16xi32>
    %and3A_363 = arith.constant 65535 : i32
    %and3A_364 = vector.broadcast %and3A_363 : i32 to vector<16xi32>
    %and3A_365 = arith.andi %shift_right_logical3A_362, %and3A_364 : vector<16xi32>
    %swap3A_366 = arith.constant 1 : i32
    %swap3A_367 = arith.index_cast %swap3A_366 : i32 to index
    %swap3A_368 = arith.constant 96 : index
    %swap3A_369 = tpu.vector_load %arg13[%swap3A_367, %swap3A_368] {strides = array<i32>} : memref<4x112xi32, #tpu.memory_space<vmem>>, vector<16xi32>,
    tpu.vector_store %arg13[%swap3A_367, %swap3A_368], %and3A_365 {strides = array<i32>} : memref<4x112xi32, #tpu.memory_space<vmem>>, vector<16xi32>,
    %scan3A_370 = arith.constant 0 : i32
    %scan3A_371 = arith.constant 0 : i32
    %scan3A_372 = arith.constant 15 : i32
    %scan3A_373 = arith.addi %scan3A_371, %scan3A_372 : i32
    %scan3A_374 = arith.constant 1 : i32
    %scan3A_375 = scf.for %scan3A_423 = %scan3A_371 to %scan3A_373 step %scan3A_374 iter_args(%scan3A_424 = %scan3A_370) -> (i32)  : i32 {
      %gt3A = arith.constant 0 : i32
      %gt3A_425 = arith.cmpi sgt, %scan3A_423, %gt3A : i32
      %convert_element_type3A = arith.extui %gt3A_425 : i1 to i32
      %cond3A = arith.constant 0 : i32
      %cond3A_426 = arith.cmpi ne, %convert_element_type3A, %cond3A : i32
      scf.if %cond3A_426 {
        %dma_wait3A_2997 = arith.constant 0 : i32
        %dma_wait3A_2998 = arith.constant 0 : i32
        %dma_wait3A_2999 = arith.constant 0 : i32
        %dma_wait3A_3000 = arith.constant 0 : i32
        %dma_wait3A_3001 = tpu.memref_slice %arg14[%dma_wait3A_2997, %dma_wait3A_2999, %dma_wait3A_3000] : memref<2x112x128xf32, #tpu.memory_space<vmem>> -> memref<1x112x128xf32, #tpu.memory_space<vmem>>
        %dma_wait3A_3002 = tpu.memref_squeeze %dma_wait3A_3001 : memref<1x112x128xf32, #tpu.memory_space<vmem>> -> memref<112x128xf32, #tpu.memory_space<vmem>>
        %dma_wait3A_3003 = arith.constant 0 : i32
        %dma_wait3A_3004 = tpu.memref_slice %arg11[%dma_wait3A_2998, %dma_wait3A_3003] : memref<6x112xi32, #tpu.memory_space<vmem>> -> memref<1x112xi32, #tpu.memory_space<vmem>>
        %dma_wait3A_3005 = tpu.memref_squeeze %dma_wait3A_3004 : memref<1x112xi32, #tpu.memory_space<vmem>> -> memref<112xi32, #tpu.memory_space<vmem>>
        %dma_wait3A_3006 = arith.constant 0 : i32
        %dma_wait3A_3007 = arith.constant 0 : i32
        %dma_wait3A_3008 = tpu.memref_slice %arg16[%dma_wait3A_3006, %dma_wait3A_3007] : memref<10112x128xf32, #tpu.memory_space<vmem_shared>> -> memref<10112x128xf32, #tpu.memory_space<vmem_shared>>
        tpu.wait_indirect_dma semaphore(%arg20 : memref<!tpu.dma_semaphore, #tpu.memory_space<semaphore_mem>>) src(%dma_wait3A_3002 : memref<112x128xf32, #tpu.memory_space<vmem>>) dst(%dma_wait3A_3008 : memref<10112x128xf32, #tpu.memory_space<vmem_shared>>)
        %dma_wait3A_3009 = arith.constant 0 : i32
        %dma_wait3A_3010 = arith.constant 0 : i32
        %dma_wait3A_3011 = tpu.memref_slice %arg11[%dma_wait3A_3009, %dma_wait3A_3010] : memref<6x112xi32, #tpu.memory_space<vmem>> -> memref<1x112xi32, #tpu.memory_space<vmem>>
        %dma_wait3A_3012 = tpu.memref_squeeze %dma_wait3A_3011 : memref<1x112xi32, #tpu.memory_space<vmem>> -> memref<112xi32, #tpu.memory_space<vmem>>
        %dma_wait3A_3013 = arith.constant 0 : i32
        %dma_wait3A_3014 = arith.constant 0 : i32
        %dma_wait3A_3015 = tpu.memref_slice %arg17[%dma_wait3A_3013, %dma_wait3A_3014] : memref<10112x16xf32, #tpu.memory_space<vmem_shared>> -> memref<10112x16xf32, #tpu.memory_space<vmem_shared>>
        tpu.wait_indirect_dma semaphore(%arg21 : memref<!tpu.dma_semaphore, #tpu.memory_space<semaphore_mem>>) src(%arg15 : memref<112x16xf32, #tpu.memory_space<vmem>>) dst(%dma_wait3A_3015 : memref<10112x16xf32, #tpu.memory_space<vmem_shared>>)
        %dma_wait3A_3016 = arith.constant 0 : i32
        %dma_wait3A_3017 = arith.constant 0 : i32
        %dma_wait3A_3018 = arith.constant 0 : i32
        %dma_wait3A_3019 = arith.constant 0 : i32
        %dma_wait3A_3020 = tpu.memref_slice %arg14[%dma_wait3A_3016, %dma_wait3A_3018, %dma_wait3A_3019] : memref<2x112x128xf32, #tpu.memory_space<vmem>> -> memref<1x112x128xf32, #tpu.memory_space<vmem>>
        %dma_wait3A_3021 = tpu.memref_squeeze %dma_wait3A_3020 : memref<1x112x128xf32, #tpu.memory_space<vmem>> -> memref<112x128xf32, #tpu.memory_space<vmem>>
        %dma_wait3A_3022 = arith.constant 0 : i32
        %dma_wait3A_3023 = tpu.memref_slice %arg11[%dma_wait3A_3017, %dma_wait3A_3022] : memref<6x112xi32, #tpu.memory_space<vmem>> -> memref<1x112xi32, #tpu.memory_space<vmem>>
        %dma_wait3A_3024 = tpu.memref_squeeze %dma_wait3A_3023 : memref<1x112xi32, #tpu.memory_space<vmem>> -> memref<112xi32, #tpu.memory_space<vmem>>
        %dma_wait3A_3025 = arith.constant 0 : i32
        %dma_wait3A_3026 = arith.constant 0 : i32
        %dma_wait3A_3027 = tpu.memref_slice %arg16[%dma_wait3A_3025, %dma_wait3A_3026] : memref<10112x128xf32, #tpu.memory_space<vmem_shared>> -> memref<10112x128xf32, #tpu.memory_space<vmem_shared>>
        tpu.wait_indirect_dma semaphore(%arg20 : memref<!tpu.dma_semaphore, #tpu.memory_space<semaphore_mem>>) src(%dma_wait3A_3021 : memref<112x128xf32, #tpu.memory_space<vmem>>) dst(%dma_wait3A_3027 : memref<10112x128xf32, #tpu.memory_space<vmem_shared>>)
        %dma_wait3A_3028 = arith.constant 0 : i32
        %dma_wait3A_3029 = arith.constant 0 : i32
        %dma_wait3A_3030 = tpu.memref_slice %arg11[%dma_wait3A_3028, %dma_wait3A_3029] : memref<6x112xi32, #tpu.memory_space<vmem>> -> memref<1x112xi32, #tpu.memory_space<vmem>>
        %dma_wait3A_3031 = tpu.memref_squeeze %dma_wait3A_3030 : memref<1x112xi32, #tpu.memory_space<vmem>> -> memref<112xi32, #tpu.memory_space<vmem>>
        %dma_wait3A_3032 = arith.constant 0 : i32
        %dma_wait3A_3033 = arith.constant 0 : i32
        %dma_wait3A_3034 = tpu.memref_slice %arg17[%dma_wait3A_3032, %dma_wait3A_3033] : memref<10112x16xf32, #tpu.memory_space<vmem_shared>> -> memref<10112x16xf32, #tpu.memory_space<vmem_shared>>
        tpu.wait_indirect_dma semaphore(%arg21 : memref<!tpu.dma_semaphore, #tpu.memory_space<semaphore_mem>>) src(%arg15 : memref<112x16xf32, #tpu.memory_space<vmem>>) dst(%dma_wait3A_3034 : memref<10112x16xf32, #tpu.memory_space<vmem_shared>>)
      } else {
      }
      %dma_start3A = arith.constant 0 : i32
      %dma_start3A_427 = arith.constant 0 : i32
      %dma_start3A_428 = arith.constant 0 : i32
      %dma_start3A_429 = arith.constant 0 : i32
      %dma_start3A_430 = tpu.memref_slice %arg14[%dma_start3A_427, %dma_start3A_428, %dma_start3A_429] : memref<2x112x128xf32, #tpu.memory_space<vmem>> -> memref<1x112x128xf32, #tpu.memory_space<vmem>>
      %dma_start3A_431 = tpu.memref_squeeze %dma_start3A_430 : memref<1x112x128xf32, #tpu.memory_space<vmem>> -> memref<112x128xf32, #tpu.memory_space<vmem>>
      %dma_start3A_432 = arith.constant 0 : i32
      %dma_start3A_433 = tpu.memref_slice %arg13[%dma_start3A, %dma_start3A_432] : memref<4x112xi32, #tpu.memory_space<vmem>> -> memref<1x112xi32, #tpu.memory_space<vmem>>
      %dma_start3A_434 = tpu.memref_squeeze %dma_start3A_433 : memref<1x112xi32, #tpu.memory_space<vmem>> -> memref<112xi32, #tpu.memory_space<vmem>>
      %dma_start3A_435 = arith.constant 0 : i32
      %dma_start3A_436 = arith.constant 0 : i32
      %dma_start3A_437 = tpu.memref_slice %arg2[%dma_start3A_435, %dma_start3A_436] : memref<10000x128xf32, #tpu.memory_space<hbm>> -> memref<10000x128xf32, #tpu.memory_space<hbm>>
      tpu.enqueue_indirect_dma source(%dma_start3A_437 : memref<10000x128xf32, #tpu.memory_space<hbm>>) target(%dma_start3A_431 : memref<112x128xf32, #tpu.memory_space<vmem>>) offsets(%dma_start3A_434 : memref<112xi32, #tpu.memory_space<vmem>>) semaphore(%arg19 : memref<!tpu.dma_semaphore, #tpu.memory_space<semaphore_mem>>)
      %dma_start3A_438 = arith.constant 1 : i32
      %dma_start3A_439 = arith.constant 1 : i32
      %dma_start3A_440 = arith.constant 0 : i32
      %dma_start3A_441 = arith.constant 0 : i32
      %dma_start3A_442 = tpu.memref_slice %arg14[%dma_start3A_439, %dma_start3A_440, %dma_start3A_441] : memref<2x112x128xf32, #tpu.memory_space<vmem>> -> memref<1x112x128xf32, #tpu.memory_space<vmem>>
      %dma_start3A_443 = tpu.memref_squeeze %dma_start3A_442 : memref<1x112x128xf32, #tpu.memory_space<vmem>> -> memref<112x128xf32, #tpu.memory_space<vmem>>
      %dma_start3A_444 = arith.constant 0 : i32
      %dma_start3A_445 = tpu.memref_slice %arg13[%dma_start3A_438, %dma_start3A_444] : memref<4x112xi32, #tpu.memory_space<vmem>> -> memref<1x112xi32, #tpu.memory_space<vmem>>
      %dma_start3A_446 = tpu.memref_squeeze %dma_start3A_445 : memref<1x112xi32, #tpu.memory_space<vmem>> -> memref<112xi32, #tpu.memory_space<vmem>>
      %dma_start3A_447 = arith.constant 0 : i32
      %dma_start3A_448 = arith.constant 0 : i32
      %dma_start3A_449 = tpu.memref_slice %arg2[%dma_start3A_447, %dma_start3A_448] : memref<10000x128xf32, #tpu.memory_space<hbm>> -> memref<10000x128xf32, #tpu.memory_space<hbm>>
      tpu.enqueue_indirect_dma source(%dma_start3A_449 : memref<10000x128xf32, #tpu.memory_space<hbm>>) target(%dma_start3A_443 : memref<112x128xf32, #tpu.memory_space<vmem>>) offsets(%dma_start3A_446 : memref<112xi32, #tpu.memory_space<vmem>>) semaphore(%arg19 : memref<!tpu.dma_semaphore, #tpu.memory_space<semaphore_mem>>)
      %get3A_450 = arith.constant 2 : i32
      %get3A_451 = arith.index_cast %get3A_450 : i32 to index
      %get3A_452 = arith.constant 0 : index
      %get3A_453 = tpu.vector_load %arg9[%get3A_451, %get3A_452] {strides = array<i32>} : memref<6x112xi32, #tpu.memory_space<vmem>>, vector<16xi32>,
      %shift_right_logical3A_454 = arith.constant 1 : i32
      %shift_right_logical3A_455 = vector.broadcast %shift_right_logical3A_454 : i32 to vector<16xi32>
      %shift_right_logical3A_456 = arith.shrui %get3A_453, %shift_right_logical3A_455 : vector<16xi32>
      %gather3A_457 = tpu.vector_load_idx %arg8[%shift_right_logical3A_456] : memref<5000xi32, #tpu.memory_space<vmem>>[vector<16xi32>], vector<16xi32>,
      %and3A_458 = arith.constant 1 : i32
      %and3A_459 = vector.broadcast %and3A_458 : i32 to vector<16xi32>
      %and3A_460 = arith.andi %get3A_453, %and3A_459 : vector<16xi32>
      %mul3A_461 = arith.constant 16 : i32
      %mul3A_462 = vector.broadcast %mul3A_461 : i32 to vector<16xi32>
      %mul3A_463 = arith.muli %and3A_460, %mul3A_462 : vector<16xi32>
      %shift_right_logical3A_464 = arith.shrui %gather3A_457, %mul3A_463 : vector<16xi32>
      %and3A_465 = arith.constant 65535 : i32
      %and3A_466 = vector.broadcast %and3A_465 : i32 to vector<16xi32>
      %and3A_467 = arith.andi %shift_right_logical3A_464, %and3A_466 : vector<16xi32>
      %swap3A_468 = arith.constant 2 : i32
      %swap3A_469 = arith.index_cast %swap3A_468 : i32 to index
      %swap3A_470 = arith.constant 0 : index
      %swap3A_471 = tpu.vector_load %arg13[%swap3A_469, %swap3A_470] {strides = array<i32>} : memref<4x112xi32, #tpu.memory_space<vmem>>, vector<16xi32>,
      tpu.vector_store %arg13[%swap3A_469, %swap3A_470], %and3A_467 {strides = array<i32>} : memref<4x112xi32, #tpu.memory_space<vmem>>, vector<16xi32>,
      %get3A_472 = arith.constant 2 : i32
      %get3A_473 = arith.index_cast %get3A_472 : i32 to index
      %get3A_474 = arith.constant 16 : index
      %get3A_475 = tpu.vector_load %arg9[%get3A_473, %get3A_474] {strides = array<i32>} : memref<6x112xi32, #tpu.memory_space<vmem>>, vector<16xi32>,
      %shift_right_logical3A_476 = arith.constant 1 : i32
      %shift_right_logical3A_477 = vector.broadcast %shift_right_logical3A_476 : i32 to vector<16xi32>
      %shift_right_logical3A_478 = arith.shrui %get3A_475, %shift_right_logical3A_477 : vector<16xi32>
      %gather3A_479 = tpu.vector_load_idx %arg8[%shift_right_logical3A_478] : memref<5000xi32, #tpu.memory_space<vmem>>[vector<16xi32>], vector<16xi32>,
      %and3A_480 = arith.constant 1 : i32
      %and3A_481 = vector.broadcast %and3A_480 : i32 to vector<16xi32>
      %and3A_482 = arith.andi %get3A_475, %and3A_481 : vector<16xi32>
      %mul3A_483 = arith.constant 16 : i32
      %mul3A_484 = vector.broadcast %mul3A_483 : i32 to vector<16xi32>
      %mul3A_485 = arith.muli %and3A_482, %mul3A_484 : vector<16xi32>
      %shift_right_logical3A_486 = arith.shrui %gather3A_479, %mul3A_485 : vector<16xi32>
      %and3A_487 = arith.constant 65535 : i32
      %and3A_488 = vector.broadcast %and3A_487 : i32 to vector<16xi32>
      %and3A_489 = arith.andi %shift_right_logical3A_486, %and3A_488 : vector<16xi32>
      %swap3A_490 = arith.constant 2 : i32
      %swap3A_491 = arith.index_cast %swap3A_490 : i32 to index
      %swap3A_492 = arith.constant 16 : index
      %swap3A_493 = tpu.vector_load %arg13[%swap3A_491, %swap3A_492] {strides = array<i32>} : memref<4x112xi32, #tpu.memory_space<vmem>>, vector<16xi32>,
      tpu.vector_store %arg13[%swap3A_491, %swap3A_492], %and3A_489 {strides = array<i32>} : memref<4x112xi32, #tpu.memory_space<vmem>>, vector<16xi32>,
      %get3A_494 = arith.constant 2 : i32
      %get3A_495 = arith.index_cast %get3A_494 : i32 to index
      %get3A_496 = arith.constant 32 : index
      %get3A_497 = tpu.vector_load %arg9[%get3A_495, %get3A_496] {strides = array<i32>} : memref<6x112xi32, #tpu.memory_space<vmem>>, vector<16xi32>,
      %shift_right_logical3A_498 = arith.constant 1 : i32
      %shift_right_logical3A_499 = vector.broadcast %shift_right_logical3A_498 : i32 to vector<16xi32>
      %shift_right_logical3A_500 = arith.shrui %get3A_497, %shift_right_logical3A_499 : vector<16xi32>
      %gather3A_501 = tpu.vector_load_idx %arg8[%shift_right_logical3A_500] : memref<5000xi32, #tpu.memory_space<vmem>>[vector<16xi32>], vector<16xi32>,
      %and3A_502 = arith.constant 1 : i32
      %and3A_503 = vector.broadcast %and3A_502 : i32 to vector<16xi32>
      %and3A_504 = arith.andi %get3A_497, %and3A_503 : vector<16xi32>
      %mul3A_505 = arith.constant 16 : i32
      %mul3A_506 = vector.broadcast %mul3A_505 : i32 to vector<16xi32>
      %mul3A_507 = arith.muli %and3A_504, %mul3A_506 : vector<16xi32>
      %shift_right_logical3A_508 = arith.shrui %gather3A_501, %mul3A_507 : vector<16xi32>
      %and3A_509 = arith.constant 65535 : i32
      %and3A_510 = vector.broadcast %and3A_509 : i32 to vector<16xi32>
      %and3A_511 = arith.andi %shift_right_logical3A_508, %and3A_510 : vector<16xi32>
      %swap3A_512 = arith.constant 2 : i32
      %swap3A_513 = arith.index_cast %swap3A_512 : i32 to index
      %swap3A_514 = arith.constant 32 : index
      %swap3A_515 = tpu.vector_load %arg13[%swap3A_513, %swap3A_514] {strides = array<i32>} : memref<4x112xi32, #tpu.memory_space<vmem>>, vector<16xi32>,
      tpu.vector_store %arg13[%swap3A_513, %swap3A_514], %and3A_511 {strides = array<i32>} : memref<4x112xi32, #tpu.memory_space<vmem>>, vector<16xi32>,
      %get3A_516 = arith.constant 2 : i32
      %get3A_517 = arith.index_cast %get3A_516 : i32 to index
      %get3A_518 = arith.constant 48 : index
      %get3A_519 = tpu.vector_load %arg9[%get3A_517, %get3A_518] {strides = array<i32>} : memref<6x112xi32, #tpu.memory_space<vmem>>, vector<16xi32>,
      %shift_right_logical3A_520 = arith.constant 1 : i32
      %shift_right_logical3A_521 = vector.broadcast %shift_right_logical3A_520 : i32 to vector<16xi32>
      %shift_right_logical3A_522 = arith.shrui %get3A_519, %shift_right_logical3A_521 : vector<16xi32>
      %gather3A_523 = tpu.vector_load_idx %arg8[%shift_right_logical3A_522] : memref<5000xi32, #tpu.memory_space<vmem>>[vector<16xi32>], vector<16xi32>,
      %and3A_524 = arith.constant 1 : i32
      %and3A_525 = vector.broadcast %and3A_524 : i32 to vector<16xi32>
      %and3A_526 = arith.andi %get3A_519, %and3A_525 : vector<16xi32>
      %mul3A_527 = arith.constant 16 : i32
      %mul3A_528 = vector.broadcast %mul3A_527 : i32 to vector<16xi32>
      %mul3A_529 = arith.muli %and3A_526, %mul3A_528 : vector<16xi32>
      %shift_right_logical3A_530 = arith.shrui %gather3A_523, %mul3A_529 : vector<16xi32>
      %and3A_531 = arith.constant 65535 : i32
      %and3A_532 = vector.broadcast %and3A_531 : i32 to vector<16xi32>
      %and3A_533 = arith.andi %shift_right_logical3A_530, %and3A_532 : vector<16xi32>
      %swap3A_534 = arith.constant 2 : i32
      %swap3A_535 = arith.index_cast %swap3A_534 : i32 to index
      %swap3A_536 = arith.constant 48 : index
      %swap3A_537 = tpu.vector_load %arg13[%swap3A_535, %swap3A_536] {strides = array<i32>} : memref<4x112xi32, #tpu.memory_space<vmem>>, vector<16xi32>,
      tpu.vector_store %arg13[%swap3A_535, %swap3A_536], %and3A_533 {strides = array<i32>} : memref<4x112xi32, #tpu.memory_space<vmem>>, vector<16xi32>,
      %get3A_538 = arith.constant 2 : i32
      %get3A_539 = arith.index_cast %get3A_538 : i32 to index
      %get3A_540 = arith.constant 64 : index
      %get3A_541 = tpu.vector_load %arg9[%get3A_539, %get3A_540] {strides = array<i32>} : memref<6x112xi32, #tpu.memory_space<vmem>>, vector<16xi32>,
      %shift_right_logical3A_542 = arith.constant 1 : i32
      %shift_right_logical3A_543 = vector.broadcast %shift_right_logical3A_542 : i32 to vector<16xi32>
      %shift_right_logical3A_544 = arith.shrui %get3A_541, %shift_right_logical3A_543 : vector<16xi32>
      %gather3A_545 = tpu.vector_load_idx %arg8[%shift_right_logical3A_544] : memref<5000xi32, #tpu.memory_space<vmem>>[vector<16xi32>], vector<16xi32>,
      %and3A_546 = arith.constant 1 : i32
      %and3A_547 = vector.broadcast %and3A_546 : i32 to vector<16xi32>
      %and3A_548 = arith.andi %get3A_541, %and3A_547 : vector<16xi32>
      %mul3A_549 = arith.constant 16 : i32
      %mul3A_550 = vector.broadcast %mul3A_549 : i32 to vector<16xi32>
      %mul3A_551 = arith.muli %and3A_548, %mul3A_550 : vector<16xi32>
      %shift_right_logical3A_552 = arith.shrui %gather3A_545, %mul3A_551 : vector<16xi32>
      %and3A_553 = arith.constant 65535 : i32
      %and3A_554 = vector.broadcast %and3A_553 : i32 to vector<16xi32>
      %and3A_555 = arith.andi %shift_right_logical3A_552, %and3A_554 : vector<16xi32>
      %swap3A_556 = arith.constant 2 : i32
      %swap3A_557 = arith.index_cast %swap3A_556 : i32 to index
      %swap3A_558 = arith.constant 64 : index
      %swap3A_559 = tpu.vector_load %arg13[%swap3A_557, %swap3A_558] {strides = array<i32>} : memref<4x112xi32, #tpu.memory_space<vmem>>, vector<16xi32>,
      tpu.vector_store %arg13[%swap3A_557, %swap3A_558], %and3A_555 {strides = array<i32>} : memref<4x112xi32, #tpu.memory_space<vmem>>, vector<16xi32>,
      %get3A_560 = arith.constant 2 : i32
      %get3A_561 = arith.index_cast %get3A_560 : i32 to index
      %get3A_562 = arith.constant 80 : index
      %get3A_563 = tpu.vector_load %arg9[%get3A_561, %get3A_562] {strides = array<i32>} : memref<6x112xi32, #tpu.memory_space<vmem>>, vector<16xi32>,
      %shift_right_logical3A_564 = arith.constant 1 : i32
      %shift_right_logical3A_565 = vector.broadcast %shift_right_logical3A_564 : i32 to vector<16xi32>
      %shift_right_logical3A_566 = arith.shrui %get3A_563, %shift_right_logical3A_565 : vector<16xi32>
      %gather3A_567 = tpu.vector_load_idx %arg8[%shift_right_logical3A_566] : memref<5000xi32, #tpu.memory_space<vmem>>[vector<16xi32>], vector<16xi32>,
      %and3A_568 = arith.constant 1 : i32
      %and3A_569 = vector.broadcast %and3A_568 : i32 to vector<16xi32>
      %and3A_570 = arith.andi %get3A_563, %and3A_569 : vector<16xi32>
      %mul3A_571 = arith.constant 16 : i32
      %mul3A_572 = vector.broadcast %mul3A_571 : i32 to vector<16xi32>
      %mul3A_573 = arith.muli %and3A_570, %mul3A_572 : vector<16xi32>
      %shift_right_logical3A_574 = arith.shrui %gather3A_567, %mul3A_573 : vector<16xi32>
      %and3A_575 = arith.constant 65535 : i32
      %and3A_576 = vector.broadcast %and3A_575 : i32 to vector<16xi32>
      %and3A_577 = arith.andi %shift_right_logical3A_574, %and3A_576 : vector<16xi32>
      %swap3A_578 = arith.constant 2 : i32
      %swap3A_579 = arith.index_cast %swap3A_578 : i32 to index
      %swap3A_580 = arith.constant 80 : index
      %swap3A_581 = tpu.vector_load %arg13[%swap3A_579, %swap3A_580] {strides = array<i32>} : memref<4x112xi32, #tpu.memory_space<vmem>>, vector<16xi32>,
      tpu.vector_store %arg13[%swap3A_579, %swap3A_580], %and3A_577 {strides = array<i32>} : memref<4x112xi32, #tpu.memory_space<vmem>>, vector<16xi32>,
      %get3A_582 = arith.constant 2 : i32
      %get3A_583 = arith.index_cast %get3A_582 : i32 to index
      %get3A_584 = arith.constant 96 : index
      %get3A_585 = tpu.vector_load %arg9[%get3A_583, %get3A_584] {strides = array<i32>} : memref<6x112xi32, #tpu.memory_space<vmem>>, vector<16xi32>,
      %shift_right_logical3A_586 = arith.constant 1 : i32
      %shift_right_logical3A_587 = vector.broadcast %shift_right_logical3A_586 : i32 to vector<16xi32>
      %shift_right_logical3A_588 = arith.shrui %get3A_585, %shift_right_logical3A_587 : vector<16xi32>
      %gather3A_589 = tpu.vector_load_idx %arg8[%shift_right_logical3A_588] : memref<5000xi32, #tpu.memory_space<vmem>>[vector<16xi32>], vector<16xi32>,
      %and3A_590 = arith.constant 1 : i32
      %and3A_591 = vector.broadcast %and3A_590 : i32 to vector<16xi32>
      %and3A_592 = arith.andi %get3A_585, %and3A_591 : vector<16xi32>
      %mul3A_593 = arith.constant 16 : i32
      %mul3A_594 = vector.broadcast %mul3A_593 : i32 to vector<16xi32>
      %mul3A_595 = arith.muli %and3A_592, %mul3A_594 : vector<16xi32>
      %shift_right_logical3A_596 = arith.shrui %gather3A_589, %mul3A_595 : vector<16xi32>
      %and3A_597 = arith.constant 65535 : i32
      %and3A_598 = vector.broadcast %and3A_597 : i32 to vector<16xi32>
      %and3A_599 = arith.andi %shift_right_logical3A_596, %and3A_598 : vector<16xi32>
      %swap3A_600 = arith.constant 2 : i32
      %swap3A_601 = arith.index_cast %swap3A_600 : i32 to index
      %swap3A_602 = arith.constant 96 : index
      %swap3A_603 = tpu.vector_load %arg13[%swap3A_601, %swap3A_602] {strides = array<i32>} : memref<4x112xi32, #tpu.memory_space<vmem>>, vector<16xi32>,
      tpu.vector_store %arg13[%swap3A_601, %swap3A_602], %and3A_599 {strides = array<i32>} : memref<4x112xi32, #tpu.memory_space<vmem>>, vector<16xi32>,
      %get3A_604 = arith.constant 3 : i32
      %get3A_605 = arith.index_cast %get3A_604 : i32 to index
      %get3A_606 = arith.constant 0 : index
      %get3A_607 = tpu.vector_load %arg9[%get3A_605, %get3A_606] {strides = array<i32>} : memref<6x112xi32, #tpu.memory_space<vmem>>, vector<16xi32>,
      %shift_right_logical3A_608 = arith.constant 1 : i32
      %shift_right_logical3A_609 = vector.broadcast %shift_right_logical3A_608 : i32 to vector<16xi32>
      %shift_right_logical3A_610 = arith.shrui %get3A_607, %shift_right_logical3A_609 : vector<16xi32>
      %gather3A_611 = tpu.vector_load_idx %arg8[%shift_right_logical3A_610] : memref<5000xi32, #tpu.memory_space<vmem>>[vector<16xi32>], vector<16xi32>,
      %and3A_612 = arith.constant 1 : i32
      %and3A_613 = vector.broadcast %and3A_612 : i32 to vector<16xi32>
      %and3A_614 = arith.andi %get3A_607, %and3A_613 : vector<16xi32>
      %mul3A_615 = arith.constant 16 : i32
      %mul3A_616 = vector.broadcast %mul3A_615 : i32 to vector<16xi32>
      %mul3A_617 = arith.muli %and3A_614, %mul3A_616 : vector<16xi32>
      %shift_right_logical3A_618 = arith.shrui %gather3A_611, %mul3A_617 : vector<16xi32>
      %and3A_619 = arith.constant 65535 : i32
      %and3A_620 = vector.broadcast %and3A_619 : i32 to vector<16xi32>
      %and3A_621 = arith.andi %shift_right_logical3A_618, %and3A_620 : vector<16xi32>
      %swap3A_622 = arith.constant 3 : i32
      %swap3A_623 = arith.index_cast %swap3A_622 : i32 to index
      %swap3A_624 = arith.constant 0 : index
      %swap3A_625 = tpu.vector_load %arg13[%swap3A_623, %swap3A_624] {strides = array<i32>} : memref<4x112xi32, #tpu.memory_space<vmem>>, vector<16xi32>,
      tpu.vector_store %arg13[%swap3A_623, %swap3A_624], %and3A_621 {strides = array<i32>} : memref<4x112xi32, #tpu.memory_space<vmem>>, vector<16xi32>,
      %get3A_626 = arith.constant 3 : i32
      %get3A_627 = arith.index_cast %get3A_626 : i32 to index
      %get3A_628 = arith.constant 16 : index
      %get3A_629 = tpu.vector_load %arg9[%get3A_627, %get3A_628] {strides = array<i32>} : memref<6x112xi32, #tpu.memory_space<vmem>>, vector<16xi32>,
      %shift_right_logical3A_630 = arith.constant 1 : i32
      %shift_right_logical3A_631 = vector.broadcast %shift_right_logical3A_630 : i32 to vector<16xi32>
      %shift_right_logical3A_632 = arith.shrui %get3A_629, %shift_right_logical3A_631 : vector<16xi32>
      %gather3A_633 = tpu.vector_load_idx %arg8[%shift_right_logical3A_632] : memref<5000xi32, #tpu.memory_space<vmem>>[vector<16xi32>], vector<16xi32>,
      %and3A_634 = arith.constant 1 : i32
      %and3A_635 = vector.broadcast %and3A_634 : i32 to vector<16xi32>
      %and3A_636 = arith.andi %get3A_629, %and3A_635 : vector<16xi32>
      %mul3A_637 = arith.constant 16 : i32
      %mul3A_638 = vector.broadcast %mul3A_637 : i32 to vector<16xi32>
      %mul3A_639 = arith.muli %and3A_636, %mul3A_638 : vector<16xi32>
      %shift_right_logical3A_640 = arith.shrui %gather3A_633, %mul3A_639 : vector<16xi32>
      %and3A_641 = arith.constant 65535 : i32
      %and3A_642 = vector.broadcast %and3A_641 : i32 to vector<16xi32>
      %and3A_643 = arith.andi %shift_right_logical3A_640, %and3A_642 : vector<16xi32>
      %swap3A_644 = arith.constant 3 : i32
      %swap3A_645 = arith.index_cast %swap3A_644 : i32 to index
      %swap3A_646 = arith.constant 16 : index
      %swap3A_647 = tpu.vector_load %arg13[%swap3A_645, %swap3A_646] {strides = array<i32>} : memref<4x112xi32, #tpu.memory_space<vmem>>, vector<16xi32>,
      tpu.vector_store %arg13[%swap3A_645, %swap3A_646], %and3A_643 {strides = array<i32>} : memref<4x112xi32, #tpu.memory_space<vmem>>, vector<16xi32>,
      %get3A_648 = arith.constant 3 : i32
      %get3A_649 = arith.index_cast %get3A_648 : i32 to index
      %get3A_650 = arith.constant 32 : index
      %get3A_651 = tpu.vector_load %arg9[%get3A_649, %get3A_650] {strides = array<i32>} : memref<6x112xi32, #tpu.memory_space<vmem>>, vector<16xi32>,
      %shift_right_logical3A_652 = arith.constant 1 : i32
      %shift_right_logical3A_653 = vector.broadcast %shift_right_logical3A_652 : i32 to vector<16xi32>
      %shift_right_logical3A_654 = arith.shrui %get3A_651, %shift_right_logical3A_653 : vector<16xi32>
      %gather3A_655 = tpu.vector_load_idx %arg8[%shift_right_logical3A_654] : memref<5000xi32, #tpu.memory_space<vmem>>[vector<16xi32>], vector<16xi32>,
      %and3A_656 = arith.constant 1 : i32
      %and3A_657 = vector.broadcast %and3A_656 : i32 to vector<16xi32>
      %and3A_658 = arith.andi %get3A_651, %and3A_657 : vector<16xi32>
      %mul3A_659 = arith.constant 16 : i32
      %mul3A_660 = vector.broadcast %mul3A_659 : i32 to vector<16xi32>
      %mul3A_661 = arith.muli %and3A_658, %mul3A_660 : vector<16xi32>
      %shift_right_logical3A_662 = arith.shrui %gather3A_655, %mul3A_661 : vector<16xi32>
      %and3A_663 = arith.constant 65535 : i32
      %and3A_664 = vector.broadcast %and3A_663 : i32 to vector<16xi32>
      %and3A_665 = arith.andi %shift_right_logical3A_662, %and3A_664 : vector<16xi32>
      %swap3A_666 = arith.constant 3 : i32
      %swap3A_667 = arith.index_cast %swap3A_666 : i32 to index
      %swap3A_668 = arith.constant 32 : index
      %swap3A_669 = tpu.vector_load %arg13[%swap3A_667, %swap3A_668] {strides = array<i32>} : memref<4x112xi32, #tpu.memory_space<vmem>>, vector<16xi32>,
      tpu.vector_store %arg13[%swap3A_667, %swap3A_668], %and3A_665 {strides = array<i32>} : memref<4x112xi32, #tpu.memory_space<vmem>>, vector<16xi32>,
      %get3A_670 = arith.constant 3 : i32
      %get3A_671 = arith.index_cast %get3A_670 : i32 to index
      %get3A_672 = arith.constant 48 : index
      %get3A_673 = tpu.vector_load %arg9[%get3A_671, %get3A_672] {strides = array<i32>} : memref<6x112xi32, #tpu.memory_space<vmem>>, vector<16xi32>,
      %shift_right_logical3A_674 = arith.constant 1 : i32
      %shift_right_logical3A_675 = vector.broadcast %shift_right_logical3A_674 : i32 to vector<16xi32>
      %shift_right_logical3A_676 = arith.shrui %get3A_673, %shift_right_logical3A_675 : vector<16xi32>
      %gather3A_677 = tpu.vector_load_idx %arg8[%shift_right_logical3A_676] : memref<5000xi32, #tpu.memory_space<vmem>>[vector<16xi32>], vector<16xi32>,
      %and3A_678 = arith.constant 1 : i32
      %and3A_679 = vector.broadcast %and3A_678 : i32 to vector<16xi32>
      %and3A_680 = arith.andi %get3A_673, %and3A_679 : vector<16xi32>
      %mul3A_681 = arith.constant 16 : i32
      %mul3A_682 = vector.broadcast %mul3A_681 : i32 to vector<16xi32>
      %mul3A_683 = arith.muli %and3A_680, %mul3A_682 : vector<16xi32>
      %shift_right_logical3A_684 = arith.shrui %gather3A_677, %mul3A_683 : vector<16xi32>
      %and3A_685 = arith.constant 65535 : i32
      %and3A_686 = vector.broadcast %and3A_685 : i32 to vector<16xi32>
      %and3A_687 = arith.andi %shift_right_logical3A_684, %and3A_686 : vector<16xi32>
      %swap3A_688 = arith.constant 3 : i32
      %swap3A_689 = arith.index_cast %swap3A_688 : i32 to index
      %swap3A_690 = arith.constant 48 : index
      %swap3A_691 = tpu.vector_load %arg13[%swap3A_689, %swap3A_690] {strides = array<i32>} : memref<4x112xi32, #tpu.memory_space<vmem>>, vector<16xi32>,
      tpu.vector_store %arg13[%swap3A_689, %swap3A_690], %and3A_687 {strides = array<i32>} : memref<4x112xi32, #tpu.memory_space<vmem>>, vector<16xi32>,
      %get3A_692 = arith.constant 3 : i32
      %get3A_693 = arith.index_cast %get3A_692 : i32 to index
      %get3A_694 = arith.constant 64 : index
      %get3A_695 = tpu.vector_load %arg9[%get3A_693, %get3A_694] {strides = array<i32>} : memref<6x112xi32, #tpu.memory_space<vmem>>, vector<16xi32>,
      %shift_right_logical3A_696 = arith.constant 1 : i32
      %shift_right_logical3A_697 = vector.broadcast %shift_right_logical3A_696 : i32 to vector<16xi32>
      %shift_right_logical3A_698 = arith.shrui %get3A_695, %shift_right_logical3A_697 : vector<16xi32>
      %gather3A_699 = tpu.vector_load_idx %arg8[%shift_right_logical3A_698] : memref<5000xi32, #tpu.memory_space<vmem>>[vector<16xi32>], vector<16xi32>,
      %and3A_700 = arith.constant 1 : i32
      %and3A_701 = vector.broadcast %and3A_700 : i32 to vector<16xi32>
      %and3A_702 = arith.andi %get3A_695, %and3A_701 : vector<16xi32>
      %mul3A_703 = arith.constant 16 : i32
      %mul3A_704 = vector.broadcast %mul3A_703 : i32 to vector<16xi32>
      %mul3A_705 = arith.muli %and3A_702, %mul3A_704 : vector<16xi32>
      %shift_right_logical3A_706 = arith.shrui %gather3A_699, %mul3A_705 : vector<16xi32>
      %and3A_707 = arith.constant 65535 : i32
      %and3A_708 = vector.broadcast %and3A_707 : i32 to vector<16xi32>
      %and3A_709 = arith.andi %shift_right_logical3A_706, %and3A_708 : vector<16xi32>
      %swap3A_710 = arith.constant 3 : i32
      %swap3A_711 = arith.index_cast %swap3A_710 : i32 to index
      %swap3A_712 = arith.constant 64 : index
      %swap3A_713 = tpu.vector_load %arg13[%swap3A_711, %swap3A_712] {strides = array<i32>} : memref<4x112xi32, #tpu.memory_space<vmem>>, vector<16xi32>,
      tpu.vector_store %arg13[%swap3A_711, %swap3A_712], %and3A_709 {strides = array<i32>} : memref<4x112xi32, #tpu.memory_space<vmem>>, vector<16xi32>,
      %get3A_714 = arith.constant 3 : i32
      %get3A_715 = arith.index_cast %get3A_714 : i32 to index
      %get3A_716 = arith.constant 80 : index
      %get3A_717 = tpu.vector_load %arg9[%get3A_715, %get3A_716] {strides = array<i32>} : memref<6x112xi32, #tpu.memory_space<vmem>>, vector<16xi32>,
      %shift_right_logical3A_718 = arith.constant 1 : i32
      %shift_right_logical3A_719 = vector.broadcast %shift_right_logical3A_718 : i32 to vector<16xi32>
      %shift_right_logical3A_720 = arith.shrui %get3A_717, %shift_right_logical3A_719 : vector<16xi32>
      %gather3A_721 = tpu.vector_load_idx %arg8[%shift_right_logical3A_720] : memref<5000xi32, #tpu.memory_space<vmem>>[vector<16xi32>], vector<16xi32>,
      %and3A_722 = arith.constant 1 : i32
      %and3A_723 = vector.broadcast %and3A_722 : i32 to vector<16xi32>
      %and3A_724 = arith.andi %get3A_717, %and3A_723 : vector<16xi32>
      %mul3A_725 = arith.constant 16 : i32
      %mul3A_726 = vector.broadcast %mul3A_725 : i32 to vector<16xi32>
      %mul3A_727 = arith.muli %and3A_724, %mul3A_726 : vector<16xi32>
      %shift_right_logical3A_728 = arith.shrui %gather3A_721, %mul3A_727 : vector<16xi32>
      %and3A_729 = arith.constant 65535 : i32
      %and3A_730 = vector.broadcast %and3A_729 : i32 to vector<16xi32>
      %and3A_731 = arith.andi %shift_right_logical3A_728, %and3A_730 : vector<16xi32>
      %swap3A_732 = arith.constant 3 : i32
      %swap3A_733 = arith.index_cast %swap3A_732 : i32 to index
      %swap3A_734 = arith.constant 80 : index
      %swap3A_735 = tpu.vector_load %arg13[%swap3A_733, %swap3A_734] {strides = array<i32>} : memref<4x112xi32, #tpu.memory_space<vmem>>, vector<16xi32>,
      tpu.vector_store %arg13[%swap3A_733, %swap3A_734], %and3A_731 {strides = array<i32>} : memref<4x112xi32, #tpu.memory_space<vmem>>, vector<16xi32>,
      %get3A_736 = arith.constant 3 : i32
      %get3A_737 = arith.index_cast %get3A_736 : i32 to index
      %get3A_738 = arith.constant 96 : index
      %get3A_739 = tpu.vector_load %arg9[%get3A_737, %get3A_738] {strides = array<i32>} : memref<6x112xi32, #tpu.memory_space<vmem>>, vector<16xi32>,
      %shift_right_logical3A_740 = arith.constant 1 : i32
      %shift_right_logical3A_741 = vector.broadcast %shift_right_logical3A_740 : i32 to vector<16xi32>
      %shift_right_logical3A_742 = arith.shrui %get3A_739, %shift_right_logical3A_741 : vector<16xi32>
      %gather3A_743 = tpu.vector_load_idx %arg8[%shift_right_logical3A_742] : memref<5000xi32, #tpu.memory_space<vmem>>[vector<16xi32>], vector<16xi32>,
      %and3A_744 = arith.constant 1 : i32
      %and3A_745 = vector.broadcast %and3A_744 : i32 to vector<16xi32>
      %and3A_746 = arith.andi %get3A_739, %and3A_745 : vector<16xi32>
      %mul3A_747 = arith.constant 16 : i32
      %mul3A_748 = vector.broadcast %mul3A_747 : i32 to vector<16xi32>
      %mul3A_749 = arith.muli %and3A_746, %mul3A_748 : vector<16xi32>
      %shift_right_logical3A_750 = arith.shrui %gather3A_743, %mul3A_749 : vector<16xi32>
      %and3A_751 = arith.constant 65535 : i32
      %and3A_752 = vector.broadcast %and3A_751 : i32 to vector<16xi32>
      %and3A_753 = arith.andi %shift_right_logical3A_750, %and3A_752 : vector<16xi32>
      %swap3A_754 = arith.constant 3 : i32
      %swap3A_755 = arith.index_cast %swap3A_754 : i32 to index
      %swap3A_756 = arith.constant 96 : index
      %swap3A_757 = tpu.vector_load %arg13[%swap3A_755, %swap3A_756] {strides = array<i32>} : memref<4x112xi32, #tpu.memory_space<vmem>>, vector<16xi32>,
      tpu.vector_store %arg13[%swap3A_755, %swap3A_756], %and3A_753 {strides = array<i32>} : memref<4x112xi32, #tpu.memory_space<vmem>>, vector<16xi32>,
      %dma_wait3A_758 = arith.constant 0 : i32
      %dma_wait3A_759 = arith.constant 0 : i32
      %dma_wait3A_760 = arith.constant 0 : i32
      %dma_wait3A_761 = arith.constant 0 : i32
      %dma_wait3A_762 = tpu.memref_slice %arg14[%dma_wait3A_759, %dma_wait3A_760, %dma_wait3A_761] : memref<2x112x128xf32, #tpu.memory_space<vmem>> -> memref<1x112x128xf32, #tpu.memory_space<vmem>>
      %dma_wait3A_763 = tpu.memref_squeeze %dma_wait3A_762 : memref<1x112x128xf32, #tpu.memory_space<vmem>> -> memref<112x128xf32, #tpu.memory_space<vmem>>
      %dma_wait3A_764 = arith.constant 0 : i32
      %dma_wait3A_765 = tpu.memref_slice %arg13[%dma_wait3A_758, %dma_wait3A_764] : memref<4x112xi32, #tpu.memory_space<vmem>> -> memref<1x112xi32, #tpu.memory_space<vmem>>
      %dma_wait3A_766 = tpu.memref_squeeze %dma_wait3A_765 : memref<1x112xi32, #tpu.memory_space<vmem>> -> memref<112xi32, #tpu.memory_space<vmem>>
      %dma_wait3A_767 = arith.constant 0 : i32
      %dma_wait3A_768 = arith.constant 0 : i32
      %dma_wait3A_769 = tpu.memref_slice %arg2[%dma_wait3A_767, %dma_wait3A_768] : memref<10000x128xf32, #tpu.memory_space<hbm>> -> memref<10000x128xf32, #tpu.memory_space<hbm>>
      tpu.wait_indirect_dma semaphore(%arg19 : memref<!tpu.dma_semaphore, #tpu.memory_space<semaphore_mem>>) src(%dma_wait3A_769 : memref<10000x128xf32, #tpu.memory_space<hbm>>) dst(%dma_wait3A_763 : memref<112x128xf32, #tpu.memory_space<vmem>>)
      %dma_wait3A_770 = arith.constant 0 : i32
      %dma_wait3A_771 = arith.constant 0 : i32
      %dma_wait3A_772 = arith.constant 0 : i32
      %dma_wait3A_773 = arith.constant 0 : i32
      %dma_wait3A_774 = tpu.memref_slice %arg14[%dma_wait3A_771, %dma_wait3A_772, %dma_wait3A_773] : memref<2x112x128xf32, #tpu.memory_space<vmem>> -> memref<1x112x128xf32, #tpu.memory_space<vmem>>
      %dma_wait3A_775 = tpu.memref_squeeze %dma_wait3A_774 : memref<1x112x128xf32, #tpu.memory_space<vmem>> -> memref<112x128xf32, #tpu.memory_space<vmem>>
      %dma_wait3A_776 = arith.constant 0 : i32
      %dma_wait3A_777 = tpu.memref_slice %arg13[%dma_wait3A_770, %dma_wait3A_776] : memref<4x112xi32, #tpu.memory_space<vmem>> -> memref<1x112xi32, #tpu.memory_space<vmem>>
      %dma_wait3A_778 = tpu.memref_squeeze %dma_wait3A_777 : memref<1x112xi32, #tpu.memory_space<vmem>> -> memref<112xi32, #tpu.memory_space<vmem>>
      %dma_wait3A_779 = arith.constant 0 : i32
      %dma_wait3A_780 = arith.constant 0 : i32
      %dma_wait3A_781 = tpu.memref_slice %arg2[%dma_wait3A_779, %dma_wait3A_780] : memref<10000x128xf32, #tpu.memory_space<hbm>> -> memref<10000x128xf32, #tpu.memory_space<hbm>>
      tpu.wait_indirect_dma semaphore(%arg19 : memref<!tpu.dma_semaphore, #tpu.memory_space<semaphore_mem>>) src(%dma_wait3A_781 : memref<10000x128xf32, #tpu.memory_space<hbm>>) dst(%dma_wait3A_775 : memref<112x128xf32, #tpu.memory_space<vmem>>)
      %dma_start3A_782 = arith.constant 0 : i32
      %dma_start3A_783 = arith.constant 0 : i32
      %dma_start3A_784 = arith.constant 0 : i32
      %dma_start3A_785 = arith.constant 0 : i32
      %dma_start3A_786 = tpu.memref_slice %arg14[%dma_start3A_782, %dma_start3A_784, %dma_start3A_785] : memref<2x112x128xf32, #tpu.memory_space<vmem>> -> memref<1x112x128xf32, #tpu.memory_space<vmem>>
      %dma_start3A_787 = tpu.memref_squeeze %dma_start3A_786 : memref<1x112x128xf32, #tpu.memory_space<vmem>> -> memref<112x128xf32, #tpu.memory_space<vmem>>
      %dma_start3A_788 = arith.constant 0 : i32
      %dma_start3A_789 = tpu.memref_slice %arg11[%dma_start3A_783, %dma_start3A_788] : memref<6x112xi32, #tpu.memory_space<vmem>> -> memref<1x112xi32, #tpu.memory_space<vmem>>
      %dma_start3A_790 = tpu.memref_squeeze %dma_start3A_789 : memref<1x112xi32, #tpu.memory_space<vmem>> -> memref<112xi32, #tpu.memory_space<vmem>>
      %dma_start3A_791 = arith.constant 0 : i32
      %dma_start3A_792 = arith.constant 0 : i32
      %dma_start3A_793 = tpu.memref_slice %arg16[%dma_start3A_791, %dma_start3A_792] : memref<10112x128xf32, #tpu.memory_space<vmem_shared>> -> memref<10112x128xf32, #tpu.memory_space<vmem_shared>>
      tpu.enqueue_indirect_dma source(%dma_start3A_787 : memref<112x128xf32, #tpu.memory_space<vmem>>) target(%dma_start3A_793 : memref<10112x128xf32, #tpu.memory_space<vmem_shared>>) offsets(%dma_start3A_790 : memref<112xi32, #tpu.memory_space<vmem>>) semaphore(%arg20 : memref<!tpu.dma_semaphore, #tpu.memory_space<semaphore_mem>>) {add = true}
      %dma_start3A_794 = arith.constant 0 : i32
      %dma_start3A_795 = arith.constant 0 : i32
      %dma_start3A_796 = tpu.memref_slice %arg11[%dma_start3A_794, %dma_start3A_795] : memref<6x112xi32, #tpu.memory_space<vmem>> -> memref<1x112xi32, #tpu.memory_space<vmem>>
      %dma_start3A_797 = tpu.memref_squeeze %dma_start3A_796 : memref<1x112xi32, #tpu.memory_space<vmem>> -> memref<112xi32, #tpu.memory_space<vmem>>
      %dma_start3A_798 = arith.constant 0 : i32
      %dma_start3A_799 = arith.constant 0 : i32
      %dma_start3A_800 = tpu.memref_slice %arg17[%dma_start3A_798, %dma_start3A_799] : memref<10112x16xf32, #tpu.memory_space<vmem_shared>> -> memref<10112x16xf32, #tpu.memory_space<vmem_shared>>
      tpu.enqueue_indirect_dma source(%arg15 : memref<112x16xf32, #tpu.memory_space<vmem>>) target(%dma_start3A_800 : memref<10112x16xf32, #tpu.memory_space<vmem_shared>>) offsets(%dma_start3A_797 : memref<112xi32, #tpu.memory_space<vmem>>) semaphore(%arg21 : memref<!tpu.dma_semaphore, #tpu.memory_space<semaphore_mem>>) {add = true}
      %dma_start3A_801 = arith.constant 1 : i32
      %dma_start3A_802 = arith.constant 1 : i32
      %dma_start3A_803 = arith.constant 0 : i32
      %dma_start3A_804 = arith.constant 0 : i32
      %dma_start3A_805 = tpu.memref_slice %arg14[%dma_start3A_801, %dma_start3A_803, %dma_start3A_804] : memref<2x112x128xf32, #tpu.memory_space<vmem>> -> memref<1x112x128xf32, #tpu.memory_space<vmem>>
      %dma_start3A_806 = tpu.memref_squeeze %dma_start3A_805 : memref<1x112x128xf32, #tpu.memory_space<vmem>> -> memref<112x128xf32, #tpu.memory_space<vmem>>
      %dma_start3A_807 = arith.constant 0 : i32
      %dma_start3A_808 = tpu.memref_slice %arg11[%dma_start3A_802, %dma_start3A_807] : memref<6x112xi32, #tpu.memory_space<vmem>> -> memref<1x112xi32, #tpu.memory_space<vmem>>
      %dma_start3A_809 = tpu.memref_squeeze %dma_start3A_808 : memref<1x112xi32, #tpu.memory_space<vmem>> -> memref<112xi32, #tpu.memory_space<vmem>>
      %dma_start3A_810 = arith.constant 0 : i32
      %dma_start3A_811 = arith.constant 0 : i32
      %dma_start3A_812 = tpu.memref_slice %arg16[%dma_start3A_810, %dma_start3A_811] : memref<10112x128xf32, #tpu.memory_space<vmem_shared>> -> memref<10112x128xf32, #tpu.memory_space<vmem_shared>>
      tpu.enqueue_indirect_dma source(%dma_start3A_806 : memref<112x128xf32, #tpu.memory_space<vmem>>) target(%dma_start3A_812 : memref<10112x128xf32, #tpu.memory_space<vmem_shared>>) offsets(%dma_start3A_809 : memref<112xi32, #tpu.memory_space<vmem>>) semaphore(%arg20 : memref<!tpu.dma_semaphore, #tpu.memory_space<semaphore_mem>>) {add = true}
      %dma_start3A_813 = arith.constant 1 : i32
      %dma_start3A_814 = arith.constant 0 : i32
      %dma_start3A_815 = tpu.memref_slice %arg11[%dma_start3A_813, %dma_start3A_814] : memref<6x112xi32, #tpu.memory_space<vmem>> -> memref<1x112xi32, #tpu.memory_space<vmem>>
      %dma_start3A_816 = tpu.memref_squeeze %dma_start3A_815 : memref<1x112xi32, #tpu.memory_space<vmem>> -> memref<112xi32, #tpu.memory_space<vmem>>
      %dma_start3A_817 = arith.constant 0 : i32
      %dma_start3A_818 = arith.constant 0 : i32
      %dma_start3A_819 = tpu.memref_slice %arg17[%dma_start3A_817, %dma_start3A_818] : memref<10112x16xf32, #tpu.memory_space<vmem_shared>> -> memref<10112x16xf32, #tpu.memory_space<vmem_shared>>
      tpu.enqueue_indirect_dma source(%arg15 : memref<112x16xf32, #tpu.memory_space<vmem>>) target(%dma_start3A_819 : memref<10112x16xf32, #tpu.memory_space<vmem_shared>>) offsets(%dma_start3A_816 : memref<112xi32, #tpu.memory_space<vmem>>) semaphore(%arg21 : memref<!tpu.dma_semaphore, #tpu.memory_space<semaphore_mem>>) {add = true}
      %dma_wait3A_820 = arith.constant 0 : i32
      %dma_wait3A_821 = arith.constant 0 : i32
      %dma_wait3A_822 = arith.constant 0 : i32
      %dma_wait3A_823 = arith.constant 0 : i32
      %dma_wait3A_824 = tpu.memref_slice %arg14[%dma_wait3A_820, %dma_wait3A_822, %dma_wait3A_823] : memref<2x112x128xf32, #tpu.memory_space<vmem>> -> memref<1x112x128xf32, #tpu.memory_space<vmem>>
      %dma_wait3A_825 = tpu.memref_squeeze %dma_wait3A_824 : memref<1x112x128xf32, #tpu.memory_space<vmem>> -> memref<112x128xf32, #tpu.memory_space<vmem>>
      %dma_wait3A_826 = arith.constant 0 : i32
      %dma_wait3A_827 = tpu.memref_slice %arg11[%dma_wait3A_821, %dma_wait3A_826] : memref<6x112xi32, #tpu.memory_space<vmem>> -> memref<1x112xi32, #tpu.memory_space<vmem>>
      %dma_wait3A_828 = tpu.memref_squeeze %dma_wait3A_827 : memref<1x112xi32, #tpu.memory_space<vmem>> -> memref<112xi32, #tpu.memory_space<vmem>>
      %dma_wait3A_829 = arith.constant 0 : i32
      %dma_wait3A_830 = arith.constant 0 : i32
      %dma_wait3A_831 = tpu.memref_slice %arg16[%dma_wait3A_829, %dma_wait3A_830] : memref<10112x128xf32, #tpu.memory_space<vmem_shared>> -> memref<10112x128xf32, #tpu.memory_space<vmem_shared>>
      tpu.wait_indirect_dma semaphore(%arg20 : memref<!tpu.dma_semaphore, #tpu.memory_space<semaphore_mem>>) src(%dma_wait3A_825 : memref<112x128xf32, #tpu.memory_space<vmem>>) dst(%dma_wait3A_831 : memref<10112x128xf32, #tpu.memory_space<vmem_shared>>)
      %dma_wait3A_832 = arith.constant 0 : i32
      %dma_wait3A_833 = arith.constant 0 : i32
      %dma_wait3A_834 = tpu.memref_slice %arg11[%dma_wait3A_832, %dma_wait3A_833] : memref<6x112xi32, #tpu.memory_space<vmem>> -> memref<1x112xi32, #tpu.memory_space<vmem>>
      %dma_wait3A_835 = tpu.memref_squeeze %dma_wait3A_834 : memref<1x112xi32, #tpu.memory_space<vmem>> -> memref<112xi32, #tpu.memory_space<vmem>>
      %dma_wait3A_836 = arith.constant 0 : i32
      %dma_wait3A_837 = arith.constant 0 : i32
      %dma_wait3A_838 = tpu.memref_slice %arg17[%dma_wait3A_836, %dma_wait3A_837] : memref<10112x16xf32, #tpu.memory_space<vmem_shared>> -> memref<10112x16xf32, #tpu.memory_space<vmem_shared>>
      tpu.wait_indirect_dma semaphore(%arg21 : memref<!tpu.dma_semaphore, #tpu.memory_space<semaphore_mem>>) src(%arg15 : memref<112x16xf32, #tpu.memory_space<vmem>>) dst(%dma_wait3A_838 : memref<10112x16xf32, #tpu.memory_space<vmem_shared>>)
      %dma_wait3A_839 = arith.constant 0 : i32
      %dma_wait3A_840 = arith.constant 0 : i32
      %dma_wait3A_841 = arith.constant 0 : i32
      %dma_wait3A_842 = arith.constant 0 : i32
      %dma_wait3A_843 = tpu.memref_slice %arg14[%dma_wait3A_839, %dma_wait3A_841, %dma_wait3A_842] : memref<2x112x128xf32, #tpu.memory_space<vmem>> -> memref<1x112x128xf32, #tpu.memory_space<vmem>>
      %dma_wait3A_844 = tpu.memref_squeeze %dma_wait3A_843 : memref<1x112x128xf32, #tpu.memory_space<vmem>> -> memref<112x128xf32, #tpu.memory_space<vmem>>
      %dma_wait3A_845 = arith.constant 0 : i32
      %dma_wait3A_846 = tpu.memref_slice %arg11[%dma_wait3A_840, %dma_wait3A_845] : memref<6x112xi32, #tpu.memory_space<vmem>> -> memref<1x112xi32, #tpu.memory_space<vmem>>
      %dma_wait3A_847 = tpu.memref_squeeze %dma_wait3A_846 : memref<1x112xi32, #tpu.memory_space<vmem>> -> memref<112xi32, #tpu.memory_space<vmem>>
      %dma_wait3A_848 = arith.constant 0 : i32
      %dma_wait3A_849 = arith.constant 0 : i32
      %dma_wait3A_850 = tpu.memref_slice %arg16[%dma_wait3A_848, %dma_wait3A_849] : memref<10112x128xf32, #tpu.memory_space<vmem_shared>> -> memref<10112x128xf32, #tpu.memory_space<vmem_shared>>
      tpu.wait_indirect_dma semaphore(%arg20 : memref<!tpu.dma_semaphore, #tpu.memory_space<semaphore_mem>>) src(%dma_wait3A_844 : memref<112x128xf32, #tpu.memory_space<vmem>>) dst(%dma_wait3A_850 : memref<10112x128xf32, #tpu.memory_space<vmem_shared>>)
      %dma_wait3A_851 = arith.constant 0 : i32
      %dma_wait3A_852 = arith.constant 0 : i32
      %dma_wait3A_853 = tpu.memref_slice %arg11[%dma_wait3A_851, %dma_wait3A_852] : memref<6x112xi32, #tpu.memory_space<vmem>> -> memref<1x112xi32, #tpu.memory_space<vmem>>
      %dma_wait3A_854 = tpu.memref_squeeze %dma_wait3A_853 : memref<1x112xi32, #tpu.memory_space<vmem>> -> memref<112xi32, #tpu.memory_space<vmem>>
      %dma_wait3A_855 = arith.constant 0 : i32
      %dma_wait3A_856 = arith.constant 0 : i32
      %dma_wait3A_857 = tpu.memref_slice %arg17[%dma_wait3A_855, %dma_wait3A_856] : memref<10112x16xf32, #tpu.memory_space<vmem_shared>> -> memref<10112x16xf32, #tpu.memory_space<vmem_shared>>
      tpu.wait_indirect_dma semaphore(%arg21 : memref<!tpu.dma_semaphore, #tpu.memory_space<semaphore_mem>>) src(%arg15 : memref<112x16xf32, #tpu.memory_space<vmem>>) dst(%dma_wait3A_857 : memref<10112x16xf32, #tpu.memory_space<vmem_shared>>)
      %dma_start3A_858 = arith.constant 2 : i32
      %dma_start3A_859 = arith.constant 0 : i32
      %dma_start3A_860 = arith.constant 0 : i32
      %dma_start3A_861 = arith.constant 0 : i32
      %dma_start3A_862 = tpu.memref_slice %arg14[%dma_start3A_859, %dma_start3A_860, %dma_start3A_861] : memref<2x112x128xf32, #tpu.memory_space<vmem>> -> memref<1x112x128xf32, #tpu.memory_space<vmem>>
      %dma_start3A_863 = tpu.memref_squeeze %dma_start3A_862 : memref<1x112x128xf32, #tpu.memory_space<vmem>> -> memref<112x128xf32, #tpu.memory_space<vmem>>
      %dma_start3A_864 = arith.constant 0 : i32
      %dma_start3A_865 = tpu.memref_slice %arg13[%dma_start3A_858, %dma_start3A_864] : memref<4x112xi32, #tpu.memory_space<vmem>> -> memref<1x112xi32, #tpu.memory_space<vmem>>
      %dma_start3A_866 = tpu.memref_squeeze %dma_start3A_865 : memref<1x112xi32, #tpu.memory_space<vmem>> -> memref<112xi32, #tpu.memory_space<vmem>>
      %dma_start3A_867 = arith.constant 0 : i32
      %dma_start3A_868 = arith.constant 0 : i32
      %dma_start3A_869 = tpu.memref_slice %arg2[%dma_start3A_867, %dma_start3A_868] : memref<10000x128xf32, #tpu.memory_space<hbm>> -> memref<10000x128xf32, #tpu.memory_space<hbm>>
      tpu.enqueue_indirect_dma source(%dma_start3A_869 : memref<10000x128xf32, #tpu.memory_space<hbm>>) target(%dma_start3A_863 : memref<112x128xf32, #tpu.memory_space<vmem>>) offsets(%dma_start3A_866 : memref<112xi32, #tpu.memory_space<vmem>>) semaphore(%arg19 : memref<!tpu.dma_semaphore, #tpu.memory_space<semaphore_mem>>)
      %dma_start3A_870 = arith.constant 3 : i32
      %dma_start3A_871 = arith.constant 1 : i32
      %dma_start3A_872 = arith.constant 0 : i32
      %dma_start3A_873 = arith.constant 0 : i32
      %dma_start3A_874 = tpu.memref_slice %arg14[%dma_start3A_871, %dma_start3A_872, %dma_start3A_873] : memref<2x112x128xf32, #tpu.memory_space<vmem>> -> memref<1x112x128xf32, #tpu.memory_space<vmem>>
      %dma_start3A_875 = tpu.memref_squeeze %dma_start3A_874 : memref<1x112x128xf32, #tpu.memory_space<vmem>> -> memref<112x128xf32, #tpu.memory_space<vmem>>
      %dma_start3A_876 = arith.constant 0 : i32
      %dma_start3A_877 = tpu.memref_slice %arg13[%dma_start3A_870, %dma_start3A_876] : memref<4x112xi32, #tpu.memory_space<vmem>> -> memref<1x112xi32, #tpu.memory_space<vmem>>
      %dma_start3A_878 = tpu.memref_squeeze %dma_start3A_877 : memref<1x112xi32, #tpu.memory_space<vmem>> -> memref<112xi32, #tpu.memory_space<vmem>>
      %dma_start3A_879 = arith.constant 0 : i32
      %dma_start3A_880 = arith.constant 0 : i32
      %dma_start3A_881 = tpu.memref_slice %arg2[%dma_start3A_879, %dma_start3A_880] : memref<10000x128xf32, #tpu.memory_space<hbm>> -> memref<10000x128xf32, #tpu.memory_space<hbm>>
      tpu.enqueue_indirect_dma source(%dma_start3A_881 : memref<10000x128xf32, #tpu.memory_space<hbm>>) target(%dma_start3A_875 : memref<112x128xf32, #tpu.memory_space<vmem>>) offsets(%dma_start3A_878 : memref<112xi32, #tpu.memory_space<vmem>>) semaphore(%arg19 : memref<!tpu.dma_semaphore, #tpu.memory_space<semaphore_mem>>)
      %get3A_882 = arith.constant 4 : i32
      %get3A_883 = arith.index_cast %get3A_882 : i32 to index
      %get3A_884 = arith.constant 0 : index
      %get3A_885 = tpu.vector_load %arg9[%get3A_883, %get3A_884] {strides = array<i32>} : memref<6x112xi32, #tpu.memory_space<vmem>>, vector<16xi32>,
      %shift_right_logical3A_886 = arith.constant 1 : i32
      %shift_right_logical3A_887 = vector.broadcast %shift_right_logical3A_886 : i32 to vector<16xi32>
      %shift_right_logical3A_888 = arith.shrui %get3A_885, %shift_right_logical3A_887 : vector<16xi32>
      %gather3A_889 = tpu.vector_load_idx %arg8[%shift_right_logical3A_888] : memref<5000xi32, #tpu.memory_space<vmem>>[vector<16xi32>], vector<16xi32>,
      %and3A_890 = arith.constant 1 : i32
      %and3A_891 = vector.broadcast %and3A_890 : i32 to vector<16xi32>
      %and3A_892 = arith.andi %get3A_885, %and3A_891 : vector<16xi32>
      %mul3A_893 = arith.constant 16 : i32
      %mul3A_894 = vector.broadcast %mul3A_893 : i32 to vector<16xi32>
      %mul3A_895 = arith.muli %and3A_892, %mul3A_894 : vector<16xi32>
      %shift_right_logical3A_896 = arith.shrui %gather3A_889, %mul3A_895 : vector<16xi32>
      %and3A_897 = arith.constant 65535 : i32
      %and3A_898 = vector.broadcast %and3A_897 : i32 to vector<16xi32>
      %and3A_899 = arith.andi %shift_right_logical3A_896, %and3A_898 : vector<16xi32>
      %swap3A_900 = arith.constant 0 : i32
      %swap3A_901 = arith.index_cast %swap3A_900 : i32 to index
      %swap3A_902 = arith.constant 0 : index
      %swap3A_903 = tpu.vector_load %arg13[%swap3A_901, %swap3A_902] {strides = array<i32>} : memref<4x112xi32, #tpu.memory_space<vmem>>, vector<16xi32>,
      tpu.vector_store %arg13[%swap3A_901, %swap3A_902], %and3A_899 {strides = array<i32>} : memref<4x112xi32, #tpu.memory_space<vmem>>, vector<16xi32>,
      %get3A_904 = arith.constant 4 : i32
      %get3A_905 = arith.index_cast %get3A_904 : i32 to index
      %get3A_906 = arith.constant 16 : index
      %get3A_907 = tpu.vector_load %arg9[%get3A_905, %get3A_906] {strides = array<i32>} : memref<6x112xi32, #tpu.memory_space<vmem>>, vector<16xi32>,
      %shift_right_logical3A_908 = arith.constant 1 : i32
      %shift_right_logical3A_909 = vector.broadcast %shift_right_logical3A_908 : i32 to vector<16xi32>
      %shift_right_logical3A_910 = arith.shrui %get3A_907, %shift_right_logical3A_909 : vector<16xi32>
      %gather3A_911 = tpu.vector_load_idx %arg8[%shift_right_logical3A_910] : memref<5000xi32, #tpu.memory_space<vmem>>[vector<16xi32>], vector<16xi32>,
      %and3A_912 = arith.constant 1 : i32
      %and3A_913 = vector.broadcast %and3A_912 : i32 to vector<16xi32>
      %and3A_914 = arith.andi %get3A_907, %and3A_913 : vector<16xi32>
      %mul3A_915 = arith.constant 16 : i32
      %mul3A_916 = vector.broadcast %mul3A_915 : i32 to vector<16xi32>
      %mul3A_917 = arith.muli %and3A_914, %mul3A_916 : vector<16xi32>
      %shift_right_logical3A_918 = arith.shrui %gather3A_911, %mul3A_917 : vector<16xi32>
      %and3A_919 = arith.constant 65535 : i32
      %and3A_920 = vector.broadcast %and3A_919 : i32 to vector<16xi32>
      %and3A_921 = arith.andi %shift_right_logical3A_918, %and3A_920 : vector<16xi32>
      %swap3A_922 = arith.constant 0 : i32
      %swap3A_923 = arith.index_cast %swap3A_922 : i32 to index
      %swap3A_924 = arith.constant 16 : index
      %swap3A_925 = tpu.vector_load %arg13[%swap3A_923, %swap3A_924] {strides = array<i32>} : memref<4x112xi32, #tpu.memory_space<vmem>>, vector<16xi32>,
      tpu.vector_store %arg13[%swap3A_923, %swap3A_924], %and3A_921 {strides = array<i32>} : memref<4x112xi32, #tpu.memory_space<vmem>>, vector<16xi32>,
      %get3A_926 = arith.constant 4 : i32
      %get3A_927 = arith.index_cast %get3A_926 : i32 to index
      %get3A_928 = arith.constant 32 : index
      %get3A_929 = tpu.vector_load %arg9[%get3A_927, %get3A_928] {strides = array<i32>} : memref<6x112xi32, #tpu.memory_space<vmem>>, vector<16xi32>,
      %shift_right_logical3A_930 = arith.constant 1 : i32
      %shift_right_logical3A_931 = vector.broadcast %shift_right_logical3A_930 : i32 to vector<16xi32>
      %shift_right_logical3A_932 = arith.shrui %get3A_929, %shift_right_logical3A_931 : vector<16xi32>
      %gather3A_933 = tpu.vector_load_idx %arg8[%shift_right_logical3A_932] : memref<5000xi32, #tpu.memory_space<vmem>>[vector<16xi32>], vector<16xi32>,
      %and3A_934 = arith.constant 1 : i32
      %and3A_935 = vector.broadcast %and3A_934 : i32 to vector<16xi32>
      %and3A_936 = arith.andi %get3A_929, %and3A_935 : vector<16xi32>
      %mul3A_937 = arith.constant 16 : i32
      %mul3A_938 = vector.broadcast %mul3A_937 : i32 to vector<16xi32>
      %mul3A_939 = arith.muli %and3A_936, %mul3A_938 : vector<16xi32>
      %shift_right_logical3A_940 = arith.shrui %gather3A_933, %mul3A_939 : vector<16xi32>
      %and3A_941 = arith.constant 65535 : i32
      %and3A_942 = vector.broadcast %and3A_941 : i32 to vector<16xi32>
      %and3A_943 = arith.andi %shift_right_logical3A_940, %and3A_942 : vector<16xi32>
      %swap3A_944 = arith.constant 0 : i32
      %swap3A_945 = arith.index_cast %swap3A_944 : i32 to index
      %swap3A_946 = arith.constant 32 : index
      %swap3A_947 = tpu.vector_load %arg13[%swap3A_945, %swap3A_946] {strides = array<i32>} : memref<4x112xi32, #tpu.memory_space<vmem>>, vector<16xi32>,
      tpu.vector_store %arg13[%swap3A_945, %swap3A_946], %and3A_943 {strides = array<i32>} : memref<4x112xi32, #tpu.memory_space<vmem>>, vector<16xi32>,
      %get3A_948 = arith.constant 4 : i32
      %get3A_949 = arith.index_cast %get3A_948 : i32 to index
      %get3A_950 = arith.constant 48 : index
      %get3A_951 = tpu.vector_load %arg9[%get3A_949, %get3A_950] {strides = array<i32>} : memref<6x112xi32, #tpu.memory_space<vmem>>, vector<16xi32>,
      %shift_right_logical3A_952 = arith.constant 1 : i32
      %shift_right_logical3A_953 = vector.broadcast %shift_right_logical3A_952 : i32 to vector<16xi32>
      %shift_right_logical3A_954 = arith.shrui %get3A_951, %shift_right_logical3A_953 : vector<16xi32>
      %gather3A_955 = tpu.vector_load_idx %arg8[%shift_right_logical3A_954] : memref<5000xi32, #tpu.memory_space<vmem>>[vector<16xi32>], vector<16xi32>,
      %and3A_956 = arith.constant 1 : i32
      %and3A_957 = vector.broadcast %and3A_956 : i32 to vector<16xi32>
      %and3A_958 = arith.andi %get3A_951, %and3A_957 : vector<16xi32>
      %mul3A_959 = arith.constant 16 : i32
      %mul3A_960 = vector.broadcast %mul3A_959 : i32 to vector<16xi32>
      %mul3A_961 = arith.muli %and3A_958, %mul3A_960 : vector<16xi32>
      %shift_right_logical3A_962 = arith.shrui %gather3A_955, %mul3A_961 : vector<16xi32>
      %and3A_963 = arith.constant 65535 : i32
      %and3A_964 = vector.broadcast %and3A_963 : i32 to vector<16xi32>
      %and3A_965 = arith.andi %shift_right_logical3A_962, %and3A_964 : vector<16xi32>
      %swap3A_966 = arith.constant 0 : i32
      %swap3A_967 = arith.index_cast %swap3A_966 : i32 to index
      %swap3A_968 = arith.constant 48 : index
      %swap3A_969 = tpu.vector_load %arg13[%swap3A_967, %swap3A_968] {strides = array<i32>} : memref<4x112xi32, #tpu.memory_space<vmem>>, vector<16xi32>,
      tpu.vector_store %arg13[%swap3A_967, %swap3A_968], %and3A_965 {strides = array<i32>} : memref<4x112xi32, #tpu.memory_space<vmem>>, vector<16xi32>,
      %get3A_970 = arith.constant 4 : i32
      %get3A_971 = arith.index_cast %get3A_970 : i32 to index
      %get3A_972 = arith.constant 64 : index
      %get3A_973 = tpu.vector_load %arg9[%get3A_971, %get3A_972] {strides = array<i32>} : memref<6x112xi32, #tpu.memory_space<vmem>>, vector<16xi32>,
      %shift_right_logical3A_974 = arith.constant 1 : i32
      %shift_right_logical3A_975 = vector.broadcast %shift_right_logical3A_974 : i32 to vector<16xi32>
      %shift_right_logical3A_976 = arith.shrui %get3A_973, %shift_right_logical3A_975 : vector<16xi32>
      %gather3A_977 = tpu.vector_load_idx %arg8[%shift_right_logical3A_976] : memref<5000xi32, #tpu.memory_space<vmem>>[vector<16xi32>], vector<16xi32>,
      %and3A_978 = arith.constant 1 : i32
      %and3A_979 = vector.broadcast %and3A_978 : i32 to vector<16xi32>
      %and3A_980 = arith.andi %get3A_973, %and3A_979 : vector<16xi32>
      %mul3A_981 = arith.constant 16 : i32
      %mul3A_982 = vector.broadcast %mul3A_981 : i32 to vector<16xi32>
      %mul3A_983 = arith.muli %and3A_980, %mul3A_982 : vector<16xi32>
      %shift_right_logical3A_984 = arith.shrui %gather3A_977, %mul3A_983 : vector<16xi32>
      %and3A_985 = arith.constant 65535 : i32
      %and3A_986 = vector.broadcast %and3A_985 : i32 to vector<16xi32>
      %and3A_987 = arith.andi %shift_right_logical3A_984, %and3A_986 : vector<16xi32>
      %swap3A_988 = arith.constant 0 : i32
      %swap3A_989 = arith.index_cast %swap3A_988 : i32 to index
      %swap3A_990 = arith.constant 64 : index
      %swap3A_991 = tpu.vector_load %arg13[%swap3A_989, %swap3A_990] {strides = array<i32>} : memref<4x112xi32, #tpu.memory_space<vmem>>, vector<16xi32>,
      tpu.vector_store %arg13[%swap3A_989, %swap3A_990], %and3A_987 {strides = array<i32>} : memref<4x112xi32, #tpu.memory_space<vmem>>, vector<16xi32>,
      %get3A_992 = arith.constant 4 : i32
      %get3A_993 = arith.index_cast %get3A_992 : i32 to index
      %get3A_994 = arith.constant 80 : index
      %get3A_995 = tpu.vector_load %arg9[%get3A_993, %get3A_994] {strides = array<i32>} : memref<6x112xi32, #tpu.memory_space<vmem>>, vector<16xi32>,
      %shift_right_logical3A_996 = arith.constant 1 : i32
      %shift_right_logical3A_997 = vector.broadcast %shift_right_logical3A_996 : i32 to vector<16xi32>
      %shift_right_logical3A_998 = arith.shrui %get3A_995, %shift_right_logical3A_997 : vector<16xi32>
      %gather3A_999 = tpu.vector_load_idx %arg8[%shift_right_logical3A_998] : memref<5000xi32, #tpu.memory_space<vmem>>[vector<16xi32>], vector<16xi32>,
      %and3A_1000 = arith.constant 1 : i32
      %and3A_1001 = vector.broadcast %and3A_1000 : i32 to vector<16xi32>
      %and3A_1002 = arith.andi %get3A_995, %and3A_1001 : vector<16xi32>
      %mul3A_1003 = arith.constant 16 : i32
      %mul3A_1004 = vector.broadcast %mul3A_1003 : i32 to vector<16xi32>
      %mul3A_1005 = arith.muli %and3A_1002, %mul3A_1004 : vector<16xi32>
      %shift_right_logical3A_1006 = arith.shrui %gather3A_999, %mul3A_1005 : vector<16xi32>
      %and3A_1007 = arith.constant 65535 : i32
      %and3A_1008 = vector.broadcast %and3A_1007 : i32 to vector<16xi32>
      %and3A_1009 = arith.andi %shift_right_logical3A_1006, %and3A_1008 : vector<16xi32>
      %swap3A_1010 = arith.constant 0 : i32
      %swap3A_1011 = arith.index_cast %swap3A_1010 : i32 to index
      %swap3A_1012 = arith.constant 80 : index
      %swap3A_1013 = tpu.vector_load %arg13[%swap3A_1011, %swap3A_1012] {strides = array<i32>} : memref<4x112xi32, #tpu.memory_space<vmem>>, vector<16xi32>,
      tpu.vector_store %arg13[%swap3A_1011, %swap3A_1012], %and3A_1009 {strides = array<i32>} : memref<4x112xi32, #tpu.memory_space<vmem>>, vector<16xi32>,
      %get3A_1014 = arith.constant 4 : i32
      %get3A_1015 = arith.index_cast %get3A_1014 : i32 to index
      %get3A_1016 = arith.constant 96 : index
      %get3A_1017 = tpu.vector_load %arg9[%get3A_1015, %get3A_1016] {strides = array<i32>} : memref<6x112xi32, #tpu.memory_space<vmem>>, vector<16xi32>,
      %shift_right_logical3A_1018 = arith.constant 1 : i32
      %shift_right_logical3A_1019 = vector.broadcast %shift_right_logical3A_1018 : i32 to vector<16xi32>
      %shift_right_logical3A_1020 = arith.shrui %get3A_1017, %shift_right_logical3A_1019 : vector<16xi32>
      %gather3A_1021 = tpu.vector_load_idx %arg8[%shift_right_logical3A_1020] : memref<5000xi32, #tpu.memory_space<vmem>>[vector<16xi32>], vector<16xi32>,
      %and3A_1022 = arith.constant 1 : i32
      %and3A_1023 = vector.broadcast %and3A_1022 : i32 to vector<16xi32>
      %and3A_1024 = arith.andi %get3A_1017, %and3A_1023 : vector<16xi32>
      %mul3A_1025 = arith.constant 16 : i32
      %mul3A_1026 = vector.broadcast %mul3A_1025 : i32 to vector<16xi32>
      %mul3A_1027 = arith.muli %and3A_1024, %mul3A_1026 : vector<16xi32>
      %shift_right_logical3A_1028 = arith.shrui %gather3A_1021, %mul3A_1027 : vector<16xi32>
      %and3A_1029 = arith.constant 65535 : i32
      %and3A_1030 = vector.broadcast %and3A_1029 : i32 to vector<16xi32>
      %and3A_1031 = arith.andi %shift_right_logical3A_1028, %and3A_1030 : vector<16xi32>
      %swap3A_1032 = arith.constant 0 : i32
      %swap3A_1033 = arith.index_cast %swap3A_1032 : i32 to index
      %swap3A_1034 = arith.constant 96 : index
      %swap3A_1035 = tpu.vector_load %arg13[%swap3A_1033, %swap3A_1034] {strides = array<i32>} : memref<4x112xi32, #tpu.memory_space<vmem>>, vector<16xi32>,
      tpu.vector_store %arg13[%swap3A_1033, %swap3A_1034], %and3A_1031 {strides = array<i32>} : memref<4x112xi32, #tpu.memory_space<vmem>>, vector<16xi32>,
      %get3A_1036 = arith.constant 5 : i32
      %get3A_1037 = arith.index_cast %get3A_1036 : i32 to index
      %get3A_1038 = arith.constant 0 : index
      %get3A_1039 = tpu.vector_load %arg9[%get3A_1037, %get3A_1038] {strides = array<i32>} : memref<6x112xi32, #tpu.memory_space<vmem>>, vector<16xi32>,
      %shift_right_logical3A_1040 = arith.constant 1 : i32
      %shift_right_logical3A_1041 = vector.broadcast %shift_right_logical3A_1040 : i32 to vector<16xi32>
      %shift_right_logical3A_1042 = arith.shrui %get3A_1039, %shift_right_logical3A_1041 : vector<16xi32>
      %gather3A_1043 = tpu.vector_load_idx %arg8[%shift_right_logical3A_1042] : memref<5000xi32, #tpu.memory_space<vmem>>[vector<16xi32>], vector<16xi32>,
      %and3A_1044 = arith.constant 1 : i32
      %and3A_1045 = vector.broadcast %and3A_1044 : i32 to vector<16xi32>
      %and3A_1046 = arith.andi %get3A_1039, %and3A_1045 : vector<16xi32>
      %mul3A_1047 = arith.constant 16 : i32
      %mul3A_1048 = vector.broadcast %mul3A_1047 : i32 to vector<16xi32>
      %mul3A_1049 = arith.muli %and3A_1046, %mul3A_1048 : vector<16xi32>
      %shift_right_logical3A_1050 = arith.shrui %gather3A_1043, %mul3A_1049 : vector<16xi32>
      %and3A_1051 = arith.constant 65535 : i32
      %and3A_1052 = vector.broadcast %and3A_1051 : i32 to vector<16xi32>
      %and3A_1053 = arith.andi %shift_right_logical3A_1050, %and3A_1052 : vector<16xi32>
      %swap3A_1054 = arith.constant 1 : i32
      %swap3A_1055 = arith.index_cast %swap3A_1054 : i32 to index
      %swap3A_1056 = arith.constant 0 : index
      %swap3A_1057 = tpu.vector_load %arg13[%swap3A_1055, %swap3A_1056] {strides = array<i32>} : memref<4x112xi32, #tpu.memory_space<vmem>>, vector<16xi32>,
      tpu.vector_store %arg13[%swap3A_1055, %swap3A_1056], %and3A_1053 {strides = array<i32>} : memref<4x112xi32, #tpu.memory_space<vmem>>, vector<16xi32>,
      %get3A_1058 = arith.constant 5 : i32
      %get3A_1059 = arith.index_cast %get3A_1058 : i32 to index
      %get3A_1060 = arith.constant 16 : index
      %get3A_1061 = tpu.vector_load %arg9[%get3A_1059, %get3A_1060] {strides = array<i32>} : memref<6x112xi32, #tpu.memory_space<vmem>>, vector<16xi32>,
      %shift_right_logical3A_1062 = arith.constant 1 : i32
      %shift_right_logical3A_1063 = vector.broadcast %shift_right_logical3A_1062 : i32 to vector<16xi32>
      %shift_right_logical3A_1064 = arith.shrui %get3A_1061, %shift_right_logical3A_1063 : vector<16xi32>
      %gather3A_1065 = tpu.vector_load_idx %arg8[%shift_right_logical3A_1064] : memref<5000xi32, #tpu.memory_space<vmem>>[vector<16xi32>], vector<16xi32>,
      %and3A_1066 = arith.constant 1 : i32
      %and3A_1067 = vector.broadcast %and3A_1066 : i32 to vector<16xi32>
      %and3A_1068 = arith.andi %get3A_1061, %and3A_1067 : vector<16xi32>
      %mul3A_1069 = arith.constant 16 : i32
      %mul3A_1070 = vector.broadcast %mul3A_1069 : i32 to vector<16xi32>
      %mul3A_1071 = arith.muli %and3A_1068, %mul3A_1070 : vector<16xi32>
      %shift_right_logical3A_1072 = arith.shrui %gather3A_1065, %mul3A_1071 : vector<16xi32>
      %and3A_1073 = arith.constant 65535 : i32
      %and3A_1074 = vector.broadcast %and3A_1073 : i32 to vector<16xi32>
      %and3A_1075 = arith.andi %shift_right_logical3A_1072, %and3A_1074 : vector<16xi32>
      %swap3A_1076 = arith.constant 1 : i32
      %swap3A_1077 = arith.index_cast %swap3A_1076 : i32 to index
      %swap3A_1078 = arith.constant 16 : index
      %swap3A_1079 = tpu.vector_load %arg13[%swap3A_1077, %swap3A_1078] {strides = array<i32>} : memref<4x112xi32, #tpu.memory_space<vmem>>, vector<16xi32>,
      tpu.vector_store %arg13[%swap3A_1077, %swap3A_1078], %and3A_1075 {strides = array<i32>} : memref<4x112xi32, #tpu.memory_space<vmem>>, vector<16xi32>,
      %get3A_1080 = arith.constant 5 : i32
      %get3A_1081 = arith.index_cast %get3A_1080 : i32 to index
      %get3A_1082 = arith.constant 32 : index
      %get3A_1083 = tpu.vector_load %arg9[%get3A_1081, %get3A_1082] {strides = array<i32>} : memref<6x112xi32, #tpu.memory_space<vmem>>, vector<16xi32>,
      %shift_right_logical3A_1084 = arith.constant 1 : i32
      %shift_right_logical3A_1085 = vector.broadcast %shift_right_logical3A_1084 : i32 to vector<16xi32>
      %shift_right_logical3A_1086 = arith.shrui %get3A_1083, %shift_right_logical3A_1085 : vector<16xi32>
      %gather3A_1087 = tpu.vector_load_idx %arg8[%shift_right_logical3A_1086] : memref<5000xi32, #tpu.memory_space<vmem>>[vector<16xi32>], vector<16xi32>,
      %and3A_1088 = arith.constant 1 : i32
      %and3A_1089 = vector.broadcast %and3A_1088 : i32 to vector<16xi32>
      %and3A_1090 = arith.andi %get3A_1083, %and3A_1089 : vector<16xi32>
      %mul3A_1091 = arith.constant 16 : i32
      %mul3A_1092 = vector.broadcast %mul3A_1091 : i32 to vector<16xi32>
      %mul3A_1093 = arith.muli %and3A_1090, %mul3A_1092 : vector<16xi32>
      %shift_right_logical3A_1094 = arith.shrui %gather3A_1087, %mul3A_1093 : vector<16xi32>
      %and3A_1095 = arith.constant 65535 : i32
      %and3A_1096 = vector.broadcast %and3A_1095 : i32 to vector<16xi32>
      %and3A_1097 = arith.andi %shift_right_logical3A_1094, %and3A_1096 : vector<16xi32>
      %swap3A_1098 = arith.constant 1 : i32
      %swap3A_1099 = arith.index_cast %swap3A_1098 : i32 to index
      %swap3A_1100 = arith.constant 32 : index
      %swap3A_1101 = tpu.vector_load %arg13[%swap3A_1099, %swap3A_1100] {strides = array<i32>} : memref<4x112xi32, #tpu.memory_space<vmem>>, vector<16xi32>,
      tpu.vector_store %arg13[%swap3A_1099, %swap3A_1100], %and3A_1097 {strides = array<i32>} : memref<4x112xi32, #tpu.memory_space<vmem>>, vector<16xi32>,
      %get3A_1102 = arith.constant 5 : i32
      %get3A_1103 = arith.index_cast %get3A_1102 : i32 to index
      %get3A_1104 = arith.constant 48 : index
      %get3A_1105 = tpu.vector_load %arg9[%get3A_1103, %get3A_1104] {strides = array<i32>} : memref<6x112xi32, #tpu.memory_space<vmem>>, vector<16xi32>,
      %shift_right_logical3A_1106 = arith.constant 1 : i32
      %shift_right_logical3A_1107 = vector.broadcast %shift_right_logical3A_1106 : i32 to vector<16xi32>
      %shift_right_logical3A_1108 = arith.shrui %get3A_1105, %shift_right_logical3A_1107 : vector<16xi32>
      %gather3A_1109 = tpu.vector_load_idx %arg8[%shift_right_logical3A_1108] : memref<5000xi32, #tpu.memory_space<vmem>>[vector<16xi32>], vector<16xi32>,
      %and3A_1110 = arith.constant 1 : i32
      %and3A_1111 = vector.broadcast %and3A_1110 : i32 to vector<16xi32>
      %and3A_1112 = arith.andi %get3A_1105, %and3A_1111 : vector<16xi32>
      %mul3A_1113 = arith.constant 16 : i32
      %mul3A_1114 = vector.broadcast %mul3A_1113 : i32 to vector<16xi32>
      %mul3A_1115 = arith.muli %and3A_1112, %mul3A_1114 : vector<16xi32>
      %shift_right_logical3A_1116 = arith.shrui %gather3A_1109, %mul3A_1115 : vector<16xi32>
      %and3A_1117 = arith.constant 65535 : i32
      %and3A_1118 = vector.broadcast %and3A_1117 : i32 to vector<16xi32>
      %and3A_1119 = arith.andi %shift_right_logical3A_1116, %and3A_1118 : vector<16xi32>
      %swap3A_1120 = arith.constant 1 : i32
      %swap3A_1121 = arith.index_cast %swap3A_1120 : i32 to index
      %swap3A_1122 = arith.constant 48 : index
      %swap3A_1123 = tpu.vector_load %arg13[%swap3A_1121, %swap3A_1122] {strides = array<i32>} : memref<4x112xi32, #tpu.memory_space<vmem>>, vector<16xi32>,
      tpu.vector_store %arg13[%swap3A_1121, %swap3A_1122], %and3A_1119 {strides = array<i32>} : memref<4x112xi32, #tpu.memory_space<vmem>>, vector<16xi32>,
      %get3A_1124 = arith.constant 5 : i32
      %get3A_1125 = arith.index_cast %get3A_1124 : i32 to index
      %get3A_1126 = arith.constant 64 : index
      %get3A_1127 = tpu.vector_load %arg9[%get3A_1125, %get3A_1126] {strides = array<i32>} : memref<6x112xi32, #tpu.memory_space<vmem>>, vector<16xi32>,
      %shift_right_logical3A_1128 = arith.constant 1 : i32
      %shift_right_logical3A_1129 = vector.broadcast %shift_right_logical3A_1128 : i32 to vector<16xi32>
      %shift_right_logical3A_1130 = arith.shrui %get3A_1127, %shift_right_logical3A_1129 : vector<16xi32>
      %gather3A_1131 = tpu.vector_load_idx %arg8[%shift_right_logical3A_1130] : memref<5000xi32, #tpu.memory_space<vmem>>[vector<16xi32>], vector<16xi32>,
      %and3A_1132 = arith.constant 1 : i32
      %and3A_1133 = vector.broadcast %and3A_1132 : i32 to vector<16xi32>
      %and3A_1134 = arith.andi %get3A_1127, %and3A_1133 : vector<16xi32>
      %mul3A_1135 = arith.constant 16 : i32
      %mul3A_1136 = vector.broadcast %mul3A_1135 : i32 to vector<16xi32>
      %mul3A_1137 = arith.muli %and3A_1134, %mul3A_1136 : vector<16xi32>
      %shift_right_logical3A_1138 = arith.shrui %gather3A_1131, %mul3A_1137 : vector<16xi32>
      %and3A_1139 = arith.constant 65535 : i32
      %and3A_1140 = vector.broadcast %and3A_1139 : i32 to vector<16xi32>
      %and3A_1141 = arith.andi %shift_right_logical3A_1138, %and3A_1140 : vector<16xi32>
      %swap3A_1142 = arith.constant 1 : i32
      %swap3A_1143 = arith.index_cast %swap3A_1142 : i32 to index
      %swap3A_1144 = arith.constant 64 : index
      %swap3A_1145 = tpu.vector_load %arg13[%swap3A_1143, %swap3A_1144] {strides = array<i32>} : memref<4x112xi32, #tpu.memory_space<vmem>>, vector<16xi32>,
      tpu.vector_store %arg13[%swap3A_1143, %swap3A_1144], %and3A_1141 {strides = array<i32>} : memref<4x112xi32, #tpu.memory_space<vmem>>, vector<16xi32>,
      %get3A_1146 = arith.constant 5 : i32
      %get3A_1147 = arith.index_cast %get3A_1146 : i32 to index
      %get3A_1148 = arith.constant 80 : index
      %get3A_1149 = tpu.vector_load %arg9[%get3A_1147, %get3A_1148] {strides = array<i32>} : memref<6x112xi32, #tpu.memory_space<vmem>>, vector<16xi32>,
      %shift_right_logical3A_1150 = arith.constant 1 : i32
      %shift_right_logical3A_1151 = vector.broadcast %shift_right_logical3A_1150 : i32 to vector<16xi32>
      %shift_right_logical3A_1152 = arith.shrui %get3A_1149, %shift_right_logical3A_1151 : vector<16xi32>
      %gather3A_1153 = tpu.vector_load_idx %arg8[%shift_right_logical3A_1152] : memref<5000xi32, #tpu.memory_space<vmem>>[vector<16xi32>], vector<16xi32>,
      %and3A_1154 = arith.constant 1 : i32
      %and3A_1155 = vector.broadcast %and3A_1154 : i32 to vector<16xi32>
      %and3A_1156 = arith.andi %get3A_1149, %and3A_1155 : vector<16xi32>
      %mul3A_1157 = arith.constant 16 : i32
      %mul3A_1158 = vector.broadcast %mul3A_1157 : i32 to vector<16xi32>
      %mul3A_1159 = arith.muli %and3A_1156, %mul3A_1158 : vector<16xi32>
      %shift_right_logical3A_1160 = arith.shrui %gather3A_1153, %mul3A_1159 : vector<16xi32>
      %and3A_1161 = arith.constant 65535 : i32
      %and3A_1162 = vector.broadcast %and3A_1161 : i32 to vector<16xi32>
      %and3A_1163 = arith.andi %shift_right_logical3A_1160, %and3A_1162 : vector<16xi32>
      %swap3A_1164 = arith.constant 1 : i32
      %swap3A_1165 = arith.index_cast %swap3A_1164 : i32 to index
      %swap3A_1166 = arith.constant 80 : index
      %swap3A_1167 = tpu.vector_load %arg13[%swap3A_1165, %swap3A_1166] {strides = array<i32>} : memref<4x112xi32, #tpu.memory_space<vmem>>, vector<16xi32>,
      tpu.vector_store %arg13[%swap3A_1165, %swap3A_1166], %and3A_1163 {strides = array<i32>} : memref<4x112xi32, #tpu.memory_space<vmem>>, vector<16xi32>,
      %get3A_1168 = arith.constant 5 : i32
      %get3A_1169 = arith.index_cast %get3A_1168 : i32 to index
      %get3A_1170 = arith.constant 96 : index
      %get3A_1171 = tpu.vector_load %arg9[%get3A_1169, %get3A_1170] {strides = array<i32>} : memref<6x112xi32, #tpu.memory_space<vmem>>, vector<16xi32>,
      %shift_right_logical3A_1172 = arith.constant 1 : i32
      %shift_right_logical3A_1173 = vector.broadcast %shift_right_logical3A_1172 : i32 to vector<16xi32>
      %shift_right_logical3A_1174 = arith.shrui %get3A_1171, %shift_right_logical3A_1173 : vector<16xi32>
      %gather3A_1175 = tpu.vector_load_idx %arg8[%shift_right_logical3A_1174] : memref<5000xi32, #tpu.memory_space<vmem>>[vector<16xi32>], vector<16xi32>,
      %and3A_1176 = arith.constant 1 : i32
      %and3A_1177 = vector.broadcast %and3A_1176 : i32 to vector<16xi32>
      %and3A_1178 = arith.andi %get3A_1171, %and3A_1177 : vector<16xi32>
      %mul3A_1179 = arith.constant 16 : i32
      %mul3A_1180 = vector.broadcast %mul3A_1179 : i32 to vector<16xi32>
      %mul3A_1181 = arith.muli %and3A_1178, %mul3A_1180 : vector<16xi32>
      %shift_right_logical3A_1182 = arith.shrui %gather3A_1175, %mul3A_1181 : vector<16xi32>
      %and3A_1183 = arith.constant 65535 : i32
      %and3A_1184 = vector.broadcast %and3A_1183 : i32 to vector<16xi32>
      %and3A_1185 = arith.andi %shift_right_logical3A_1182, %and3A_1184 : vector<16xi32>
      %swap3A_1186 = arith.constant 1 : i32
      %swap3A_1187 = arith.index_cast %swap3A_1186 : i32 to index
      %swap3A_1188 = arith.constant 96 : index
      %swap3A_1189 = tpu.vector_load %arg13[%swap3A_1187, %swap3A_1188] {strides = array<i32>} : memref<4x112xi32, #tpu.memory_space<vmem>>, vector<16xi32>,
      tpu.vector_store %arg13[%swap3A_1187, %swap3A_1188], %and3A_1185 {strides = array<i32>} : memref<4x112xi32, #tpu.memory_space<vmem>>, vector<16xi32>,
      %mul3A_1190 = arith.constant 2 : i32
      %mul3A_1191 = arith.muli %mul3A_1190, %scan3A_423 : i32
      %add3A_1192 = arith.constant 1 : i32
      %add3A_1193 = arith.addi %mul3A_1191, %add3A_1192 : i32
      %mul3A_1194 = arith.constant 6 : i32
      %mul3A_1195 = arith.muli %add3A_1193, %mul3A_1194 : i32
      "tpu.region"() ({
        %run_scoped3A_2997 = tpu.sem_alloc : memref<!tpu.dma_semaphore, #tpu.memory_space<semaphore_mem>>
        %dma_start3A_2998 = arith.constant 0 : i32
        %dma_start3A_2999 = tpu.memref_slice %arg4[%arg0, %arg1, %mul3A_1195, %dma_start3A_2998] : memref<2x16x186x112xi32, #tpu.memory_space<hbm>> -> memref<1x1x6x112xi32, #tpu.memory_space<hbm>>
        %dma_start3A_3000 = tpu.memref_squeeze %dma_start3A_2999 : memref<1x1x6x112xi32, #tpu.memory_space<hbm>> -> memref<6x112xi32, #tpu.memory_space<hbm>>
        %dma_start3A_3001 = arith.constant 0 : i32
        %dma_start3A_3002 = tpu.memref_slice %arg4[%arg0, %arg1, %mul3A_1195, %dma_start3A_3001] : memref<2x16x186x112xi32, #tpu.memory_space<hbm>> -> memref<1x1x6x112xi32, #tpu.memory_space<hbm>>
        %dma_start3A_3003 = tpu.memref_squeeze %dma_start3A_3002 : memref<1x1x6x112xi32, #tpu.memory_space<hbm>> -> memref<6x112xi32, #tpu.memory_space<hbm>>
        tpu.enqueue_dma source(%dma_start3A_3003 : memref<6x112xi32, #tpu.memory_space<hbm>>) target(%arg10 : memref<6x112xi32, #tpu.memory_space<vmem>>) target_semaphore(%run_scoped3A_2997 : memref<!tpu.dma_semaphore, #tpu.memory_space<semaphore_mem>>)
        %dma_wait3A_3004 = arith.constant 0 : i32
        %dma_wait3A_3005 = tpu.memref_slice %arg4[%arg0, %arg1, %mul3A_1195, %dma_wait3A_3004] : memref<2x16x186x112xi32, #tpu.memory_space<hbm>> -> memref<1x1x6x112xi32, #tpu.memory_space<hbm>>
        %dma_wait3A_3006 = tpu.memref_squeeze %dma_wait3A_3005 : memref<1x1x6x112xi32, #tpu.memory_space<hbm>> -> memref<6x112xi32, #tpu.memory_space<hbm>>
        %dma_wait3A_3007 = arith.constant 0 : i32
        %dma_wait3A_3008 = tpu.memref_slice %arg4[%arg0, %arg1, %mul3A_1195, %dma_wait3A_3007] : memref<2x16x186x112xi32, #tpu.memory_space<hbm>> -> memref<1x1x6x112xi32, #tpu.memory_space<hbm>>
        %dma_wait3A_3009 = tpu.memref_squeeze %dma_wait3A_3008 : memref<1x1x6x112xi32, #tpu.memory_space<hbm>> -> memref<6x112xi32, #tpu.memory_space<hbm>>
        tpu.wait_dma2 semaphore(%run_scoped3A_2997 : memref<!tpu.dma_semaphore, #tpu.memory_space<semaphore_mem>>) src(%dma_wait3A_3009 : memref<6x112xi32, #tpu.memory_space<hbm>>) dst(%arg10 : memref<6x112xi32, #tpu.memory_space<vmem>>)
        tpu.yield
      }) : () -> ()
      %mul3A_1196 = arith.constant 6 : i32
      %mul3A_1197 = arith.muli %add3A_1193, %mul3A_1196 : i32
      "tpu.region"() ({
        %run_scoped3A_2997 = tpu.sem_alloc : memref<!tpu.dma_semaphore, #tpu.memory_space<semaphore_mem>>
        %dma_start3A_2998 = arith.constant 0 : i32
        %dma_start3A_2999 = tpu.memref_slice %arg5[%arg0, %arg1, %mul3A_1197, %dma_start3A_2998] : memref<2x16x186x112xi32, #tpu.memory_space<hbm>> -> memref<1x1x6x112xi32, #tpu.memory_space<hbm>>
        %dma_start3A_3000 = tpu.memref_squeeze %dma_start3A_2999 : memref<1x1x6x112xi32, #tpu.memory_space<hbm>> -> memref<6x112xi32, #tpu.memory_space<hbm>>
        %dma_start3A_3001 = arith.constant 0 : i32
        %dma_start3A_3002 = tpu.memref_slice %arg5[%arg0, %arg1, %mul3A_1197, %dma_start3A_3001] : memref<2x16x186x112xi32, #tpu.memory_space<hbm>> -> memref<1x1x6x112xi32, #tpu.memory_space<hbm>>
        %dma_start3A_3003 = tpu.memref_squeeze %dma_start3A_3002 : memref<1x1x6x112xi32, #tpu.memory_space<hbm>> -> memref<6x112xi32, #tpu.memory_space<hbm>>
        tpu.enqueue_dma source(%dma_start3A_3003 : memref<6x112xi32, #tpu.memory_space<hbm>>) target(%arg12 : memref<6x112xi32, #tpu.memory_space<vmem>>) target_semaphore(%run_scoped3A_2997 : memref<!tpu.dma_semaphore, #tpu.memory_space<semaphore_mem>>)
        %dma_wait3A_3004 = arith.constant 0 : i32
        %dma_wait3A_3005 = tpu.memref_slice %arg5[%arg0, %arg1, %mul3A_1197, %dma_wait3A_3004] : memref<2x16x186x112xi32, #tpu.memory_space<hbm>> -> memref<1x1x6x112xi32, #tpu.memory_space<hbm>>
        %dma_wait3A_3006 = tpu.memref_squeeze %dma_wait3A_3005 : memref<1x1x6x112xi32, #tpu.memory_space<hbm>> -> memref<6x112xi32, #tpu.memory_space<hbm>>
        %dma_wait3A_3007 = arith.constant 0 : i32
        %dma_wait3A_3008 = tpu.memref_slice %arg5[%arg0, %arg1, %mul3A_1197, %dma_wait3A_3007] : memref<2x16x186x112xi32, #tpu.memory_space<hbm>> -> memref<1x1x6x112xi32, #tpu.memory_space<hbm>>
        %dma_wait3A_3009 = tpu.memref_squeeze %dma_wait3A_3008 : memref<1x1x6x112xi32, #tpu.memory_space<hbm>> -> memref<6x112xi32, #tpu.memory_space<hbm>>
        tpu.wait_dma2 semaphore(%run_scoped3A_2997 : memref<!tpu.dma_semaphore, #tpu.memory_space<semaphore_mem>>) src(%dma_wait3A_3009 : memref<6x112xi32, #tpu.memory_space<hbm>>) dst(%arg12 : memref<6x112xi32, #tpu.memory_space<vmem>>)
        tpu.yield
      }) : () -> ()
      %dma_wait3A_1198 = arith.constant 0 : i32
      %dma_wait3A_1199 = arith.constant 0 : i32
      %dma_wait3A_1200 = arith.constant 0 : i32
      %dma_wait3A_1201 = arith.constant 0 : i32
      %dma_wait3A_1202 = tpu.memref_slice %arg14[%dma_wait3A_1199, %dma_wait3A_1200, %dma_wait3A_1201] : memref<2x112x128xf32, #tpu.memory_space<vmem>> -> memref<1x112x128xf32, #tpu.memory_space<vmem>>
      %dma_wait3A_1203 = tpu.memref_squeeze %dma_wait3A_1202 : memref<1x112x128xf32, #tpu.memory_space<vmem>> -> memref<112x128xf32, #tpu.memory_space<vmem>>
      %dma_wait3A_1204 = arith.constant 0 : i32
      %dma_wait3A_1205 = tpu.memref_slice %arg13[%dma_wait3A_1198, %dma_wait3A_1204] : memref<4x112xi32, #tpu.memory_space<vmem>> -> memref<1x112xi32, #tpu.memory_space<vmem>>
      %dma_wait3A_1206 = tpu.memref_squeeze %dma_wait3A_1205 : memref<1x112xi32, #tpu.memory_space<vmem>> -> memref<112xi32, #tpu.memory_space<vmem>>
      %dma_wait3A_1207 = arith.constant 0 : i32
      %dma_wait3A_1208 = arith.constant 0 : i32
      %dma_wait3A_1209 = tpu.memref_slice %arg2[%dma_wait3A_1207, %dma_wait3A_1208] : memref<10000x128xf32, #tpu.memory_space<hbm>> -> memref<10000x128xf32, #tpu.memory_space<hbm>>
      tpu.wait_indirect_dma semaphore(%arg19 : memref<!tpu.dma_semaphore, #tpu.memory_space<semaphore_mem>>) src(%dma_wait3A_1209 : memref<10000x128xf32, #tpu.memory_space<hbm>>) dst(%dma_wait3A_1203 : memref<112x128xf32, #tpu.memory_space<vmem>>)
      %dma_wait3A_1210 = arith.constant 0 : i32
      %dma_wait3A_1211 = arith.constant 0 : i32
      %dma_wait3A_1212 = arith.constant 0 : i32
      %dma_wait3A_1213 = arith.constant 0 : i32
      %dma_wait3A_1214 = tpu.memref_slice %arg14[%dma_wait3A_1211, %dma_wait3A_1212, %dma_wait3A_1213] : memref<2x112x128xf32, #tpu.memory_space<vmem>> -> memref<1x112x128xf32, #tpu.memory_space<vmem>>
      %dma_wait3A_1215 = tpu.memref_squeeze %dma_wait3A_1214 : memref<1x112x128xf32, #tpu.memory_space<vmem>> -> memref<112x128xf32, #tpu.memory_space<vmem>>
      %dma_wait3A_1216 = arith.constant 0 : i32
      %dma_wait3A_1217 = tpu.memref_slice %arg13[%dma_wait3A_1210, %dma_wait3A_1216] : memref<4x112xi32, #tpu.memory_space<vmem>> -> memref<1x112xi32, #tpu.memory_space<vmem>>
      %dma_wait3A_1218 = tpu.memref_squeeze %dma_wait3A_1217 : memref<1x112xi32, #tpu.memory_space<vmem>> -> memref<112xi32, #tpu.memory_space<vmem>>
      %dma_wait3A_1219 = arith.constant 0 : i32
      %dma_wait3A_1220 = arith.constant 0 : i32
      %dma_wait3A_1221 = tpu.memref_slice %arg2[%dma_wait3A_1219, %dma_wait3A_1220] : memref<10000x128xf32, #tpu.memory_space<hbm>> -> memref<10000x128xf32, #tpu.memory_space<hbm>>
      tpu.wait_indirect_dma semaphore(%arg19 : memref<!tpu.dma_semaphore, #tpu.memory_space<semaphore_mem>>) src(%dma_wait3A_1221 : memref<10000x128xf32, #tpu.memory_space<hbm>>) dst(%dma_wait3A_1215 : memref<112x128xf32, #tpu.memory_space<vmem>>)
      %dma_start3A_1222 = arith.constant 0 : i32
      %dma_start3A_1223 = arith.constant 2 : i32
      %dma_start3A_1224 = arith.constant 0 : i32
      %dma_start3A_1225 = arith.constant 0 : i32
      %dma_start3A_1226 = tpu.memref_slice %arg14[%dma_start3A_1222, %dma_start3A_1224, %dma_start3A_1225] : memref<2x112x128xf32, #tpu.memory_space<vmem>> -> memref<1x112x128xf32, #tpu.memory_space<vmem>>
      %dma_start3A_1227 = tpu.memref_squeeze %dma_start3A_1226 : memref<1x112x128xf32, #tpu.memory_space<vmem>> -> memref<112x128xf32, #tpu.memory_space<vmem>>
      %dma_start3A_1228 = arith.constant 0 : i32
      %dma_start3A_1229 = tpu.memref_slice %arg11[%dma_start3A_1223, %dma_start3A_1228] : memref<6x112xi32, #tpu.memory_space<vmem>> -> memref<1x112xi32, #tpu.memory_space<vmem>>
      %dma_start3A_1230 = tpu.memref_squeeze %dma_start3A_1229 : memref<1x112xi32, #tpu.memory_space<vmem>> -> memref<112xi32, #tpu.memory_space<vmem>>
      %dma_start3A_1231 = arith.constant 0 : i32
      %dma_start3A_1232 = arith.constant 0 : i32
      %dma_start3A_1233 = tpu.memref_slice %arg16[%dma_start3A_1231, %dma_start3A_1232] : memref<10112x128xf32, #tpu.memory_space<vmem_shared>> -> memref<10112x128xf32, #tpu.memory_space<vmem_shared>>
      tpu.enqueue_indirect_dma source(%dma_start3A_1227 : memref<112x128xf32, #tpu.memory_space<vmem>>) target(%dma_start3A_1233 : memref<10112x128xf32, #tpu.memory_space<vmem_shared>>) offsets(%dma_start3A_1230 : memref<112xi32, #tpu.memory_space<vmem>>) semaphore(%arg20 : memref<!tpu.dma_semaphore, #tpu.memory_space<semaphore_mem>>) {add = true}
      %dma_start3A_1234 = arith.constant 2 : i32
      %dma_start3A_1235 = arith.constant 0 : i32
      %dma_start3A_1236 = tpu.memref_slice %arg11[%dma_start3A_1234, %dma_start3A_1235] : memref<6x112xi32, #tpu.memory_space<vmem>> -> memref<1x112xi32, #tpu.memory_space<vmem>>
      %dma_start3A_1237 = tpu.memref_squeeze %dma_start3A_1236 : memref<1x112xi32, #tpu.memory_space<vmem>> -> memref<112xi32, #tpu.memory_space<vmem>>
      %dma_start3A_1238 = arith.constant 0 : i32
      %dma_start3A_1239 = arith.constant 0 : i32
      %dma_start3A_1240 = tpu.memref_slice %arg17[%dma_start3A_1238, %dma_start3A_1239] : memref<10112x16xf32, #tpu.memory_space<vmem_shared>> -> memref<10112x16xf32, #tpu.memory_space<vmem_shared>>
      tpu.enqueue_indirect_dma source(%arg15 : memref<112x16xf32, #tpu.memory_space<vmem>>) target(%dma_start3A_1240 : memref<10112x16xf32, #tpu.memory_space<vmem_shared>>) offsets(%dma_start3A_1237 : memref<112xi32, #tpu.memory_space<vmem>>) semaphore(%arg21 : memref<!tpu.dma_semaphore, #tpu.memory_space<semaphore_mem>>) {add = true}
      %dma_start3A_1241 = arith.constant 1 : i32
      %dma_start3A_1242 = arith.constant 3 : i32
      %dma_start3A_1243 = arith.constant 0 : i32
      %dma_start3A_1244 = arith.constant 0 : i32
      %dma_start3A_1245 = tpu.memref_slice %arg14[%dma_start3A_1241, %dma_start3A_1243, %dma_start3A_1244] : memref<2x112x128xf32, #tpu.memory_space<vmem>> -> memref<1x112x128xf32, #tpu.memory_space<vmem>>
      %dma_start3A_1246 = tpu.memref_squeeze %dma_start3A_1245 : memref<1x112x128xf32, #tpu.memory_space<vmem>> -> memref<112x128xf32, #tpu.memory_space<vmem>>
      %dma_start3A_1247 = arith.constant 0 : i32
      %dma_start3A_1248 = tpu.memref_slice %arg11[%dma_start3A_1242, %dma_start3A_1247] : memref<6x112xi32, #tpu.memory_space<vmem>> -> memref<1x112xi32, #tpu.memory_space<vmem>>
      %dma_start3A_1249 = tpu.memref_squeeze %dma_start3A_1248 : memref<1x112xi32, #tpu.memory_space<vmem>> -> memref<112xi32, #tpu.memory_space<vmem>>
      %dma_start3A_1250 = arith.constant 0 : i32
      %dma_start3A_1251 = arith.constant 0 : i32
      %dma_start3A_1252 = tpu.memref_slice %arg16[%dma_start3A_1250, %dma_start3A_1251] : memref<10112x128xf32, #tpu.memory_space<vmem_shared>> -> memref<10112x128xf32, #tpu.memory_space<vmem_shared>>
      tpu.enqueue_indirect_dma source(%dma_start3A_1246 : memref<112x128xf32, #tpu.memory_space<vmem>>) target(%dma_start3A_1252 : memref<10112x128xf32, #tpu.memory_space<vmem_shared>>) offsets(%dma_start3A_1249 : memref<112xi32, #tpu.memory_space<vmem>>) semaphore(%arg20 : memref<!tpu.dma_semaphore, #tpu.memory_space<semaphore_mem>>) {add = true}
      %dma_start3A_1253 = arith.constant 3 : i32
      %dma_start3A_1254 = arith.constant 0 : i32
      %dma_start3A_1255 = tpu.memref_slice %arg11[%dma_start3A_1253, %dma_start3A_1254] : memref<6x112xi32, #tpu.memory_space<vmem>> -> memref<1x112xi32, #tpu.memory_space<vmem>>
      %dma_start3A_1256 = tpu.memref_squeeze %dma_start3A_1255 : memref<1x112xi32, #tpu.memory_space<vmem>> -> memref<112xi32, #tpu.memory_space<vmem>>
      %dma_start3A_1257 = arith.constant 0 : i32
      %dma_start3A_1258 = arith.constant 0 : i32
      %dma_start3A_1259 = tpu.memref_slice %arg17[%dma_start3A_1257, %dma_start3A_1258] : memref<10112x16xf32, #tpu.memory_space<vmem_shared>> -> memref<10112x16xf32, #tpu.memory_space<vmem_shared>>
      tpu.enqueue_indirect_dma source(%arg15 : memref<112x16xf32, #tpu.memory_space<vmem>>) target(%dma_start3A_1259 : memref<10112x16xf32, #tpu.memory_space<vmem_shared>>) offsets(%dma_start3A_1256 : memref<112xi32, #tpu.memory_space<vmem>>) semaphore(%arg21 : memref<!tpu.dma_semaphore, #tpu.memory_space<semaphore_mem>>) {add = true}
      %dma_wait3A_1260 = arith.constant 0 : i32
      %dma_wait3A_1261 = arith.constant 0 : i32
      %dma_wait3A_1262 = arith.constant 0 : i32
      %dma_wait3A_1263 = arith.constant 0 : i32
      %dma_wait3A_1264 = tpu.memref_slice %arg14[%dma_wait3A_1260, %dma_wait3A_1262, %dma_wait3A_1263] : memref<2x112x128xf32, #tpu.memory_space<vmem>> -> memref<1x112x128xf32, #tpu.memory_space<vmem>>
      %dma_wait3A_1265 = tpu.memref_squeeze %dma_wait3A_1264 : memref<1x112x128xf32, #tpu.memory_space<vmem>> -> memref<112x128xf32, #tpu.memory_space<vmem>>
      %dma_wait3A_1266 = arith.constant 0 : i32
      %dma_wait3A_1267 = tpu.memref_slice %arg11[%dma_wait3A_1261, %dma_wait3A_1266] : memref<6x112xi32, #tpu.memory_space<vmem>> -> memref<1x112xi32, #tpu.memory_space<vmem>>
      %dma_wait3A_1268 = tpu.memref_squeeze %dma_wait3A_1267 : memref<1x112xi32, #tpu.memory_space<vmem>> -> memref<112xi32, #tpu.memory_space<vmem>>
      %dma_wait3A_1269 = arith.constant 0 : i32
      %dma_wait3A_1270 = arith.constant 0 : i32
      %dma_wait3A_1271 = tpu.memref_slice %arg16[%dma_wait3A_1269, %dma_wait3A_1270] : memref<10112x128xf32, #tpu.memory_space<vmem_shared>> -> memref<10112x128xf32, #tpu.memory_space<vmem_shared>>
      tpu.wait_indirect_dma semaphore(%arg20 : memref<!tpu.dma_semaphore, #tpu.memory_space<semaphore_mem>>) src(%dma_wait3A_1265 : memref<112x128xf32, #tpu.memory_space<vmem>>) dst(%dma_wait3A_1271 : memref<10112x128xf32, #tpu.memory_space<vmem_shared>>)
      %dma_wait3A_1272 = arith.constant 0 : i32
      %dma_wait3A_1273 = arith.constant 0 : i32
      %dma_wait3A_1274 = tpu.memref_slice %arg11[%dma_wait3A_1272, %dma_wait3A_1273] : memref<6x112xi32, #tpu.memory_space<vmem>> -> memref<1x112xi32, #tpu.memory_space<vmem>>
      %dma_wait3A_1275 = tpu.memref_squeeze %dma_wait3A_1274 : memref<1x112xi32, #tpu.memory_space<vmem>> -> memref<112xi32, #tpu.memory_space<vmem>>
      %dma_wait3A_1276 = arith.constant 0 : i32
      %dma_wait3A_1277 = arith.constant 0 : i32
      %dma_wait3A_1278 = tpu.memref_slice %arg17[%dma_wait3A_1276, %dma_wait3A_1277] : memref<10112x16xf32, #tpu.memory_space<vmem_shared>> -> memref<10112x16xf32, #tpu.memory_space<vmem_shared>>
      tpu.wait_indirect_dma semaphore(%arg21 : memref<!tpu.dma_semaphore, #tpu.memory_space<semaphore_mem>>) src(%arg15 : memref<112x16xf32, #tpu.memory_space<vmem>>) dst(%dma_wait3A_1278 : memref<10112x16xf32, #tpu.memory_space<vmem_shared>>)
      %dma_wait3A_1279 = arith.constant 0 : i32
      %dma_wait3A_1280 = arith.constant 0 : i32
      %dma_wait3A_1281 = arith.constant 0 : i32
      %dma_wait3A_1282 = arith.constant 0 : i32
      %dma_wait3A_1283 = tpu.memref_slice %arg14[%dma_wait3A_1279, %dma_wait3A_1281, %dma_wait3A_1282] : memref<2x112x128xf32, #tpu.memory_space<vmem>> -> memref<1x112x128xf32, #tpu.memory_space<vmem>>
      %dma_wait3A_1284 = tpu.memref_squeeze %dma_wait3A_1283 : memref<1x112x128xf32, #tpu.memory_space<vmem>> -> memref<112x128xf32, #tpu.memory_space<vmem>>
      %dma_wait3A_1285 = arith.constant 0 : i32
      %dma_wait3A_1286 = tpu.memref_slice %arg11[%dma_wait3A_1280, %dma_wait3A_1285] : memref<6x112xi32, #tpu.memory_space<vmem>> -> memref<1x112xi32, #tpu.memory_space<vmem>>
      %dma_wait3A_1287 = tpu.memref_squeeze %dma_wait3A_1286 : memref<1x112xi32, #tpu.memory_space<vmem>> -> memref<112xi32, #tpu.memory_space<vmem>>
      %dma_wait3A_1288 = arith.constant 0 : i32
      %dma_wait3A_1289 = arith.constant 0 : i32
      %dma_wait3A_1290 = tpu.memref_slice %arg16[%dma_wait3A_1288, %dma_wait3A_1289] : memref<10112x128xf32, #tpu.memory_space<vmem_shared>> -> memref<10112x128xf32, #tpu.memory_space<vmem_shared>>
      tpu.wait_indirect_dma semaphore(%arg20 : memref<!tpu.dma_semaphore, #tpu.memory_space<semaphore_mem>>) src(%dma_wait3A_1284 : memref<112x128xf32, #tpu.memory_space<vmem>>) dst(%dma_wait3A_1290 : memref<10112x128xf32, #tpu.memory_space<vmem_shared>>)
      %dma_wait3A_1291 = arith.constant 0 : i32
      %dma_wait3A_1292 = arith.constant 0 : i32
      %dma_wait3A_1293 = tpu.memref_slice %arg11[%dma_wait3A_1291, %dma_wait3A_1292] : memref<6x112xi32, #tpu.memory_space<vmem>> -> memref<1x112xi32, #tpu.memory_space<vmem>>
      %dma_wait3A_1294 = tpu.memref_squeeze %dma_wait3A_1293 : memref<1x112xi32, #tpu.memory_space<vmem>> -> memref<112xi32, #tpu.memory_space<vmem>>
      %dma_wait3A_1295 = arith.constant 0 : i32
      %dma_wait3A_1296 = arith.constant 0 : i32
      %dma_wait3A_1297 = tpu.memref_slice %arg17[%dma_wait3A_1295, %dma_wait3A_1296] : memref<10112x16xf32, #tpu.memory_space<vmem_shared>> -> memref<10112x16xf32, #tpu.memory_space<vmem_shared>>
      tpu.wait_indirect_dma semaphore(%arg21 : memref<!tpu.dma_semaphore, #tpu.memory_space<semaphore_mem>>) src(%arg15 : memref<112x16xf32, #tpu.memory_space<vmem>>) dst(%dma_wait3A_1297 : memref<10112x16xf32, #tpu.memory_space<vmem_shared>>)
      %dma_start3A_1298 = arith.constant 0 : i32
      %dma_start3A_1299 = arith.constant 0 : i32
      %dma_start3A_1300 = arith.constant 0 : i32
      %dma_start3A_1301 = arith.constant 0 : i32
      %dma_start3A_1302 = tpu.memref_slice %arg14[%dma_start3A_1299, %dma_start3A_1300, %dma_start3A_1301] : memref<2x112x128xf32, #tpu.memory_space<vmem>> -> memref<1x112x128xf32, #tpu.memory_space<vmem>>
      %dma_start3A_1303 = tpu.memref_squeeze %dma_start3A_1302 : memref<1x112x128xf32, #tpu.memory_space<vmem>> -> memref<112x128xf32, #tpu.memory_space<vmem>>
      %dma_start3A_1304 = arith.constant 0 : i32
      %dma_start3A_1305 = tpu.memref_slice %arg13[%dma_start3A_1298, %dma_start3A_1304] : memref<4x112xi32, #tpu.memory_space<vmem>> -> memref<1x112xi32, #tpu.memory_space<vmem>>
      %dma_start3A_1306 = tpu.memref_squeeze %dma_start3A_1305 : memref<1x112xi32, #tpu.memory_space<vmem>> -> memref<112xi32, #tpu.memory_space<vmem>>
      %dma_start3A_1307 = arith.constant 0 : i32
      %dma_start3A_1308 = arith.constant 0 : i32
      %dma_start3A_1309 = tpu.memref_slice %arg2[%dma_start3A_1307, %dma_start3A_1308] : memref<10000x128xf32, #tpu.memory_space<hbm>> -> memref<10000x128xf32, #tpu.memory_space<hbm>>
      tpu.enqueue_indirect_dma source(%dma_start3A_1309 : memref<10000x128xf32, #tpu.memory_space<hbm>>) target(%dma_start3A_1303 : memref<112x128xf32, #tpu.memory_space<vmem>>) offsets(%dma_start3A_1306 : memref<112xi32, #tpu.memory_space<vmem>>) semaphore(%arg19 : memref<!tpu.dma_semaphore, #tpu.memory_space<semaphore_mem>>)
      %dma_start3A_1310 = arith.constant 1 : i32
      %dma_start3A_1311 = arith.constant 1 : i32
      %dma_start3A_1312 = arith.constant 0 : i32
      %dma_start3A_1313 = arith.constant 0 : i32
      %dma_start3A_1314 = tpu.memref_slice %arg14[%dma_start3A_1311, %dma_start3A_1312, %dma_start3A_1313] : memref<2x112x128xf32, #tpu.memory_space<vmem>> -> memref<1x112x128xf32, #tpu.memory_space<vmem>>
      %dma_start3A_1315 = tpu.memref_squeeze %dma_start3A_1314 : memref<1x112x128xf32, #tpu.memory_space<vmem>> -> memref<112x128xf32, #tpu.memory_space<vmem>>
      %dma_start3A_1316 = arith.constant 0 : i32
      %dma_start3A_1317 = tpu.memref_slice %arg13[%dma_start3A_1310, %dma_start3A_1316] : memref<4x112xi32, #tpu.memory_space<vmem>> -> memref<1x112xi32, #tpu.memory_space<vmem>>
      %dma_start3A_1318 = tpu.memref_squeeze %dma_start3A_1317 : memref<1x112xi32, #tpu.memory_space<vmem>> -> memref<112xi32, #tpu.memory_space<vmem>>
      %dma_start3A_1319 = arith.constant 0 : i32
      %dma_start3A_1320 = arith.constant 0 : i32
      %dma_start3A_1321 = tpu.memref_slice %arg2[%dma_start3A_1319, %dma_start3A_1320] : memref<10000x128xf32, #tpu.memory_space<hbm>> -> memref<10000x128xf32, #tpu.memory_space<hbm>>
      tpu.enqueue_indirect_dma source(%dma_start3A_1321 : memref<10000x128xf32, #tpu.memory_space<hbm>>) target(%dma_start3A_1315 : memref<112x128xf32, #tpu.memory_space<vmem>>) offsets(%dma_start3A_1318 : memref<112xi32, #tpu.memory_space<vmem>>) semaphore(%arg19 : memref<!tpu.dma_semaphore, #tpu.memory_space<semaphore_mem>>)
      %get3A_1322 = arith.constant 0 : i32
      %get3A_1323 = arith.index_cast %get3A_1322 : i32 to index
      %get3A_1324 = arith.constant 0 : index
      %get3A_1325 = tpu.vector_load %arg10[%get3A_1323, %get3A_1324] {strides = array<i32>} : memref<6x112xi32, #tpu.memory_space<vmem>>, vector<16xi32>,
      %shift_right_logical3A_1326 = arith.constant 1 : i32
      %shift_right_logical3A_1327 = vector.broadcast %shift_right_logical3A_1326 : i32 to vector<16xi32>
      %shift_right_logical3A_1328 = arith.shrui %get3A_1325, %shift_right_logical3A_1327 : vector<16xi32>
      %gather3A_1329 = tpu.vector_load_idx %arg8[%shift_right_logical3A_1328] : memref<5000xi32, #tpu.memory_space<vmem>>[vector<16xi32>], vector<16xi32>,
      %and3A_1330 = arith.constant 1 : i32
      %and3A_1331 = vector.broadcast %and3A_1330 : i32 to vector<16xi32>
      %and3A_1332 = arith.andi %get3A_1325, %and3A_1331 : vector<16xi32>
      %mul3A_1333 = arith.constant 16 : i32
      %mul3A_1334 = vector.broadcast %mul3A_1333 : i32 to vector<16xi32>
      %mul3A_1335 = arith.muli %and3A_1332, %mul3A_1334 : vector<16xi32>
      %shift_right_logical3A_1336 = arith.shrui %gather3A_1329, %mul3A_1335 : vector<16xi32>
      %and3A_1337 = arith.constant 65535 : i32
      %and3A_1338 = vector.broadcast %and3A_1337 : i32 to vector<16xi32>
      %and3A_1339 = arith.andi %shift_right_logical3A_1336, %and3A_1338 : vector<16xi32>
      %swap3A_1340 = arith.constant 2 : i32
      %swap3A_1341 = arith.index_cast %swap3A_1340 : i32 to index
      %swap3A_1342 = arith.constant 0 : index
      %swap3A_1343 = tpu.vector_load %arg13[%swap3A_1341, %swap3A_1342] {strides = array<i32>} : memref<4x112xi32, #tpu.memory_space<vmem>>, vector<16xi32>,
      tpu.vector_store %arg13[%swap3A_1341, %swap3A_1342], %and3A_1339 {strides = array<i32>} : memref<4x112xi32, #tpu.memory_space<vmem>>, vector<16xi32>,
      %get3A_1344 = arith.constant 0 : i32
      %get3A_1345 = arith.index_cast %get3A_1344 : i32 to index
      %get3A_1346 = arith.constant 16 : index
      %get3A_1347 = tpu.vector_load %arg10[%get3A_1345, %get3A_1346] {strides = array<i32>} : memref<6x112xi32, #tpu.memory_space<vmem>>, vector<16xi32>,
      %shift_right_logical3A_1348 = arith.constant 1 : i32
      %shift_right_logical3A_1349 = vector.broadcast %shift_right_logical3A_1348 : i32 to vector<16xi32>
      %shift_right_logical3A_1350 = arith.shrui %get3A_1347, %shift_right_logical3A_1349 : vector<16xi32>
      %gather3A_1351 = tpu.vector_load_idx %arg8[%shift_right_logical3A_1350] : memref<5000xi32, #tpu.memory_space<vmem>>[vector<16xi32>], vector<16xi32>,
      %and3A_1352 = arith.constant 1 : i32
      %and3A_1353 = vector.broadcast %and3A_1352 : i32 to vector<16xi32>
      %and3A_1354 = arith.andi %get3A_1347, %and3A_1353 : vector<16xi32>
      %mul3A_1355 = arith.constant 16 : i32
      %mul3A_1356 = vector.broadcast %mul3A_1355 : i32 to vector<16xi32>
      %mul3A_1357 = arith.muli %and3A_1354, %mul3A_1356 : vector<16xi32>
      %shift_right_logical3A_1358 = arith.shrui %gather3A_1351, %mul3A_1357 : vector<16xi32>
      %and3A_1359 = arith.constant 65535 : i32
      %and3A_1360 = vector.broadcast %and3A_1359 : i32 to vector<16xi32>
      %and3A_1361 = arith.andi %shift_right_logical3A_1358, %and3A_1360 : vector<16xi32>
      %swap3A_1362 = arith.constant 2 : i32
      %swap3A_1363 = arith.index_cast %swap3A_1362 : i32 to index
      %swap3A_1364 = arith.constant 16 : index
      %swap3A_1365 = tpu.vector_load %arg13[%swap3A_1363, %swap3A_1364] {strides = array<i32>} : memref<4x112xi32, #tpu.memory_space<vmem>>, vector<16xi32>,
      tpu.vector_store %arg13[%swap3A_1363, %swap3A_1364], %and3A_1361 {strides = array<i32>} : memref<4x112xi32, #tpu.memory_space<vmem>>, vector<16xi32>,
      %get3A_1366 = arith.constant 0 : i32
      %get3A_1367 = arith.index_cast %get3A_1366 : i32 to index
      %get3A_1368 = arith.constant 32 : index
      %get3A_1369 = tpu.vector_load %arg10[%get3A_1367, %get3A_1368] {strides = array<i32>} : memref<6x112xi32, #tpu.memory_space<vmem>>, vector<16xi32>,
      %shift_right_logical3A_1370 = arith.constant 1 : i32
      %shift_right_logical3A_1371 = vector.broadcast %shift_right_logical3A_1370 : i32 to vector<16xi32>
      %shift_right_logical3A_1372 = arith.shrui %get3A_1369, %shift_right_logical3A_1371 : vector<16xi32>
      %gather3A_1373 = tpu.vector_load_idx %arg8[%shift_right_logical3A_1372] : memref<5000xi32, #tpu.memory_space<vmem>>[vector<16xi32>], vector<16xi32>,
      %and3A_1374 = arith.constant 1 : i32
      %and3A_1375 = vector.broadcast %and3A_1374 : i32 to vector<16xi32>
      %and3A_1376 = arith.andi %get3A_1369, %and3A_1375 : vector<16xi32>
      %mul3A_1377 = arith.constant 16 : i32
      %mul3A_1378 = vector.broadcast %mul3A_1377 : i32 to vector<16xi32>
      %mul3A_1379 = arith.muli %and3A_1376, %mul3A_1378 : vector<16xi32>
      %shift_right_logical3A_1380 = arith.shrui %gather3A_1373, %mul3A_1379 : vector<16xi32>
      %and3A_1381 = arith.constant 65535 : i32
      %and3A_1382 = vector.broadcast %and3A_1381 : i32 to vector<16xi32>
      %and3A_1383 = arith.andi %shift_right_logical3A_1380, %and3A_1382 : vector<16xi32>
      %swap3A_1384 = arith.constant 2 : i32
      %swap3A_1385 = arith.index_cast %swap3A_1384 : i32 to index
      %swap3A_1386 = arith.constant 32 : index
      %swap3A_1387 = tpu.vector_load %arg13[%swap3A_1385, %swap3A_1386] {strides = array<i32>} : memref<4x112xi32, #tpu.memory_space<vmem>>, vector<16xi32>,
      tpu.vector_store %arg13[%swap3A_1385, %swap3A_1386], %and3A_1383 {strides = array<i32>} : memref<4x112xi32, #tpu.memory_space<vmem>>, vector<16xi32>,
      %get3A_1388 = arith.constant 0 : i32
      %get3A_1389 = arith.index_cast %get3A_1388 : i32 to index
      %get3A_1390 = arith.constant 48 : index
      %get3A_1391 = tpu.vector_load %arg10[%get3A_1389, %get3A_1390] {strides = array<i32>} : memref<6x112xi32, #tpu.memory_space<vmem>>, vector<16xi32>,
      %shift_right_logical3A_1392 = arith.constant 1 : i32
      %shift_right_logical3A_1393 = vector.broadcast %shift_right_logical3A_1392 : i32 to vector<16xi32>
      %shift_right_logical3A_1394 = arith.shrui %get3A_1391, %shift_right_logical3A_1393 : vector<16xi32>
      %gather3A_1395 = tpu.vector_load_idx %arg8[%shift_right_logical3A_1394] : memref<5000xi32, #tpu.memory_space<vmem>>[vector<16xi32>], vector<16xi32>,
      %and3A_1396 = arith.constant 1 : i32
      %and3A_1397 = vector.broadcast %and3A_1396 : i32 to vector<16xi32>
      %and3A_1398 = arith.andi %get3A_1391, %and3A_1397 : vector<16xi32>
      %mul3A_1399 = arith.constant 16 : i32
      %mul3A_1400 = vector.broadcast %mul3A_1399 : i32 to vector<16xi32>
      %mul3A_1401 = arith.muli %and3A_1398, %mul3A_1400 : vector<16xi32>
      %shift_right_logical3A_1402 = arith.shrui %gather3A_1395, %mul3A_1401 : vector<16xi32>
      %and3A_1403 = arith.constant 65535 : i32
      %and3A_1404 = vector.broadcast %and3A_1403 : i32 to vector<16xi32>
      %and3A_1405 = arith.andi %shift_right_logical3A_1402, %and3A_1404 : vector<16xi32>
      %swap3A_1406 = arith.constant 2 : i32
      %swap3A_1407 = arith.index_cast %swap3A_1406 : i32 to index
      %swap3A_1408 = arith.constant 48 : index
      %swap3A_1409 = tpu.vector_load %arg13[%swap3A_1407, %swap3A_1408] {strides = array<i32>} : memref<4x112xi32, #tpu.memory_space<vmem>>, vector<16xi32>,
      tpu.vector_store %arg13[%swap3A_1407, %swap3A_1408], %and3A_1405 {strides = array<i32>} : memref<4x112xi32, #tpu.memory_space<vmem>>, vector<16xi32>,
      %get3A_1410 = arith.constant 0 : i32
      %get3A_1411 = arith.index_cast %get3A_1410 : i32 to index
      %get3A_1412 = arith.constant 64 : index
      %get3A_1413 = tpu.vector_load %arg10[%get3A_1411, %get3A_1412] {strides = array<i32>} : memref<6x112xi32, #tpu.memory_space<vmem>>, vector<16xi32>,
      %shift_right_logical3A_1414 = arith.constant 1 : i32
      %shift_right_logical3A_1415 = vector.broadcast %shift_right_logical3A_1414 : i32 to vector<16xi32>
      %shift_right_logical3A_1416 = arith.shrui %get3A_1413, %shift_right_logical3A_1415 : vector<16xi32>
      %gather3A_1417 = tpu.vector_load_idx %arg8[%shift_right_logical3A_1416] : memref<5000xi32, #tpu.memory_space<vmem>>[vector<16xi32>], vector<16xi32>,
      %and3A_1418 = arith.constant 1 : i32
      %and3A_1419 = vector.broadcast %and3A_1418 : i32 to vector<16xi32>
      %and3A_1420 = arith.andi %get3A_1413, %and3A_1419 : vector<16xi32>
      %mul3A_1421 = arith.constant 16 : i32
      %mul3A_1422 = vector.broadcast %mul3A_1421 : i32 to vector<16xi32>
      %mul3A_1423 = arith.muli %and3A_1420, %mul3A_1422 : vector<16xi32>
      %shift_right_logical3A_1424 = arith.shrui %gather3A_1417, %mul3A_1423 : vector<16xi32>
      %and3A_1425 = arith.constant 65535 : i32
      %and3A_1426 = vector.broadcast %and3A_1425 : i32 to vector<16xi32>
      %and3A_1427 = arith.andi %shift_right_logical3A_1424, %and3A_1426 : vector<16xi32>
      %swap3A_1428 = arith.constant 2 : i32
      %swap3A_1429 = arith.index_cast %swap3A_1428 : i32 to index
      %swap3A_1430 = arith.constant 64 : index
      %swap3A_1431 = tpu.vector_load %arg13[%swap3A_1429, %swap3A_1430] {strides = array<i32>} : memref<4x112xi32, #tpu.memory_space<vmem>>, vector<16xi32>,
      tpu.vector_store %arg13[%swap3A_1429, %swap3A_1430], %and3A_1427 {strides = array<i32>} : memref<4x112xi32, #tpu.memory_space<vmem>>, vector<16xi32>,
      %get3A_1432 = arith.constant 0 : i32
      %get3A_1433 = arith.index_cast %get3A_1432 : i32 to index
      %get3A_1434 = arith.constant 80 : index
      %get3A_1435 = tpu.vector_load %arg10[%get3A_1433, %get3A_1434] {strides = array<i32>} : memref<6x112xi32, #tpu.memory_space<vmem>>, vector<16xi32>,
      %shift_right_logical3A_1436 = arith.constant 1 : i32
      %shift_right_logical3A_1437 = vector.broadcast %shift_right_logical3A_1436 : i32 to vector<16xi32>
      %shift_right_logical3A_1438 = arith.shrui %get3A_1435, %shift_right_logical3A_1437 : vector<16xi32>
      %gather3A_1439 = tpu.vector_load_idx %arg8[%shift_right_logical3A_1438] : memref<5000xi32, #tpu.memory_space<vmem>>[vector<16xi32>], vector<16xi32>,
      %and3A_1440 = arith.constant 1 : i32
      %and3A_1441 = vector.broadcast %and3A_1440 : i32 to vector<16xi32>
      %and3A_1442 = arith.andi %get3A_1435, %and3A_1441 : vector<16xi32>
      %mul3A_1443 = arith.constant 16 : i32
      %mul3A_1444 = vector.broadcast %mul3A_1443 : i32 to vector<16xi32>
      %mul3A_1445 = arith.muli %and3A_1442, %mul3A_1444 : vector<16xi32>
      %shift_right_logical3A_1446 = arith.shrui %gather3A_1439, %mul3A_1445 : vector<16xi32>
      %and3A_1447 = arith.constant 65535 : i32
      %and3A_1448 = vector.broadcast %and3A_1447 : i32 to vector<16xi32>
      %and3A_1449 = arith.andi %shift_right_logical3A_1446, %and3A_1448 : vector<16xi32>
      %swap3A_1450 = arith.constant 2 : i32
      %swap3A_1451 = arith.index_cast %swap3A_1450 : i32 to index
      %swap3A_1452 = arith.constant 80 : index
      %swap3A_1453 = tpu.vector_load %arg13[%swap3A_1451, %swap3A_1452] {strides = array<i32>} : memref<4x112xi32, #tpu.memory_space<vmem>>, vector<16xi32>,
      tpu.vector_store %arg13[%swap3A_1451, %swap3A_1452], %and3A_1449 {strides = array<i32>} : memref<4x112xi32, #tpu.memory_space<vmem>>, vector<16xi32>,
      %get3A_1454 = arith.constant 0 : i32
      %get3A_1455 = arith.index_cast %get3A_1454 : i32 to index
      %get3A_1456 = arith.constant 96 : index
      %get3A_1457 = tpu.vector_load %arg10[%get3A_1455, %get3A_1456] {strides = array<i32>} : memref<6x112xi32, #tpu.memory_space<vmem>>, vector<16xi32>,
      %shift_right_logical3A_1458 = arith.constant 1 : i32
      %shift_right_logical3A_1459 = vector.broadcast %shift_right_logical3A_1458 : i32 to vector<16xi32>
      %shift_right_logical3A_1460 = arith.shrui %get3A_1457, %shift_right_logical3A_1459 : vector<16xi32>
      %gather3A_1461 = tpu.vector_load_idx %arg8[%shift_right_logical3A_1460] : memref<5000xi32, #tpu.memory_space<vmem>>[vector<16xi32>], vector<16xi32>,
      %and3A_1462 = arith.constant 1 : i32
      %and3A_1463 = vector.broadcast %and3A_1462 : i32 to vector<16xi32>
      %and3A_1464 = arith.andi %get3A_1457, %and3A_1463 : vector<16xi32>
      %mul3A_1465 = arith.constant 16 : i32
      %mul3A_1466 = vector.broadcast %mul3A_1465 : i32 to vector<16xi32>
      %mul3A_1467 = arith.muli %and3A_1464, %mul3A_1466 : vector<16xi32>
      %shift_right_logical3A_1468 = arith.shrui %gather3A_1461, %mul3A_1467 : vector<16xi32>
      %and3A_1469 = arith.constant 65535 : i32
      %and3A_1470 = vector.broadcast %and3A_1469 : i32 to vector<16xi32>
      %and3A_1471 = arith.andi %shift_right_logical3A_1468, %and3A_1470 : vector<16xi32>
      %swap3A_1472 = arith.constant 2 : i32
      %swap3A_1473 = arith.index_cast %swap3A_1472 : i32 to index
      %swap3A_1474 = arith.constant 96 : index
      %swap3A_1475 = tpu.vector_load %arg13[%swap3A_1473, %swap3A_1474] {strides = array<i32>} : memref<4x112xi32, #tpu.memory_space<vmem>>, vector<16xi32>,
      tpu.vector_store %arg13[%swap3A_1473, %swap3A_1474], %and3A_1471 {strides = array<i32>} : memref<4x112xi32, #tpu.memory_space<vmem>>, vector<16xi32>,
      %get3A_1476 = arith.constant 1 : i32
      %get3A_1477 = arith.index_cast %get3A_1476 : i32 to index
      %get3A_1478 = arith.constant 0 : index
      %get3A_1479 = tpu.vector_load %arg10[%get3A_1477, %get3A_1478] {strides = array<i32>} : memref<6x112xi32, #tpu.memory_space<vmem>>, vector<16xi32>,
      %shift_right_logical3A_1480 = arith.constant 1 : i32
      %shift_right_logical3A_1481 = vector.broadcast %shift_right_logical3A_1480 : i32 to vector<16xi32>
      %shift_right_logical3A_1482 = arith.shrui %get3A_1479, %shift_right_logical3A_1481 : vector<16xi32>
      %gather3A_1483 = tpu.vector_load_idx %arg8[%shift_right_logical3A_1482] : memref<5000xi32, #tpu.memory_space<vmem>>[vector<16xi32>], vector<16xi32>,
      %and3A_1484 = arith.constant 1 : i32
      %and3A_1485 = vector.broadcast %and3A_1484 : i32 to vector<16xi32>
      %and3A_1486 = arith.andi %get3A_1479, %and3A_1485 : vector<16xi32>
      %mul3A_1487 = arith.constant 16 : i32
      %mul3A_1488 = vector.broadcast %mul3A_1487 : i32 to vector<16xi32>
      %mul3A_1489 = arith.muli %and3A_1486, %mul3A_1488 : vector<16xi32>
      %shift_right_logical3A_1490 = arith.shrui %gather3A_1483, %mul3A_1489 : vector<16xi32>
      %and3A_1491 = arith.constant 65535 : i32
      %and3A_1492 = vector.broadcast %and3A_1491 : i32 to vector<16xi32>
      %and3A_1493 = arith.andi %shift_right_logical3A_1490, %and3A_1492 : vector<16xi32>
      %swap3A_1494 = arith.constant 3 : i32
      %swap3A_1495 = arith.index_cast %swap3A_1494 : i32 to index
      %swap3A_1496 = arith.constant 0 : index
      %swap3A_1497 = tpu.vector_load %arg13[%swap3A_1495, %swap3A_1496] {strides = array<i32>} : memref<4x112xi32, #tpu.memory_space<vmem>>, vector<16xi32>,
      tpu.vector_store %arg13[%swap3A_1495, %swap3A_1496], %and3A_1493 {strides = array<i32>} : memref<4x112xi32, #tpu.memory_space<vmem>>, vector<16xi32>,
      %get3A_1498 = arith.constant 1 : i32
      %get3A_1499 = arith.index_cast %get3A_1498 : i32 to index
      %get3A_1500 = arith.constant 16 : index
      %get3A_1501 = tpu.vector_load %arg10[%get3A_1499, %get3A_1500] {strides = array<i32>} : memref<6x112xi32, #tpu.memory_space<vmem>>, vector<16xi32>,
      %shift_right_logical3A_1502 = arith.constant 1 : i32
      %shift_right_logical3A_1503 = vector.broadcast %shift_right_logical3A_1502 : i32 to vector<16xi32>
      %shift_right_logical3A_1504 = arith.shrui %get3A_1501, %shift_right_logical3A_1503 : vector<16xi32>
      %gather3A_1505 = tpu.vector_load_idx %arg8[%shift_right_logical3A_1504] : memref<5000xi32, #tpu.memory_space<vmem>>[vector<16xi32>], vector<16xi32>,
      %and3A_1506 = arith.constant 1 : i32
      %and3A_1507 = vector.broadcast %and3A_1506 : i32 to vector<16xi32>
      %and3A_1508 = arith.andi %get3A_1501, %and3A_1507 : vector<16xi32>
      %mul3A_1509 = arith.constant 16 : i32
      %mul3A_1510 = vector.broadcast %mul3A_1509 : i32 to vector<16xi32>
      %mul3A_1511 = arith.muli %and3A_1508, %mul3A_1510 : vector<16xi32>
      %shift_right_logical3A_1512 = arith.shrui %gather3A_1505, %mul3A_1511 : vector<16xi32>
      %and3A_1513 = arith.constant 65535 : i32
      %and3A_1514 = vector.broadcast %and3A_1513 : i32 to vector<16xi32>
      %and3A_1515 = arith.andi %shift_right_logical3A_1512, %and3A_1514 : vector<16xi32>
      %swap3A_1516 = arith.constant 3 : i32
      %swap3A_1517 = arith.index_cast %swap3A_1516 : i32 to index
      %swap3A_1518 = arith.constant 16 : index
      %swap3A_1519 = tpu.vector_load %arg13[%swap3A_1517, %swap3A_1518] {strides = array<i32>} : memref<4x112xi32, #tpu.memory_space<vmem>>, vector<16xi32>,
      tpu.vector_store %arg13[%swap3A_1517, %swap3A_1518], %and3A_1515 {strides = array<i32>} : memref<4x112xi32, #tpu.memory_space<vmem>>, vector<16xi32>,
      %get3A_1520 = arith.constant 1 : i32
      %get3A_1521 = arith.index_cast %get3A_1520 : i32 to index
      %get3A_1522 = arith.constant 32 : index
      %get3A_1523 = tpu.vector_load %arg10[%get3A_1521, %get3A_1522] {strides = array<i32>} : memref<6x112xi32, #tpu.memory_space<vmem>>, vector<16xi32>,
      %shift_right_logical3A_1524 = arith.constant 1 : i32
      %shift_right_logical3A_1525 = vector.broadcast %shift_right_logical3A_1524 : i32 to vector<16xi32>
      %shift_right_logical3A_1526 = arith.shrui %get3A_1523, %shift_right_logical3A_1525 : vector<16xi32>
      %gather3A_1527 = tpu.vector_load_idx %arg8[%shift_right_logical3A_1526] : memref<5000xi32, #tpu.memory_space<vmem>>[vector<16xi32>], vector<16xi32>,
      %and3A_1528 = arith.constant 1 : i32
      %and3A_1529 = vector.broadcast %and3A_1528 : i32 to vector<16xi32>
      %and3A_1530 = arith.andi %get3A_1523, %and3A_1529 : vector<16xi32>
      %mul3A_1531 = arith.constant 16 : i32
      %mul3A_1532 = vector.broadcast %mul3A_1531 : i32 to vector<16xi32>
      %mul3A_1533 = arith.muli %and3A_1530, %mul3A_1532 : vector<16xi32>
      %shift_right_logical3A_1534 = arith.shrui %gather3A_1527, %mul3A_1533 : vector<16xi32>
      %and3A_1535 = arith.constant 65535 : i32
      %and3A_1536 = vector.broadcast %and3A_1535 : i32 to vector<16xi32>
      %and3A_1537 = arith.andi %shift_right_logical3A_1534, %and3A_1536 : vector<16xi32>
      %swap3A_1538 = arith.constant 3 : i32
      %swap3A_1539 = arith.index_cast %swap3A_1538 : i32 to index
      %swap3A_1540 = arith.constant 32 : index
      %swap3A_1541 = tpu.vector_load %arg13[%swap3A_1539, %swap3A_1540] {strides = array<i32>} : memref<4x112xi32, #tpu.memory_space<vmem>>, vector<16xi32>,
      tpu.vector_store %arg13[%swap3A_1539, %swap3A_1540], %and3A_1537 {strides = array<i32>} : memref<4x112xi32, #tpu.memory_space<vmem>>, vector<16xi32>,
      %get3A_1542 = arith.constant 1 : i32
      %get3A_1543 = arith.index_cast %get3A_1542 : i32 to index
      %get3A_1544 = arith.constant 48 : index
      %get3A_1545 = tpu.vector_load %arg10[%get3A_1543, %get3A_1544] {strides = array<i32>} : memref<6x112xi32, #tpu.memory_space<vmem>>, vector<16xi32>,
      %shift_right_logical3A_1546 = arith.constant 1 : i32
      %shift_right_logical3A_1547 = vector.broadcast %shift_right_logical3A_1546 : i32 to vector<16xi32>
      %shift_right_logical3A_1548 = arith.shrui %get3A_1545, %shift_right_logical3A_1547 : vector<16xi32>
      %gather3A_1549 = tpu.vector_load_idx %arg8[%shift_right_logical3A_1548] : memref<5000xi32, #tpu.memory_space<vmem>>[vector<16xi32>], vector<16xi32>,
      %and3A_1550 = arith.constant 1 : i32
      %and3A_1551 = vector.broadcast %and3A_1550 : i32 to vector<16xi32>
      %and3A_1552 = arith.andi %get3A_1545, %and3A_1551 : vector<16xi32>
      %mul3A_1553 = arith.constant 16 : i32
      %mul3A_1554 = vector.broadcast %mul3A_1553 : i32 to vector<16xi32>
      %mul3A_1555 = arith.muli %and3A_1552, %mul3A_1554 : vector<16xi32>
      %shift_right_logical3A_1556 = arith.shrui %gather3A_1549, %mul3A_1555 : vector<16xi32>
      %and3A_1557 = arith.constant 65535 : i32
      %and3A_1558 = vector.broadcast %and3A_1557 : i32 to vector<16xi32>
      %and3A_1559 = arith.andi %shift_right_logical3A_1556, %and3A_1558 : vector<16xi32>
      %swap3A_1560 = arith.constant 3 : i32
      %swap3A_1561 = arith.index_cast %swap3A_1560 : i32 to index
      %swap3A_1562 = arith.constant 48 : index
      %swap3A_1563 = tpu.vector_load %arg13[%swap3A_1561, %swap3A_1562] {strides = array<i32>} : memref<4x112xi32, #tpu.memory_space<vmem>>, vector<16xi32>,
      tpu.vector_store %arg13[%swap3A_1561, %swap3A_1562], %and3A_1559 {strides = array<i32>} : memref<4x112xi32, #tpu.memory_space<vmem>>, vector<16xi32>,
      %get3A_1564 = arith.constant 1 : i32
      %get3A_1565 = arith.index_cast %get3A_1564 : i32 to index
      %get3A_1566 = arith.constant 64 : index
      %get3A_1567 = tpu.vector_load %arg10[%get3A_1565, %get3A_1566] {strides = array<i32>} : memref<6x112xi32, #tpu.memory_space<vmem>>, vector<16xi32>,
      %shift_right_logical3A_1568 = arith.constant 1 : i32
      %shift_right_logical3A_1569 = vector.broadcast %shift_right_logical3A_1568 : i32 to vector<16xi32>
      %shift_right_logical3A_1570 = arith.shrui %get3A_1567, %shift_right_logical3A_1569 : vector<16xi32>
      %gather3A_1571 = tpu.vector_load_idx %arg8[%shift_right_logical3A_1570] : memref<5000xi32, #tpu.memory_space<vmem>>[vector<16xi32>], vector<16xi32>,
      %and3A_1572 = arith.constant 1 : i32
      %and3A_1573 = vector.broadcast %and3A_1572 : i32 to vector<16xi32>
      %and3A_1574 = arith.andi %get3A_1567, %and3A_1573 : vector<16xi32>
      %mul3A_1575 = arith.constant 16 : i32
      %mul3A_1576 = vector.broadcast %mul3A_1575 : i32 to vector<16xi32>
      %mul3A_1577 = arith.muli %and3A_1574, %mul3A_1576 : vector<16xi32>
      %shift_right_logical3A_1578 = arith.shrui %gather3A_1571, %mul3A_1577 : vector<16xi32>
      %and3A_1579 = arith.constant 65535 : i32
      %and3A_1580 = vector.broadcast %and3A_1579 : i32 to vector<16xi32>
      %and3A_1581 = arith.andi %shift_right_logical3A_1578, %and3A_1580 : vector<16xi32>
      %swap3A_1582 = arith.constant 3 : i32
      %swap3A_1583 = arith.index_cast %swap3A_1582 : i32 to index
      %swap3A_1584 = arith.constant 64 : index
      %swap3A_1585 = tpu.vector_load %arg13[%swap3A_1583, %swap3A_1584] {strides = array<i32>} : memref<4x112xi32, #tpu.memory_space<vmem>>, vector<16xi32>,
      tpu.vector_store %arg13[%swap3A_1583, %swap3A_1584], %and3A_1581 {strides = array<i32>} : memref<4x112xi32, #tpu.memory_space<vmem>>, vector<16xi32>,
      %get3A_1586 = arith.constant 1 : i32
      %get3A_1587 = arith.index_cast %get3A_1586 : i32 to index
      %get3A_1588 = arith.constant 80 : index
      %get3A_1589 = tpu.vector_load %arg10[%get3A_1587, %get3A_1588] {strides = array<i32>} : memref<6x112xi32, #tpu.memory_space<vmem>>, vector<16xi32>,
      %shift_right_logical3A_1590 = arith.constant 1 : i32
      %shift_right_logical3A_1591 = vector.broadcast %shift_right_logical3A_1590 : i32 to vector<16xi32>
      %shift_right_logical3A_1592 = arith.shrui %get3A_1589, %shift_right_logical3A_1591 : vector<16xi32>
      %gather3A_1593 = tpu.vector_load_idx %arg8[%shift_right_logical3A_1592] : memref<5000xi32, #tpu.memory_space<vmem>>[vector<16xi32>], vector<16xi32>,
      %and3A_1594 = arith.constant 1 : i32
      %and3A_1595 = vector.broadcast %and3A_1594 : i32 to vector<16xi32>
      %and3A_1596 = arith.andi %get3A_1589, %and3A_1595 : vector<16xi32>
      %mul3A_1597 = arith.constant 16 : i32
      %mul3A_1598 = vector.broadcast %mul3A_1597 : i32 to vector<16xi32>
      %mul3A_1599 = arith.muli %and3A_1596, %mul3A_1598 : vector<16xi32>
      %shift_right_logical3A_1600 = arith.shrui %gather3A_1593, %mul3A_1599 : vector<16xi32>
      %and3A_1601 = arith.constant 65535 : i32
      %and3A_1602 = vector.broadcast %and3A_1601 : i32 to vector<16xi32>
      %and3A_1603 = arith.andi %shift_right_logical3A_1600, %and3A_1602 : vector<16xi32>
      %swap3A_1604 = arith.constant 3 : i32
      %swap3A_1605 = arith.index_cast %swap3A_1604 : i32 to index
      %swap3A_1606 = arith.constant 80 : index
      %swap3A_1607 = tpu.vector_load %arg13[%swap3A_1605, %swap3A_1606] {strides = array<i32>} : memref<4x112xi32, #tpu.memory_space<vmem>>, vector<16xi32>,
      tpu.vector_store %arg13[%swap3A_1605, %swap3A_1606], %and3A_1603 {strides = array<i32>} : memref<4x112xi32, #tpu.memory_space<vmem>>, vector<16xi32>,
      %get3A_1608 = arith.constant 1 : i32
      %get3A_1609 = arith.index_cast %get3A_1608 : i32 to index
      %get3A_1610 = arith.constant 96 : index
      %get3A_1611 = tpu.vector_load %arg10[%get3A_1609, %get3A_1610] {strides = array<i32>} : memref<6x112xi32, #tpu.memory_space<vmem>>, vector<16xi32>,
      %shift_right_logical3A_1612 = arith.constant 1 : i32
      %shift_right_logical3A_1613 = vector.broadcast %shift_right_logical3A_1612 : i32 to vector<16xi32>
      %shift_right_logical3A_1614 = arith.shrui %get3A_1611, %shift_right_logical3A_1613 : vector<16xi32>
      %gather3A_1615 = tpu.vector_load_idx %arg8[%shift_right_logical3A_1614] : memref<5000xi32, #tpu.memory_space<vmem>>[vector<16xi32>], vector<16xi32>,
      %and3A_1616 = arith.constant 1 : i32
      %and3A_1617 = vector.broadcast %and3A_1616 : i32 to vector<16xi32>
      %and3A_1618 = arith.andi %get3A_1611, %and3A_1617 : vector<16xi32>
      %mul3A_1619 = arith.constant 16 : i32
      %mul3A_1620 = vector.broadcast %mul3A_1619 : i32 to vector<16xi32>
      %mul3A_1621 = arith.muli %and3A_1618, %mul3A_1620 : vector<16xi32>
      %shift_right_logical3A_1622 = arith.shrui %gather3A_1615, %mul3A_1621 : vector<16xi32>
      %and3A_1623 = arith.constant 65535 : i32
      %and3A_1624 = vector.broadcast %and3A_1623 : i32 to vector<16xi32>
      %and3A_1625 = arith.andi %shift_right_logical3A_1622, %and3A_1624 : vector<16xi32>
      %swap3A_1626 = arith.constant 3 : i32
      %swap3A_1627 = arith.index_cast %swap3A_1626 : i32 to index
      %swap3A_1628 = arith.constant 96 : index
      %swap3A_1629 = tpu.vector_load %arg13[%swap3A_1627, %swap3A_1628] {strides = array<i32>} : memref<4x112xi32, #tpu.memory_space<vmem>>, vector<16xi32>,
      tpu.vector_store %arg13[%swap3A_1627, %swap3A_1628], %and3A_1625 {strides = array<i32>} : memref<4x112xi32, #tpu.memory_space<vmem>>, vector<16xi32>,
      %dma_wait3A_1630 = arith.constant 0 : i32
      %dma_wait3A_1631 = arith.constant 0 : i32
      %dma_wait3A_1632 = arith.constant 0 : i32
      %dma_wait3A_1633 = arith.constant 0 : i32
      %dma_wait3A_1634 = tpu.memref_slice %arg14[%dma_wait3A_1631, %dma_wait3A_1632, %dma_wait3A_1633] : memref<2x112x128xf32, #tpu.memory_space<vmem>> -> memref<1x112x128xf32, #tpu.memory_space<vmem>>
      %dma_wait3A_1635 = tpu.memref_squeeze %dma_wait3A_1634 : memref<1x112x128xf32, #tpu.memory_space<vmem>> -> memref<112x128xf32, #tpu.memory_space<vmem>>
      %dma_wait3A_1636 = arith.constant 0 : i32
      %dma_wait3A_1637 = tpu.memref_slice %arg13[%dma_wait3A_1630, %dma_wait3A_1636] : memref<4x112xi32, #tpu.memory_space<vmem>> -> memref<1x112xi32, #tpu.memory_space<vmem>>
      %dma_wait3A_1638 = tpu.memref_squeeze %dma_wait3A_1637 : memref<1x112xi32, #tpu.memory_space<vmem>> -> memref<112xi32, #tpu.memory_space<vmem>>
      %dma_wait3A_1639 = arith.constant 0 : i32
      %dma_wait3A_1640 = arith.constant 0 : i32
      %dma_wait3A_1641 = tpu.memref_slice %arg2[%dma_wait3A_1639, %dma_wait3A_1640] : memref<10000x128xf32, #tpu.memory_space<hbm>> -> memref<10000x128xf32, #tpu.memory_space<hbm>>
      tpu.wait_indirect_dma semaphore(%arg19 : memref<!tpu.dma_semaphore, #tpu.memory_space<semaphore_mem>>) src(%dma_wait3A_1641 : memref<10000x128xf32, #tpu.memory_space<hbm>>) dst(%dma_wait3A_1635 : memref<112x128xf32, #tpu.memory_space<vmem>>)
      %dma_wait3A_1642 = arith.constant 0 : i32
      %dma_wait3A_1643 = arith.constant 0 : i32
      %dma_wait3A_1644 = arith.constant 0 : i32
      %dma_wait3A_1645 = arith.constant 0 : i32
      %dma_wait3A_1646 = tpu.memref_slice %arg14[%dma_wait3A_1643, %dma_wait3A_1644, %dma_wait3A_1645] : memref<2x112x128xf32, #tpu.memory_space<vmem>> -> memref<1x112x128xf32, #tpu.memory_space<vmem>>
      %dma_wait3A_1647 = tpu.memref_squeeze %dma_wait3A_1646 : memref<1x112x128xf32, #tpu.memory_space<vmem>> -> memref<112x128xf32, #tpu.memory_space<vmem>>
      %dma_wait3A_1648 = arith.constant 0 : i32
      %dma_wait3A_1649 = tpu.memref_slice %arg13[%dma_wait3A_1642, %dma_wait3A_1648] : memref<4x112xi32, #tpu.memory_space<vmem>> -> memref<1x112xi32, #tpu.memory_space<vmem>>
      %dma_wait3A_1650 = tpu.memref_squeeze %dma_wait3A_1649 : memref<1x112xi32, #tpu.memory_space<vmem>> -> memref<112xi32, #tpu.memory_space<vmem>>
      %dma_wait3A_1651 = arith.constant 0 : i32
      %dma_wait3A_1652 = arith.constant 0 : i32
      %dma_wait3A_1653 = tpu.memref_slice %arg2[%dma_wait3A_1651, %dma_wait3A_1652] : memref<10000x128xf32, #tpu.memory_space<hbm>> -> memref<10000x128xf32, #tpu.memory_space<hbm>>
      tpu.wait_indirect_dma semaphore(%arg19 : memref<!tpu.dma_semaphore, #tpu.memory_space<semaphore_mem>>) src(%dma_wait3A_1653 : memref<10000x128xf32, #tpu.memory_space<hbm>>) dst(%dma_wait3A_1647 : memref<112x128xf32, #tpu.memory_space<vmem>>)
      %dma_start3A_1654 = arith.constant 0 : i32
      %dma_start3A_1655 = arith.constant 4 : i32
      %dma_start3A_1656 = arith.constant 0 : i32
      %dma_start3A_1657 = arith.constant 0 : i32
      %dma_start3A_1658 = tpu.memref_slice %arg14[%dma_start3A_1654, %dma_start3A_1656, %dma_start3A_1657] : memref<2x112x128xf32, #tpu.memory_space<vmem>> -> memref<1x112x128xf32, #tpu.memory_space<vmem>>
      %dma_start3A_1659 = tpu.memref_squeeze %dma_start3A_1658 : memref<1x112x128xf32, #tpu.memory_space<vmem>> -> memref<112x128xf32, #tpu.memory_space<vmem>>
      %dma_start3A_1660 = arith.constant 0 : i32
      %dma_start3A_1661 = tpu.memref_slice %arg11[%dma_start3A_1655, %dma_start3A_1660] : memref<6x112xi32, #tpu.memory_space<vmem>> -> memref<1x112xi32, #tpu.memory_space<vmem>>
      %dma_start3A_1662 = tpu.memref_squeeze %dma_start3A_1661 : memref<1x112xi32, #tpu.memory_space<vmem>> -> memref<112xi32, #tpu.memory_space<vmem>>
      %dma_start3A_1663 = arith.constant 0 : i32
      %dma_start3A_1664 = arith.constant 0 : i32
      %dma_start3A_1665 = tpu.memref_slice %arg16[%dma_start3A_1663, %dma_start3A_1664] : memref<10112x128xf32, #tpu.memory_space<vmem_shared>> -> memref<10112x128xf32, #tpu.memory_space<vmem_shared>>
      tpu.enqueue_indirect_dma source(%dma_start3A_1659 : memref<112x128xf32, #tpu.memory_space<vmem>>) target(%dma_start3A_1665 : memref<10112x128xf32, #tpu.memory_space<vmem_shared>>) offsets(%dma_start3A_1662 : memref<112xi32, #tpu.memory_space<vmem>>) semaphore(%arg20 : memref<!tpu.dma_semaphore, #tpu.memory_space<semaphore_mem>>) {add = true}
      %dma_start3A_1666 = arith.constant 4 : i32
      %dma_start3A_1667 = arith.constant 0 : i32
      %dma_start3A_1668 = tpu.memref_slice %arg11[%dma_start3A_1666, %dma_start3A_1667] : memref<6x112xi32, #tpu.memory_space<vmem>> -> memref<1x112xi32, #tpu.memory_space<vmem>>
      %dma_start3A_1669 = tpu.memref_squeeze %dma_start3A_1668 : memref<1x112xi32, #tpu.memory_space<vmem>> -> memref<112xi32, #tpu.memory_space<vmem>>
      %dma_start3A_1670 = arith.constant 0 : i32
      %dma_start3A_1671 = arith.constant 0 : i32
      %dma_start3A_1672 = tpu.memref_slice %arg17[%dma_start3A_1670, %dma_start3A_1671] : memref<10112x16xf32, #tpu.memory_space<vmem_shared>> -> memref<10112x16xf32, #tpu.memory_space<vmem_shared>>
      tpu.enqueue_indirect_dma source(%arg15 : memref<112x16xf32, #tpu.memory_space<vmem>>) target(%dma_start3A_1672 : memref<10112x16xf32, #tpu.memory_space<vmem_shared>>) offsets(%dma_start3A_1669 : memref<112xi32, #tpu.memory_space<vmem>>) semaphore(%arg21 : memref<!tpu.dma_semaphore, #tpu.memory_space<semaphore_mem>>) {add = true}
      %dma_start3A_1673 = arith.constant 1 : i32
      %dma_start3A_1674 = arith.constant 5 : i32
      %dma_start3A_1675 = arith.constant 0 : i32
      %dma_start3A_1676 = arith.constant 0 : i32
      %dma_start3A_1677 = tpu.memref_slice %arg14[%dma_start3A_1673, %dma_start3A_1675, %dma_start3A_1676] : memref<2x112x128xf32, #tpu.memory_space<vmem>> -> memref<1x112x128xf32, #tpu.memory_space<vmem>>
      %dma_start3A_1678 = tpu.memref_squeeze %dma_start3A_1677 : memref<1x112x128xf32, #tpu.memory_space<vmem>> -> memref<112x128xf32, #tpu.memory_space<vmem>>
      %dma_start3A_1679 = arith.constant 0 : i32
      %dma_start3A_1680 = tpu.memref_slice %arg11[%dma_start3A_1674, %dma_start3A_1679] : memref<6x112xi32, #tpu.memory_space<vmem>> -> memref<1x112xi32, #tpu.memory_space<vmem>>
      %dma_start3A_1681 = tpu.memref_squeeze %dma_start3A_1680 : memref<1x112xi32, #tpu.memory_space<vmem>> -> memref<112xi32, #tpu.memory_space<vmem>>
      %dma_start3A_1682 = arith.constant 0 : i32
      %dma_start3A_1683 = arith.constant 0 : i32
      %dma_start3A_1684 = tpu.memref_slice %arg16[%dma_start3A_1682, %dma_start3A_1683] : memref<10112x128xf32, #tpu.memory_space<vmem_shared>> -> memref<10112x128xf32, #tpu.memory_space<vmem_shared>>
      tpu.enqueue_indirect_dma source(%dma_start3A_1678 : memref<112x128xf32, #tpu.memory_space<vmem>>) target(%dma_start3A_1684 : memref<10112x128xf32, #tpu.memory_space<vmem_shared>>) offsets(%dma_start3A_1681 : memref<112xi32, #tpu.memory_space<vmem>>) semaphore(%arg20 : memref<!tpu.dma_semaphore, #tpu.memory_space<semaphore_mem>>) {add = true}
      %dma_start3A_1685 = arith.constant 5 : i32
      %dma_start3A_1686 = arith.constant 0 : i32
      %dma_start3A_1687 = tpu.memref_slice %arg11[%dma_start3A_1685, %dma_start3A_1686] : memref<6x112xi32, #tpu.memory_space<vmem>> -> memref<1x112xi32, #tpu.memory_space<vmem>>
      %dma_start3A_1688 = tpu.memref_squeeze %dma_start3A_1687 : memref<1x112xi32, #tpu.memory_space<vmem>> -> memref<112xi32, #tpu.memory_space<vmem>>
      %dma_start3A_1689 = arith.constant 0 : i32
      %dma_start3A_1690 = arith.constant 0 : i32
      %dma_start3A_1691 = tpu.memref_slice %arg17[%dma_start3A_1689, %dma_start3A_1690] : memref<10112x16xf32, #tpu.memory_space<vmem_shared>> -> memref<10112x16xf32, #tpu.memory_space<vmem_shared>>
      tpu.enqueue_indirect_dma source(%arg15 : memref<112x16xf32, #tpu.memory_space<vmem>>) target(%dma_start3A_1691 : memref<10112x16xf32, #tpu.memory_space<vmem_shared>>) offsets(%dma_start3A_1688 : memref<112xi32, #tpu.memory_space<vmem>>) semaphore(%arg21 : memref<!tpu.dma_semaphore, #tpu.memory_space<semaphore_mem>>) {add = true}
      %dma_wait3A_1692 = arith.constant 0 : i32
      %dma_wait3A_1693 = arith.constant 0 : i32
      %dma_wait3A_1694 = arith.constant 0 : i32
      %dma_wait3A_1695 = arith.constant 0 : i32
      %dma_wait3A_1696 = tpu.memref_slice %arg14[%dma_wait3A_1692, %dma_wait3A_1694, %dma_wait3A_1695] : memref<2x112x128xf32, #tpu.memory_space<vmem>> -> memref<1x112x128xf32, #tpu.memory_space<vmem>>
      %dma_wait3A_1697 = tpu.memref_squeeze %dma_wait3A_1696 : memref<1x112x128xf32, #tpu.memory_space<vmem>> -> memref<112x128xf32, #tpu.memory_space<vmem>>
      %dma_wait3A_1698 = arith.constant 0 : i32
      %dma_wait3A_1699 = tpu.memref_slice %arg11[%dma_wait3A_1693, %dma_wait3A_1698] : memref<6x112xi32, #tpu.memory_space<vmem>> -> memref<1x112xi32, #tpu.memory_space<vmem>>
      %dma_wait3A_1700 = tpu.memref_squeeze %dma_wait3A_1699 : memref<1x112xi32, #tpu.memory_space<vmem>> -> memref<112xi32, #tpu.memory_space<vmem>>
      %dma_wait3A_1701 = arith.constant 0 : i32
      %dma_wait3A_1702 = arith.constant 0 : i32
      %dma_wait3A_1703 = tpu.memref_slice %arg16[%dma_wait3A_1701, %dma_wait3A_1702] : memref<10112x128xf32, #tpu.memory_space<vmem_shared>> -> memref<10112x128xf32, #tpu.memory_space<vmem_shared>>
      tpu.wait_indirect_dma semaphore(%arg20 : memref<!tpu.dma_semaphore, #tpu.memory_space<semaphore_mem>>) src(%dma_wait3A_1697 : memref<112x128xf32, #tpu.memory_space<vmem>>) dst(%dma_wait3A_1703 : memref<10112x128xf32, #tpu.memory_space<vmem_shared>>)
      %dma_wait3A_1704 = arith.constant 0 : i32
      %dma_wait3A_1705 = arith.constant 0 : i32
      %dma_wait3A_1706 = tpu.memref_slice %arg11[%dma_wait3A_1704, %dma_wait3A_1705] : memref<6x112xi32, #tpu.memory_space<vmem>> -> memref<1x112xi32, #tpu.memory_space<vmem>>
      %dma_wait3A_1707 = tpu.memref_squeeze %dma_wait3A_1706 : memref<1x112xi32, #tpu.memory_space<vmem>> -> memref<112xi32, #tpu.memory_space<vmem>>
      %dma_wait3A_1708 = arith.constant 0 : i32
      %dma_wait3A_1709 = arith.constant 0 : i32
      %dma_wait3A_1710 = tpu.memref_slice %arg17[%dma_wait3A_1708, %dma_wait3A_1709] : memref<10112x16xf32, #tpu.memory_space<vmem_shared>> -> memref<10112x16xf32, #tpu.memory_space<vmem_shared>>
      tpu.wait_indirect_dma semaphore(%arg21 : memref<!tpu.dma_semaphore, #tpu.memory_space<semaphore_mem>>) src(%arg15 : memref<112x16xf32, #tpu.memory_space<vmem>>) dst(%dma_wait3A_1710 : memref<10112x16xf32, #tpu.memory_space<vmem_shared>>)
      %dma_wait3A_1711 = arith.constant 0 : i32
      %dma_wait3A_1712 = arith.constant 0 : i32
      %dma_wait3A_1713 = arith.constant 0 : i32
      %dma_wait3A_1714 = arith.constant 0 : i32
      %dma_wait3A_1715 = tpu.memref_slice %arg14[%dma_wait3A_1711, %dma_wait3A_1713, %dma_wait3A_1714] : memref<2x112x128xf32, #tpu.memory_space<vmem>> -> memref<1x112x128xf32, #tpu.memory_space<vmem>>
      %dma_wait3A_1716 = tpu.memref_squeeze %dma_wait3A_1715 : memref<1x112x128xf32, #tpu.memory_space<vmem>> -> memref<112x128xf32, #tpu.memory_space<vmem>>
      %dma_wait3A_1717 = arith.constant 0 : i32
      %dma_wait3A_1718 = tpu.memref_slice %arg11[%dma_wait3A_1712, %dma_wait3A_1717] : memref<6x112xi32, #tpu.memory_space<vmem>> -> memref<1x112xi32, #tpu.memory_space<vmem>>
      %dma_wait3A_1719 = tpu.memref_squeeze %dma_wait3A_1718 : memref<1x112xi32, #tpu.memory_space<vmem>> -> memref<112xi32, #tpu.memory_space<vmem>>
      %dma_wait3A_1720 = arith.constant 0 : i32
      %dma_wait3A_1721 = arith.constant 0 : i32
      %dma_wait3A_1722 = tpu.memref_slice %arg16[%dma_wait3A_1720, %dma_wait3A_1721] : memref<10112x128xf32, #tpu.memory_space<vmem_shared>> -> memref<10112x128xf32, #tpu.memory_space<vmem_shared>>
      tpu.wait_indirect_dma semaphore(%arg20 : memref<!tpu.dma_semaphore, #tpu.memory_space<semaphore_mem>>) src(%dma_wait3A_1716 : memref<112x128xf32, #tpu.memory_space<vmem>>) dst(%dma_wait3A_1722 : memref<10112x128xf32, #tpu.memory_space<vmem_shared>>)
      %dma_wait3A_1723 = arith.constant 0 : i32
      %dma_wait3A_1724 = arith.constant 0 : i32
      %dma_wait3A_1725 = tpu.memref_slice %arg11[%dma_wait3A_1723, %dma_wait3A_1724] : memref<6x112xi32, #tpu.memory_space<vmem>> -> memref<1x112xi32, #tpu.memory_space<vmem>>
      %dma_wait3A_1726 = tpu.memref_squeeze %dma_wait3A_1725 : memref<1x112xi32, #tpu.memory_space<vmem>> -> memref<112xi32, #tpu.memory_space<vmem>>
      %dma_wait3A_1727 = arith.constant 0 : i32
      %dma_wait3A_1728 = arith.constant 0 : i32
      %dma_wait3A_1729 = tpu.memref_slice %arg17[%dma_wait3A_1727, %dma_wait3A_1728] : memref<10112x16xf32, #tpu.memory_space<vmem_shared>> -> memref<10112x16xf32, #tpu.memory_space<vmem_shared>>
      tpu.wait_indirect_dma semaphore(%arg21 : memref<!tpu.dma_semaphore, #tpu.memory_space<semaphore_mem>>) src(%arg15 : memref<112x16xf32, #tpu.memory_space<vmem>>) dst(%dma_wait3A_1729 : memref<10112x16xf32, #tpu.memory_space<vmem_shared>>)
      %dma_start3A_1730 = arith.constant 2 : i32
      %dma_start3A_1731 = arith.constant 0 : i32
      %dma_start3A_1732 = arith.constant 0 : i32
      %dma_start3A_1733 = arith.constant 0 : i32
      %dma_start3A_1734 = tpu.memref_slice %arg14[%dma_start3A_1731, %dma_start3A_1732, %dma_start3A_1733] : memref<2x112x128xf32, #tpu.memory_space<vmem>> -> memref<1x112x128xf32, #tpu.memory_space<vmem>>
      %dma_start3A_1735 = tpu.memref_squeeze %dma_start3A_1734 : memref<1x112x128xf32, #tpu.memory_space<vmem>> -> memref<112x128xf32, #tpu.memory_space<vmem>>
      %dma_start3A_1736 = arith.constant 0 : i32
      %dma_start3A_1737 = tpu.memref_slice %arg13[%dma_start3A_1730, %dma_start3A_1736] : memref<4x112xi32, #tpu.memory_space<vmem>> -> memref<1x112xi32, #tpu.memory_space<vmem>>
      %dma_start3A_1738 = tpu.memref_squeeze %dma_start3A_1737 : memref<1x112xi32, #tpu.memory_space<vmem>> -> memref<112xi32, #tpu.memory_space<vmem>>
      %dma_start3A_1739 = arith.constant 0 : i32
      %dma_start3A_1740 = arith.constant 0 : i32
      %dma_start3A_1741 = tpu.memref_slice %arg2[%dma_start3A_1739, %dma_start3A_1740] : memref<10000x128xf32, #tpu.memory_space<hbm>> -> memref<10000x128xf32, #tpu.memory_space<hbm>>
      tpu.enqueue_indirect_dma source(%dma_start3A_1741 : memref<10000x128xf32, #tpu.memory_space<hbm>>) target(%dma_start3A_1735 : memref<112x128xf32, #tpu.memory_space<vmem>>) offsets(%dma_start3A_1738 : memref<112xi32, #tpu.memory_space<vmem>>) semaphore(%arg19 : memref<!tpu.dma_semaphore, #tpu.memory_space<semaphore_mem>>)
      %dma_start3A_1742 = arith.constant 3 : i32
      %dma_start3A_1743 = arith.constant 1 : i32
      %dma_start3A_1744 = arith.constant 0 : i32
      %dma_start3A_1745 = arith.constant 0 : i32
      %dma_start3A_1746 = tpu.memref_slice %arg14[%dma_start3A_1743, %dma_start3A_1744, %dma_start3A_1745] : memref<2x112x128xf32, #tpu.memory_space<vmem>> -> memref<1x112x128xf32, #tpu.memory_space<vmem>>
      %dma_start3A_1747 = tpu.memref_squeeze %dma_start3A_1746 : memref<1x112x128xf32, #tpu.memory_space<vmem>> -> memref<112x128xf32, #tpu.memory_space<vmem>>
      %dma_start3A_1748 = arith.constant 0 : i32
      %dma_start3A_1749 = tpu.memref_slice %arg13[%dma_start3A_1742, %dma_start3A_1748] : memref<4x112xi32, #tpu.memory_space<vmem>> -> memref<1x112xi32, #tpu.memory_space<vmem>>
      %dma_start3A_1750 = tpu.memref_squeeze %dma_start3A_1749 : memref<1x112xi32, #tpu.memory_space<vmem>> -> memref<112xi32, #tpu.memory_space<vmem>>
      %dma_start3A_1751 = arith.constant 0 : i32
      %dma_start3A_1752 = arith.constant 0 : i32
      %dma_start3A_1753 = tpu.memref_slice %arg2[%dma_start3A_1751, %dma_start3A_1752] : memref<10000x128xf32, #tpu.memory_space<hbm>> -> memref<10000x128xf32, #tpu.memory_space<hbm>>
      tpu.enqueue_indirect_dma source(%dma_start3A_1753 : memref<10000x128xf32, #tpu.memory_space<hbm>>) target(%dma_start3A_1747 : memref<112x128xf32, #tpu.memory_space<vmem>>) offsets(%dma_start3A_1750 : memref<112xi32, #tpu.memory_space<vmem>>) semaphore(%arg19 : memref<!tpu.dma_semaphore, #tpu.memory_space<semaphore_mem>>)
      %get3A_1754 = arith.constant 2 : i32
      %get3A_1755 = arith.index_cast %get3A_1754 : i32 to index
      %get3A_1756 = arith.constant 0 : index
      %get3A_1757 = tpu.vector_load %arg10[%get3A_1755, %get3A_1756] {strides = array<i32>} : memref<6x112xi32, #tpu.memory_space<vmem>>, vector<16xi32>,
      %shift_right_logical3A_1758 = arith.constant 1 : i32
      %shift_right_logical3A_1759 = vector.broadcast %shift_right_logical3A_1758 : i32 to vector<16xi32>
      %shift_right_logical3A_1760 = arith.shrui %get3A_1757, %shift_right_logical3A_1759 : vector<16xi32>
      %gather3A_1761 = tpu.vector_load_idx %arg8[%shift_right_logical3A_1760] : memref<5000xi32, #tpu.memory_space<vmem>>[vector<16xi32>], vector<16xi32>,
      %and3A_1762 = arith.constant 1 : i32
      %and3A_1763 = vector.broadcast %and3A_1762 : i32 to vector<16xi32>
      %and3A_1764 = arith.andi %get3A_1757, %and3A_1763 : vector<16xi32>
      %mul3A_1765 = arith.constant 16 : i32
      %mul3A_1766 = vector.broadcast %mul3A_1765 : i32 to vector<16xi32>
      %mul3A_1767 = arith.muli %and3A_1764, %mul3A_1766 : vector<16xi32>
      %shift_right_logical3A_1768 = arith.shrui %gather3A_1761, %mul3A_1767 : vector<16xi32>
      %and3A_1769 = arith.constant 65535 : i32
      %and3A_1770 = vector.broadcast %and3A_1769 : i32 to vector<16xi32>
      %and3A_1771 = arith.andi %shift_right_logical3A_1768, %and3A_1770 : vector<16xi32>
      %swap3A_1772 = arith.constant 0 : i32
      %swap3A_1773 = arith.index_cast %swap3A_1772 : i32 to index
      %swap3A_1774 = arith.constant 0 : index
      %swap3A_1775 = tpu.vector_load %arg13[%swap3A_1773, %swap3A_1774] {strides = array<i32>} : memref<4x112xi32, #tpu.memory_space<vmem>>, vector<16xi32>,
      tpu.vector_store %arg13[%swap3A_1773, %swap3A_1774], %and3A_1771 {strides = array<i32>} : memref<4x112xi32, #tpu.memory_space<vmem>>, vector<16xi32>,
      %get3A_1776 = arith.constant 2 : i32
      %get3A_1777 = arith.index_cast %get3A_1776 : i32 to index
      %get3A_1778 = arith.constant 16 : index
      %get3A_1779 = tpu.vector_load %arg10[%get3A_1777, %get3A_1778] {strides = array<i32>} : memref<6x112xi32, #tpu.memory_space<vmem>>, vector<16xi32>,
      %shift_right_logical3A_1780 = arith.constant 1 : i32
      %shift_right_logical3A_1781 = vector.broadcast %shift_right_logical3A_1780 : i32 to vector<16xi32>
      %shift_right_logical3A_1782 = arith.shrui %get3A_1779, %shift_right_logical3A_1781 : vector<16xi32>
      %gather3A_1783 = tpu.vector_load_idx %arg8[%shift_right_logical3A_1782] : memref<5000xi32, #tpu.memory_space<vmem>>[vector<16xi32>], vector<16xi32>,
      %and3A_1784 = arith.constant 1 : i32
      %and3A_1785 = vector.broadcast %and3A_1784 : i32 to vector<16xi32>
      %and3A_1786 = arith.andi %get3A_1779, %and3A_1785 : vector<16xi32>
      %mul3A_1787 = arith.constant 16 : i32
      %mul3A_1788 = vector.broadcast %mul3A_1787 : i32 to vector<16xi32>
      %mul3A_1789 = arith.muli %and3A_1786, %mul3A_1788 : vector<16xi32>
      %shift_right_logical3A_1790 = arith.shrui %gather3A_1783, %mul3A_1789 : vector<16xi32>
      %and3A_1791 = arith.constant 65535 : i32
      %and3A_1792 = vector.broadcast %and3A_1791 : i32 to vector<16xi32>
      %and3A_1793 = arith.andi %shift_right_logical3A_1790, %and3A_1792 : vector<16xi32>
      %swap3A_1794 = arith.constant 0 : i32
      %swap3A_1795 = arith.index_cast %swap3A_1794 : i32 to index
      %swap3A_1796 = arith.constant 16 : index
      %swap3A_1797 = tpu.vector_load %arg13[%swap3A_1795, %swap3A_1796] {strides = array<i32>} : memref<4x112xi32, #tpu.memory_space<vmem>>, vector<16xi32>,
      tpu.vector_store %arg13[%swap3A_1795, %swap3A_1796], %and3A_1793 {strides = array<i32>} : memref<4x112xi32, #tpu.memory_space<vmem>>, vector<16xi32>,
      %get3A_1798 = arith.constant 2 : i32
      %get3A_1799 = arith.index_cast %get3A_1798 : i32 to index
      %get3A_1800 = arith.constant 32 : index
      %get3A_1801 = tpu.vector_load %arg10[%get3A_1799, %get3A_1800] {strides = array<i32>} : memref<6x112xi32, #tpu.memory_space<vmem>>, vector<16xi32>,
      %shift_right_logical3A_1802 = arith.constant 1 : i32
      %shift_right_logical3A_1803 = vector.broadcast %shift_right_logical3A_1802 : i32 to vector<16xi32>
      %shift_right_logical3A_1804 = arith.shrui %get3A_1801, %shift_right_logical3A_1803 : vector<16xi32>
      %gather3A_1805 = tpu.vector_load_idx %arg8[%shift_right_logical3A_1804] : memref<5000xi32, #tpu.memory_space<vmem>>[vector<16xi32>], vector<16xi32>,
      %and3A_1806 = arith.constant 1 : i32
      %and3A_1807 = vector.broadcast %and3A_1806 : i32 to vector<16xi32>
      %and3A_1808 = arith.andi %get3A_1801, %and3A_1807 : vector<16xi32>
      %mul3A_1809 = arith.constant 16 : i32
      %mul3A_1810 = vector.broadcast %mul3A_1809 : i32 to vector<16xi32>
      %mul3A_1811 = arith.muli %and3A_1808, %mul3A_1810 : vector<16xi32>
      %shift_right_logical3A_1812 = arith.shrui %gather3A_1805, %mul3A_1811 : vector<16xi32>
      %and3A_1813 = arith.constant 65535 : i32
      %and3A_1814 = vector.broadcast %and3A_1813 : i32 to vector<16xi32>
      %and3A_1815 = arith.andi %shift_right_logical3A_1812, %and3A_1814 : vector<16xi32>
      %swap3A_1816 = arith.constant 0 : i32
      %swap3A_1817 = arith.index_cast %swap3A_1816 : i32 to index
      %swap3A_1818 = arith.constant 32 : index
      %swap3A_1819 = tpu.vector_load %arg13[%swap3A_1817, %swap3A_1818] {strides = array<i32>} : memref<4x112xi32, #tpu.memory_space<vmem>>, vector<16xi32>,
      tpu.vector_store %arg13[%swap3A_1817, %swap3A_1818], %and3A_1815 {strides = array<i32>} : memref<4x112xi32, #tpu.memory_space<vmem>>, vector<16xi32>,
      %get3A_1820 = arith.constant 2 : i32
      %get3A_1821 = arith.index_cast %get3A_1820 : i32 to index
      %get3A_1822 = arith.constant 48 : index
      %get3A_1823 = tpu.vector_load %arg10[%get3A_1821, %get3A_1822] {strides = array<i32>} : memref<6x112xi32, #tpu.memory_space<vmem>>, vector<16xi32>,
      %shift_right_logical3A_1824 = arith.constant 1 : i32
      %shift_right_logical3A_1825 = vector.broadcast %shift_right_logical3A_1824 : i32 to vector<16xi32>
      %shift_right_logical3A_1826 = arith.shrui %get3A_1823, %shift_right_logical3A_1825 : vector<16xi32>
      %gather3A_1827 = tpu.vector_load_idx %arg8[%shift_right_logical3A_1826] : memref<5000xi32, #tpu.memory_space<vmem>>[vector<16xi32>], vector<16xi32>,
      %and3A_1828 = arith.constant 1 : i32
      %and3A_1829 = vector.broadcast %and3A_1828 : i32 to vector<16xi32>
      %and3A_1830 = arith.andi %get3A_1823, %and3A_1829 : vector<16xi32>
      %mul3A_1831 = arith.constant 16 : i32
      %mul3A_1832 = vector.broadcast %mul3A_1831 : i32 to vector<16xi32>
      %mul3A_1833 = arith.muli %and3A_1830, %mul3A_1832 : vector<16xi32>
      %shift_right_logical3A_1834 = arith.shrui %gather3A_1827, %mul3A_1833 : vector<16xi32>
      %and3A_1835 = arith.constant 65535 : i32
      %and3A_1836 = vector.broadcast %and3A_1835 : i32 to vector<16xi32>
      %and3A_1837 = arith.andi %shift_right_logical3A_1834, %and3A_1836 : vector<16xi32>
      %swap3A_1838 = arith.constant 0 : i32
      %swap3A_1839 = arith.index_cast %swap3A_1838 : i32 to index
      %swap3A_1840 = arith.constant 48 : index
      %swap3A_1841 = tpu.vector_load %arg13[%swap3A_1839, %swap3A_1840] {strides = array<i32>} : memref<4x112xi32, #tpu.memory_space<vmem>>, vector<16xi32>,
      tpu.vector_store %arg13[%swap3A_1839, %swap3A_1840], %and3A_1837 {strides = array<i32>} : memref<4x112xi32, #tpu.memory_space<vmem>>, vector<16xi32>,
      %get3A_1842 = arith.constant 2 : i32
      %get3A_1843 = arith.index_cast %get3A_1842 : i32 to index
      %get3A_1844 = arith.constant 64 : index
      %get3A_1845 = tpu.vector_load %arg10[%get3A_1843, %get3A_1844] {strides = array<i32>} : memref<6x112xi32, #tpu.memory_space<vmem>>, vector<16xi32>,
      %shift_right_logical3A_1846 = arith.constant 1 : i32
      %shift_right_logical3A_1847 = vector.broadcast %shift_right_logical3A_1846 : i32 to vector<16xi32>
      %shift_right_logical3A_1848 = arith.shrui %get3A_1845, %shift_right_logical3A_1847 : vector<16xi32>
      %gather3A_1849 = tpu.vector_load_idx %arg8[%shift_right_logical3A_1848] : memref<5000xi32, #tpu.memory_space<vmem>>[vector<16xi32>], vector<16xi32>,
      %and3A_1850 = arith.constant 1 : i32
      %and3A_1851 = vector.broadcast %and3A_1850 : i32 to vector<16xi32>
      %and3A_1852 = arith.andi %get3A_1845, %and3A_1851 : vector<16xi32>
      %mul3A_1853 = arith.constant 16 : i32
      %mul3A_1854 = vector.broadcast %mul3A_1853 : i32 to vector<16xi32>
      %mul3A_1855 = arith.muli %and3A_1852, %mul3A_1854 : vector<16xi32>
      %shift_right_logical3A_1856 = arith.shrui %gather3A_1849, %mul3A_1855 : vector<16xi32>
      %and3A_1857 = arith.constant 65535 : i32
      %and3A_1858 = vector.broadcast %and3A_1857 : i32 to vector<16xi32>
      %and3A_1859 = arith.andi %shift_right_logical3A_1856, %and3A_1858 : vector<16xi32>
      %swap3A_1860 = arith.constant 0 : i32
      %swap3A_1861 = arith.index_cast %swap3A_1860 : i32 to index
      %swap3A_1862 = arith.constant 64 : index
      %swap3A_1863 = tpu.vector_load %arg13[%swap3A_1861, %swap3A_1862] {strides = array<i32>} : memref<4x112xi32, #tpu.memory_space<vmem>>, vector<16xi32>,
      tpu.vector_store %arg13[%swap3A_1861, %swap3A_1862], %and3A_1859 {strides = array<i32>} : memref<4x112xi32, #tpu.memory_space<vmem>>, vector<16xi32>,
      %get3A_1864 = arith.constant 2 : i32
      %get3A_1865 = arith.index_cast %get3A_1864 : i32 to index
      %get3A_1866 = arith.constant 80 : index
      %get3A_1867 = tpu.vector_load %arg10[%get3A_1865, %get3A_1866] {strides = array<i32>} : memref<6x112xi32, #tpu.memory_space<vmem>>, vector<16xi32>,
      %shift_right_logical3A_1868 = arith.constant 1 : i32
      %shift_right_logical3A_1869 = vector.broadcast %shift_right_logical3A_1868 : i32 to vector<16xi32>
      %shift_right_logical3A_1870 = arith.shrui %get3A_1867, %shift_right_logical3A_1869 : vector<16xi32>
      %gather3A_1871 = tpu.vector_load_idx %arg8[%shift_right_logical3A_1870] : memref<5000xi32, #tpu.memory_space<vmem>>[vector<16xi32>], vector<16xi32>,
      %and3A_1872 = arith.constant 1 : i32
      %and3A_1873 = vector.broadcast %and3A_1872 : i32 to vector<16xi32>
      %and3A_1874 = arith.andi %get3A_1867, %and3A_1873 : vector<16xi32>
      %mul3A_1875 = arith.constant 16 : i32
      %mul3A_1876 = vector.broadcast %mul3A_1875 : i32 to vector<16xi32>
      %mul3A_1877 = arith.muli %and3A_1874, %mul3A_1876 : vector<16xi32>
      %shift_right_logical3A_1878 = arith.shrui %gather3A_1871, %mul3A_1877 : vector<16xi32>
      %and3A_1879 = arith.constant 65535 : i32
      %and3A_1880 = vector.broadcast %and3A_1879 : i32 to vector<16xi32>
      %and3A_1881 = arith.andi %shift_right_logical3A_1878, %and3A_1880 : vector<16xi32>
      %swap3A_1882 = arith.constant 0 : i32
      %swap3A_1883 = arith.index_cast %swap3A_1882 : i32 to index
      %swap3A_1884 = arith.constant 80 : index
      %swap3A_1885 = tpu.vector_load %arg13[%swap3A_1883, %swap3A_1884] {strides = array<i32>} : memref<4x112xi32, #tpu.memory_space<vmem>>, vector<16xi32>,
      tpu.vector_store %arg13[%swap3A_1883, %swap3A_1884], %and3A_1881 {strides = array<i32>} : memref<4x112xi32, #tpu.memory_space<vmem>>, vector<16xi32>,
      %get3A_1886 = arith.constant 2 : i32
      %get3A_1887 = arith.index_cast %get3A_1886 : i32 to index
      %get3A_1888 = arith.constant 96 : index
      %get3A_1889 = tpu.vector_load %arg10[%get3A_1887, %get3A_1888] {strides = array<i32>} : memref<6x112xi32, #tpu.memory_space<vmem>>, vector<16xi32>,
      %shift_right_logical3A_1890 = arith.constant 1 : i32
      %shift_right_logical3A_1891 = vector.broadcast %shift_right_logical3A_1890 : i32 to vector<16xi32>
      %shift_right_logical3A_1892 = arith.shrui %get3A_1889, %shift_right_logical3A_1891 : vector<16xi32>
      %gather3A_1893 = tpu.vector_load_idx %arg8[%shift_right_logical3A_1892] : memref<5000xi32, #tpu.memory_space<vmem>>[vector<16xi32>], vector<16xi32>,
      %and3A_1894 = arith.constant 1 : i32
      %and3A_1895 = vector.broadcast %and3A_1894 : i32 to vector<16xi32>
      %and3A_1896 = arith.andi %get3A_1889, %and3A_1895 : vector<16xi32>
      %mul3A_1897 = arith.constant 16 : i32
      %mul3A_1898 = vector.broadcast %mul3A_1897 : i32 to vector<16xi32>
      %mul3A_1899 = arith.muli %and3A_1896, %mul3A_1898 : vector<16xi32>
      %shift_right_logical3A_1900 = arith.shrui %gather3A_1893, %mul3A_1899 : vector<16xi32>
      %and3A_1901 = arith.constant 65535 : i32
      %and3A_1902 = vector.broadcast %and3A_1901 : i32 to vector<16xi32>
      %and3A_1903 = arith.andi %shift_right_logical3A_1900, %and3A_1902 : vector<16xi32>
      %swap3A_1904 = arith.constant 0 : i32
      %swap3A_1905 = arith.index_cast %swap3A_1904 : i32 to index
      %swap3A_1906 = arith.constant 96 : index
      %swap3A_1907 = tpu.vector_load %arg13[%swap3A_1905, %swap3A_1906] {strides = array<i32>} : memref<4x112xi32, #tpu.memory_space<vmem>>, vector<16xi32>,
      tpu.vector_store %arg13[%swap3A_1905, %swap3A_1906], %and3A_1903 {strides = array<i32>} : memref<4x112xi32, #tpu.memory_space<vmem>>, vector<16xi32>,
      %get3A_1908 = arith.constant 3 : i32
      %get3A_1909 = arith.index_cast %get3A_1908 : i32 to index
      %get3A_1910 = arith.constant 0 : index
      %get3A_1911 = tpu.vector_load %arg10[%get3A_1909, %get3A_1910] {strides = array<i32>} : memref<6x112xi32, #tpu.memory_space<vmem>>, vector<16xi32>,
      %shift_right_logical3A_1912 = arith.constant 1 : i32
      %shift_right_logical3A_1913 = vector.broadcast %shift_right_logical3A_1912 : i32 to vector<16xi32>
      %shift_right_logical3A_1914 = arith.shrui %get3A_1911, %shift_right_logical3A_1913 : vector<16xi32>
      %gather3A_1915 = tpu.vector_load_idx %arg8[%shift_right_logical3A_1914] : memref<5000xi32, #tpu.memory_space<vmem>>[vector<16xi32>], vector<16xi32>,
      %and3A_1916 = arith.constant 1 : i32
      %and3A_1917 = vector.broadcast %and3A_1916 : i32 to vector<16xi32>
      %and3A_1918 = arith.andi %get3A_1911, %and3A_1917 : vector<16xi32>
      %mul3A_1919 = arith.constant 16 : i32
      %mul3A_1920 = vector.broadcast %mul3A_1919 : i32 to vector<16xi32>
      %mul3A_1921 = arith.muli %and3A_1918, %mul3A_1920 : vector<16xi32>
      %shift_right_logical3A_1922 = arith.shrui %gather3A_1915, %mul3A_1921 : vector<16xi32>
      %and3A_1923 = arith.constant 65535 : i32
      %and3A_1924 = vector.broadcast %and3A_1923 : i32 to vector<16xi32>
      %and3A_1925 = arith.andi %shift_right_logical3A_1922, %and3A_1924 : vector<16xi32>
      %swap3A_1926 = arith.constant 1 : i32
      %swap3A_1927 = arith.index_cast %swap3A_1926 : i32 to index
      %swap3A_1928 = arith.constant 0 : index
      %swap3A_1929 = tpu.vector_load %arg13[%swap3A_1927, %swap3A_1928] {strides = array<i32>} : memref<4x112xi32, #tpu.memory_space<vmem>>, vector<16xi32>,
      tpu.vector_store %arg13[%swap3A_1927, %swap3A_1928], %and3A_1925 {strides = array<i32>} : memref<4x112xi32, #tpu.memory_space<vmem>>, vector<16xi32>,
      %get3A_1930 = arith.constant 3 : i32
      %get3A_1931 = arith.index_cast %get3A_1930 : i32 to index
      %get3A_1932 = arith.constant 16 : index
      %get3A_1933 = tpu.vector_load %arg10[%get3A_1931, %get3A_1932] {strides = array<i32>} : memref<6x112xi32, #tpu.memory_space<vmem>>, vector<16xi32>,
      %shift_right_logical3A_1934 = arith.constant 1 : i32
      %shift_right_logical3A_1935 = vector.broadcast %shift_right_logical3A_1934 : i32 to vector<16xi32>
      %shift_right_logical3A_1936 = arith.shrui %get3A_1933, %shift_right_logical3A_1935 : vector<16xi32>
      %gather3A_1937 = tpu.vector_load_idx %arg8[%shift_right_logical3A_1936] : memref<5000xi32, #tpu.memory_space<vmem>>[vector<16xi32>], vector<16xi32>,
      %and3A_1938 = arith.constant 1 : i32
      %and3A_1939 = vector.broadcast %and3A_1938 : i32 to vector<16xi32>
      %and3A_1940 = arith.andi %get3A_1933, %and3A_1939 : vector<16xi32>
      %mul3A_1941 = arith.constant 16 : i32
      %mul3A_1942 = vector.broadcast %mul3A_1941 : i32 to vector<16xi32>
      %mul3A_1943 = arith.muli %and3A_1940, %mul3A_1942 : vector<16xi32>
      %shift_right_logical3A_1944 = arith.shrui %gather3A_1937, %mul3A_1943 : vector<16xi32>
      %and3A_1945 = arith.constant 65535 : i32
      %and3A_1946 = vector.broadcast %and3A_1945 : i32 to vector<16xi32>
      %and3A_1947 = arith.andi %shift_right_logical3A_1944, %and3A_1946 : vector<16xi32>
      %swap3A_1948 = arith.constant 1 : i32
      %swap3A_1949 = arith.index_cast %swap3A_1948 : i32 to index
      %swap3A_1950 = arith.constant 16 : index
      %swap3A_1951 = tpu.vector_load %arg13[%swap3A_1949, %swap3A_1950] {strides = array<i32>} : memref<4x112xi32, #tpu.memory_space<vmem>>, vector<16xi32>,
      tpu.vector_store %arg13[%swap3A_1949, %swap3A_1950], %and3A_1947 {strides = array<i32>} : memref<4x112xi32, #tpu.memory_space<vmem>>, vector<16xi32>,
      %get3A_1952 = arith.constant 3 : i32
      %get3A_1953 = arith.index_cast %get3A_1952 : i32 to index
      %get3A_1954 = arith.constant 32 : index
      %get3A_1955 = tpu.vector_load %arg10[%get3A_1953, %get3A_1954] {strides = array<i32>} : memref<6x112xi32, #tpu.memory_space<vmem>>, vector<16xi32>,
      %shift_right_logical3A_1956 = arith.constant 1 : i32
      %shift_right_logical3A_1957 = vector.broadcast %shift_right_logical3A_1956 : i32 to vector<16xi32>
      %shift_right_logical3A_1958 = arith.shrui %get3A_1955, %shift_right_logical3A_1957 : vector<16xi32>
      %gather3A_1959 = tpu.vector_load_idx %arg8[%shift_right_logical3A_1958] : memref<5000xi32, #tpu.memory_space<vmem>>[vector<16xi32>], vector<16xi32>,
      %and3A_1960 = arith.constant 1 : i32
      %and3A_1961 = vector.broadcast %and3A_1960 : i32 to vector<16xi32>
      %and3A_1962 = arith.andi %get3A_1955, %and3A_1961 : vector<16xi32>
      %mul3A_1963 = arith.constant 16 : i32
      %mul3A_1964 = vector.broadcast %mul3A_1963 : i32 to vector<16xi32>
      %mul3A_1965 = arith.muli %and3A_1962, %mul3A_1964 : vector<16xi32>
      %shift_right_logical3A_1966 = arith.shrui %gather3A_1959, %mul3A_1965 : vector<16xi32>
      %and3A_1967 = arith.constant 65535 : i32
      %and3A_1968 = vector.broadcast %and3A_1967 : i32 to vector<16xi32>
      %and3A_1969 = arith.andi %shift_right_logical3A_1966, %and3A_1968 : vector<16xi32>
      %swap3A_1970 = arith.constant 1 : i32
      %swap3A_1971 = arith.index_cast %swap3A_1970 : i32 to index
      %swap3A_1972 = arith.constant 32 : index
      %swap3A_1973 = tpu.vector_load %arg13[%swap3A_1971, %swap3A_1972] {strides = array<i32>} : memref<4x112xi32, #tpu.memory_space<vmem>>, vector<16xi32>,
      tpu.vector_store %arg13[%swap3A_1971, %swap3A_1972], %and3A_1969 {strides = array<i32>} : memref<4x112xi32, #tpu.memory_space<vmem>>, vector<16xi32>,
      %get3A_1974 = arith.constant 3 : i32
      %get3A_1975 = arith.index_cast %get3A_1974 : i32 to index
      %get3A_1976 = arith.constant 48 : index
      %get3A_1977 = tpu.vector_load %arg10[%get3A_1975, %get3A_1976] {strides = array<i32>} : memref<6x112xi32, #tpu.memory_space<vmem>>, vector<16xi32>,
      %shift_right_logical3A_1978 = arith.constant 1 : i32
      %shift_right_logical3A_1979 = vector.broadcast %shift_right_logical3A_1978 : i32 to vector<16xi32>
      %shift_right_logical3A_1980 = arith.shrui %get3A_1977, %shift_right_logical3A_1979 : vector<16xi32>
      %gather3A_1981 = tpu.vector_load_idx %arg8[%shift_right_logical3A_1980] : memref<5000xi32, #tpu.memory_space<vmem>>[vector<16xi32>], vector<16xi32>,
      %and3A_1982 = arith.constant 1 : i32
      %and3A_1983 = vector.broadcast %and3A_1982 : i32 to vector<16xi32>
      %and3A_1984 = arith.andi %get3A_1977, %and3A_1983 : vector<16xi32>
      %mul3A_1985 = arith.constant 16 : i32
      %mul3A_1986 = vector.broadcast %mul3A_1985 : i32 to vector<16xi32>
      %mul3A_1987 = arith.muli %and3A_1984, %mul3A_1986 : vector<16xi32>
      %shift_right_logical3A_1988 = arith.shrui %gather3A_1981, %mul3A_1987 : vector<16xi32>
      %and3A_1989 = arith.constant 65535 : i32
      %and3A_1990 = vector.broadcast %and3A_1989 : i32 to vector<16xi32>
      %and3A_1991 = arith.andi %shift_right_logical3A_1988, %and3A_1990 : vector<16xi32>
      %swap3A_1992 = arith.constant 1 : i32
      %swap3A_1993 = arith.index_cast %swap3A_1992 : i32 to index
      %swap3A_1994 = arith.constant 48 : index
      %swap3A_1995 = tpu.vector_load %arg13[%swap3A_1993, %swap3A_1994] {strides = array<i32>} : memref<4x112xi32, #tpu.memory_space<vmem>>, vector<16xi32>,
      tpu.vector_store %arg13[%swap3A_1993, %swap3A_1994], %and3A_1991 {strides = array<i32>} : memref<4x112xi32, #tpu.memory_space<vmem>>, vector<16xi32>,
      %get3A_1996 = arith.constant 3 : i32
      %get3A_1997 = arith.index_cast %get3A_1996 : i32 to index
      %get3A_1998 = arith.constant 64 : index
      %get3A_1999 = tpu.vector_load %arg10[%get3A_1997, %get3A_1998] {strides = array<i32>} : memref<6x112xi32, #tpu.memory_space<vmem>>, vector<16xi32>,
      %shift_right_logical3A_2000 = arith.constant 1 : i32
      %shift_right_logical3A_2001 = vector.broadcast %shift_right_logical3A_2000 : i32 to vector<16xi32>
      %shift_right_logical3A_2002 = arith.shrui %get3A_1999, %shift_right_logical3A_2001 : vector<16xi32>
      %gather3A_2003 = tpu.vector_load_idx %arg8[%shift_right_logical3A_2002] : memref<5000xi32, #tpu.memory_space<vmem>>[vector<16xi32>], vector<16xi32>,
      %and3A_2004 = arith.constant 1 : i32
      %and3A_2005 = vector.broadcast %and3A_2004 : i32 to vector<16xi32>
      %and3A_2006 = arith.andi %get3A_1999, %and3A_2005 : vector<16xi32>
      %mul3A_2007 = arith.constant 16 : i32
      %mul3A_2008 = vector.broadcast %mul3A_2007 : i32 to vector<16xi32>
      %mul3A_2009 = arith.muli %and3A_2006, %mul3A_2008 : vector<16xi32>
      %shift_right_logical3A_2010 = arith.shrui %gather3A_2003, %mul3A_2009 : vector<16xi32>
      %and3A_2011 = arith.constant 65535 : i32
      %and3A_2012 = vector.broadcast %and3A_2011 : i32 to vector<16xi32>
      %and3A_2013 = arith.andi %shift_right_logical3A_2010, %and3A_2012 : vector<16xi32>
      %swap3A_2014 = arith.constant 1 : i32
      %swap3A_2015 = arith.index_cast %swap3A_2014 : i32 to index
      %swap3A_2016 = arith.constant 64 : index
      %swap3A_2017 = tpu.vector_load %arg13[%swap3A_2015, %swap3A_2016] {strides = array<i32>} : memref<4x112xi32, #tpu.memory_space<vmem>>, vector<16xi32>,
      tpu.vector_store %arg13[%swap3A_2015, %swap3A_2016], %and3A_2013 {strides = array<i32>} : memref<4x112xi32, #tpu.memory_space<vmem>>, vector<16xi32>,
      %get3A_2018 = arith.constant 3 : i32
      %get3A_2019 = arith.index_cast %get3A_2018 : i32 to index
      %get3A_2020 = arith.constant 80 : index
      %get3A_2021 = tpu.vector_load %arg10[%get3A_2019, %get3A_2020] {strides = array<i32>} : memref<6x112xi32, #tpu.memory_space<vmem>>, vector<16xi32>,
      %shift_right_logical3A_2022 = arith.constant 1 : i32
      %shift_right_logical3A_2023 = vector.broadcast %shift_right_logical3A_2022 : i32 to vector<16xi32>
      %shift_right_logical3A_2024 = arith.shrui %get3A_2021, %shift_right_logical3A_2023 : vector<16xi32>
      %gather3A_2025 = tpu.vector_load_idx %arg8[%shift_right_logical3A_2024] : memref<5000xi32, #tpu.memory_space<vmem>>[vector<16xi32>], vector<16xi32>,
      %and3A_2026 = arith.constant 1 : i32
      %and3A_2027 = vector.broadcast %and3A_2026 : i32 to vector<16xi32>
      %and3A_2028 = arith.andi %get3A_2021, %and3A_2027 : vector<16xi32>
      %mul3A_2029 = arith.constant 16 : i32
      %mul3A_2030 = vector.broadcast %mul3A_2029 : i32 to vector<16xi32>
      %mul3A_2031 = arith.muli %and3A_2028, %mul3A_2030 : vector<16xi32>
      %shift_right_logical3A_2032 = arith.shrui %gather3A_2025, %mul3A_2031 : vector<16xi32>
      %and3A_2033 = arith.constant 65535 : i32
      %and3A_2034 = vector.broadcast %and3A_2033 : i32 to vector<16xi32>
      %and3A_2035 = arith.andi %shift_right_logical3A_2032, %and3A_2034 : vector<16xi32>
      %swap3A_2036 = arith.constant 1 : i32
      %swap3A_2037 = arith.index_cast %swap3A_2036 : i32 to index
      %swap3A_2038 = arith.constant 80 : index
      %swap3A_2039 = tpu.vector_load %arg13[%swap3A_2037, %swap3A_2038] {strides = array<i32>} : memref<4x112xi32, #tpu.memory_space<vmem>>, vector<16xi32>,
      tpu.vector_store %arg13[%swap3A_2037, %swap3A_2038], %and3A_2035 {strides = array<i32>} : memref<4x112xi32, #tpu.memory_space<vmem>>, vector<16xi32>,
      %get3A_2040 = arith.constant 3 : i32
      %get3A_2041 = arith.index_cast %get3A_2040 : i32 to index
      %get3A_2042 = arith.constant 96 : index
      %get3A_2043 = tpu.vector_load %arg10[%get3A_2041, %get3A_2042] {strides = array<i32>} : memref<6x112xi32, #tpu.memory_space<vmem>>, vector<16xi32>,
      %shift_right_logical3A_2044 = arith.constant 1 : i32
      %shift_right_logical3A_2045 = vector.broadcast %shift_right_logical3A_2044 : i32 to vector<16xi32>
      %shift_right_logical3A_2046 = arith.shrui %get3A_2043, %shift_right_logical3A_2045 : vector<16xi32>
      %gather3A_2047 = tpu.vector_load_idx %arg8[%shift_right_logical3A_2046] : memref<5000xi32, #tpu.memory_space<vmem>>[vector<16xi32>], vector<16xi32>,
      %and3A_2048 = arith.constant 1 : i32
      %and3A_2049 = vector.broadcast %and3A_2048 : i32 to vector<16xi32>
      %and3A_2050 = arith.andi %get3A_2043, %and3A_2049 : vector<16xi32>
      %mul3A_2051 = arith.constant 16 : i32
      %mul3A_2052 = vector.broadcast %mul3A_2051 : i32 to vector<16xi32>
      %mul3A_2053 = arith.muli %and3A_2050, %mul3A_2052 : vector<16xi32>
      %shift_right_logical3A_2054 = arith.shrui %gather3A_2047, %mul3A_2053 : vector<16xi32>
      %and3A_2055 = arith.constant 65535 : i32
      %and3A_2056 = vector.broadcast %and3A_2055 : i32 to vector<16xi32>
      %and3A_2057 = arith.andi %shift_right_logical3A_2054, %and3A_2056 : vector<16xi32>
      %swap3A_2058 = arith.constant 1 : i32
      %swap3A_2059 = arith.index_cast %swap3A_2058 : i32 to index
      %swap3A_2060 = arith.constant 96 : index
      %swap3A_2061 = tpu.vector_load %arg13[%swap3A_2059, %swap3A_2060] {strides = array<i32>} : memref<4x112xi32, #tpu.memory_space<vmem>>, vector<16xi32>,
      tpu.vector_store %arg13[%swap3A_2059, %swap3A_2060], %and3A_2057 {strides = array<i32>} : memref<4x112xi32, #tpu.memory_space<vmem>>, vector<16xi32>,
      %dma_wait3A_2062 = arith.constant 0 : i32
      %dma_wait3A_2063 = arith.constant 0 : i32
      %dma_wait3A_2064 = arith.constant 0 : i32
      %dma_wait3A_2065 = arith.constant 0 : i32
      %dma_wait3A_2066 = tpu.memref_slice %arg14[%dma_wait3A_2063, %dma_wait3A_2064, %dma_wait3A_2065] : memref<2x112x128xf32, #tpu.memory_space<vmem>> -> memref<1x112x128xf32, #tpu.memory_space<vmem>>
      %dma_wait3A_2067 = tpu.memref_squeeze %dma_wait3A_2066 : memref<1x112x128xf32, #tpu.memory_space<vmem>> -> memref<112x128xf32, #tpu.memory_space<vmem>>
      %dma_wait3A_2068 = arith.constant 0 : i32
      %dma_wait3A_2069 = tpu.memref_slice %arg13[%dma_wait3A_2062, %dma_wait3A_2068] : memref<4x112xi32, #tpu.memory_space<vmem>> -> memref<1x112xi32, #tpu.memory_space<vmem>>
      %dma_wait3A_2070 = tpu.memref_squeeze %dma_wait3A_2069 : memref<1x112xi32, #tpu.memory_space<vmem>> -> memref<112xi32, #tpu.memory_space<vmem>>
      %dma_wait3A_2071 = arith.constant 0 : i32
      %dma_wait3A_2072 = arith.constant 0 : i32
      %dma_wait3A_2073 = tpu.memref_slice %arg2[%dma_wait3A_2071, %dma_wait3A_2072] : memref<10000x128xf32, #tpu.memory_space<hbm>> -> memref<10000x128xf32, #tpu.memory_space<hbm>>
      tpu.wait_indirect_dma semaphore(%arg19 : memref<!tpu.dma_semaphore, #tpu.memory_space<semaphore_mem>>) src(%dma_wait3A_2073 : memref<10000x128xf32, #tpu.memory_space<hbm>>) dst(%dma_wait3A_2067 : memref<112x128xf32, #tpu.memory_space<vmem>>)
      %dma_wait3A_2074 = arith.constant 0 : i32
      %dma_wait3A_2075 = arith.constant 0 : i32
      %dma_wait3A_2076 = arith.constant 0 : i32
      %dma_wait3A_2077 = arith.constant 0 : i32
      %dma_wait3A_2078 = tpu.memref_slice %arg14[%dma_wait3A_2075, %dma_wait3A_2076, %dma_wait3A_2077] : memref<2x112x128xf32, #tpu.memory_space<vmem>> -> memref<1x112x128xf32, #tpu.memory_space<vmem>>
      %dma_wait3A_2079 = tpu.memref_squeeze %dma_wait3A_2078 : memref<1x112x128xf32, #tpu.memory_space<vmem>> -> memref<112x128xf32, #tpu.memory_space<vmem>>
      %dma_wait3A_2080 = arith.constant 0 : i32
      %dma_wait3A_2081 = tpu.memref_slice %arg13[%dma_wait3A_2074, %dma_wait3A_2080] : memref<4x112xi32, #tpu.memory_space<vmem>> -> memref<1x112xi32, #tpu.memory_space<vmem>>
      %dma_wait3A_2082 = tpu.memref_squeeze %dma_wait3A_2081 : memref<1x112xi32, #tpu.memory_space<vmem>> -> memref<112xi32, #tpu.memory_space<vmem>>
      %dma_wait3A_2083 = arith.constant 0 : i32
      %dma_wait3A_2084 = arith.constant 0 : i32
      %dma_wait3A_2085 = tpu.memref_slice %arg2[%dma_wait3A_2083, %dma_wait3A_2084] : memref<10000x128xf32, #tpu.memory_space<hbm>> -> memref<10000x128xf32, #tpu.memory_space<hbm>>
      tpu.wait_indirect_dma semaphore(%arg19 : memref<!tpu.dma_semaphore, #tpu.memory_space<semaphore_mem>>) src(%dma_wait3A_2085 : memref<10000x128xf32, #tpu.memory_space<hbm>>) dst(%dma_wait3A_2079 : memref<112x128xf32, #tpu.memory_space<vmem>>)
      %dma_start3A_2086 = arith.constant 0 : i32
      %dma_start3A_2087 = arith.constant 0 : i32
      %dma_start3A_2088 = arith.constant 0 : i32
      %dma_start3A_2089 = arith.constant 0 : i32
      %dma_start3A_2090 = tpu.memref_slice %arg14[%dma_start3A_2086, %dma_start3A_2088, %dma_start3A_2089] : memref<2x112x128xf32, #tpu.memory_space<vmem>> -> memref<1x112x128xf32, #tpu.memory_space<vmem>>
      %dma_start3A_2091 = tpu.memref_squeeze %dma_start3A_2090 : memref<1x112x128xf32, #tpu.memory_space<vmem>> -> memref<112x128xf32, #tpu.memory_space<vmem>>
      %dma_start3A_2092 = arith.constant 0 : i32
      %dma_start3A_2093 = tpu.memref_slice %arg12[%dma_start3A_2087, %dma_start3A_2092] : memref<6x112xi32, #tpu.memory_space<vmem>> -> memref<1x112xi32, #tpu.memory_space<vmem>>
      %dma_start3A_2094 = tpu.memref_squeeze %dma_start3A_2093 : memref<1x112xi32, #tpu.memory_space<vmem>> -> memref<112xi32, #tpu.memory_space<vmem>>
      %dma_start3A_2095 = arith.constant 0 : i32
      %dma_start3A_2096 = arith.constant 0 : i32
      %dma_start3A_2097 = tpu.memref_slice %arg16[%dma_start3A_2095, %dma_start3A_2096] : memref<10112x128xf32, #tpu.memory_space<vmem_shared>> -> memref<10112x128xf32, #tpu.memory_space<vmem_shared>>
      tpu.enqueue_indirect_dma source(%dma_start3A_2091 : memref<112x128xf32, #tpu.memory_space<vmem>>) target(%dma_start3A_2097 : memref<10112x128xf32, #tpu.memory_space<vmem_shared>>) offsets(%dma_start3A_2094 : memref<112xi32, #tpu.memory_space<vmem>>) semaphore(%arg20 : memref<!tpu.dma_semaphore, #tpu.memory_space<semaphore_mem>>) {add = true}
      %dma_start3A_2098 = arith.constant 0 : i32
      %dma_start3A_2099 = arith.constant 0 : i32
      %dma_start3A_2100 = tpu.memref_slice %arg12[%dma_start3A_2098, %dma_start3A_2099] : memref<6x112xi32, #tpu.memory_space<vmem>> -> memref<1x112xi32, #tpu.memory_space<vmem>>
      %dma_start3A_2101 = tpu.memref_squeeze %dma_start3A_2100 : memref<1x112xi32, #tpu.memory_space<vmem>> -> memref<112xi32, #tpu.memory_space<vmem>>
      %dma_start3A_2102 = arith.constant 0 : i32
      %dma_start3A_2103 = arith.constant 0 : i32
      %dma_start3A_2104 = tpu.memref_slice %arg17[%dma_start3A_2102, %dma_start3A_2103] : memref<10112x16xf32, #tpu.memory_space<vmem_shared>> -> memref<10112x16xf32, #tpu.memory_space<vmem_shared>>
      tpu.enqueue_indirect_dma source(%arg15 : memref<112x16xf32, #tpu.memory_space<vmem>>) target(%dma_start3A_2104 : memref<10112x16xf32, #tpu.memory_space<vmem_shared>>) offsets(%dma_start3A_2101 : memref<112xi32, #tpu.memory_space<vmem>>) semaphore(%arg21 : memref<!tpu.dma_semaphore, #tpu.memory_space<semaphore_mem>>) {add = true}
      %dma_start3A_2105 = arith.constant 1 : i32
      %dma_start3A_2106 = arith.constant 1 : i32
      %dma_start3A_2107 = arith.constant 0 : i32
      %dma_start3A_2108 = arith.constant 0 : i32
      %dma_start3A_2109 = tpu.memref_slice %arg14[%dma_start3A_2105, %dma_start3A_2107, %dma_start3A_2108] : memref<2x112x128xf32, #tpu.memory_space<vmem>> -> memref<1x112x128xf32, #tpu.memory_space<vmem>>
      %dma_start3A_2110 = tpu.memref_squeeze %dma_start3A_2109 : memref<1x112x128xf32, #tpu.memory_space<vmem>> -> memref<112x128xf32, #tpu.memory_space<vmem>>
      %dma_start3A_2111 = arith.constant 0 : i32
      %dma_start3A_2112 = tpu.memref_slice %arg12[%dma_start3A_2106, %dma_start3A_2111] : memref<6x112xi32, #tpu.memory_space<vmem>> -> memref<1x112xi32, #tpu.memory_space<vmem>>
      %dma_start3A_2113 = tpu.memref_squeeze %dma_start3A_2112 : memref<1x112xi32, #tpu.memory_space<vmem>> -> memref<112xi32, #tpu.memory_space<vmem>>
      %dma_start3A_2114 = arith.constant 0 : i32
      %dma_start3A_2115 = arith.constant 0 : i32
      %dma_start3A_2116 = tpu.memref_slice %arg16[%dma_start3A_2114, %dma_start3A_2115] : memref<10112x128xf32, #tpu.memory_space<vmem_shared>> -> memref<10112x128xf32, #tpu.memory_space<vmem_shared>>
      tpu.enqueue_indirect_dma source(%dma_start3A_2110 : memref<112x128xf32, #tpu.memory_space<vmem>>) target(%dma_start3A_2116 : memref<10112x128xf32, #tpu.memory_space<vmem_shared>>) offsets(%dma_start3A_2113 : memref<112xi32, #tpu.memory_space<vmem>>) semaphore(%arg20 : memref<!tpu.dma_semaphore, #tpu.memory_space<semaphore_mem>>) {add = true}
      %dma_start3A_2117 = arith.constant 1 : i32
      %dma_start3A_2118 = arith.constant 0 : i32
      %dma_start3A_2119 = tpu.memref_slice %arg12[%dma_start3A_2117, %dma_start3A_2118] : memref<6x112xi32, #tpu.memory_space<vmem>> -> memref<1x112xi32, #tpu.memory_space<vmem>>
      %dma_start3A_2120 = tpu.memref_squeeze %dma_start3A_2119 : memref<1x112xi32, #tpu.memory_space<vmem>> -> memref<112xi32, #tpu.memory_space<vmem>>
      %dma_start3A_2121 = arith.constant 0 : i32
      %dma_start3A_2122 = arith.constant 0 : i32
      %dma_start3A_2123 = tpu.memref_slice %arg17[%dma_start3A_2121, %dma_start3A_2122] : memref<10112x16xf32, #tpu.memory_space<vmem_shared>> -> memref<10112x16xf32, #tpu.memory_space<vmem_shared>>
      tpu.enqueue_indirect_dma source(%arg15 : memref<112x16xf32, #tpu.memory_space<vmem>>) target(%dma_start3A_2123 : memref<10112x16xf32, #tpu.memory_space<vmem_shared>>) offsets(%dma_start3A_2120 : memref<112xi32, #tpu.memory_space<vmem>>) semaphore(%arg21 : memref<!tpu.dma_semaphore, #tpu.memory_space<semaphore_mem>>) {add = true}
      %dma_wait3A_2124 = arith.constant 0 : i32
      %dma_wait3A_2125 = arith.constant 0 : i32
      %dma_wait3A_2126 = arith.constant 0 : i32
      %dma_wait3A_2127 = arith.constant 0 : i32
      %dma_wait3A_2128 = tpu.memref_slice %arg14[%dma_wait3A_2124, %dma_wait3A_2126, %dma_wait3A_2127] : memref<2x112x128xf32, #tpu.memory_space<vmem>> -> memref<1x112x128xf32, #tpu.memory_space<vmem>>
      %dma_wait3A_2129 = tpu.memref_squeeze %dma_wait3A_2128 : memref<1x112x128xf32, #tpu.memory_space<vmem>> -> memref<112x128xf32, #tpu.memory_space<vmem>>
      %dma_wait3A_2130 = arith.constant 0 : i32
      %dma_wait3A_2131 = tpu.memref_slice %arg11[%dma_wait3A_2125, %dma_wait3A_2130] : memref<6x112xi32, #tpu.memory_space<vmem>> -> memref<1x112xi32, #tpu.memory_space<vmem>>
      %dma_wait3A_2132 = tpu.memref_squeeze %dma_wait3A_2131 : memref<1x112xi32, #tpu.memory_space<vmem>> -> memref<112xi32, #tpu.memory_space<vmem>>
      %dma_wait3A_2133 = arith.constant 0 : i32
      %dma_wait3A_2134 = arith.constant 0 : i32
      %dma_wait3A_2135 = tpu.memref_slice %arg16[%dma_wait3A_2133, %dma_wait3A_2134] : memref<10112x128xf32, #tpu.memory_space<vmem_shared>> -> memref<10112x128xf32, #tpu.memory_space<vmem_shared>>
      tpu.wait_indirect_dma semaphore(%arg20 : memref<!tpu.dma_semaphore, #tpu.memory_space<semaphore_mem>>) src(%dma_wait3A_2129 : memref<112x128xf32, #tpu.memory_space<vmem>>) dst(%dma_wait3A_2135 : memref<10112x128xf32, #tpu.memory_space<vmem_shared>>)
      %dma_wait3A_2136 = arith.constant 0 : i32
      %dma_wait3A_2137 = arith.constant 0 : i32
      %dma_wait3A_2138 = tpu.memref_slice %arg11[%dma_wait3A_2136, %dma_wait3A_2137] : memref<6x112xi32, #tpu.memory_space<vmem>> -> memref<1x112xi32, #tpu.memory_space<vmem>>
      %dma_wait3A_2139 = tpu.memref_squeeze %dma_wait3A_2138 : memref<1x112xi32, #tpu.memory_space<vmem>> -> memref<112xi32, #tpu.memory_space<vmem>>
      %dma_wait3A_2140 = arith.constant 0 : i32
      %dma_wait3A_2141 = arith.constant 0 : i32
      %dma_wait3A_2142 = tpu.memref_slice %arg17[%dma_wait3A_2140, %dma_wait3A_2141] : memref<10112x16xf32, #tpu.memory_space<vmem_shared>> -> memref<10112x16xf32, #tpu.memory_space<vmem_shared>>
      tpu.wait_indirect_dma semaphore(%arg21 : memref<!tpu.dma_semaphore, #tpu.memory_space<semaphore_mem>>) src(%arg15 : memref<112x16xf32, #tpu.memory_space<vmem>>) dst(%dma_wait3A_2142 : memref<10112x16xf32, #tpu.memory_space<vmem_shared>>)
      %dma_wait3A_2143 = arith.constant 0 : i32
      %dma_wait3A_2144 = arith.constant 0 : i32
      %dma_wait3A_2145 = arith.constant 0 : i32
      %dma_wait3A_2146 = arith.constant 0 : i32
      %dma_wait3A_2147 = tpu.memref_slice %arg14[%dma_wait3A_2143, %dma_wait3A_2145, %dma_wait3A_2146] : memref<2x112x128xf32, #tpu.memory_space<vmem>> -> memref<1x112x128xf32, #tpu.memory_space<vmem>>
      %dma_wait3A_2148 = tpu.memref_squeeze %dma_wait3A_2147 : memref<1x112x128xf32, #tpu.memory_space<vmem>> -> memref<112x128xf32, #tpu.memory_space<vmem>>
      %dma_wait3A_2149 = arith.constant 0 : i32
      %dma_wait3A_2150 = tpu.memref_slice %arg11[%dma_wait3A_2144, %dma_wait3A_2149] : memref<6x112xi32, #tpu.memory_space<vmem>> -> memref<1x112xi32, #tpu.memory_space<vmem>>
      %dma_wait3A_2151 = tpu.memref_squeeze %dma_wait3A_2150 : memref<1x112xi32, #tpu.memory_space<vmem>> -> memref<112xi32, #tpu.memory_space<vmem>>
      %dma_wait3A_2152 = arith.constant 0 : i32
      %dma_wait3A_2153 = arith.constant 0 : i32
      %dma_wait3A_2154 = tpu.memref_slice %arg16[%dma_wait3A_2152, %dma_wait3A_2153] : memref<10112x128xf32, #tpu.memory_space<vmem_shared>> -> memref<10112x128xf32, #tpu.memory_space<vmem_shared>>
      tpu.wait_indirect_dma semaphore(%arg20 : memref<!tpu.dma_semaphore, #tpu.memory_space<semaphore_mem>>) src(%dma_wait3A_2148 : memref<112x128xf32, #tpu.memory_space<vmem>>) dst(%dma_wait3A_2154 : memref<10112x128xf32, #tpu.memory_space<vmem_shared>>)
      %dma_wait3A_2155 = arith.constant 0 : i32
      %dma_wait3A_2156 = arith.constant 0 : i32
      %dma_wait3A_2157 = tpu.memref_slice %arg11[%dma_wait3A_2155, %dma_wait3A_2156] : memref<6x112xi32, #tpu.memory_space<vmem>> -> memref<1x112xi32, #tpu.memory_space<vmem>>
      %dma_wait3A_2158 = tpu.memref_squeeze %dma_wait3A_2157 : memref<1x112xi32, #tpu.memory_space<vmem>> -> memref<112xi32, #tpu.memory_space<vmem>>
      %dma_wait3A_2159 = arith.constant 0 : i32
      %dma_wait3A_2160 = arith.constant 0 : i32
      %dma_wait3A_2161 = tpu.memref_slice %arg17[%dma_wait3A_2159, %dma_wait3A_2160] : memref<10112x16xf32, #tpu.memory_space<vmem_shared>> -> memref<10112x16xf32, #tpu.memory_space<vmem_shared>>
      tpu.wait_indirect_dma semaphore(%arg21 : memref<!tpu.dma_semaphore, #tpu.memory_space<semaphore_mem>>) src(%arg15 : memref<112x16xf32, #tpu.memory_space<vmem>>) dst(%dma_wait3A_2161 : memref<10112x16xf32, #tpu.memory_space<vmem_shared>>)
      %dma_start3A_2162 = arith.constant 0 : i32
      %dma_start3A_2163 = arith.constant 0 : i32
      %dma_start3A_2164 = arith.constant 0 : i32
      %dma_start3A_2165 = arith.constant 0 : i32
      %dma_start3A_2166 = tpu.memref_slice %arg14[%dma_start3A_2163, %dma_start3A_2164, %dma_start3A_2165] : memref<2x112x128xf32, #tpu.memory_space<vmem>> -> memref<1x112x128xf32, #tpu.memory_space<vmem>>
      %dma_start3A_2167 = tpu.memref_squeeze %dma_start3A_2166 : memref<1x112x128xf32, #tpu.memory_space<vmem>> -> memref<112x128xf32, #tpu.memory_space<vmem>>
      %dma_start3A_2168 = arith.constant 0 : i32
      %dma_start3A_2169 = tpu.memref_slice %arg13[%dma_start3A_2162, %dma_start3A_2168] : memref<4x112xi32, #tpu.memory_space<vmem>> -> memref<1x112xi32, #tpu.memory_space<vmem>>
      %dma_start3A_2170 = tpu.memref_squeeze %dma_start3A_2169 : memref<1x112xi32, #tpu.memory_space<vmem>> -> memref<112xi32, #tpu.memory_space<vmem>>
      %dma_start3A_2171 = arith.constant 0 : i32
      %dma_start3A_2172 = arith.constant 0 : i32
      %dma_start3A_2173 = tpu.memref_slice %arg2[%dma_start3A_2171, %dma_start3A_2172] : memref<10000x128xf32, #tpu.memory_space<hbm>> -> memref<10000x128xf32, #tpu.memory_space<hbm>>
      tpu.enqueue_indirect_dma source(%dma_start3A_2173 : memref<10000x128xf32, #tpu.memory_space<hbm>>) target(%dma_start3A_2167 : memref<112x128xf32, #tpu.memory_space<vmem>>) offsets(%dma_start3A_2170 : memref<112xi32, #tpu.memory_space<vmem>>) semaphore(%arg19 : memref<!tpu.dma_semaphore, #tpu.memory_space<semaphore_mem>>)
      %dma_start3A_2174 = arith.constant 1 : i32
      %dma_start3A_2175 = arith.constant 1 : i32
      %dma_start3A_2176 = arith.constant 0 : i32
      %dma_start3A_2177 = arith.constant 0 : i32
      %dma_start3A_2178 = tpu.memref_slice %arg14[%dma_start3A_2175, %dma_start3A_2176, %dma_start3A_2177] : memref<2x112x128xf32, #tpu.memory_space<vmem>> -> memref<1x112x128xf32, #tpu.memory_space<vmem>>
      %dma_start3A_2179 = tpu.memref_squeeze %dma_start3A_2178 : memref<1x112x128xf32, #tpu.memory_space<vmem>> -> memref<112x128xf32, #tpu.memory_space<vmem>>
      %dma_start3A_2180 = arith.constant 0 : i32
      %dma_start3A_2181 = tpu.memref_slice %arg13[%dma_start3A_2174, %dma_start3A_2180] : memref<4x112xi32, #tpu.memory_space<vmem>> -> memref<1x112xi32, #tpu.memory_space<vmem>>
      %dma_start3A_2182 = tpu.memref_squeeze %dma_start3A_2181 : memref<1x112xi32, #tpu.memory_space<vmem>> -> memref<112xi32, #tpu.memory_space<vmem>>
      %dma_start3A_2183 = arith.constant 0 : i32
      %dma_start3A_2184 = arith.constant 0 : i32
      %dma_start3A_2185 = tpu.memref_slice %arg2[%dma_start3A_2183, %dma_start3A_2184] : memref<10000x128xf32, #tpu.memory_space<hbm>> -> memref<10000x128xf32, #tpu.memory_space<hbm>>
      tpu.enqueue_indirect_dma source(%dma_start3A_2185 : memref<10000x128xf32, #tpu.memory_space<hbm>>) target(%dma_start3A_2179 : memref<112x128xf32, #tpu.memory_space<vmem>>) offsets(%dma_start3A_2182 : memref<112xi32, #tpu.memory_space<vmem>>) semaphore(%arg19 : memref<!tpu.dma_semaphore, #tpu.memory_space<semaphore_mem>>)
      %get3A_2186 = arith.constant 4 : i32
      %get3A_2187 = arith.index_cast %get3A_2186 : i32 to index
      %get3A_2188 = arith.constant 0 : index
      %get3A_2189 = tpu.vector_load %arg10[%get3A_2187, %get3A_2188] {strides = array<i32>} : memref<6x112xi32, #tpu.memory_space<vmem>>, vector<16xi32>,
      %shift_right_logical3A_2190 = arith.constant 1 : i32
      %shift_right_logical3A_2191 = vector.broadcast %shift_right_logical3A_2190 : i32 to vector<16xi32>
      %shift_right_logical3A_2192 = arith.shrui %get3A_2189, %shift_right_logical3A_2191 : vector<16xi32>
      %gather3A_2193 = tpu.vector_load_idx %arg8[%shift_right_logical3A_2192] : memref<5000xi32, #tpu.memory_space<vmem>>[vector<16xi32>], vector<16xi32>,
      %and3A_2194 = arith.constant 1 : i32
      %and3A_2195 = vector.broadcast %and3A_2194 : i32 to vector<16xi32>
      %and3A_2196 = arith.andi %get3A_2189, %and3A_2195 : vector<16xi32>
      %mul3A_2197 = arith.constant 16 : i32
      %mul3A_2198 = vector.broadcast %mul3A_2197 : i32 to vector<16xi32>
      %mul3A_2199 = arith.muli %and3A_2196, %mul3A_2198 : vector<16xi32>
      %shift_right_logical3A_2200 = arith.shrui %gather3A_2193, %mul3A_2199 : vector<16xi32>
      %and3A_2201 = arith.constant 65535 : i32
      %and3A_2202 = vector.broadcast %and3A_2201 : i32 to vector<16xi32>
      %and3A_2203 = arith.andi %shift_right_logical3A_2200, %and3A_2202 : vector<16xi32>
      %swap3A_2204 = arith.constant 2 : i32
      %swap3A_2205 = arith.index_cast %swap3A_2204 : i32 to index
      %swap3A_2206 = arith.constant 0 : index
      %swap3A_2207 = tpu.vector_load %arg13[%swap3A_2205, %swap3A_2206] {strides = array<i32>} : memref<4x112xi32, #tpu.memory_space<vmem>>, vector<16xi32>,
      tpu.vector_store %arg13[%swap3A_2205, %swap3A_2206], %and3A_2203 {strides = array<i32>} : memref<4x112xi32, #tpu.memory_space<vmem>>, vector<16xi32>,
      %get3A_2208 = arith.constant 4 : i32
      %get3A_2209 = arith.index_cast %get3A_2208 : i32 to index
      %get3A_2210 = arith.constant 16 : index
      %get3A_2211 = tpu.vector_load %arg10[%get3A_2209, %get3A_2210] {strides = array<i32>} : memref<6x112xi32, #tpu.memory_space<vmem>>, vector<16xi32>,
      %shift_right_logical3A_2212 = arith.constant 1 : i32
      %shift_right_logical3A_2213 = vector.broadcast %shift_right_logical3A_2212 : i32 to vector<16xi32>
      %shift_right_logical3A_2214 = arith.shrui %get3A_2211, %shift_right_logical3A_2213 : vector<16xi32>
      %gather3A_2215 = tpu.vector_load_idx %arg8[%shift_right_logical3A_2214] : memref<5000xi32, #tpu.memory_space<vmem>>[vector<16xi32>], vector<16xi32>,
      %and3A_2216 = arith.constant 1 : i32
      %and3A_2217 = vector.broadcast %and3A_2216 : i32 to vector<16xi32>
      %and3A_2218 = arith.andi %get3A_2211, %and3A_2217 : vector<16xi32>
      %mul3A_2219 = arith.constant 16 : i32
      %mul3A_2220 = vector.broadcast %mul3A_2219 : i32 to vector<16xi32>
      %mul3A_2221 = arith.muli %and3A_2218, %mul3A_2220 : vector<16xi32>
      %shift_right_logical3A_2222 = arith.shrui %gather3A_2215, %mul3A_2221 : vector<16xi32>
      %and3A_2223 = arith.constant 65535 : i32
      %and3A_2224 = vector.broadcast %and3A_2223 : i32 to vector<16xi32>
      %and3A_2225 = arith.andi %shift_right_logical3A_2222, %and3A_2224 : vector<16xi32>
      %swap3A_2226 = arith.constant 2 : i32
      %swap3A_2227 = arith.index_cast %swap3A_2226 : i32 to index
      %swap3A_2228 = arith.constant 16 : index
      %swap3A_2229 = tpu.vector_load %arg13[%swap3A_2227, %swap3A_2228] {strides = array<i32>} : memref<4x112xi32, #tpu.memory_space<vmem>>, vector<16xi32>,
      tpu.vector_store %arg13[%swap3A_2227, %swap3A_2228], %and3A_2225 {strides = array<i32>} : memref<4x112xi32, #tpu.memory_space<vmem>>, vector<16xi32>,
      %get3A_2230 = arith.constant 4 : i32
      %get3A_2231 = arith.index_cast %get3A_2230 : i32 to index
      %get3A_2232 = arith.constant 32 : index
      %get3A_2233 = tpu.vector_load %arg10[%get3A_2231, %get3A_2232] {strides = array<i32>} : memref<6x112xi32, #tpu.memory_space<vmem>>, vector<16xi32>,
      %shift_right_logical3A_2234 = arith.constant 1 : i32
      %shift_right_logical3A_2235 = vector.broadcast %shift_right_logical3A_2234 : i32 to vector<16xi32>
      %shift_right_logical3A_2236 = arith.shrui %get3A_2233, %shift_right_logical3A_2235 : vector<16xi32>
      %gather3A_2237 = tpu.vector_load_idx %arg8[%shift_right_logical3A_2236] : memref<5000xi32, #tpu.memory_space<vmem>>[vector<16xi32>], vector<16xi32>,
      %and3A_2238 = arith.constant 1 : i32
      %and3A_2239 = vector.broadcast %and3A_2238 : i32 to vector<16xi32>
      %and3A_2240 = arith.andi %get3A_2233, %and3A_2239 : vector<16xi32>
      %mul3A_2241 = arith.constant 16 : i32
      %mul3A_2242 = vector.broadcast %mul3A_2241 : i32 to vector<16xi32>
      %mul3A_2243 = arith.muli %and3A_2240, %mul3A_2242 : vector<16xi32>
      %shift_right_logical3A_2244 = arith.shrui %gather3A_2237, %mul3A_2243 : vector<16xi32>
      %and3A_2245 = arith.constant 65535 : i32
      %and3A_2246 = vector.broadcast %and3A_2245 : i32 to vector<16xi32>
      %and3A_2247 = arith.andi %shift_right_logical3A_2244, %and3A_2246 : vector<16xi32>
      %swap3A_2248 = arith.constant 2 : i32
      %swap3A_2249 = arith.index_cast %swap3A_2248 : i32 to index
      %swap3A_2250 = arith.constant 32 : index
      %swap3A_2251 = tpu.vector_load %arg13[%swap3A_2249, %swap3A_2250] {strides = array<i32>} : memref<4x112xi32, #tpu.memory_space<vmem>>, vector<16xi32>,
      tpu.vector_store %arg13[%swap3A_2249, %swap3A_2250], %and3A_2247 {strides = array<i32>} : memref<4x112xi32, #tpu.memory_space<vmem>>, vector<16xi32>,
      %get3A_2252 = arith.constant 4 : i32
      %get3A_2253 = arith.index_cast %get3A_2252 : i32 to index
      %get3A_2254 = arith.constant 48 : index
      %get3A_2255 = tpu.vector_load %arg10[%get3A_2253, %get3A_2254] {strides = array<i32>} : memref<6x112xi32, #tpu.memory_space<vmem>>, vector<16xi32>,
      %shift_right_logical3A_2256 = arith.constant 1 : i32
      %shift_right_logical3A_2257 = vector.broadcast %shift_right_logical3A_2256 : i32 to vector<16xi32>
      %shift_right_logical3A_2258 = arith.shrui %get3A_2255, %shift_right_logical3A_2257 : vector<16xi32>
      %gather3A_2259 = tpu.vector_load_idx %arg8[%shift_right_logical3A_2258] : memref<5000xi32, #tpu.memory_space<vmem>>[vector<16xi32>], vector<16xi32>,
      %and3A_2260 = arith.constant 1 : i32
      %and3A_2261 = vector.broadcast %and3A_2260 : i32 to vector<16xi32>
      %and3A_2262 = arith.andi %get3A_2255, %and3A_2261 : vector<16xi32>
      %mul3A_2263 = arith.constant 16 : i32
      %mul3A_2264 = vector.broadcast %mul3A_2263 : i32 to vector<16xi32>
      %mul3A_2265 = arith.muli %and3A_2262, %mul3A_2264 : vector<16xi32>
      %shift_right_logical3A_2266 = arith.shrui %gather3A_2259, %mul3A_2265 : vector<16xi32>
      %and3A_2267 = arith.constant 65535 : i32
      %and3A_2268 = vector.broadcast %and3A_2267 : i32 to vector<16xi32>
      %and3A_2269 = arith.andi %shift_right_logical3A_2266, %and3A_2268 : vector<16xi32>
      %swap3A_2270 = arith.constant 2 : i32
      %swap3A_2271 = arith.index_cast %swap3A_2270 : i32 to index
      %swap3A_2272 = arith.constant 48 : index
      %swap3A_2273 = tpu.vector_load %arg13[%swap3A_2271, %swap3A_2272] {strides = array<i32>} : memref<4x112xi32, #tpu.memory_space<vmem>>, vector<16xi32>,
      tpu.vector_store %arg13[%swap3A_2271, %swap3A_2272], %and3A_2269 {strides = array<i32>} : memref<4x112xi32, #tpu.memory_space<vmem>>, vector<16xi32>,
      %get3A_2274 = arith.constant 4 : i32
      %get3A_2275 = arith.index_cast %get3A_2274 : i32 to index
      %get3A_2276 = arith.constant 64 : index
      %get3A_2277 = tpu.vector_load %arg10[%get3A_2275, %get3A_2276] {strides = array<i32>} : memref<6x112xi32, #tpu.memory_space<vmem>>, vector<16xi32>,
      %shift_right_logical3A_2278 = arith.constant 1 : i32
      %shift_right_logical3A_2279 = vector.broadcast %shift_right_logical3A_2278 : i32 to vector<16xi32>
      %shift_right_logical3A_2280 = arith.shrui %get3A_2277, %shift_right_logical3A_2279 : vector<16xi32>
      %gather3A_2281 = tpu.vector_load_idx %arg8[%shift_right_logical3A_2280] : memref<5000xi32, #tpu.memory_space<vmem>>[vector<16xi32>], vector<16xi32>,
      %and3A_2282 = arith.constant 1 : i32
      %and3A_2283 = vector.broadcast %and3A_2282 : i32 to vector<16xi32>
      %and3A_2284 = arith.andi %get3A_2277, %and3A_2283 : vector<16xi32>
      %mul3A_2285 = arith.constant 16 : i32
      %mul3A_2286 = vector.broadcast %mul3A_2285 : i32 to vector<16xi32>
      %mul3A_2287 = arith.muli %and3A_2284, %mul3A_2286 : vector<16xi32>
      %shift_right_logical3A_2288 = arith.shrui %gather3A_2281, %mul3A_2287 : vector<16xi32>
      %and3A_2289 = arith.constant 65535 : i32
      %and3A_2290 = vector.broadcast %and3A_2289 : i32 to vector<16xi32>
      %and3A_2291 = arith.andi %shift_right_logical3A_2288, %and3A_2290 : vector<16xi32>
      %swap3A_2292 = arith.constant 2 : i32
      %swap3A_2293 = arith.index_cast %swap3A_2292 : i32 to index
      %swap3A_2294 = arith.constant 64 : index
      %swap3A_2295 = tpu.vector_load %arg13[%swap3A_2293, %swap3A_2294] {strides = array<i32>} : memref<4x112xi32, #tpu.memory_space<vmem>>, vector<16xi32>,
      tpu.vector_store %arg13[%swap3A_2293, %swap3A_2294], %and3A_2291 {strides = array<i32>} : memref<4x112xi32, #tpu.memory_space<vmem>>, vector<16xi32>,
      %get3A_2296 = arith.constant 4 : i32
      %get3A_2297 = arith.index_cast %get3A_2296 : i32 to index
      %get3A_2298 = arith.constant 80 : index
      %get3A_2299 = tpu.vector_load %arg10[%get3A_2297, %get3A_2298] {strides = array<i32>} : memref<6x112xi32, #tpu.memory_space<vmem>>, vector<16xi32>,
      %shift_right_logical3A_2300 = arith.constant 1 : i32
      %shift_right_logical3A_2301 = vector.broadcast %shift_right_logical3A_2300 : i32 to vector<16xi32>
      %shift_right_logical3A_2302 = arith.shrui %get3A_2299, %shift_right_logical3A_2301 : vector<16xi32>
      %gather3A_2303 = tpu.vector_load_idx %arg8[%shift_right_logical3A_2302] : memref<5000xi32, #tpu.memory_space<vmem>>[vector<16xi32>], vector<16xi32>,
      %and3A_2304 = arith.constant 1 : i32
      %and3A_2305 = vector.broadcast %and3A_2304 : i32 to vector<16xi32>
      %and3A_2306 = arith.andi %get3A_2299, %and3A_2305 : vector<16xi32>
      %mul3A_2307 = arith.constant 16 : i32
      %mul3A_2308 = vector.broadcast %mul3A_2307 : i32 to vector<16xi32>
      %mul3A_2309 = arith.muli %and3A_2306, %mul3A_2308 : vector<16xi32>
      %shift_right_logical3A_2310 = arith.shrui %gather3A_2303, %mul3A_2309 : vector<16xi32>
      %and3A_2311 = arith.constant 65535 : i32
      %and3A_2312 = vector.broadcast %and3A_2311 : i32 to vector<16xi32>
      %and3A_2313 = arith.andi %shift_right_logical3A_2310, %and3A_2312 : vector<16xi32>
      %swap3A_2314 = arith.constant 2 : i32
      %swap3A_2315 = arith.index_cast %swap3A_2314 : i32 to index
      %swap3A_2316 = arith.constant 80 : index
      %swap3A_2317 = tpu.vector_load %arg13[%swap3A_2315, %swap3A_2316] {strides = array<i32>} : memref<4x112xi32, #tpu.memory_space<vmem>>, vector<16xi32>,
      tpu.vector_store %arg13[%swap3A_2315, %swap3A_2316], %and3A_2313 {strides = array<i32>} : memref<4x112xi32, #tpu.memory_space<vmem>>, vector<16xi32>,
      %get3A_2318 = arith.constant 4 : i32
      %get3A_2319 = arith.index_cast %get3A_2318 : i32 to index
      %get3A_2320 = arith.constant 96 : index
      %get3A_2321 = tpu.vector_load %arg10[%get3A_2319, %get3A_2320] {strides = array<i32>} : memref<6x112xi32, #tpu.memory_space<vmem>>, vector<16xi32>,
      %shift_right_logical3A_2322 = arith.constant 1 : i32
      %shift_right_logical3A_2323 = vector.broadcast %shift_right_logical3A_2322 : i32 to vector<16xi32>
      %shift_right_logical3A_2324 = arith.shrui %get3A_2321, %shift_right_logical3A_2323 : vector<16xi32>
      %gather3A_2325 = tpu.vector_load_idx %arg8[%shift_right_logical3A_2324] : memref<5000xi32, #tpu.memory_space<vmem>>[vector<16xi32>], vector<16xi32>,
      %and3A_2326 = arith.constant 1 : i32
      %and3A_2327 = vector.broadcast %and3A_2326 : i32 to vector<16xi32>
      %and3A_2328 = arith.andi %get3A_2321, %and3A_2327 : vector<16xi32>
      %mul3A_2329 = arith.constant 16 : i32
      %mul3A_2330 = vector.broadcast %mul3A_2329 : i32 to vector<16xi32>
      %mul3A_2331 = arith.muli %and3A_2328, %mul3A_2330 : vector<16xi32>
      %shift_right_logical3A_2332 = arith.shrui %gather3A_2325, %mul3A_2331 : vector<16xi32>
      %and3A_2333 = arith.constant 65535 : i32
      %and3A_2334 = vector.broadcast %and3A_2333 : i32 to vector<16xi32>
      %and3A_2335 = arith.andi %shift_right_logical3A_2332, %and3A_2334 : vector<16xi32>
      %swap3A_2336 = arith.constant 2 : i32
      %swap3A_2337 = arith.index_cast %swap3A_2336 : i32 to index
      %swap3A_2338 = arith.constant 96 : index
      %swap3A_2339 = tpu.vector_load %arg13[%swap3A_2337, %swap3A_2338] {strides = array<i32>} : memref<4x112xi32, #tpu.memory_space<vmem>>, vector<16xi32>,
      tpu.vector_store %arg13[%swap3A_2337, %swap3A_2338], %and3A_2335 {strides = array<i32>} : memref<4x112xi32, #tpu.memory_space<vmem>>, vector<16xi32>,
      %get3A_2340 = arith.constant 5 : i32
      %get3A_2341 = arith.index_cast %get3A_2340 : i32 to index
      %get3A_2342 = arith.constant 0 : index
      %get3A_2343 = tpu.vector_load %arg10[%get3A_2341, %get3A_2342] {strides = array<i32>} : memref<6x112xi32, #tpu.memory_space<vmem>>, vector<16xi32>,
      %shift_right_logical3A_2344 = arith.constant 1 : i32
      %shift_right_logical3A_2345 = vector.broadcast %shift_right_logical3A_2344 : i32 to vector<16xi32>
      %shift_right_logical3A_2346 = arith.shrui %get3A_2343, %shift_right_logical3A_2345 : vector<16xi32>
      %gather3A_2347 = tpu.vector_load_idx %arg8[%shift_right_logical3A_2346] : memref<5000xi32, #tpu.memory_space<vmem>>[vector<16xi32>], vector<16xi32>,
      %and3A_2348 = arith.constant 1 : i32
      %and3A_2349 = vector.broadcast %and3A_2348 : i32 to vector<16xi32>
      %and3A_2350 = arith.andi %get3A_2343, %and3A_2349 : vector<16xi32>
      %mul3A_2351 = arith.constant 16 : i32
      %mul3A_2352 = vector.broadcast %mul3A_2351 : i32 to vector<16xi32>
      %mul3A_2353 = arith.muli %and3A_2350, %mul3A_2352 : vector<16xi32>
      %shift_right_logical3A_2354 = arith.shrui %gather3A_2347, %mul3A_2353 : vector<16xi32>
      %and3A_2355 = arith.constant 65535 : i32
      %and3A_2356 = vector.broadcast %and3A_2355 : i32 to vector<16xi32>
      %and3A_2357 = arith.andi %shift_right_logical3A_2354, %and3A_2356 : vector<16xi32>
      %swap3A_2358 = arith.constant 3 : i32
      %swap3A_2359 = arith.index_cast %swap3A_2358 : i32 to index
      %swap3A_2360 = arith.constant 0 : index
      %swap3A_2361 = tpu.vector_load %arg13[%swap3A_2359, %swap3A_2360] {strides = array<i32>} : memref<4x112xi32, #tpu.memory_space<vmem>>, vector<16xi32>,
      tpu.vector_store %arg13[%swap3A_2359, %swap3A_2360], %and3A_2357 {strides = array<i32>} : memref<4x112xi32, #tpu.memory_space<vmem>>, vector<16xi32>,
      %get3A_2362 = arith.constant 5 : i32
      %get3A_2363 = arith.index_cast %get3A_2362 : i32 to index
      %get3A_2364 = arith.constant 16 : index
      %get3A_2365 = tpu.vector_load %arg10[%get3A_2363, %get3A_2364] {strides = array<i32>} : memref<6x112xi32, #tpu.memory_space<vmem>>, vector<16xi32>,
      %shift_right_logical3A_2366 = arith.constant 1 : i32
      %shift_right_logical3A_2367 = vector.broadcast %shift_right_logical3A_2366 : i32 to vector<16xi32>
      %shift_right_logical3A_2368 = arith.shrui %get3A_2365, %shift_right_logical3A_2367 : vector<16xi32>
      %gather3A_2369 = tpu.vector_load_idx %arg8[%shift_right_logical3A_2368] : memref<5000xi32, #tpu.memory_space<vmem>>[vector<16xi32>], vector<16xi32>,
      %and3A_2370 = arith.constant 1 : i32
      %and3A_2371 = vector.broadcast %and3A_2370 : i32 to vector<16xi32>
      %and3A_2372 = arith.andi %get3A_2365, %and3A_2371 : vector<16xi32>
      %mul3A_2373 = arith.constant 16 : i32
      %mul3A_2374 = vector.broadcast %mul3A_2373 : i32 to vector<16xi32>
      %mul3A_2375 = arith.muli %and3A_2372, %mul3A_2374 : vector<16xi32>
      %shift_right_logical3A_2376 = arith.shrui %gather3A_2369, %mul3A_2375 : vector<16xi32>
      %and3A_2377 = arith.constant 65535 : i32
      %and3A_2378 = vector.broadcast %and3A_2377 : i32 to vector<16xi32>
      %and3A_2379 = arith.andi %shift_right_logical3A_2376, %and3A_2378 : vector<16xi32>
      %swap3A_2380 = arith.constant 3 : i32
      %swap3A_2381 = arith.index_cast %swap3A_2380 : i32 to index
      %swap3A_2382 = arith.constant 16 : index
      %swap3A_2383 = tpu.vector_load %arg13[%swap3A_2381, %swap3A_2382] {strides = array<i32>} : memref<4x112xi32, #tpu.memory_space<vmem>>, vector<16xi32>,
      tpu.vector_store %arg13[%swap3A_2381, %swap3A_2382], %and3A_2379 {strides = array<i32>} : memref<4x112xi32, #tpu.memory_space<vmem>>, vector<16xi32>,
      %get3A_2384 = arith.constant 5 : i32
      %get3A_2385 = arith.index_cast %get3A_2384 : i32 to index
      %get3A_2386 = arith.constant 32 : index
      %get3A_2387 = tpu.vector_load %arg10[%get3A_2385, %get3A_2386] {strides = array<i32>} : memref<6x112xi32, #tpu.memory_space<vmem>>, vector<16xi32>,
      %shift_right_logical3A_2388 = arith.constant 1 : i32
      %shift_right_logical3A_2389 = vector.broadcast %shift_right_logical3A_2388 : i32 to vector<16xi32>
      %shift_right_logical3A_2390 = arith.shrui %get3A_2387, %shift_right_logical3A_2389 : vector<16xi32>
      %gather3A_2391 = tpu.vector_load_idx %arg8[%shift_right_logical3A_2390] : memref<5000xi32, #tpu.memory_space<vmem>>[vector<16xi32>], vector<16xi32>,
      %and3A_2392 = arith.constant 1 : i32
      %and3A_2393 = vector.broadcast %and3A_2392 : i32 to vector<16xi32>
      %and3A_2394 = arith.andi %get3A_2387, %and3A_2393 : vector<16xi32>
      %mul3A_2395 = arith.constant 16 : i32
      %mul3A_2396 = vector.broadcast %mul3A_2395 : i32 to vector<16xi32>
      %mul3A_2397 = arith.muli %and3A_2394, %mul3A_2396 : vector<16xi32>
      %shift_right_logical3A_2398 = arith.shrui %gather3A_2391, %mul3A_2397 : vector<16xi32>
      %and3A_2399 = arith.constant 65535 : i32
      %and3A_2400 = vector.broadcast %and3A_2399 : i32 to vector<16xi32>
      %and3A_2401 = arith.andi %shift_right_logical3A_2398, %and3A_2400 : vector<16xi32>
      %swap3A_2402 = arith.constant 3 : i32
      %swap3A_2403 = arith.index_cast %swap3A_2402 : i32 to index
      %swap3A_2404 = arith.constant 32 : index
      %swap3A_2405 = tpu.vector_load %arg13[%swap3A_2403, %swap3A_2404] {strides = array<i32>} : memref<4x112xi32, #tpu.memory_space<vmem>>, vector<16xi32>,
      tpu.vector_store %arg13[%swap3A_2403, %swap3A_2404], %and3A_2401 {strides = array<i32>} : memref<4x112xi32, #tpu.memory_space<vmem>>, vector<16xi32>,
      %get3A_2406 = arith.constant 5 : i32
      %get3A_2407 = arith.index_cast %get3A_2406 : i32 to index
      %get3A_2408 = arith.constant 48 : index
      %get3A_2409 = tpu.vector_load %arg10[%get3A_2407, %get3A_2408] {strides = array<i32>} : memref<6x112xi32, #tpu.memory_space<vmem>>, vector<16xi32>,
      %shift_right_logical3A_2410 = arith.constant 1 : i32
      %shift_right_logical3A_2411 = vector.broadcast %shift_right_logical3A_2410 : i32 to vector<16xi32>
      %shift_right_logical3A_2412 = arith.shrui %get3A_2409, %shift_right_logical3A_2411 : vector<16xi32>
      %gather3A_2413 = tpu.vector_load_idx %arg8[%shift_right_logical3A_2412] : memref<5000xi32, #tpu.memory_space<vmem>>[vector<16xi32>], vector<16xi32>,
      %and3A_2414 = arith.constant 1 : i32
      %and3A_2415 = vector.broadcast %and3A_2414 : i32 to vector<16xi32>
      %and3A_2416 = arith.andi %get3A_2409, %and3A_2415 : vector<16xi32>
      %mul3A_2417 = arith.constant 16 : i32
      %mul3A_2418 = vector.broadcast %mul3A_2417 : i32 to vector<16xi32>
      %mul3A_2419 = arith.muli %and3A_2416, %mul3A_2418 : vector<16xi32>
      %shift_right_logical3A_2420 = arith.shrui %gather3A_2413, %mul3A_2419 : vector<16xi32>
      %and3A_2421 = arith.constant 65535 : i32
      %and3A_2422 = vector.broadcast %and3A_2421 : i32 to vector<16xi32>
      %and3A_2423 = arith.andi %shift_right_logical3A_2420, %and3A_2422 : vector<16xi32>
      %swap3A_2424 = arith.constant 3 : i32
      %swap3A_2425 = arith.index_cast %swap3A_2424 : i32 to index
      %swap3A_2426 = arith.constant 48 : index
      %swap3A_2427 = tpu.vector_load %arg13[%swap3A_2425, %swap3A_2426] {strides = array<i32>} : memref<4x112xi32, #tpu.memory_space<vmem>>, vector<16xi32>,
      tpu.vector_store %arg13[%swap3A_2425, %swap3A_2426], %and3A_2423 {strides = array<i32>} : memref<4x112xi32, #tpu.memory_space<vmem>>, vector<16xi32>,
      %get3A_2428 = arith.constant 5 : i32
      %get3A_2429 = arith.index_cast %get3A_2428 : i32 to index
      %get3A_2430 = arith.constant 64 : index
      %get3A_2431 = tpu.vector_load %arg10[%get3A_2429, %get3A_2430] {strides = array<i32>} : memref<6x112xi32, #tpu.memory_space<vmem>>, vector<16xi32>,
      %shift_right_logical3A_2432 = arith.constant 1 : i32
      %shift_right_logical3A_2433 = vector.broadcast %shift_right_logical3A_2432 : i32 to vector<16xi32>
      %shift_right_logical3A_2434 = arith.shrui %get3A_2431, %shift_right_logical3A_2433 : vector<16xi32>
      %gather3A_2435 = tpu.vector_load_idx %arg8[%shift_right_logical3A_2434] : memref<5000xi32, #tpu.memory_space<vmem>>[vector<16xi32>], vector<16xi32>,
      %and3A_2436 = arith.constant 1 : i32
      %and3A_2437 = vector.broadcast %and3A_2436 : i32 to vector<16xi32>
      %and3A_2438 = arith.andi %get3A_2431, %and3A_2437 : vector<16xi32>
      %mul3A_2439 = arith.constant 16 : i32
      %mul3A_2440 = vector.broadcast %mul3A_2439 : i32 to vector<16xi32>
      %mul3A_2441 = arith.muli %and3A_2438, %mul3A_2440 : vector<16xi32>
      %shift_right_logical3A_2442 = arith.shrui %gather3A_2435, %mul3A_2441 : vector<16xi32>
      %and3A_2443 = arith.constant 65535 : i32
      %and3A_2444 = vector.broadcast %and3A_2443 : i32 to vector<16xi32>
      %and3A_2445 = arith.andi %shift_right_logical3A_2442, %and3A_2444 : vector<16xi32>
      %swap3A_2446 = arith.constant 3 : i32
      %swap3A_2447 = arith.index_cast %swap3A_2446 : i32 to index
      %swap3A_2448 = arith.constant 64 : index
      %swap3A_2449 = tpu.vector_load %arg13[%swap3A_2447, %swap3A_2448] {strides = array<i32>} : memref<4x112xi32, #tpu.memory_space<vmem>>, vector<16xi32>,
      tpu.vector_store %arg13[%swap3A_2447, %swap3A_2448], %and3A_2445 {strides = array<i32>} : memref<4x112xi32, #tpu.memory_space<vmem>>, vector<16xi32>,
      %get3A_2450 = arith.constant 5 : i32
      %get3A_2451 = arith.index_cast %get3A_2450 : i32 to index
      %get3A_2452 = arith.constant 80 : index
      %get3A_2453 = tpu.vector_load %arg10[%get3A_2451, %get3A_2452] {strides = array<i32>} : memref<6x112xi32, #tpu.memory_space<vmem>>, vector<16xi32>,
      %shift_right_logical3A_2454 = arith.constant 1 : i32
      %shift_right_logical3A_2455 = vector.broadcast %shift_right_logical3A_2454 : i32 to vector<16xi32>
      %shift_right_logical3A_2456 = arith.shrui %get3A_2453, %shift_right_logical3A_2455 : vector<16xi32>
      %gather3A_2457 = tpu.vector_load_idx %arg8[%shift_right_logical3A_2456] : memref<5000xi32, #tpu.memory_space<vmem>>[vector<16xi32>], vector<16xi32>,
      %and3A_2458 = arith.constant 1 : i32
      %and3A_2459 = vector.broadcast %and3A_2458 : i32 to vector<16xi32>
      %and3A_2460 = arith.andi %get3A_2453, %and3A_2459 : vector<16xi32>
      %mul3A_2461 = arith.constant 16 : i32
      %mul3A_2462 = vector.broadcast %mul3A_2461 : i32 to vector<16xi32>
      %mul3A_2463 = arith.muli %and3A_2460, %mul3A_2462 : vector<16xi32>
      %shift_right_logical3A_2464 = arith.shrui %gather3A_2457, %mul3A_2463 : vector<16xi32>
      %and3A_2465 = arith.constant 65535 : i32
      %and3A_2466 = vector.broadcast %and3A_2465 : i32 to vector<16xi32>
      %and3A_2467 = arith.andi %shift_right_logical3A_2464, %and3A_2466 : vector<16xi32>
      %swap3A_2468 = arith.constant 3 : i32
      %swap3A_2469 = arith.index_cast %swap3A_2468 : i32 to index
      %swap3A_2470 = arith.constant 80 : index
      %swap3A_2471 = tpu.vector_load %arg13[%swap3A_2469, %swap3A_2470] {strides = array<i32>} : memref<4x112xi32, #tpu.memory_space<vmem>>, vector<16xi32>,
      tpu.vector_store %arg13[%swap3A_2469, %swap3A_2470], %and3A_2467 {strides = array<i32>} : memref<4x112xi32, #tpu.memory_space<vmem>>, vector<16xi32>,
      %get3A_2472 = arith.constant 5 : i32
      %get3A_2473 = arith.index_cast %get3A_2472 : i32 to index
      %get3A_2474 = arith.constant 96 : index
      %get3A_2475 = tpu.vector_load %arg10[%get3A_2473, %get3A_2474] {strides = array<i32>} : memref<6x112xi32, #tpu.memory_space<vmem>>, vector<16xi32>,
      %shift_right_logical3A_2476 = arith.constant 1 : i32
      %shift_right_logical3A_2477 = vector.broadcast %shift_right_logical3A_2476 : i32 to vector<16xi32>
      %shift_right_logical3A_2478 = arith.shrui %get3A_2475, %shift_right_logical3A_2477 : vector<16xi32>
      %gather3A_2479 = tpu.vector_load_idx %arg8[%shift_right_logical3A_2478] : memref<5000xi32, #tpu.memory_space<vmem>>[vector<16xi32>], vector<16xi32>,
      %and3A_2480 = arith.constant 1 : i32
      %and3A_2481 = vector.broadcast %and3A_2480 : i32 to vector<16xi32>
      %and3A_2482 = arith.andi %get3A_2475, %and3A_2481 : vector<16xi32>
      %mul3A_2483 = arith.constant 16 : i32
      %mul3A_2484 = vector.broadcast %mul3A_2483 : i32 to vector<16xi32>
      %mul3A_2485 = arith.muli %and3A_2482, %mul3A_2484 : vector<16xi32>
      %shift_right_logical3A_2486 = arith.shrui %gather3A_2479, %mul3A_2485 : vector<16xi32>
      %and3A_2487 = arith.constant 65535 : i32
      %and3A_2488 = vector.broadcast %and3A_2487 : i32 to vector<16xi32>
      %and3A_2489 = arith.andi %shift_right_logical3A_2486, %and3A_2488 : vector<16xi32>
      %swap3A_2490 = arith.constant 3 : i32
      %swap3A_2491 = arith.index_cast %swap3A_2490 : i32 to index
      %swap3A_2492 = arith.constant 96 : index
      %swap3A_2493 = tpu.vector_load %arg13[%swap3A_2491, %swap3A_2492] {strides = array<i32>} : memref<4x112xi32, #tpu.memory_space<vmem>>, vector<16xi32>,
      tpu.vector_store %arg13[%swap3A_2491, %swap3A_2492], %and3A_2489 {strides = array<i32>} : memref<4x112xi32, #tpu.memory_space<vmem>>, vector<16xi32>,
      %mul3A_2494 = arith.constant 2 : i32
      %mul3A_2495 = arith.muli %mul3A_2494, %scan3A_423 : i32
      %add3A_2496 = arith.constant 2 : i32
      %add3A_2497 = arith.addi %mul3A_2495, %add3A_2496 : i32
      %mul3A_2498 = arith.constant 6 : i32
      %mul3A_2499 = arith.muli %add3A_2497, %mul3A_2498 : i32
      "tpu.region"() ({
        %run_scoped3A_2997 = tpu.sem_alloc : memref<!tpu.dma_semaphore, #tpu.memory_space<semaphore_mem>>
        %dma_start3A_2998 = arith.constant 0 : i32
        %dma_start3A_2999 = tpu.memref_slice %arg4[%arg0, %arg1, %mul3A_2499, %dma_start3A_2998] : memref<2x16x186x112xi32, #tpu.memory_space<hbm>> -> memref<1x1x6x112xi32, #tpu.memory_space<hbm>>
        %dma_start3A_3000 = tpu.memref_squeeze %dma_start3A_2999 : memref<1x1x6x112xi32, #tpu.memory_space<hbm>> -> memref<6x112xi32, #tpu.memory_space<hbm>>
        %dma_start3A_3001 = arith.constant 0 : i32
        %dma_start3A_3002 = tpu.memref_slice %arg4[%arg0, %arg1, %mul3A_2499, %dma_start3A_3001] : memref<2x16x186x112xi32, #tpu.memory_space<hbm>> -> memref<1x1x6x112xi32, #tpu.memory_space<hbm>>
        %dma_start3A_3003 = tpu.memref_squeeze %dma_start3A_3002 : memref<1x1x6x112xi32, #tpu.memory_space<hbm>> -> memref<6x112xi32, #tpu.memory_space<hbm>>
        tpu.enqueue_dma source(%dma_start3A_3003 : memref<6x112xi32, #tpu.memory_space<hbm>>) target(%arg9 : memref<6x112xi32, #tpu.memory_space<vmem>>) target_semaphore(%run_scoped3A_2997 : memref<!tpu.dma_semaphore, #tpu.memory_space<semaphore_mem>>)
        %dma_wait3A_3004 = arith.constant 0 : i32
        %dma_wait3A_3005 = tpu.memref_slice %arg4[%arg0, %arg1, %mul3A_2499, %dma_wait3A_3004] : memref<2x16x186x112xi32, #tpu.memory_space<hbm>> -> memref<1x1x6x112xi32, #tpu.memory_space<hbm>>
        %dma_wait3A_3006 = tpu.memref_squeeze %dma_wait3A_3005 : memref<1x1x6x112xi32, #tpu.memory_space<hbm>> -> memref<6x112xi32, #tpu.memory_space<hbm>>
        %dma_wait3A_3007 = arith.constant 0 : i32
        %dma_wait3A_3008 = tpu.memref_slice %arg4[%arg0, %arg1, %mul3A_2499, %dma_wait3A_3007] : memref<2x16x186x112xi32, #tpu.memory_space<hbm>> -> memref<1x1x6x112xi32, #tpu.memory_space<hbm>>
        %dma_wait3A_3009 = tpu.memref_squeeze %dma_wait3A_3008 : memref<1x1x6x112xi32, #tpu.memory_space<hbm>> -> memref<6x112xi32, #tpu.memory_space<hbm>>
        tpu.wait_dma2 semaphore(%run_scoped3A_2997 : memref<!tpu.dma_semaphore, #tpu.memory_space<semaphore_mem>>) src(%dma_wait3A_3009 : memref<6x112xi32, #tpu.memory_space<hbm>>) dst(%arg9 : memref<6x112xi32, #tpu.memory_space<vmem>>)
        tpu.yield
      }) : () -> ()
      %mul3A_2500 = arith.constant 6 : i32
      %mul3A_2501 = arith.muli %add3A_2497, %mul3A_2500 : i32
      "tpu.region"() ({
        %run_scoped3A_2997 = tpu.sem_alloc : memref<!tpu.dma_semaphore, #tpu.memory_space<semaphore_mem>>
        %dma_start3A_2998 = arith.constant 0 : i32
        %dma_start3A_2999 = tpu.memref_slice %arg5[%arg0, %arg1, %mul3A_2501, %dma_start3A_2998] : memref<2x16x186x112xi32, #tpu.memory_space<hbm>> -> memref<1x1x6x112xi32, #tpu.memory_space<hbm>>
        %dma_start3A_3000 = tpu.memref_squeeze %dma_start3A_2999 : memref<1x1x6x112xi32, #tpu.memory_space<hbm>> -> memref<6x112xi32, #tpu.memory_space<hbm>>
        %dma_start3A_3001 = arith.constant 0 : i32
        %dma_start3A_3002 = tpu.memref_slice %arg5[%arg0, %arg1, %mul3A_2501, %dma_start3A_3001] : memref<2x16x186x112xi32, #tpu.memory_space<hbm>> -> memref<1x1x6x112xi32, #tpu.memory_space<hbm>>
        %dma_start3A_3003 = tpu.memref_squeeze %dma_start3A_3002 : memref<1x1x6x112xi32, #tpu.memory_space<hbm>> -> memref<6x112xi32, #tpu.memory_space<hbm>>
        tpu.enqueue_dma source(%dma_start3A_3003 : memref<6x112xi32, #tpu.memory_space<hbm>>) target(%arg11 : memref<6x112xi32, #tpu.memory_space<vmem>>) target_semaphore(%run_scoped3A_2997 : memref<!tpu.dma_semaphore, #tpu.memory_space<semaphore_mem>>)
        %dma_wait3A_3004 = arith.constant 0 : i32
        %dma_wait3A_3005 = tpu.memref_slice %arg5[%arg0, %arg1, %mul3A_2501, %dma_wait3A_3004] : memref<2x16x186x112xi32, #tpu.memory_space<hbm>> -> memref<1x1x6x112xi32, #tpu.memory_space<hbm>>
        %dma_wait3A_3006 = tpu.memref_squeeze %dma_wait3A_3005 : memref<1x1x6x112xi32, #tpu.memory_space<hbm>> -> memref<6x112xi32, #tpu.memory_space<hbm>>
        %dma_wait3A_3007 = arith.constant 0 : i32
        %dma_wait3A_3008 = tpu.memref_slice %arg5[%arg0, %arg1, %mul3A_2501, %dma_wait3A_3007] : memref<2x16x186x112xi32, #tpu.memory_space<hbm>> -> memref<1x1x6x112xi32, #tpu.memory_space<hbm>>
        %dma_wait3A_3009 = tpu.memref_squeeze %dma_wait3A_3008 : memref<1x1x6x112xi32, #tpu.memory_space<hbm>> -> memref<6x112xi32, #tpu.memory_space<hbm>>
        tpu.wait_dma2 semaphore(%run_scoped3A_2997 : memref<!tpu.dma_semaphore, #tpu.memory_space<semaphore_mem>>) src(%dma_wait3A_3009 : memref<6x112xi32, #tpu.memory_space<hbm>>) dst(%arg11 : memref<6x112xi32, #tpu.memory_space<vmem>>)
        tpu.yield
      }) : () -> ()
      %dma_wait3A_2502 = arith.constant 0 : i32
      %dma_wait3A_2503 = arith.constant 0 : i32
      %dma_wait3A_2504 = arith.constant 0 : i32
      %dma_wait3A_2505 = arith.constant 0 : i32
      %dma_wait3A_2506 = tpu.memref_slice %arg14[%dma_wait3A_2503, %dma_wait3A_2504, %dma_wait3A_2505] : memref<2x112x128xf32, #tpu.memory_space<vmem>> -> memref<1x112x128xf32, #tpu.memory_space<vmem>>
      %dma_wait3A_2507 = tpu.memref_squeeze %dma_wait3A_2506 : memref<1x112x128xf32, #tpu.memory_space<vmem>> -> memref<112x128xf32, #tpu.memory_space<vmem>>
      %dma_wait3A_2508 = arith.constant 0 : i32
      %dma_wait3A_2509 = tpu.memref_slice %arg13[%dma_wait3A_2502, %dma_wait3A_2508] : memref<4x112xi32, #tpu.memory_space<vmem>> -> memref<1x112xi32, #tpu.memory_space<vmem>>
      %dma_wait3A_2510 = tpu.memref_squeeze %dma_wait3A_2509 : memref<1x112xi32, #tpu.memory_space<vmem>> -> memref<112xi32, #tpu.memory_space<vmem>>
      %dma_wait3A_2511 = arith.constant 0 : i32
      %dma_wait3A_2512 = arith.constant 0 : i32
      %dma_wait3A_2513 = tpu.memref_slice %arg2[%dma_wait3A_2511, %dma_wait3A_2512] : memref<10000x128xf32, #tpu.memory_space<hbm>> -> memref<10000x128xf32, #tpu.memory_space<hbm>>
      tpu.wait_indirect_dma semaphore(%arg19 : memref<!tpu.dma_semaphore, #tpu.memory_space<semaphore_mem>>) src(%dma_wait3A_2513 : memref<10000x128xf32, #tpu.memory_space<hbm>>) dst(%dma_wait3A_2507 : memref<112x128xf32, #tpu.memory_space<vmem>>)
      %dma_wait3A_2514 = arith.constant 0 : i32
      %dma_wait3A_2515 = arith.constant 0 : i32
      %dma_wait3A_2516 = arith.constant 0 : i32
      %dma_wait3A_2517 = arith.constant 0 : i32
      %dma_wait3A_2518 = tpu.memref_slice %arg14[%dma_wait3A_2515, %dma_wait3A_2516, %dma_wait3A_2517] : memref<2x112x128xf32, #tpu.memory_space<vmem>> -> memref<1x112x128xf32, #tpu.memory_space<vmem>>
      %dma_wait3A_2519 = tpu.memref_squeeze %dma_wait3A_2518 : memref<1x112x128xf32, #tpu.memory_space<vmem>> -> memref<112x128xf32, #tpu.memory_space<vmem>>
      %dma_wait3A_2520 = arith.constant 0 : i32
      %dma_wait3A_2521 = tpu.memref_slice %arg13[%dma_wait3A_2514, %dma_wait3A_2520] : memref<4x112xi32, #tpu.memory_space<vmem>> -> memref<1x112xi32, #tpu.memory_space<vmem>>
      %dma_wait3A_2522 = tpu.memref_squeeze %dma_wait3A_2521 : memref<1x112xi32, #tpu.memory_space<vmem>> -> memref<112xi32, #tpu.memory_space<vmem>>
      %dma_wait3A_2523 = arith.constant 0 : i32
      %dma_wait3A_2524 = arith.constant 0 : i32
      %dma_wait3A_2525 = tpu.memref_slice %arg2[%dma_wait3A_2523, %dma_wait3A_2524] : memref<10000x128xf32, #tpu.memory_space<hbm>> -> memref<10000x128xf32, #tpu.memory_space<hbm>>
      tpu.wait_indirect_dma semaphore(%arg19 : memref<!tpu.dma_semaphore, #tpu.memory_space<semaphore_mem>>) src(%dma_wait3A_2525 : memref<10000x128xf32, #tpu.memory_space<hbm>>) dst(%dma_wait3A_2519 : memref<112x128xf32, #tpu.memory_space<vmem>>)
      %dma_start3A_2526 = arith.constant 0 : i32
      %dma_start3A_2527 = arith.constant 2 : i32
      %dma_start3A_2528 = arith.constant 0 : i32
      %dma_start3A_2529 = arith.constant 0 : i32
      %dma_start3A_2530 = tpu.memref_slice %arg14[%dma_start3A_2526, %dma_start3A_2528, %dma_start3A_2529] : memref<2x112x128xf32, #tpu.memory_space<vmem>> -> memref<1x112x128xf32, #tpu.memory_space<vmem>>
      %dma_start3A_2531 = tpu.memref_squeeze %dma_start3A_2530 : memref<1x112x128xf32, #tpu.memory_space<vmem>> -> memref<112x128xf32, #tpu.memory_space<vmem>>
      %dma_start3A_2532 = arith.constant 0 : i32
      %dma_start3A_2533 = tpu.memref_slice %arg12[%dma_start3A_2527, %dma_start3A_2532] : memref<6x112xi32, #tpu.memory_space<vmem>> -> memref<1x112xi32, #tpu.memory_space<vmem>>
      %dma_start3A_2534 = tpu.memref_squeeze %dma_start3A_2533 : memref<1x112xi32, #tpu.memory_space<vmem>> -> memref<112xi32, #tpu.memory_space<vmem>>
      %dma_start3A_2535 = arith.constant 0 : i32
      %dma_start3A_2536 = arith.constant 0 : i32
      %dma_start3A_2537 = tpu.memref_slice %arg16[%dma_start3A_2535, %dma_start3A_2536] : memref<10112x128xf32, #tpu.memory_space<vmem_shared>> -> memref<10112x128xf32, #tpu.memory_space<vmem_shared>>
      tpu.enqueue_indirect_dma source(%dma_start3A_2531 : memref<112x128xf32, #tpu.memory_space<vmem>>) target(%dma_start3A_2537 : memref<10112x128xf32, #tpu.memory_space<vmem_shared>>) offsets(%dma_start3A_2534 : memref<112xi32, #tpu.memory_space<vmem>>) semaphore(%arg20 : memref<!tpu.dma_semaphore, #tpu.memory_space<semaphore_mem>>) {add = true}
      %dma_start3A_2538 = arith.constant 2 : i32
      %dma_start3A_2539 = arith.constant 0 : i32
      %dma_start3A_2540 = tpu.memref_slice %arg12[%dma_start3A_2538, %dma_start3A_2539] : memref<6x112xi32, #tpu.memory_space<vmem>> -> memref<1x112xi32, #tpu.memory_space<vmem>>
      %dma_start3A_2541 = tpu.memref_squeeze %dma_start3A_2540 : memref<1x112xi32, #tpu.memory_space<vmem>> -> memref<112xi32, #tpu.memory_space<vmem>>
      %dma_start3A_2542 = arith.constant 0 : i32
      %dma_start3A_2543 = arith.constant 0 : i32
      %dma_start3A_2544 = tpu.memref_slice %arg17[%dma_start3A_2542, %dma_start3A_2543] : memref<10112x16xf32, #tpu.memory_space<vmem_shared>> -> memref<10112x16xf32, #tpu.memory_space<vmem_shared>>
      tpu.enqueue_indirect_dma source(%arg15 : memref<112x16xf32, #tpu.memory_space<vmem>>) target(%dma_start3A_2544 : memref<10112x16xf32, #tpu.memory_space<vmem_shared>>) offsets(%dma_start3A_2541 : memref<112xi32, #tpu.memory_space<vmem>>) semaphore(%arg21 : memref<!tpu.dma_semaphore, #tpu.memory_space<semaphore_mem>>) {add = true}
      %dma_start3A_2545 = arith.constant 1 : i32
      %dma_start3A_2546 = arith.constant 3 : i32
      %dma_start3A_2547 = arith.constant 0 : i32
      %dma_start3A_2548 = arith.constant 0 : i32
      %dma_start3A_2549 = tpu.memref_slice %arg14[%dma_start3A_2545, %dma_start3A_2547, %dma_start3A_2548] : memref<2x112x128xf32, #tpu.memory_space<vmem>> -> memref<1x112x128xf32, #tpu.memory_space<vmem>>
      %dma_start3A_2550 = tpu.memref_squeeze %dma_start3A_2549 : memref<1x112x128xf32, #tpu.memory_space<vmem>> -> memref<112x128xf32, #tpu.memory_space<vmem>>
      %dma_start3A_2551 = arith.constant 0 : i32
      %dma_start3A_2552 = tpu.memref_slice %arg12[%dma_start3A_2546, %dma_start3A_2551] : memref<6x112xi32, #tpu.memory_space<vmem>> -> memref<1x112xi32, #tpu.memory_space<vmem>>
      %dma_start3A_2553 = tpu.memref_squeeze %dma_start3A_2552 : memref<1x112xi32, #tpu.memory_space<vmem>> -> memref<112xi32, #tpu.memory_space<vmem>>
      %dma_start3A_2554 = arith.constant 0 : i32
      %dma_start3A_2555 = arith.constant 0 : i32
      %dma_start3A_2556 = tpu.memref_slice %arg16[%dma_start3A_2554, %dma_start3A_2555] : memref<10112x128xf32, #tpu.memory_space<vmem_shared>> -> memref<10112x128xf32, #tpu.memory_space<vmem_shared>>
      tpu.enqueue_indirect_dma source(%dma_start3A_2550 : memref<112x128xf32, #tpu.memory_space<vmem>>) target(%dma_start3A_2556 : memref<10112x128xf32, #tpu.memory_space<vmem_shared>>) offsets(%dma_start3A_2553 : memref<112xi32, #tpu.memory_space<vmem>>) semaphore(%arg20 : memref<!tpu.dma_semaphore, #tpu.memory_space<semaphore_mem>>) {add = true}
      %dma_start3A_2557 = arith.constant 3 : i32
      %dma_start3A_2558 = arith.constant 0 : i32
      %dma_start3A_2559 = tpu.memref_slice %arg12[%dma_start3A_2557, %dma_start3A_2558] : memref<6x112xi32, #tpu.memory_space<vmem>> -> memref<1x112xi32, #tpu.memory_space<vmem>>
      %dma_start3A_2560 = tpu.memref_squeeze %dma_start3A_2559 : memref<1x112xi32, #tpu.memory_space<vmem>> -> memref<112xi32, #tpu.memory_space<vmem>>
      %dma_start3A_2561 = arith.constant 0 : i32
      %dma_start3A_2562 = arith.constant 0 : i32
      %dma_start3A_2563 = tpu.memref_slice %arg17[%dma_start3A_2561, %dma_start3A_2562] : memref<10112x16xf32, #tpu.memory_space<vmem_shared>> -> memref<10112x16xf32, #tpu.memory_space<vmem_shared>>
      tpu.enqueue_indirect_dma source(%arg15 : memref<112x16xf32, #tpu.memory_space<vmem>>) target(%dma_start3A_2563 : memref<10112x16xf32, #tpu.memory_space<vmem_shared>>) offsets(%dma_start3A_2560 : memref<112xi32, #tpu.memory_space<vmem>>) semaphore(%arg21 : memref<!tpu.dma_semaphore, #tpu.memory_space<semaphore_mem>>) {add = true}
      %dma_wait3A_2564 = arith.constant 0 : i32
      %dma_wait3A_2565 = arith.constant 0 : i32
      %dma_wait3A_2566 = arith.constant 0 : i32
      %dma_wait3A_2567 = arith.constant 0 : i32
      %dma_wait3A_2568 = tpu.memref_slice %arg14[%dma_wait3A_2564, %dma_wait3A_2566, %dma_wait3A_2567] : memref<2x112x128xf32, #tpu.memory_space<vmem>> -> memref<1x112x128xf32, #tpu.memory_space<vmem>>
      %dma_wait3A_2569 = tpu.memref_squeeze %dma_wait3A_2568 : memref<1x112x128xf32, #tpu.memory_space<vmem>> -> memref<112x128xf32, #tpu.memory_space<vmem>>
      %dma_wait3A_2570 = arith.constant 0 : i32
      %dma_wait3A_2571 = tpu.memref_slice %arg11[%dma_wait3A_2565, %dma_wait3A_2570] : memref<6x112xi32, #tpu.memory_space<vmem>> -> memref<1x112xi32, #tpu.memory_space<vmem>>
      %dma_wait3A_2572 = tpu.memref_squeeze %dma_wait3A_2571 : memref<1x112xi32, #tpu.memory_space<vmem>> -> memref<112xi32, #tpu.memory_space<vmem>>
      %dma_wait3A_2573 = arith.constant 0 : i32
      %dma_wait3A_2574 = arith.constant 0 : i32
      %dma_wait3A_2575 = tpu.memref_slice %arg16[%dma_wait3A_2573, %dma_wait3A_2574] : memref<10112x128xf32, #tpu.memory_space<vmem_shared>> -> memref<10112x128xf32, #tpu.memory_space<vmem_shared>>
      tpu.wait_indirect_dma semaphore(%arg20 : memref<!tpu.dma_semaphore, #tpu.memory_space<semaphore_mem>>) src(%dma_wait3A_2569 : memref<112x128xf32, #tpu.memory_space<vmem>>) dst(%dma_wait3A_2575 : memref<10112x128xf32, #tpu.memory_space<vmem_shared>>)
      %dma_wait3A_2576 = arith.constant 0 : i32
      %dma_wait3A_2577 = arith.constant 0 : i32
      %dma_wait3A_2578 = tpu.memref_slice %arg11[%dma_wait3A_2576, %dma_wait3A_2577] : memref<6x112xi32, #tpu.memory_space<vmem>> -> memref<1x112xi32, #tpu.memory_space<vmem>>
      %dma_wait3A_2579 = tpu.memref_squeeze %dma_wait3A_2578 : memref<1x112xi32, #tpu.memory_space<vmem>> -> memref<112xi32, #tpu.memory_space<vmem>>
      %dma_wait3A_2580 = arith.constant 0 : i32
      %dma_wait3A_2581 = arith.constant 0 : i32
      %dma_wait3A_2582 = tpu.memref_slice %arg17[%dma_wait3A_2580, %dma_wait3A_2581] : memref<10112x16xf32, #tpu.memory_space<vmem_shared>> -> memref<10112x16xf32, #tpu.memory_space<vmem_shared>>
      tpu.wait_indirect_dma semaphore(%arg21 : memref<!tpu.dma_semaphore, #tpu.memory_space<semaphore_mem>>) src(%arg15 : memref<112x16xf32, #tpu.memory_space<vmem>>) dst(%dma_wait3A_2582 : memref<10112x16xf32, #tpu.memory_space<vmem_shared>>)
      %dma_wait3A_2583 = arith.constant 0 : i32
      %dma_wait3A_2584 = arith.constant 0 : i32
      %dma_wait3A_2585 = arith.constant 0 : i32
      %dma_wait3A_2586 = arith.constant 0 : i32
      %dma_wait3A_2587 = tpu.memref_slice %arg14[%dma_wait3A_2583, %dma_wait3A_2585, %dma_wait3A_2586] : memref<2x112x128xf32, #tpu.memory_space<vmem>> -> memref<1x112x128xf32, #tpu.memory_space<vmem>>
      %dma_wait3A_2588 = tpu.memref_squeeze %dma_wait3A_2587 : memref<1x112x128xf32, #tpu.memory_space<vmem>> -> memref<112x128xf32, #tpu.memory_space<vmem>>
      %dma_wait3A_2589 = arith.constant 0 : i32
      %dma_wait3A_2590 = tpu.memref_slice %arg11[%dma_wait3A_2584, %dma_wait3A_2589] : memref<6x112xi32, #tpu.memory_space<vmem>> -> memref<1x112xi32, #tpu.memory_space<vmem>>
      %dma_wait3A_2591 = tpu.memref_squeeze %dma_wait3A_2590 : memref<1x112xi32, #tpu.memory_space<vmem>> -> memref<112xi32, #tpu.memory_space<vmem>>
      %dma_wait3A_2592 = arith.constant 0 : i32
      %dma_wait3A_2593 = arith.constant 0 : i32
      %dma_wait3A_2594 = tpu.memref_slice %arg16[%dma_wait3A_2592, %dma_wait3A_2593] : memref<10112x128xf32, #tpu.memory_space<vmem_shared>> -> memref<10112x128xf32, #tpu.memory_space<vmem_shared>>
      tpu.wait_indirect_dma semaphore(%arg20 : memref<!tpu.dma_semaphore, #tpu.memory_space<semaphore_mem>>) src(%dma_wait3A_2588 : memref<112x128xf32, #tpu.memory_space<vmem>>) dst(%dma_wait3A_2594 : memref<10112x128xf32, #tpu.memory_space<vmem_shared>>)
      %dma_wait3A_2595 = arith.constant 0 : i32
      %dma_wait3A_2596 = arith.constant 0 : i32
      %dma_wait3A_2597 = tpu.memref_slice %arg11[%dma_wait3A_2595, %dma_wait3A_2596] : memref<6x112xi32, #tpu.memory_space<vmem>> -> memref<1x112xi32, #tpu.memory_space<vmem>>
      %dma_wait3A_2598 = tpu.memref_squeeze %dma_wait3A_2597 : memref<1x112xi32, #tpu.memory_space<vmem>> -> memref<112xi32, #tpu.memory_space<vmem>>
      %dma_wait3A_2599 = arith.constant 0 : i32
      %dma_wait3A_2600 = arith.constant 0 : i32
      %dma_wait3A_2601 = tpu.memref_slice %arg17[%dma_wait3A_2599, %dma_wait3A_2600] : memref<10112x16xf32, #tpu.memory_space<vmem_shared>> -> memref<10112x16xf32, #tpu.memory_space<vmem_shared>>
      tpu.wait_indirect_dma semaphore(%arg21 : memref<!tpu.dma_semaphore, #tpu.memory_space<semaphore_mem>>) src(%arg15 : memref<112x16xf32, #tpu.memory_space<vmem>>) dst(%dma_wait3A_2601 : memref<10112x16xf32, #tpu.memory_space<vmem_shared>>)
      %dma_start3A_2602 = arith.constant 2 : i32
      %dma_start3A_2603 = arith.constant 0 : i32
      %dma_start3A_2604 = arith.constant 0 : i32
      %dma_start3A_2605 = arith.constant 0 : i32
      %dma_start3A_2606 = tpu.memref_slice %arg14[%dma_start3A_2603, %dma_start3A_2604, %dma_start3A_2605] : memref<2x112x128xf32, #tpu.memory_space<vmem>> -> memref<1x112x128xf32, #tpu.memory_space<vmem>>
      %dma_start3A_2607 = tpu.memref_squeeze %dma_start3A_2606 : memref<1x112x128xf32, #tpu.memory_space<vmem>> -> memref<112x128xf32, #tpu.memory_space<vmem>>
      %dma_start3A_2608 = arith.constant 0 : i32
      %dma_start3A_2609 = tpu.memref_slice %arg13[%dma_start3A_2602, %dma_start3A_2608] : memref<4x112xi32, #tpu.memory_space<vmem>> -> memref<1x112xi32, #tpu.memory_space<vmem>>
      %dma_start3A_2610 = tpu.memref_squeeze %dma_start3A_2609 : memref<1x112xi32, #tpu.memory_space<vmem>> -> memref<112xi32, #tpu.memory_space<vmem>>
      %dma_start3A_2611 = arith.constant 0 : i32
      %dma_start3A_2612 = arith.constant 0 : i32
      %dma_start3A_2613 = tpu.memref_slice %arg2[%dma_start3A_2611, %dma_start3A_2612] : memref<10000x128xf32, #tpu.memory_space<hbm>> -> memref<10000x128xf32, #tpu.memory_space<hbm>>
      tpu.enqueue_indirect_dma source(%dma_start3A_2613 : memref<10000x128xf32, #tpu.memory_space<hbm>>) target(%dma_start3A_2607 : memref<112x128xf32, #tpu.memory_space<vmem>>) offsets(%dma_start3A_2610 : memref<112xi32, #tpu.memory_space<vmem>>) semaphore(%arg19 : memref<!tpu.dma_semaphore, #tpu.memory_space<semaphore_mem>>)
      %dma_start3A_2614 = arith.constant 3 : i32
      %dma_start3A_2615 = arith.constant 1 : i32
      %dma_start3A_2616 = arith.constant 0 : i32
      %dma_start3A_2617 = arith.constant 0 : i32
      %dma_start3A_2618 = tpu.memref_slice %arg14[%dma_start3A_2615, %dma_start3A_2616, %dma_start3A_2617] : memref<2x112x128xf32, #tpu.memory_space<vmem>> -> memref<1x112x128xf32, #tpu.memory_space<vmem>>
      %dma_start3A_2619 = tpu.memref_squeeze %dma_start3A_2618 : memref<1x112x128xf32, #tpu.memory_space<vmem>> -> memref<112x128xf32, #tpu.memory_space<vmem>>
      %dma_start3A_2620 = arith.constant 0 : i32
      %dma_start3A_2621 = tpu.memref_slice %arg13[%dma_start3A_2614, %dma_start3A_2620] : memref<4x112xi32, #tpu.memory_space<vmem>> -> memref<1x112xi32, #tpu.memory_space<vmem>>
      %dma_start3A_2622 = tpu.memref_squeeze %dma_start3A_2621 : memref<1x112xi32, #tpu.memory_space<vmem>> -> memref<112xi32, #tpu.memory_space<vmem>>
      %dma_start3A_2623 = arith.constant 0 : i32
      %dma_start3A_2624 = arith.constant 0 : i32
      %dma_start3A_2625 = tpu.memref_slice %arg2[%dma_start3A_2623, %dma_start3A_2624] : memref<10000x128xf32, #tpu.memory_space<hbm>> -> memref<10000x128xf32, #tpu.memory_space<hbm>>
      tpu.enqueue_indirect_dma source(%dma_start3A_2625 : memref<10000x128xf32, #tpu.memory_space<hbm>>) target(%dma_start3A_2619 : memref<112x128xf32, #tpu.memory_space<vmem>>) offsets(%dma_start3A_2622 : memref<112xi32, #tpu.memory_space<vmem>>) semaphore(%arg19 : memref<!tpu.dma_semaphore, #tpu.memory_space<semaphore_mem>>)
      %get3A_2626 = arith.constant 0 : i32
      %get3A_2627 = arith.index_cast %get3A_2626 : i32 to index
      %get3A_2628 = arith.constant 0 : index
      %get3A_2629 = tpu.vector_load %arg9[%get3A_2627, %get3A_2628] {strides = array<i32>} : memref<6x112xi32, #tpu.memory_space<vmem>>, vector<16xi32>,
      %shift_right_logical3A_2630 = arith.constant 1 : i32
      %shift_right_logical3A_2631 = vector.broadcast %shift_right_logical3A_2630 : i32 to vector<16xi32>
      %shift_right_logical3A_2632 = arith.shrui %get3A_2629, %shift_right_logical3A_2631 : vector<16xi32>
      %gather3A_2633 = tpu.vector_load_idx %arg8[%shift_right_logical3A_2632] : memref<5000xi32, #tpu.memory_space<vmem>>[vector<16xi32>], vector<16xi32>,
      %and3A_2634 = arith.constant 1 : i32
      %and3A_2635 = vector.broadcast %and3A_2634 : i32 to vector<16xi32>
      %and3A_2636 = arith.andi %get3A_2629, %and3A_2635 : vector<16xi32>
      %mul3A_2637 = arith.constant 16 : i32
      %mul3A_2638 = vector.broadcast %mul3A_2637 : i32 to vector<16xi32>
      %mul3A_2639 = arith.muli %and3A_2636, %mul3A_2638 : vector<16xi32>
      %shift_right_logical3A_2640 = arith.shrui %gather3A_2633, %mul3A_2639 : vector<16xi32>
      %and3A_2641 = arith.constant 65535 : i32
      %and3A_2642 = vector.broadcast %and3A_2641 : i32 to vector<16xi32>
      %and3A_2643 = arith.andi %shift_right_logical3A_2640, %and3A_2642 : vector<16xi32>
      %swap3A_2644 = arith.constant 0 : i32
      %swap3A_2645 = arith.index_cast %swap3A_2644 : i32 to index
      %swap3A_2646 = arith.constant 0 : index
      %swap3A_2647 = tpu.vector_load %arg13[%swap3A_2645, %swap3A_2646] {strides = array<i32>} : memref<4x112xi32, #tpu.memory_space<vmem>>, vector<16xi32>,
      tpu.vector_store %arg13[%swap3A_2645, %swap3A_2646], %and3A_2643 {strides = array<i32>} : memref<4x112xi32, #tpu.memory_space<vmem>>, vector<16xi32>,
      %get3A_2648 = arith.constant 0 : i32
      %get3A_2649 = arith.index_cast %get3A_2648 : i32 to index
      %get3A_2650 = arith.constant 16 : index
      %get3A_2651 = tpu.vector_load %arg9[%get3A_2649, %get3A_2650] {strides = array<i32>} : memref<6x112xi32, #tpu.memory_space<vmem>>, vector<16xi32>,
      %shift_right_logical3A_2652 = arith.constant 1 : i32
      %shift_right_logical3A_2653 = vector.broadcast %shift_right_logical3A_2652 : i32 to vector<16xi32>
      %shift_right_logical3A_2654 = arith.shrui %get3A_2651, %shift_right_logical3A_2653 : vector<16xi32>
      %gather3A_2655 = tpu.vector_load_idx %arg8[%shift_right_logical3A_2654] : memref<5000xi32, #tpu.memory_space<vmem>>[vector<16xi32>], vector<16xi32>,
      %and3A_2656 = arith.constant 1 : i32
      %and3A_2657 = vector.broadcast %and3A_2656 : i32 to vector<16xi32>
      %and3A_2658 = arith.andi %get3A_2651, %and3A_2657 : vector<16xi32>
      %mul3A_2659 = arith.constant 16 : i32
      %mul3A_2660 = vector.broadcast %mul3A_2659 : i32 to vector<16xi32>
      %mul3A_2661 = arith.muli %and3A_2658, %mul3A_2660 : vector<16xi32>
      %shift_right_logical3A_2662 = arith.shrui %gather3A_2655, %mul3A_2661 : vector<16xi32>
      %and3A_2663 = arith.constant 65535 : i32
      %and3A_2664 = vector.broadcast %and3A_2663 : i32 to vector<16xi32>
      %and3A_2665 = arith.andi %shift_right_logical3A_2662, %and3A_2664 : vector<16xi32>
      %swap3A_2666 = arith.constant 0 : i32
      %swap3A_2667 = arith.index_cast %swap3A_2666 : i32 to index
      %swap3A_2668 = arith.constant 16 : index
      %swap3A_2669 = tpu.vector_load %arg13[%swap3A_2667, %swap3A_2668] {strides = array<i32>} : memref<4x112xi32, #tpu.memory_space<vmem>>, vector<16xi32>,
      tpu.vector_store %arg13[%swap3A_2667, %swap3A_2668], %and3A_2665 {strides = array<i32>} : memref<4x112xi32, #tpu.memory_space<vmem>>, vector<16xi32>,
      %get3A_2670 = arith.constant 0 : i32
      %get3A_2671 = arith.index_cast %get3A_2670 : i32 to index
      %get3A_2672 = arith.constant 32 : index
      %get3A_2673 = tpu.vector_load %arg9[%get3A_2671, %get3A_2672] {strides = array<i32>} : memref<6x112xi32, #tpu.memory_space<vmem>>, vector<16xi32>,
      %shift_right_logical3A_2674 = arith.constant 1 : i32
      %shift_right_logical3A_2675 = vector.broadcast %shift_right_logical3A_2674 : i32 to vector<16xi32>
      %shift_right_logical3A_2676 = arith.shrui %get3A_2673, %shift_right_logical3A_2675 : vector<16xi32>
      %gather3A_2677 = tpu.vector_load_idx %arg8[%shift_right_logical3A_2676] : memref<5000xi32, #tpu.memory_space<vmem>>[vector<16xi32>], vector<16xi32>,
      %and3A_2678 = arith.constant 1 : i32
      %and3A_2679 = vector.broadcast %and3A_2678 : i32 to vector<16xi32>
      %and3A_2680 = arith.andi %get3A_2673, %and3A_2679 : vector<16xi32>
      %mul3A_2681 = arith.constant 16 : i32
      %mul3A_2682 = vector.broadcast %mul3A_2681 : i32 to vector<16xi32>
      %mul3A_2683 = arith.muli %and3A_2680, %mul3A_2682 : vector<16xi32>
      %shift_right_logical3A_2684 = arith.shrui %gather3A_2677, %mul3A_2683 : vector<16xi32>
      %and3A_2685 = arith.constant 65535 : i32
      %and3A_2686 = vector.broadcast %and3A_2685 : i32 to vector<16xi32>
      %and3A_2687 = arith.andi %shift_right_logical3A_2684, %and3A_2686 : vector<16xi32>
      %swap3A_2688 = arith.constant 0 : i32
      %swap3A_2689 = arith.index_cast %swap3A_2688 : i32 to index
      %swap3A_2690 = arith.constant 32 : index
      %swap3A_2691 = tpu.vector_load %arg13[%swap3A_2689, %swap3A_2690] {strides = array<i32>} : memref<4x112xi32, #tpu.memory_space<vmem>>, vector<16xi32>,
      tpu.vector_store %arg13[%swap3A_2689, %swap3A_2690], %and3A_2687 {strides = array<i32>} : memref<4x112xi32, #tpu.memory_space<vmem>>, vector<16xi32>,
      %get3A_2692 = arith.constant 0 : i32
      %get3A_2693 = arith.index_cast %get3A_2692 : i32 to index
      %get3A_2694 = arith.constant 48 : index
      %get3A_2695 = tpu.vector_load %arg9[%get3A_2693, %get3A_2694] {strides = array<i32>} : memref<6x112xi32, #tpu.memory_space<vmem>>, vector<16xi32>,
      %shift_right_logical3A_2696 = arith.constant 1 : i32
      %shift_right_logical3A_2697 = vector.broadcast %shift_right_logical3A_2696 : i32 to vector<16xi32>
      %shift_right_logical3A_2698 = arith.shrui %get3A_2695, %shift_right_logical3A_2697 : vector<16xi32>
      %gather3A_2699 = tpu.vector_load_idx %arg8[%shift_right_logical3A_2698] : memref<5000xi32, #tpu.memory_space<vmem>>[vector<16xi32>], vector<16xi32>,
      %and3A_2700 = arith.constant 1 : i32
      %and3A_2701 = vector.broadcast %and3A_2700 : i32 to vector<16xi32>
      %and3A_2702 = arith.andi %get3A_2695, %and3A_2701 : vector<16xi32>
      %mul3A_2703 = arith.constant 16 : i32
      %mul3A_2704 = vector.broadcast %mul3A_2703 : i32 to vector<16xi32>
      %mul3A_2705 = arith.muli %and3A_2702, %mul3A_2704 : vector<16xi32>
      %shift_right_logical3A_2706 = arith.shrui %gather3A_2699, %mul3A_2705 : vector<16xi32>
      %and3A_2707 = arith.constant 65535 : i32
      %and3A_2708 = vector.broadcast %and3A_2707 : i32 to vector<16xi32>
      %and3A_2709 = arith.andi %shift_right_logical3A_2706, %and3A_2708 : vector<16xi32>
      %swap3A_2710 = arith.constant 0 : i32
      %swap3A_2711 = arith.index_cast %swap3A_2710 : i32 to index
      %swap3A_2712 = arith.constant 48 : index
      %swap3A_2713 = tpu.vector_load %arg13[%swap3A_2711, %swap3A_2712] {strides = array<i32>} : memref<4x112xi32, #tpu.memory_space<vmem>>, vector<16xi32>,
      tpu.vector_store %arg13[%swap3A_2711, %swap3A_2712], %and3A_2709 {strides = array<i32>} : memref<4x112xi32, #tpu.memory_space<vmem>>, vector<16xi32>,
      %get3A_2714 = arith.constant 0 : i32
      %get3A_2715 = arith.index_cast %get3A_2714 : i32 to index
      %get3A_2716 = arith.constant 64 : index
      %get3A_2717 = tpu.vector_load %arg9[%get3A_2715, %get3A_2716] {strides = array<i32>} : memref<6x112xi32, #tpu.memory_space<vmem>>, vector<16xi32>,
      %shift_right_logical3A_2718 = arith.constant 1 : i32
      %shift_right_logical3A_2719 = vector.broadcast %shift_right_logical3A_2718 : i32 to vector<16xi32>
      %shift_right_logical3A_2720 = arith.shrui %get3A_2717, %shift_right_logical3A_2719 : vector<16xi32>
      %gather3A_2721 = tpu.vector_load_idx %arg8[%shift_right_logical3A_2720] : memref<5000xi32, #tpu.memory_space<vmem>>[vector<16xi32>], vector<16xi32>,
      %and3A_2722 = arith.constant 1 : i32
      %and3A_2723 = vector.broadcast %and3A_2722 : i32 to vector<16xi32>
      %and3A_2724 = arith.andi %get3A_2717, %and3A_2723 : vector<16xi32>
      %mul3A_2725 = arith.constant 16 : i32
      %mul3A_2726 = vector.broadcast %mul3A_2725 : i32 to vector<16xi32>
      %mul3A_2727 = arith.muli %and3A_2724, %mul3A_2726 : vector<16xi32>
      %shift_right_logical3A_2728 = arith.shrui %gather3A_2721, %mul3A_2727 : vector<16xi32>
      %and3A_2729 = arith.constant 65535 : i32
      %and3A_2730 = vector.broadcast %and3A_2729 : i32 to vector<16xi32>
      %and3A_2731 = arith.andi %shift_right_logical3A_2728, %and3A_2730 : vector<16xi32>
      %swap3A_2732 = arith.constant 0 : i32
      %swap3A_2733 = arith.index_cast %swap3A_2732 : i32 to index
      %swap3A_2734 = arith.constant 64 : index
      %swap3A_2735 = tpu.vector_load %arg13[%swap3A_2733, %swap3A_2734] {strides = array<i32>} : memref<4x112xi32, #tpu.memory_space<vmem>>, vector<16xi32>,
      tpu.vector_store %arg13[%swap3A_2733, %swap3A_2734], %and3A_2731 {strides = array<i32>} : memref<4x112xi32, #tpu.memory_space<vmem>>, vector<16xi32>,
      %get3A_2736 = arith.constant 0 : i32
      %get3A_2737 = arith.index_cast %get3A_2736 : i32 to index
      %get3A_2738 = arith.constant 80 : index
      %get3A_2739 = tpu.vector_load %arg9[%get3A_2737, %get3A_2738] {strides = array<i32>} : memref<6x112xi32, #tpu.memory_space<vmem>>, vector<16xi32>,
      %shift_right_logical3A_2740 = arith.constant 1 : i32
      %shift_right_logical3A_2741 = vector.broadcast %shift_right_logical3A_2740 : i32 to vector<16xi32>
      %shift_right_logical3A_2742 = arith.shrui %get3A_2739, %shift_right_logical3A_2741 : vector<16xi32>
      %gather3A_2743 = tpu.vector_load_idx %arg8[%shift_right_logical3A_2742] : memref<5000xi32, #tpu.memory_space<vmem>>[vector<16xi32>], vector<16xi32>,
      %and3A_2744 = arith.constant 1 : i32
      %and3A_2745 = vector.broadcast %and3A_2744 : i32 to vector<16xi32>
      %and3A_2746 = arith.andi %get3A_2739, %and3A_2745 : vector<16xi32>
      %mul3A_2747 = arith.constant 16 : i32
      %mul3A_2748 = vector.broadcast %mul3A_2747 : i32 to vector<16xi32>
      %mul3A_2749 = arith.muli %and3A_2746, %mul3A_2748 : vector<16xi32>
      %shift_right_logical3A_2750 = arith.shrui %gather3A_2743, %mul3A_2749 : vector<16xi32>
      %and3A_2751 = arith.constant 65535 : i32
      %and3A_2752 = vector.broadcast %and3A_2751 : i32 to vector<16xi32>
      %and3A_2753 = arith.andi %shift_right_logical3A_2750, %and3A_2752 : vector<16xi32>
      %swap3A_2754 = arith.constant 0 : i32
      %swap3A_2755 = arith.index_cast %swap3A_2754 : i32 to index
      %swap3A_2756 = arith.constant 80 : index
      %swap3A_2757 = tpu.vector_load %arg13[%swap3A_2755, %swap3A_2756] {strides = array<i32>} : memref<4x112xi32, #tpu.memory_space<vmem>>, vector<16xi32>,
      tpu.vector_store %arg13[%swap3A_2755, %swap3A_2756], %and3A_2753 {strides = array<i32>} : memref<4x112xi32, #tpu.memory_space<vmem>>, vector<16xi32>,
      %get3A_2758 = arith.constant 0 : i32
      %get3A_2759 = arith.index_cast %get3A_2758 : i32 to index
      %get3A_2760 = arith.constant 96 : index
      %get3A_2761 = tpu.vector_load %arg9[%get3A_2759, %get3A_2760] {strides = array<i32>} : memref<6x112xi32, #tpu.memory_space<vmem>>, vector<16xi32>,
      %shift_right_logical3A_2762 = arith.constant 1 : i32
      %shift_right_logical3A_2763 = vector.broadcast %shift_right_logical3A_2762 : i32 to vector<16xi32>
      %shift_right_logical3A_2764 = arith.shrui %get3A_2761, %shift_right_logical3A_2763 : vector<16xi32>
      %gather3A_2765 = tpu.vector_load_idx %arg8[%shift_right_logical3A_2764] : memref<5000xi32, #tpu.memory_space<vmem>>[vector<16xi32>], vector<16xi32>,
      %and3A_2766 = arith.constant 1 : i32
      %and3A_2767 = vector.broadcast %and3A_2766 : i32 to vector<16xi32>
      %and3A_2768 = arith.andi %get3A_2761, %and3A_2767 : vector<16xi32>
      %mul3A_2769 = arith.constant 16 : i32
      %mul3A_2770 = vector.broadcast %mul3A_2769 : i32 to vector<16xi32>
      %mul3A_2771 = arith.muli %and3A_2768, %mul3A_2770 : vector<16xi32>
      %shift_right_logical3A_2772 = arith.shrui %gather3A_2765, %mul3A_2771 : vector<16xi32>
      %and3A_2773 = arith.constant 65535 : i32
      %and3A_2774 = vector.broadcast %and3A_2773 : i32 to vector<16xi32>
      %and3A_2775 = arith.andi %shift_right_logical3A_2772, %and3A_2774 : vector<16xi32>
      %swap3A_2776 = arith.constant 0 : i32
      %swap3A_2777 = arith.index_cast %swap3A_2776 : i32 to index
      %swap3A_2778 = arith.constant 96 : index
      %swap3A_2779 = tpu.vector_load %arg13[%swap3A_2777, %swap3A_2778] {strides = array<i32>} : memref<4x112xi32, #tpu.memory_space<vmem>>, vector<16xi32>,
      tpu.vector_store %arg13[%swap3A_2777, %swap3A_2778], %and3A_2775 {strides = array<i32>} : memref<4x112xi32, #tpu.memory_space<vmem>>, vector<16xi32>,
      %get3A_2780 = arith.constant 1 : i32
      %get3A_2781 = arith.index_cast %get3A_2780 : i32 to index
      %get3A_2782 = arith.constant 0 : index
      %get3A_2783 = tpu.vector_load %arg9[%get3A_2781, %get3A_2782] {strides = array<i32>} : memref<6x112xi32, #tpu.memory_space<vmem>>, vector<16xi32>,
      %shift_right_logical3A_2784 = arith.constant 1 : i32
      %shift_right_logical3A_2785 = vector.broadcast %shift_right_logical3A_2784 : i32 to vector<16xi32>
      %shift_right_logical3A_2786 = arith.shrui %get3A_2783, %shift_right_logical3A_2785 : vector<16xi32>
      %gather3A_2787 = tpu.vector_load_idx %arg8[%shift_right_logical3A_2786] : memref<5000xi32, #tpu.memory_space<vmem>>[vector<16xi32>], vector<16xi32>,
      %and3A_2788 = arith.constant 1 : i32
      %and3A_2789 = vector.broadcast %and3A_2788 : i32 to vector<16xi32>
      %and3A_2790 = arith.andi %get3A_2783, %and3A_2789 : vector<16xi32>
      %mul3A_2791 = arith.constant 16 : i32
      %mul3A_2792 = vector.broadcast %mul3A_2791 : i32 to vector<16xi32>
      %mul3A_2793 = arith.muli %and3A_2790, %mul3A_2792 : vector<16xi32>
      %shift_right_logical3A_2794 = arith.shrui %gather3A_2787, %mul3A_2793 : vector<16xi32>
      %and3A_2795 = arith.constant 65535 : i32
      %and3A_2796 = vector.broadcast %and3A_2795 : i32 to vector<16xi32>
      %and3A_2797 = arith.andi %shift_right_logical3A_2794, %and3A_2796 : vector<16xi32>
      %swap3A_2798 = arith.constant 1 : i32
      %swap3A_2799 = arith.index_cast %swap3A_2798 : i32 to index
      %swap3A_2800 = arith.constant 0 : index
      %swap3A_2801 = tpu.vector_load %arg13[%swap3A_2799, %swap3A_2800] {strides = array<i32>} : memref<4x112xi32, #tpu.memory_space<vmem>>, vector<16xi32>,
      tpu.vector_store %arg13[%swap3A_2799, %swap3A_2800], %and3A_2797 {strides = array<i32>} : memref<4x112xi32, #tpu.memory_space<vmem>>, vector<16xi32>,
      %get3A_2802 = arith.constant 1 : i32
      %get3A_2803 = arith.index_cast %get3A_2802 : i32 to index
      %get3A_2804 = arith.constant 16 : index
      %get3A_2805 = tpu.vector_load %arg9[%get3A_2803, %get3A_2804] {strides = array<i32>} : memref<6x112xi32, #tpu.memory_space<vmem>>, vector<16xi32>,
      %shift_right_logical3A_2806 = arith.constant 1 : i32
      %shift_right_logical3A_2807 = vector.broadcast %shift_right_logical3A_2806 : i32 to vector<16xi32>
      %shift_right_logical3A_2808 = arith.shrui %get3A_2805, %shift_right_logical3A_2807 : vector<16xi32>
      %gather3A_2809 = tpu.vector_load_idx %arg8[%shift_right_logical3A_2808] : memref<5000xi32, #tpu.memory_space<vmem>>[vector<16xi32>], vector<16xi32>,
      %and3A_2810 = arith.constant 1 : i32
      %and3A_2811 = vector.broadcast %and3A_2810 : i32 to vector<16xi32>
      %and3A_2812 = arith.andi %get3A_2805, %and3A_2811 : vector<16xi32>
      %mul3A_2813 = arith.constant 16 : i32
      %mul3A_2814 = vector.broadcast %mul3A_2813 : i32 to vector<16xi32>
      %mul3A_2815 = arith.muli %and3A_2812, %mul3A_2814 : vector<16xi32>
      %shift_right_logical3A_2816 = arith.shrui %gather3A_2809, %mul3A_2815 : vector<16xi32>
      %and3A_2817 = arith.constant 65535 : i32
      %and3A_2818 = vector.broadcast %and3A_2817 : i32 to vector<16xi32>
      %and3A_2819 = arith.andi %shift_right_logical3A_2816, %and3A_2818 : vector<16xi32>
      %swap3A_2820 = arith.constant 1 : i32
      %swap3A_2821 = arith.index_cast %swap3A_2820 : i32 to index
      %swap3A_2822 = arith.constant 16 : index
      %swap3A_2823 = tpu.vector_load %arg13[%swap3A_2821, %swap3A_2822] {strides = array<i32>} : memref<4x112xi32, #tpu.memory_space<vmem>>, vector<16xi32>,
      tpu.vector_store %arg13[%swap3A_2821, %swap3A_2822], %and3A_2819 {strides = array<i32>} : memref<4x112xi32, #tpu.memory_space<vmem>>, vector<16xi32>,
      %get3A_2824 = arith.constant 1 : i32
      %get3A_2825 = arith.index_cast %get3A_2824 : i32 to index
      %get3A_2826 = arith.constant 32 : index
      %get3A_2827 = tpu.vector_load %arg9[%get3A_2825, %get3A_2826] {strides = array<i32>} : memref<6x112xi32, #tpu.memory_space<vmem>>, vector<16xi32>,
      %shift_right_logical3A_2828 = arith.constant 1 : i32
      %shift_right_logical3A_2829 = vector.broadcast %shift_right_logical3A_2828 : i32 to vector<16xi32>
      %shift_right_logical3A_2830 = arith.shrui %get3A_2827, %shift_right_logical3A_2829 : vector<16xi32>
      %gather3A_2831 = tpu.vector_load_idx %arg8[%shift_right_logical3A_2830] : memref<5000xi32, #tpu.memory_space<vmem>>[vector<16xi32>], vector<16xi32>,
      %and3A_2832 = arith.constant 1 : i32
      %and3A_2833 = vector.broadcast %and3A_2832 : i32 to vector<16xi32>
      %and3A_2834 = arith.andi %get3A_2827, %and3A_2833 : vector<16xi32>
      %mul3A_2835 = arith.constant 16 : i32
      %mul3A_2836 = vector.broadcast %mul3A_2835 : i32 to vector<16xi32>
      %mul3A_2837 = arith.muli %and3A_2834, %mul3A_2836 : vector<16xi32>
      %shift_right_logical3A_2838 = arith.shrui %gather3A_2831, %mul3A_2837 : vector<16xi32>
      %and3A_2839 = arith.constant 65535 : i32
      %and3A_2840 = vector.broadcast %and3A_2839 : i32 to vector<16xi32>
      %and3A_2841 = arith.andi %shift_right_logical3A_2838, %and3A_2840 : vector<16xi32>
      %swap3A_2842 = arith.constant 1 : i32
      %swap3A_2843 = arith.index_cast %swap3A_2842 : i32 to index
      %swap3A_2844 = arith.constant 32 : index
      %swap3A_2845 = tpu.vector_load %arg13[%swap3A_2843, %swap3A_2844] {strides = array<i32>} : memref<4x112xi32, #tpu.memory_space<vmem>>, vector<16xi32>,
      tpu.vector_store %arg13[%swap3A_2843, %swap3A_2844], %and3A_2841 {strides = array<i32>} : memref<4x112xi32, #tpu.memory_space<vmem>>, vector<16xi32>,
      %get3A_2846 = arith.constant 1 : i32
      %get3A_2847 = arith.index_cast %get3A_2846 : i32 to index
      %get3A_2848 = arith.constant 48 : index
      %get3A_2849 = tpu.vector_load %arg9[%get3A_2847, %get3A_2848] {strides = array<i32>} : memref<6x112xi32, #tpu.memory_space<vmem>>, vector<16xi32>,
      %shift_right_logical3A_2850 = arith.constant 1 : i32
      %shift_right_logical3A_2851 = vector.broadcast %shift_right_logical3A_2850 : i32 to vector<16xi32>
      %shift_right_logical3A_2852 = arith.shrui %get3A_2849, %shift_right_logical3A_2851 : vector<16xi32>
      %gather3A_2853 = tpu.vector_load_idx %arg8[%shift_right_logical3A_2852] : memref<5000xi32, #tpu.memory_space<vmem>>[vector<16xi32>], vector<16xi32>,
      %and3A_2854 = arith.constant 1 : i32
      %and3A_2855 = vector.broadcast %and3A_2854 : i32 to vector<16xi32>
      %and3A_2856 = arith.andi %get3A_2849, %and3A_2855 : vector<16xi32>
      %mul3A_2857 = arith.constant 16 : i32
      %mul3A_2858 = vector.broadcast %mul3A_2857 : i32 to vector<16xi32>
      %mul3A_2859 = arith.muli %and3A_2856, %mul3A_2858 : vector<16xi32>
      %shift_right_logical3A_2860 = arith.shrui %gather3A_2853, %mul3A_2859 : vector<16xi32>
      %and3A_2861 = arith.constant 65535 : i32
      %and3A_2862 = vector.broadcast %and3A_2861 : i32 to vector<16xi32>
      %and3A_2863 = arith.andi %shift_right_logical3A_2860, %and3A_2862 : vector<16xi32>
      %swap3A_2864 = arith.constant 1 : i32
      %swap3A_2865 = arith.index_cast %swap3A_2864 : i32 to index
      %swap3A_2866 = arith.constant 48 : index
      %swap3A_2867 = tpu.vector_load %arg13[%swap3A_2865, %swap3A_2866] {strides = array<i32>} : memref<4x112xi32, #tpu.memory_space<vmem>>, vector<16xi32>,
      tpu.vector_store %arg13[%swap3A_2865, %swap3A_2866], %and3A_2863 {strides = array<i32>} : memref<4x112xi32, #tpu.memory_space<vmem>>, vector<16xi32>,
      %get3A_2868 = arith.constant 1 : i32
      %get3A_2869 = arith.index_cast %get3A_2868 : i32 to index
      %get3A_2870 = arith.constant 64 : index
      %get3A_2871 = tpu.vector_load %arg9[%get3A_2869, %get3A_2870] {strides = array<i32>} : memref<6x112xi32, #tpu.memory_space<vmem>>, vector<16xi32>,
      %shift_right_logical3A_2872 = arith.constant 1 : i32
      %shift_right_logical3A_2873 = vector.broadcast %shift_right_logical3A_2872 : i32 to vector<16xi32>
      %shift_right_logical3A_2874 = arith.shrui %get3A_2871, %shift_right_logical3A_2873 : vector<16xi32>
      %gather3A_2875 = tpu.vector_load_idx %arg8[%shift_right_logical3A_2874] : memref<5000xi32, #tpu.memory_space<vmem>>[vector<16xi32>], vector<16xi32>,
      %and3A_2876 = arith.constant 1 : i32
      %and3A_2877 = vector.broadcast %and3A_2876 : i32 to vector<16xi32>
      %and3A_2878 = arith.andi %get3A_2871, %and3A_2877 : vector<16xi32>
      %mul3A_2879 = arith.constant 16 : i32
      %mul3A_2880 = vector.broadcast %mul3A_2879 : i32 to vector<16xi32>
      %mul3A_2881 = arith.muli %and3A_2878, %mul3A_2880 : vector<16xi32>
      %shift_right_logical3A_2882 = arith.shrui %gather3A_2875, %mul3A_2881 : vector<16xi32>
      %and3A_2883 = arith.constant 65535 : i32
      %and3A_2884 = vector.broadcast %and3A_2883 : i32 to vector<16xi32>
      %and3A_2885 = arith.andi %shift_right_logical3A_2882, %and3A_2884 : vector<16xi32>
      %swap3A_2886 = arith.constant 1 : i32
      %swap3A_2887 = arith.index_cast %swap3A_2886 : i32 to index
      %swap3A_2888 = arith.constant 64 : index
      %swap3A_2889 = tpu.vector_load %arg13[%swap3A_2887, %swap3A_2888] {strides = array<i32>} : memref<4x112xi32, #tpu.memory_space<vmem>>, vector<16xi32>,
      tpu.vector_store %arg13[%swap3A_2887, %swap3A_2888], %and3A_2885 {strides = array<i32>} : memref<4x112xi32, #tpu.memory_space<vmem>>, vector<16xi32>,
      %get3A_2890 = arith.constant 1 : i32
      %get3A_2891 = arith.index_cast %get3A_2890 : i32 to index
      %get3A_2892 = arith.constant 80 : index
      %get3A_2893 = tpu.vector_load %arg9[%get3A_2891, %get3A_2892] {strides = array<i32>} : memref<6x112xi32, #tpu.memory_space<vmem>>, vector<16xi32>,
      %shift_right_logical3A_2894 = arith.constant 1 : i32
      %shift_right_logical3A_2895 = vector.broadcast %shift_right_logical3A_2894 : i32 to vector<16xi32>
      %shift_right_logical3A_2896 = arith.shrui %get3A_2893, %shift_right_logical3A_2895 : vector<16xi32>
      %gather3A_2897 = tpu.vector_load_idx %arg8[%shift_right_logical3A_2896] : memref<5000xi32, #tpu.memory_space<vmem>>[vector<16xi32>], vector<16xi32>,
      %and3A_2898 = arith.constant 1 : i32
      %and3A_2899 = vector.broadcast %and3A_2898 : i32 to vector<16xi32>
      %and3A_2900 = arith.andi %get3A_2893, %and3A_2899 : vector<16xi32>
      %mul3A_2901 = arith.constant 16 : i32
      %mul3A_2902 = vector.broadcast %mul3A_2901 : i32 to vector<16xi32>
      %mul3A_2903 = arith.muli %and3A_2900, %mul3A_2902 : vector<16xi32>
      %shift_right_logical3A_2904 = arith.shrui %gather3A_2897, %mul3A_2903 : vector<16xi32>
      %and3A_2905 = arith.constant 65535 : i32
      %and3A_2906 = vector.broadcast %and3A_2905 : i32 to vector<16xi32>
      %and3A_2907 = arith.andi %shift_right_logical3A_2904, %and3A_2906 : vector<16xi32>
      %swap3A_2908 = arith.constant 1 : i32
      %swap3A_2909 = arith.index_cast %swap3A_2908 : i32 to index
      %swap3A_2910 = arith.constant 80 : index
      %swap3A_2911 = tpu.vector_load %arg13[%swap3A_2909, %swap3A_2910] {strides = array<i32>} : memref<4x112xi32, #tpu.memory_space<vmem>>, vector<16xi32>,
      tpu.vector_store %arg13[%swap3A_2909, %swap3A_2910], %and3A_2907 {strides = array<i32>} : memref<4x112xi32, #tpu.memory_space<vmem>>, vector<16xi32>,
      %get3A_2912 = arith.constant 1 : i32
      %get3A_2913 = arith.index_cast %get3A_2912 : i32 to index
      %get3A_2914 = arith.constant 96 : index
      %get3A_2915 = tpu.vector_load %arg9[%get3A_2913, %get3A_2914] {strides = array<i32>} : memref<6x112xi32, #tpu.memory_space<vmem>>, vector<16xi32>,
      %shift_right_logical3A_2916 = arith.constant 1 : i32
      %shift_right_logical3A_2917 = vector.broadcast %shift_right_logical3A_2916 : i32 to vector<16xi32>
      %shift_right_logical3A_2918 = arith.shrui %get3A_2915, %shift_right_logical3A_2917 : vector<16xi32>
      %gather3A_2919 = tpu.vector_load_idx %arg8[%shift_right_logical3A_2918] : memref<5000xi32, #tpu.memory_space<vmem>>[vector<16xi32>], vector<16xi32>,
      %and3A_2920 = arith.constant 1 : i32
      %and3A_2921 = vector.broadcast %and3A_2920 : i32 to vector<16xi32>
      %and3A_2922 = arith.andi %get3A_2915, %and3A_2921 : vector<16xi32>
      %mul3A_2923 = arith.constant 16 : i32
      %mul3A_2924 = vector.broadcast %mul3A_2923 : i32 to vector<16xi32>
      %mul3A_2925 = arith.muli %and3A_2922, %mul3A_2924 : vector<16xi32>
      %shift_right_logical3A_2926 = arith.shrui %gather3A_2919, %mul3A_2925 : vector<16xi32>
      %and3A_2927 = arith.constant 65535 : i32
      %and3A_2928 = vector.broadcast %and3A_2927 : i32 to vector<16xi32>
      %and3A_2929 = arith.andi %shift_right_logical3A_2926, %and3A_2928 : vector<16xi32>
      %swap3A_2930 = arith.constant 1 : i32
      %swap3A_2931 = arith.index_cast %swap3A_2930 : i32 to index
      %swap3A_2932 = arith.constant 96 : index
      %swap3A_2933 = tpu.vector_load %arg13[%swap3A_2931, %swap3A_2932] {strides = array<i32>} : memref<4x112xi32, #tpu.memory_space<vmem>>, vector<16xi32>,
      tpu.vector_store %arg13[%swap3A_2931, %swap3A_2932], %and3A_2929 {strides = array<i32>} : memref<4x112xi32, #tpu.memory_space<vmem>>, vector<16xi32>,
      %dma_wait3A_2934 = arith.constant 0 : i32
      %dma_wait3A_2935 = arith.constant 0 : i32
      %dma_wait3A_2936 = arith.constant 0 : i32
      %dma_wait3A_2937 = arith.constant 0 : i32
      %dma_wait3A_2938 = tpu.memref_slice %arg14[%dma_wait3A_2935, %dma_wait3A_2936, %dma_wait3A_2937] : memref<2x112x128xf32, #tpu.memory_space<vmem>> -> memref<1x112x128xf32, #tpu.memory_space<vmem>>
      %dma_wait3A_2939 = tpu.memref_squeeze %dma_wait3A_2938 : memref<1x112x128xf32, #tpu.memory_space<vmem>> -> memref<112x128xf32, #tpu.memory_space<vmem>>
      %dma_wait3A_2940 = arith.constant 0 : i32
      %dma_wait3A_2941 = tpu.memref_slice %arg13[%dma_wait3A_2934, %dma_wait3A_2940] : memref<4x112xi32, #tpu.memory_space<vmem>> -> memref<1x112xi32, #tpu.memory_space<vmem>>
      %dma_wait3A_2942 = tpu.memref_squeeze %dma_wait3A_2941 : memref<1x112xi32, #tpu.memory_space<vmem>> -> memref<112xi32, #tpu.memory_space<vmem>>
      %dma_wait3A_2943 = arith.constant 0 : i32
      %dma_wait3A_2944 = arith.constant 0 : i32
      %dma_wait3A_2945 = tpu.memref_slice %arg2[%dma_wait3A_2943, %dma_wait3A_2944] : memref<10000x128xf32, #tpu.memory_space<hbm>> -> memref<10000x128xf32, #tpu.memory_space<hbm>>
      tpu.wait_indirect_dma semaphore(%arg19 : memref<!tpu.dma_semaphore, #tpu.memory_space<semaphore_mem>>) src(%dma_wait3A_2945 : memref<10000x128xf32, #tpu.memory_space<hbm>>) dst(%dma_wait3A_2939 : memref<112x128xf32, #tpu.memory_space<vmem>>)
      %dma_wait3A_2946 = arith.constant 0 : i32
      %dma_wait3A_2947 = arith.constant 0 : i32
      %dma_wait3A_2948 = arith.constant 0 : i32
      %dma_wait3A_2949 = arith.constant 0 : i32
      %dma_wait3A_2950 = tpu.memref_slice %arg14[%dma_wait3A_2947, %dma_wait3A_2948, %dma_wait3A_2949] : memref<2x112x128xf32, #tpu.memory_space<vmem>> -> memref<1x112x128xf32, #tpu.memory_space<vmem>>
      %dma_wait3A_2951 = tpu.memref_squeeze %dma_wait3A_2950 : memref<1x112x128xf32, #tpu.memory_space<vmem>> -> memref<112x128xf32, #tpu.memory_space<vmem>>
      %dma_wait3A_2952 = arith.constant 0 : i32
      %dma_wait3A_2953 = tpu.memref_slice %arg13[%dma_wait3A_2946, %dma_wait3A_2952] : memref<4x112xi32, #tpu.memory_space<vmem>> -> memref<1x112xi32, #tpu.memory_space<vmem>>
      %dma_wait3A_2954 = tpu.memref_squeeze %dma_wait3A_2953 : memref<1x112xi32, #tpu.memory_space<vmem>> -> memref<112xi32, #tpu.memory_space<vmem>>
      %dma_wait3A_2955 = arith.constant 0 : i32
      %dma_wait3A_2956 = arith.constant 0 : i32
      %dma_wait3A_2957 = tpu.memref_slice %arg2[%dma_wait3A_2955, %dma_wait3A_2956] : memref<10000x128xf32, #tpu.memory_space<hbm>> -> memref<10000x128xf32, #tpu.memory_space<hbm>>
      tpu.wait_indirect_dma semaphore(%arg19 : memref<!tpu.dma_semaphore, #tpu.memory_space<semaphore_mem>>) src(%dma_wait3A_2957 : memref<10000x128xf32, #tpu.memory_space<hbm>>) dst(%dma_wait3A_2951 : memref<112x128xf32, #tpu.memory_space<vmem>>)
      %dma_start3A_2958 = arith.constant 0 : i32
      %dma_start3A_2959 = arith.constant 4 : i32
      %dma_start3A_2960 = arith.constant 0 : i32
      %dma_start3A_2961 = arith.constant 0 : i32
      %dma_start3A_2962 = tpu.memref_slice %arg14[%dma_start3A_2958, %dma_start3A_2960, %dma_start3A_2961] : memref<2x112x128xf32, #tpu.memory_space<vmem>> -> memref<1x112x128xf32, #tpu.memory_space<vmem>>
      %dma_start3A_2963 = tpu.memref_squeeze %dma_start3A_2962 : memref<1x112x128xf32, #tpu.memory_space<vmem>> -> memref<112x128xf32, #tpu.memory_space<vmem>>
      %dma_start3A_2964 = arith.constant 0 : i32
      %dma_start3A_2965 = tpu.memref_slice %arg12[%dma_start3A_2959, %dma_start3A_2964] : memref<6x112xi32, #tpu.memory_space<vmem>> -> memref<1x112xi32, #tpu.memory_space<vmem>>
      %dma_start3A_2966 = tpu.memref_squeeze %dma_start3A_2965 : memref<1x112xi32, #tpu.memory_space<vmem>> -> memref<112xi32, #tpu.memory_space<vmem>>
      %dma_start3A_2967 = arith.constant 0 : i32
      %dma_start3A_2968 = arith.constant 0 : i32
      %dma_start3A_2969 = tpu.memref_slice %arg16[%dma_start3A_2967, %dma_start3A_2968] : memref<10112x128xf32, #tpu.memory_space<vmem_shared>> -> memref<10112x128xf32, #tpu.memory_space<vmem_shared>>
      tpu.enqueue_indirect_dma source(%dma_start3A_2963 : memref<112x128xf32, #tpu.memory_space<vmem>>) target(%dma_start3A_2969 : memref<10112x128xf32, #tpu.memory_space<vmem_shared>>) offsets(%dma_start3A_2966 : memref<112xi32, #tpu.memory_space<vmem>>) semaphore(%arg20 : memref<!tpu.dma_semaphore, #tpu.memory_space<semaphore_mem>>) {add = true}
      %dma_start3A_2970 = arith.constant 4 : i32
      %dma_start3A_2971 = arith.constant 0 : i32
      %dma_start3A_2972 = tpu.memref_slice %arg12[%dma_start3A_2970, %dma_start3A_2971] : memref<6x112xi32, #tpu.memory_space<vmem>> -> memref<1x112xi32, #tpu.memory_space<vmem>>
      %dma_start3A_2973 = tpu.memref_squeeze %dma_start3A_2972 : memref<1x112xi32, #tpu.memory_space<vmem>> -> memref<112xi32, #tpu.memory_space<vmem>>
      %dma_start3A_2974 = arith.constant 0 : i32
      %dma_start3A_2975 = arith.constant 0 : i32
      %dma_start3A_2976 = tpu.memref_slice %arg17[%dma_start3A_2974, %dma_start3A_2975] : memref<10112x16xf32, #tpu.memory_space<vmem_shared>> -> memref<10112x16xf32, #tpu.memory_space<vmem_shared>>
      tpu.enqueue_indirect_dma source(%arg15 : memref<112x16xf32, #tpu.memory_space<vmem>>) target(%dma_start3A_2976 : memref<10112x16xf32, #tpu.memory_space<vmem_shared>>) offsets(%dma_start3A_2973 : memref<112xi32, #tpu.memory_space<vmem>>) semaphore(%arg21 : memref<!tpu.dma_semaphore, #tpu.memory_space<semaphore_mem>>) {add = true}
      %dma_start3A_2977 = arith.constant 1 : i32
      %dma_start3A_2978 = arith.constant 5 : i32
      %dma_start3A_2979 = arith.constant 0 : i32
      %dma_start3A_2980 = arith.constant 0 : i32
      %dma_start3A_2981 = tpu.memref_slice %arg14[%dma_start3A_2977, %dma_start3A_2979, %dma_start3A_2980] : memref<2x112x128xf32, #tpu.memory_space<vmem>> -> memref<1x112x128xf32, #tpu.memory_space<vmem>>
      %dma_start3A_2982 = tpu.memref_squeeze %dma_start3A_2981 : memref<1x112x128xf32, #tpu.memory_space<vmem>> -> memref<112x128xf32, #tpu.memory_space<vmem>>
      %dma_start3A_2983 = arith.constant 0 : i32
      %dma_start3A_2984 = tpu.memref_slice %arg12[%dma_start3A_2978, %dma_start3A_2983] : memref<6x112xi32, #tpu.memory_space<vmem>> -> memref<1x112xi32, #tpu.memory_space<vmem>>
      %dma_start3A_2985 = tpu.memref_squeeze %dma_start3A_2984 : memref<1x112xi32, #tpu.memory_space<vmem>> -> memref<112xi32, #tpu.memory_space<vmem>>
      %dma_start3A_2986 = arith.constant 0 : i32
      %dma_start3A_2987 = arith.constant 0 : i32
      %dma_start3A_2988 = tpu.memref_slice %arg16[%dma_start3A_2986, %dma_start3A_2987] : memref<10112x128xf32, #tpu.memory_space<vmem_shared>> -> memref<10112x128xf32, #tpu.memory_space<vmem_shared>>
      tpu.enqueue_indirect_dma source(%dma_start3A_2982 : memref<112x128xf32, #tpu.memory_space<vmem>>) target(%dma_start3A_2988 : memref<10112x128xf32, #tpu.memory_space<vmem_shared>>) offsets(%dma_start3A_2985 : memref<112xi32, #tpu.memory_space<vmem>>) semaphore(%arg20 : memref<!tpu.dma_semaphore, #tpu.memory_space<semaphore_mem>>) {add = true}
      %dma_start3A_2989 = arith.constant 5 : i32
      %dma_start3A_2990 = arith.constant 0 : i32
      %dma_start3A_2991 = tpu.memref_slice %arg12[%dma_start3A_2989, %dma_start3A_2990] : memref<6x112xi32, #tpu.memory_space<vmem>> -> memref<1x112xi32, #tpu.memory_space<vmem>>
      %dma_start3A_2992 = tpu.memref_squeeze %dma_start3A_2991 : memref<1x112xi32, #tpu.memory_space<vmem>> -> memref<112xi32, #tpu.memory_space<vmem>>
      %dma_start3A_2993 = arith.constant 0 : i32
      %dma_start3A_2994 = arith.constant 0 : i32
      %dma_start3A_2995 = tpu.memref_slice %arg17[%dma_start3A_2993, %dma_start3A_2994] : memref<10112x16xf32, #tpu.memory_space<vmem_shared>> -> memref<10112x16xf32, #tpu.memory_space<vmem_shared>>
      tpu.enqueue_indirect_dma source(%arg15 : memref<112x16xf32, #tpu.memory_space<vmem>>) target(%dma_start3A_2995 : memref<10112x16xf32, #tpu.memory_space<vmem_shared>>) offsets(%dma_start3A_2992 : memref<112xi32, #tpu.memory_space<vmem>>) semaphore(%arg21 : memref<!tpu.dma_semaphore, #tpu.memory_space<semaphore_mem>>) {add = true}
      %scan3A_2996 = arith.constant 0 : i32
      scf.yield %scan3A_2996 : i32
    }
    %scan3A_376 = arith.constant 15 : i32
    %dma_wait3A = arith.constant 0 : i32
    %dma_wait3A_377 = arith.constant 0 : i32
    %dma_wait3A_378 = arith.constant 0 : i32
    %dma_wait3A_379 = arith.constant 0 : i32
    %dma_wait3A_380 = tpu.memref_slice %arg14[%dma_wait3A, %dma_wait3A_378, %dma_wait3A_379] : memref<2x112x128xf32, #tpu.memory_space<vmem>> -> memref<1x112x128xf32, #tpu.memory_space<vmem>>
    %dma_wait3A_381 = tpu.memref_squeeze %dma_wait3A_380 : memref<1x112x128xf32, #tpu.memory_space<vmem>> -> memref<112x128xf32, #tpu.memory_space<vmem>>
    %dma_wait3A_382 = arith.constant 0 : i32
    %dma_wait3A_383 = tpu.memref_slice %arg11[%dma_wait3A_377, %dma_wait3A_382] : memref<6x112xi32, #tpu.memory_space<vmem>> -> memref<1x112xi32, #tpu.memory_space<vmem>>
    %dma_wait3A_384 = tpu.memref_squeeze %dma_wait3A_383 : memref<1x112xi32, #tpu.memory_space<vmem>> -> memref<112xi32, #tpu.memory_space<vmem>>
    %dma_wait3A_385 = arith.constant 0 : i32
    %dma_wait3A_386 = arith.constant 0 : i32
    %dma_wait3A_387 = tpu.memref_slice %arg16[%dma_wait3A_385, %dma_wait3A_386] : memref<10112x128xf32, #tpu.memory_space<vmem_shared>> -> memref<10112x128xf32, #tpu.memory_space<vmem_shared>>
    tpu.wait_indirect_dma semaphore(%arg20 : memref<!tpu.dma_semaphore, #tpu.memory_space<semaphore_mem>>) src(%dma_wait3A_381 : memref<112x128xf32, #tpu.memory_space<vmem>>) dst(%dma_wait3A_387 : memref<10112x128xf32, #tpu.memory_space<vmem_shared>>)
    %dma_wait3A_388 = arith.constant 0 : i32
    %dma_wait3A_389 = arith.constant 0 : i32
    %dma_wait3A_390 = tpu.memref_slice %arg11[%dma_wait3A_388, %dma_wait3A_389] : memref<6x112xi32, #tpu.memory_space<vmem>> -> memref<1x112xi32, #tpu.memory_space<vmem>>
    %dma_wait3A_391 = tpu.memref_squeeze %dma_wait3A_390 : memref<1x112xi32, #tpu.memory_space<vmem>> -> memref<112xi32, #tpu.memory_space<vmem>>
    %dma_wait3A_392 = arith.constant 0 : i32
    %dma_wait3A_393 = arith.constant 0 : i32
    %dma_wait3A_394 = tpu.memref_slice %arg17[%dma_wait3A_392, %dma_wait3A_393] : memref<10112x16xf32, #tpu.memory_space<vmem_shared>> -> memref<10112x16xf32, #tpu.memory_space<vmem_shared>>
    tpu.wait_indirect_dma semaphore(%arg21 : memref<!tpu.dma_semaphore, #tpu.memory_space<semaphore_mem>>) src(%arg15 : memref<112x16xf32, #tpu.memory_space<vmem>>) dst(%dma_wait3A_394 : memref<10112x16xf32, #tpu.memory_space<vmem_shared>>)
    %dma_wait3A_395 = arith.constant 0 : i32
    %dma_wait3A_396 = arith.constant 0 : i32
    %dma_wait3A_397 = arith.constant 0 : i32
    %dma_wait3A_398 = arith.constant 0 : i32
    %dma_wait3A_399 = tpu.memref_slice %arg14[%dma_wait3A_395, %dma_wait3A_397, %dma_wait3A_398] : memref<2x112x128xf32, #tpu.memory_space<vmem>> -> memref<1x112x128xf32, #tpu.memory_space<vmem>>
    %dma_wait3A_400 = tpu.memref_squeeze %dma_wait3A_399 : memref<1x112x128xf32, #tpu.memory_space<vmem>> -> memref<112x128xf32, #tpu.memory_space<vmem>>
    %dma_wait3A_401 = arith.constant 0 : i32
    %dma_wait3A_402 = tpu.memref_slice %arg11[%dma_wait3A_396, %dma_wait3A_401] : memref<6x112xi32, #tpu.memory_space<vmem>> -> memref<1x112xi32, #tpu.memory_space<vmem>>
    %dma_wait3A_403 = tpu.memref_squeeze %dma_wait3A_402 : memref<1x112xi32, #tpu.memory_space<vmem>> -> memref<112xi32, #tpu.memory_space<vmem>>
    %dma_wait3A_404 = arith.constant 0 : i32
    %dma_wait3A_405 = arith.constant 0 : i32
    %dma_wait3A_406 = tpu.memref_slice %arg16[%dma_wait3A_404, %dma_wait3A_405] : memref<10112x128xf32, #tpu.memory_space<vmem_shared>> -> memref<10112x128xf32, #tpu.memory_space<vmem_shared>>
    tpu.wait_indirect_dma semaphore(%arg20 : memref<!tpu.dma_semaphore, #tpu.memory_space<semaphore_mem>>) src(%dma_wait3A_400 : memref<112x128xf32, #tpu.memory_space<vmem>>) dst(%dma_wait3A_406 : memref<10112x128xf32, #tpu.memory_space<vmem_shared>>)
    %dma_wait3A_407 = arith.constant 0 : i32
    %dma_wait3A_408 = arith.constant 0 : i32
    %dma_wait3A_409 = tpu.memref_slice %arg11[%dma_wait3A_407, %dma_wait3A_408] : memref<6x112xi32, #tpu.memory_space<vmem>> -> memref<1x112xi32, #tpu.memory_space<vmem>>
    %dma_wait3A_410 = tpu.memref_squeeze %dma_wait3A_409 : memref<1x112xi32, #tpu.memory_space<vmem>> -> memref<112xi32, #tpu.memory_space<vmem>>
    %dma_wait3A_411 = arith.constant 0 : i32
    %dma_wait3A_412 = arith.constant 0 : i32
    %dma_wait3A_413 = tpu.memref_slice %arg17[%dma_wait3A_411, %dma_wait3A_412] : memref<10112x16xf32, #tpu.memory_space<vmem_shared>> -> memref<10112x16xf32, #tpu.memory_space<vmem_shared>>
    tpu.wait_indirect_dma semaphore(%arg21 : memref<!tpu.dma_semaphore, #tpu.memory_space<semaphore_mem>>) src(%arg15 : memref<112x16xf32, #tpu.memory_space<vmem>>) dst(%dma_wait3A_413 : memref<10112x16xf32, #tpu.memory_space<vmem_shared>>)
    %barrier3A_414 = arith.constant 0 : index
    tpu.barrier barrier_id(%barrier3A_414)
    %mul3A_415 = arith.constant 632 : i32
    %mul3A_416 = arith.muli %arg1, %mul3A_415 : i32
    %mul3A_417 = arith.constant 632 : i32
    %mul3A_418 = arith.muli %arg1, %mul3A_417 : i32
    "tpu.region"() ({
      %run_scoped3A_423 = tpu.sem_alloc : memref<!tpu.dma_semaphore, #tpu.memory_space<semaphore_mem>>
      %dma_start3A = arith.constant 0 : i32
      %dma_start3A_424 = tpu.memref_slice %arg6[%arg0, %mul3A_418, %dma_start3A] : memref<2x10112x128xf32, #tpu.memory_space<hbm>> -> memref<1x632x128xf32, #tpu.memory_space<hbm>>
      %dma_start3A_425 = tpu.memref_squeeze %dma_start3A_424 : memref<1x632x128xf32, #tpu.memory_space<hbm>> -> memref<632x128xf32, #tpu.memory_space<hbm>>
      %dma_start3A_426 = arith.constant 0 : i32
      %dma_start3A_427 = tpu.memref_slice %arg16[%mul3A_416, %dma_start3A_426] : memref<10112x128xf32, #tpu.memory_space<vmem_shared>> -> memref<632x128xf32, #tpu.memory_space<vmem_shared>>
      tpu.enqueue_dma source(%dma_start3A_427 : memref<632x128xf32, #tpu.memory_space<vmem_shared>>) target(%dma_start3A_425 : memref<632x128xf32, #tpu.memory_space<hbm>>) target_semaphore(%run_scoped3A_423 : memref<!tpu.dma_semaphore, #tpu.memory_space<semaphore_mem>>)
      %dma_wait3A_428 = arith.constant 0 : i32
      %dma_wait3A_429 = tpu.memref_slice %arg6[%arg0, %mul3A_418, %dma_wait3A_428] : memref<2x10112x128xf32, #tpu.memory_space<hbm>> -> memref<1x632x128xf32, #tpu.memory_space<hbm>>
      %dma_wait3A_430 = tpu.memref_squeeze %dma_wait3A_429 : memref<1x632x128xf32, #tpu.memory_space<hbm>> -> memref<632x128xf32, #tpu.memory_space<hbm>>
      %dma_wait3A_431 = arith.constant 0 : i32
      %dma_wait3A_432 = tpu.memref_slice %arg16[%mul3A_416, %dma_wait3A_431] : memref<10112x128xf32, #tpu.memory_space<vmem_shared>> -> memref<632x128xf32, #tpu.memory_space<vmem_shared>>
      tpu.wait_dma2 semaphore(%run_scoped3A_423 : memref<!tpu.dma_semaphore, #tpu.memory_space<semaphore_mem>>) src(%dma_wait3A_432 : memref<632x128xf32, #tpu.memory_space<vmem_shared>>) dst(%dma_wait3A_430 : memref<632x128xf32, #tpu.memory_space<hbm>>)
      tpu.yield
    }) : () -> ()
    %mul3A_419 = arith.constant 632 : i32
    %mul3A_420 = arith.muli %arg1, %mul3A_419 : i32
    %mul3A_421 = arith.constant 632 : i32
    %mul3A_422 = arith.muli %arg1, %mul3A_421 : i32
    "tpu.region"() ({
      %run_scoped3A_423 = tpu.sem_alloc : memref<!tpu.dma_semaphore, #tpu.memory_space<semaphore_mem>>
      %dma_start3A = arith.constant 0 : i32
      %dma_start3A_424 = tpu.memref_slice %arg7[%arg0, %mul3A_422, %dma_start3A] : memref<2x10112x16xf32, #tpu.memory_space<hbm>> -> memref<1x632x16xf32, #tpu.memory_space<hbm>>
      %dma_start3A_425 = tpu.memref_squeeze %dma_start3A_424 : memref<1x632x16xf32, #tpu.memory_space<hbm>> -> memref<632x16xf32, #tpu.memory_space<hbm>>
      %dma_start3A_426 = arith.constant 0 : i32
      %dma_start3A_427 = tpu.memref_slice %arg17[%mul3A_420, %dma_start3A_426] : memref<10112x16xf32, #tpu.memory_space<vmem_shared>> -> memref<632x16xf32, #tpu.memory_space<vmem_shared>>
      tpu.enqueue_dma source(%dma_start3A_427 : memref<632x16xf32, #tpu.memory_space<vmem_shared>>) target(%dma_start3A_425 : memref<632x16xf32, #tpu.memory_space<hbm>>) target_semaphore(%run_scoped3A_423 : memref<!tpu.dma_semaphore, #tpu.memory_space<semaphore_mem>>)
      %dma_wait3A_428 = arith.constant 0 : i32
      %dma_wait3A_429 = tpu.memref_slice %arg7[%arg0, %mul3A_422, %dma_wait3A_428] : memref<2x10112x16xf32, #tpu.memory_space<hbm>> -> memref<1x632x16xf32, #tpu.memory_space<hbm>>
      %dma_wait3A_430 = tpu.memref_squeeze %dma_wait3A_429 : memref<1x632x16xf32, #tpu.memory_space<hbm>> -> memref<632x16xf32, #tpu.memory_space<hbm>>
      %dma_wait3A_431 = arith.constant 0 : i32
      %dma_wait3A_432 = tpu.memref_slice %arg17[%mul3A_420, %dma_wait3A_431] : memref<10112x16xf32, #tpu.memory_space<vmem_shared>> -> memref<632x16xf32, #tpu.memory_space<vmem_shared>>
      tpu.wait_dma2 semaphore(%run_scoped3A_423 : memref<!tpu.dma_semaphore, #tpu.memory_space<semaphore_mem>>) src(%dma_wait3A_432 : memref<632x16xf32, #tpu.memory_space<vmem_shared>>) dst(%dma_wait3A_430 : memref<632x16xf32, #tpu.memory_space<hbm>>)
      tpu.yield
    }) : () -> ()
    return
  }
}

module attributes {stable_mosaic.version = 14 : i64} {
  func.func @_tc_norm_att(%arg0: i32, %arg1: i32, %arg2: memref<1x1264x128xf32, #tpu.memory_space<vmem>>, %arg3: memref<1x1264x16xf32, #tpu.memory_space<vmem>>, %arg4: memref<128x128xf32, #tpu.memory_space<vmem>>, %arg5: memref<1x128xf32, #tpu.memory_space<vmem>>, %arg6: memref<1x1264x128xf32, #tpu.memory_space<vmem>>, %arg7: memref<1x8x128xf32, #tpu.memory_space<vmem>>) attributes {dimension_semantics = [#tpu.dimension_semantics<arbitrary>, #tpu.dimension_semantics<arbitrary>], iteration_bounds = array<i64: 2, 8>, scalar_prefetch = 0 : i64, scratch_operands = 0 : i64, tpu.core_type = #tpu.core_type<tc>, window_params = [{transform_indices = @transform_0, window_bounds = array<i64: 1, 1264, 128>}, {transform_indices = @transform_1, window_bounds = array<i64: 1, 1264, 16>}, {pipeline_mode = #tpu.pipeline_mode<synchronous>, transform_indices = @transform_2, window_bounds = array<i64: 128, 128>}, {pipeline_mode = #tpu.pipeline_mode<synchronous>, transform_indices = @transform_3, window_bounds = array<i64: 1, 128>}, {transform_indices = @transform_4, window_bounds = array<i64: 1, 1264, 128>}, {transform_indices = @transform_5, window_bounds = array<i64: 1, 8, 128>}]} {
    %get3A = arith.constant 0 : index
    %get3A_0 = arith.constant 0 : index
    %get3A_1 = arith.constant 0 : index
    %get3A_2 = vector.load %arg2[%get3A, %get3A_0, %get3A_1] : memref<1x1264x128xf32, #tpu.memory_space<vmem>>, vector<1x1264x128xf32>
    %get3A_3 = vector.shape_cast %get3A_2 : vector<1x1264x128xf32> to vector<1264x128xf32>
    %get3A_4 = arith.constant 0 : index
    %get3A_5 = arith.constant 0 : index
    %get3A_6 = arith.constant 0 : index
    %get3A_7 = vector.load %arg3[%get3A_4, %get3A_5, %get3A_6] : memref<1x1264x16xf32, #tpu.memory_space<vmem>>, vector<1x1264x16xf32>
    %get3A_8 = vector.shape_cast %get3A_7 : vector<1x1264x16xf32> to vector<1264x16xf32>
    %slice3A = vector.extract_strided_slice %get3A_8 {offsets = [0, 0], sizes = [1264, 1], strides = [1, 1]} : vector<1264x16xf32> to vector<1264x1xf32>
    %max3A = arith.constant 1.000000e+00 : f32
    %max3A_9 = vector.broadcast %max3A : f32 to vector<1264x1xf32>
    %max3A_10 = arith.maximumf %slice3A, %max3A_9 : vector<1264x1xf32>
    %div3A = vector.broadcast %max3A_10 : vector<1264x1xf32> to vector<1264x128xf32>
    %div3A_11 = arith.divf %get3A_3, %div3A : vector<1264x128xf32>
    %gt3A = arith.constant 0.000000e+00 : f32
    %gt3A_12 = vector.broadcast %gt3A : f32 to vector<1264x128xf32>
    %gt3A_13 = arith.cmpf ogt, %div3A_11, %gt3A_12 : vector<1264x128xf32>
    %min3A = arith.constant 0.000000e+00 : f32
    %min3A_14 = vector.broadcast %min3A : f32 to vector<1264x128xf32>
    %min3A_15 = arith.minimumf %div3A_11, %min3A_14 : vector<1264x128xf32>
    %exp3A = math.exp %min3A_15 : vector<1264x128xf32>
    %sub3A = arith.constant 1.000000e+00 : f32
    %sub3A_16 = vector.broadcast %sub3A : f32 to vector<1264x128xf32>
    %sub3A_17 = arith.subf %exp3A, %sub3A_16 : vector<1264x128xf32>
    %select_n3A = arith.select %gt3A_13, %div3A_11, %sub3A_17 : vector<1264x128xi1>, vector<1264x128xf32>
    %swap3A = arith.constant 0 : index
    %swap3A_18 = arith.constant 0 : index
    %swap3A_19 = arith.constant 0 : index
    %swap3A_20 = vector.load %arg6[%swap3A, %swap3A_18, %swap3A_19] : memref<1x1264x128xf32, #tpu.memory_space<vmem>>, vector<1x1264x128xf32>
    %swap3A_21 = vector.shape_cast %swap3A_20 : vector<1x1264x128xf32> to vector<1264x128xf32>
    %swap3A_22 = vector.shape_cast %select_n3A : vector<1264x128xf32> to vector<1x1264x128xf32>
    tpu.vector_store %arg6[%swap3A, %swap3A_18, %swap3A_19], %swap3A_22 {strides = array<i32>} : memref<1x1264x128xf32, #tpu.memory_space<vmem>>, vector<1x1264x128xf32>,
    %get3A_23 = arith.constant 0 : index
    %get3A_24 = arith.constant 0 : index
    %get3A_25 = vector.load %arg4[%get3A_23, %get3A_24] : memref<128x128xf32, #tpu.memory_space<vmem>>, vector<128x128xf32>
    %dot_general3A = arith.constant dense<0.000000e+00> : vector<1264x128xf32>
    %dot_general3A_26 = tpu.matmul %select_n3A, %get3A_25, %dot_general3A {dimension_numbers = #tpu.dot_dimension_numbers<[1], [0], [0], [1], [0, 0, 1, 1], [], []>, precision = #tpu.contract_precision<fp32>, transpose_lhs_hint = false} : vector<1264x128xf32>, vector<128x128xf32>, vector<1264x128xf32> -> vector<1264x128xf32>
    %get3A_27 = arith.constant 0 : index
    %get3A_28 = arith.constant 0 : index
    %get3A_29 = vector.load %arg5[%get3A_27, %get3A_28] : memref<1x128xf32, #tpu.memory_space<vmem>>, vector<1x128xf32>
    %add3A = vector.broadcast %get3A_29 : vector<1x128xf32> to vector<1264x128xf32>
    %add3A_30 = arith.addf %dot_general3A_26, %add3A : vector<1264x128xf32>
    %tanh3A = math.tanh %add3A_30 : vector<1264x128xf32>
    %iota3A = tpu.iota {dimensions = array<i32: 0>} : vector<1264x1xi32>
    %mul3A = arith.constant 1264 : i32
    %mul3A_31 = arith.muli %arg1, %mul3A : i32
    %add3A_32 = vector.broadcast %mul3A_31 : i32 to vector<1264x1xi32>
    %add3A_33 = arith.addi %iota3A, %add3A_32 : vector<1264x1xi32>
    %lt3A = arith.constant 10000 : i32
    %lt3A_34 = vector.broadcast %lt3A : i32 to vector<1264x1xi32>
    %lt3A_35 = arith.cmpi slt, %add3A_33, %lt3A_34 : vector<1264x1xi32>
    %jit3A = arith.constant 0.000000e+00 : f32
    %broadcast_in_dim3A = vector.shape_cast %lt3A_35 : vector<1264x1xi1> to vector<1264x1xi1>
    %broadcast_in_dim3A_36 = vector.broadcast %broadcast_in_dim3A : vector<1264x1xi1> to vector<1264x128xi1>
    %broadcast_in_dim3A_37 = vector.broadcast %jit3A : f32 to vector<1264x128xf32>
    %select_n3A_38 = arith.select %broadcast_in_dim3A_36, %tanh3A, %broadcast_in_dim3A_37 : vector<1264x128xi1>, vector<1264x128xf32>
    %reduce_sum3A = arith.constant dense<0.000000e+00> : vector<128xf32>
    %reduce_sum3A_39 = vector.multi_reduction <add>, %select_n3A_38, %reduce_sum3A [0] : vector<1264x128xf32> to vector<128xf32>
    %broadcast_in_dim3A_40 = vector.shape_cast %reduce_sum3A_39 : vector<128xf32> to vector<1x128xf32>
    %eq3A = arith.constant 0 : i32
    %eq3A_41 = arith.cmpi eq, %arg1, %eq3A : i32
    %convert_element_type3A = arith.extui %eq3A_41 : i1 to i32
    %cond3A = arith.constant 0 : i32
    %cond3A_42 = arith.cmpi ne, %convert_element_type3A, %cond3A : i32
    scf.if %cond3A_42 {
      %broadcast_in_dim3A_54 = arith.constant 0.000000e+00 : f32
      %broadcast_in_dim3A_55 = vector.broadcast %broadcast_in_dim3A_54 : f32 to vector<1x8x128xf32>
      %swap3A_56 = arith.constant 0 : index
      %swap3A_57 = arith.constant 0 : index
      %swap3A_58 = arith.constant 0 : index
      %swap3A_59 = vector.load %arg7[%swap3A_56, %swap3A_57, %swap3A_58] : memref<1x8x128xf32, #tpu.memory_space<vmem>>, vector<1x8x128xf32>
      tpu.vector_store %arg7[%swap3A_56, %swap3A_57, %swap3A_58], %broadcast_in_dim3A_55 {strides = array<i32>} : memref<1x8x128xf32, #tpu.memory_space<vmem>>, vector<1x8x128xf32>,
    } else {
    }
    %get3A_43 = arith.constant 0 : index
    %get3A_44 = arith.constant 0 : index
    %get3A_45 = arith.constant 0 : index
    %get3A_46 = vector.load %arg7[%get3A_43, %get3A_44, %get3A_45] : memref<1x8x128xf32, #tpu.memory_space<vmem>>, vector<1x8x128xf32>
    %broadcast_in_dim3A_47 = vector.shape_cast %broadcast_in_dim3A_40 : vector<1x128xf32> to vector<1x1x128xf32>
    %add3A_48 = vector.broadcast %broadcast_in_dim3A_47 : vector<1x1x128xf32> to vector<1x8x128xf32>
    %add3A_49 = arith.addf %get3A_46, %add3A_48 : vector<1x8x128xf32>
    %swap3A_50 = arith.constant 0 : index
    %swap3A_51 = arith.constant 0 : index
    %swap3A_52 = arith.constant 0 : index
    %swap3A_53 = vector.load %arg7[%swap3A_50, %swap3A_51, %swap3A_52] : memref<1x8x128xf32, #tpu.memory_space<vmem>>, vector<1x8x128xf32>
    tpu.vector_store %arg7[%swap3A_50, %swap3A_51, %swap3A_52], %add3A_49 {strides = array<i32>} : memref<1x8x128xf32, #tpu.memory_space<vmem>>, vector<1x8x128xf32>,
    return
  }
  func.func @transform_0(%arg0: i32, %arg1: i32) -> (i32, i32, i32) {
    %c0_i32 = arith.constant 0 : i32
    %c0_i32_0 = arith.constant 0 : i32
    return %arg0, %arg1, %c0_i32 : i32, i32, i32
  }
  func.func @transform_1(%arg0: i32, %arg1: i32) -> (i32, i32, i32) {
    %c0_i32 = arith.constant 0 : i32
    %c0_i32_0 = arith.constant 0 : i32
    return %arg0, %arg1, %c0_i32 : i32, i32, i32
  }
  func.func @transform_2(%arg0: i32, %arg1: i32) -> (i32, i32) {
    %c0_i32 = arith.constant 0 : i32
    %c0_i32_0 = arith.constant 0 : i32
    %c0_i32_1 = arith.constant 0 : i32
    return %c0_i32, %c0_i32_0 : i32, i32
  }
  func.func @transform_3(%arg0: i32, %arg1: i32) -> (i32, i32) {
    %c0_i32 = arith.constant 0 : i32
    %c0_i32_0 = arith.constant 0 : i32
    %c0_i32_1 = arith.constant 0 : i32
    return %c0_i32, %c0_i32_0 : i32, i32
  }
  func.func @transform_4(%arg0: i32, %arg1: i32) -> (i32, i32, i32) {
    %c0_i32 = arith.constant 0 : i32
    %c0_i32_0 = arith.constant 0 : i32
    return %arg0, %arg1, %c0_i32 : i32, i32, i32
  }
  func.func @transform_5(%arg0: i32, %arg1: i32) -> (i32, i32, i32) {
    %c0_i32 = arith.constant 0 : i32
    %c0_i32_0 = arith.constant 0 : i32
    %c0_i32_1 = arith.constant 0 : i32
    return %arg0, %c0_i32, %c0_i32_0 : i32, i32, i32
  }
}

module attributes {stable_mosaic.version = 14 : i64} {
  func.func @_tc_combine_fc(%arg0: i32, %arg1: memref<2x1000x128xf32, #tpu.memory_space<vmem>>, %arg2: memref<2x8x128xf32, #tpu.memory_space<vmem>>, %arg3: memref<1x128xf32, #tpu.memory_space<vmem>>, %arg4: memref<128x128xf32, #tpu.memory_space<vmem>>, %arg5: memref<1x128xf32, #tpu.memory_space<vmem>>, %arg6: memref<1000x128xf32, #tpu.memory_space<vmem>>, %arg7: memref<1000x128xf32, #tpu.memory_space<vmem>>) attributes {dimension_semantics = [#tpu.dimension_semantics<arbitrary>], iteration_bounds = array<i64: 10>, scalar_prefetch = 0 : i64, scratch_operands = 0 : i64, tpu.core_type = #tpu.core_type<tc>, window_params = [{transform_indices = @transform_0, window_bounds = array<i64: 2, 1000, 128>}, {pipeline_mode = #tpu.pipeline_mode<synchronous>, transform_indices = @transform_1, window_bounds = array<i64: 2, 8, 128>}, {pipeline_mode = #tpu.pipeline_mode<synchronous>, transform_indices = @transform_2, window_bounds = array<i64: 1, 128>}, {pipeline_mode = #tpu.pipeline_mode<synchronous>, transform_indices = @transform_3, window_bounds = array<i64: 128, 128>}, {pipeline_mode = #tpu.pipeline_mode<synchronous>, transform_indices = @transform_4, window_bounds = array<i64: 1, 128>}, {transform_indices = @transform_5, window_bounds = array<i64: 1000, 128>}, {transform_indices = @transform_6, window_bounds = array<i64: 1000, 128>}]} {
    %get3A = arith.constant 0 : index
    %get3A_0 = arith.constant 0 : index
    %get3A_1 = arith.constant 0 : index
    %get3A_2 = vector.load %arg2[%get3A, %get3A_0, %get3A_1] : memref<2x8x128xf32, #tpu.memory_space<vmem>>, vector<2x1x128xf32>
    %get3A_3 = vector.shape_cast %get3A_2 : vector<2x1x128xf32> to vector<2x128xf32>
    %get3A_4 = arith.constant 0 : index
    %get3A_5 = arith.constant 0 : index
    %get3A_6 = vector.load %arg3[%get3A_4, %get3A_5] : memref<1x128xf32, #tpu.memory_space<vmem>>, vector<1x128xf32>
    %mul3A = vector.broadcast %get3A_6 : vector<1x128xf32> to vector<2x128xf32>
    %mul3A_7 = arith.mulf %get3A_3, %mul3A : vector<2x128xf32>
    %reduce_sum3A = arith.constant dense<0.000000e+00> : vector<2xf32>
    %reduce_sum3A_8 = vector.multi_reduction <add>, %mul3A_7, %reduce_sum3A [1] : vector<2x128xf32> to vector<2xf32>
    %div3A = arith.constant 1.000000e+04 : f32
    %div3A_9 = vector.broadcast %div3A : f32 to vector<2xf32>
    %div3A_10 = arith.divf %reduce_sum3A_8, %div3A_9 : vector<2xf32>
    %slice3A = vector.extract_strided_slice %div3A_10 {offsets = [0], sizes = [1], strides = [1]} : vector<2xf32> to vector<1xf32>
    %squeeze3A = vector.extract %slice3A[0] : f32 from vector<1xf32>
    %slice3A_11 = vector.extract_strided_slice %div3A_10 {offsets = [1], sizes = [1], strides = [1]} : vector<2xf32> to vector<1xf32>
    %squeeze3A_12 = vector.extract %slice3A_11[0] : f32 from vector<1xf32>
    %max3A = arith.maximumf %squeeze3A, %squeeze3A_12 : f32
    %sub3A = vector.broadcast %max3A : f32 to vector<2xf32>
    %sub3A_13 = arith.subf %div3A_10, %sub3A : vector<2xf32>
    %exp3A = math.exp %sub3A_13 : vector<2xf32>
    %reduce_sum3A_14 = vector.shape_cast %exp3A : vector<2xf32> to vector<1x2xf32>
    %reduce_sum3A_15 = arith.constant dense<0.000000e+00> : vector<1xf32>
    %reduce_sum3A_16 = vector.multi_reduction <add>, %reduce_sum3A_14, %reduce_sum3A_15 [1] : vector<1x2xf32> to vector<1xf32>
    %reduce_sum3A_17 = vector.shape_cast %reduce_sum3A_16 : vector<1xf32> to vector<1x1xf32>
    %reduce_sum3A_18 = vector.extract %reduce_sum3A_17[0, 0] : f32 from vector<1x1xf32>
    %div3A_19 = vector.broadcast %reduce_sum3A_18 : f32 to vector<2xf32>
    %div3A_20 = arith.divf %exp3A, %div3A_19 : vector<2xf32>
    %get3A_21 = arith.constant 0 : index
    %get3A_22 = arith.constant 0 : index
    %get3A_23 = arith.constant 0 : index
    %get3A_24 = vector.load %arg1[%get3A_21, %get3A_22, %get3A_23] : memref<2x1000x128xf32, #tpu.memory_space<vmem>>, vector<1x1000x128xf32>
    %get3A_25 = vector.shape_cast %get3A_24 : vector<1x1000x128xf32> to vector<1000x128xf32>
    %slice3A_26 = vector.extract_strided_slice %div3A_20 {offsets = [0], sizes = [1], strides = [1]} : vector<2xf32> to vector<1xf32>
    %squeeze3A_27 = vector.extract %slice3A_26[0] : f32 from vector<1xf32>
    %mul3A_28 = vector.broadcast %squeeze3A_27 : f32 to vector<1000x128xf32>
    %mul3A_29 = arith.mulf %get3A_25, %mul3A_28 : vector<1000x128xf32>
    %get3A_30 = arith.constant 1 : index
    %get3A_31 = arith.constant 0 : index
    %get3A_32 = arith.constant 0 : index
    %get3A_33 = vector.load %arg1[%get3A_30, %get3A_31, %get3A_32] : memref<2x1000x128xf32, #tpu.memory_space<vmem>>, vector<1x1000x128xf32>
    %get3A_34 = vector.shape_cast %get3A_33 : vector<1x1000x128xf32> to vector<1000x128xf32>
    %slice3A_35 = vector.extract_strided_slice %div3A_20 {offsets = [1], sizes = [1], strides = [1]} : vector<2xf32> to vector<1xf32>
    %squeeze3A_36 = vector.extract %slice3A_35[0] : f32 from vector<1xf32>
    %mul3A_37 = vector.broadcast %squeeze3A_36 : f32 to vector<1000x128xf32>
    %mul3A_38 = arith.mulf %get3A_34, %mul3A_37 : vector<1000x128xf32>
    %add3A = arith.addf %mul3A_29, %mul3A_38 : vector<1000x128xf32>
    %swap3A = arith.constant 0 : index
    %swap3A_39 = arith.constant 0 : index
    %swap3A_40 = vector.load %arg6[%swap3A, %swap3A_39] : memref<1000x128xf32, #tpu.memory_space<vmem>>, vector<1000x128xf32>
    tpu.vector_store %arg6[%swap3A, %swap3A_39], %add3A {strides = array<i32>} : memref<1000x128xf32, #tpu.memory_space<vmem>>, vector<1000x128xf32>,
    %get3A_41 = arith.constant 0 : index
    %get3A_42 = arith.constant 0 : index
    %get3A_43 = vector.load %arg4[%get3A_41, %get3A_42] : memref<128x128xf32, #tpu.memory_space<vmem>>, vector<128x128xf32>
    %dot_general3A = arith.constant dense<0.000000e+00> : vector<1000x128xf32>
    %dot_general3A_44 = tpu.matmul %add3A, %get3A_43, %dot_general3A {dimension_numbers = #tpu.dot_dimension_numbers<[1], [0], [0], [1], [0, 0, 1, 1], [], []>, precision = #tpu.contract_precision<fp32>, transpose_lhs_hint = false} : vector<1000x128xf32>, vector<128x128xf32>, vector<1000x128xf32> -> vector<1000x128xf32>
    %get3A_45 = arith.constant 0 : index
    %get3A_46 = arith.constant 0 : index
    %get3A_47 = vector.load %arg5[%get3A_45, %get3A_46] : memref<1x128xf32, #tpu.memory_space<vmem>>, vector<1x128xf32>
    %add3A_48 = vector.broadcast %get3A_47 : vector<1x128xf32> to vector<1000x128xf32>
    %add3A_49 = arith.addf %dot_general3A_44, %add3A_48 : vector<1000x128xf32>
    %swap3A_50 = arith.constant 0 : index
    %swap3A_51 = arith.constant 0 : index
    %swap3A_52 = vector.load %arg7[%swap3A_50, %swap3A_51] : memref<1000x128xf32, #tpu.memory_space<vmem>>, vector<1000x128xf32>
    tpu.vector_store %arg7[%swap3A_50, %swap3A_51], %add3A_49 {strides = array<i32>} : memref<1000x128xf32, #tpu.memory_space<vmem>>, vector<1000x128xf32>,
    return
  }
  func.func @transform_0(%arg0: i32) -> (i32, i32, i32) {
    %c0_i32 = arith.constant 0 : i32
    %c0_i32_0 = arith.constant 0 : i32
    %c0_i32_1 = arith.constant 0 : i32
    return %c0_i32, %arg0, %c0_i32_0 : i32, i32, i32
  }
  func.func @transform_1(%arg0: i32) -> (i32, i32, i32) {
    %c0_i32 = arith.constant 0 : i32
    %c0_i32_0 = arith.constant 0 : i32
    %c0_i32_1 = arith.constant 0 : i32
    %c0_i32_2 = arith.constant 0 : i32
    return %c0_i32, %c0_i32_0, %c0_i32_1 : i32, i32, i32
  }
  func.func @transform_2(%arg0: i32) -> (i32, i32) {
    %c0_i32 = arith.constant 0 : i32
    %c0_i32_0 = arith.constant 0 : i32
    %c0_i32_1 = arith.constant 0 : i32
    return %c0_i32, %c0_i32_0 : i32, i32
  }
  func.func @transform_3(%arg0: i32) -> (i32, i32) {
    %c0_i32 = arith.constant 0 : i32
    %c0_i32_0 = arith.constant 0 : i32
    %c0_i32_1 = arith.constant 0 : i32
    return %c0_i32, %c0_i32_0 : i32, i32
  }
  func.func @transform_4(%arg0: i32) -> (i32, i32) {
    %c0_i32 = arith.constant 0 : i32
    %c0_i32_0 = arith.constant 0 : i32
    %c0_i32_1 = arith.constant 0 : i32
    return %c0_i32, %c0_i32_0 : i32, i32
  }
  func.func @transform_5(%arg0: i32) -> (i32, i32) {
    %c0_i32 = arith.constant 0 : i32
    %c0_i32_0 = arith.constant 0 : i32
    return %arg0, %c0_i32 : i32, i32
  }
  func.func @transform_6(%arg0: i32) -> (i32, i32) {
    %c0_i32 = arith.constant 0 : i32
    %c0_i32_0 = arith.constant 0 : i32
    return %arg0, %c0_i32 : i32, i32
  }
}

</mosaic_0001>

<sc_bundles>
// kernel: kernel.5.cloned.1.call-start
scs
__scs_entry_jumppad:
0x0: {  	(pc) =	sbr.rel $0x88, $3  }
0x1: {  	(tag) =	ssettag $0x0;
	lr =	simm.s32 $0x1  }
0x2: {  	[smem:$0x3F99] =	sst lr;
	_ =	strace $0xD0000000  }
0x3: {  	_ = 	snop  }
0x4: {  	_ = 	snop  }
0x5: {  	_ = 	snop  }
0x6: {  	_ = 	snop  }
0x7: {  	_ = 	snop  }
__scs_overlays_trampoline_lowered:
0x8: {  	[smem:$0x3FA8] =	sst s0  }
0x9: {  	[smem:$0x3FA9] =	sst s1  }
0xa: {  	[smem:$0x3FAA] =	sst s2  }
0xb: {  	[smem:$0x3FAB] =	sst s3  }
0xc: {  	[smem:$0x3FAC] =	sst s4  }
0xd: {  	[smem:$0x3FAD] =	sst s5  }
0xe: {  	[smem:$0x3FAE] =	sst s6  }
0xf: {  	[smem:$0x3FAF] =	sst s7  }
0x10: {  	[smem:$0x3FB0] =	sst s8  }
0x11: {  	[smem:$0x3FB1] =	sst s9;
	s0 =	simm.s32 @!p0 $0x0  }
0x12: {  	s1 =	sld [smem:$0x3F97];
	s0 =	simm.s32 @p0 $0x1  }
0x13: {  	[smem:$0x3FB2] =	sst s0;
	s0 =	simm.s32 @!p1 $0x0  }
0x14: {  	s2 =	sld [smem:$0x3F96];
	s0 =	simm.s32 @p1 $0x1  }
0x15: {  	[smem:$0x3FB3] =	sst s0;
	s0 =	simm.s32 @!p2 $0x0  }
0x16: {  	s3 =	sld [smem:$0x3FDB];
	s0 =	simm.s32 @p2 $0x1  }
0x17: {  	s4 =	simm.s32 $0x1BF5;
	[smem:$0x3FB5] =	sst s0  }
0x18: {  	s0 =	sld [smem:$0x3F98];
	_ =	swait.ge [sflag:s4], $0x0  }
0x19: {  	s7 =	sld [smem:$0x3F99]  }
0x1a: {  	s8 =	sadd.s32 $0xFFFFE003, lr  }
0x1b: {  	s9 =	sadd.s32 $0xFFFFFEF7, lr;
	s5 =	simm.s32 $0xFFFFFFFF;
	p2 =	slt.u32 s8, $0xFFFFF086  }
0x1c: {  	p1 =	slt.u32 s9, $0xF7A;
	s5 =	simm.s32 @!p2 $0x0  }
0x1d: {  	s5 =	simm.s32 @p1 $0x1;
	p0 =	seq.s32 s7, s2  }
0x1e: {  	s7 =	smul.u32 @!p0 $0xF7A, s2;
	p2 =	seq.s32 @!p0 s5, $0x0  }
0x1f: {  	s9 =	smul.u32 $0xF7A, s1;
	s8 =	simm.s32 @!p0 $0x1BF5;
	p2 =	por !p2, p0  }
0x20: {  	[sflag:s8] =	ssyncset.s32 @!p0 $0xFFFFF086;
	s6 =	sadd.s32 @!p0 s3, s7;
	s7 =	simm.s32 @!p0 $0x108  }
0x21: {  	s3 =	sadd.s32 s3, s9;
	s6 =	sadd.s32 @!p0 $0x88, s6;
	s7 =	simm.s32 @p2 $0x1082  }
0x22: {  	[simem:s7], [sflag:s8] =	dma.local @!p0 [hbm:s6], $0xF7A  }
0x23: {  	s9 =	sor.u32 $0xD0000000, s2;
	s6 =	simm.s32 $0x108;
	_ =	swait.ge @!p0 [sflag:s8], $0x0  }
0x24: {  	s3 =	sadd.s32 $0x88, s3;
	s6 =	simm.s32 @!p1 $0x1082;
	[sflag:s4] =	ssyncset.s32 $0xFFFFF086  }
0x25: {  	[simem:s6], [sflag:s4] =	dma.local [hbm:s3], $0xF7A  }
0x26: {  	[smem:$0x3F99] =	sst s1;
	(tag) =	ssettag s2;
	_ =	strace s9  }
0x27: {  	s1 =	sld [smem:$0x3FA9]  }
0x28: {  	s2 =	sld [smem:$0x3FAA]  }
0x29: {  	s4 =	sld [smem:$0x3FAC]  }
0x2a: {  	p0 =	seq.s32 s5, $0x0;
	s5 =	sld [smem:$0x3FAD]  }
0x2b: {  	s6 =	sld [smem:$0x3FAE]  }
0x2c: {  	s7 =	sld [smem:$0x3FAF]  }
0x2d: {  	s3 =	simm.s32 $0x108;
	s8 =	sld [smem:$0x3FB0]  }
0x2e: {  	s3 =	simm.s32 @!p0 $0x1082;
	s9 =	sld [smem:$0x3FB1]  }
0x2f: {  	lr =	sadd.s32 s0, s3;
	s0 =	sld [smem:$0x3FA8]  }
0x30: {  	s3 =	sld [smem:$0x3FAB]  }
0x31: {  	[smem:$0x3FB4] =	sst s10  }
0x32: {  	s10 =	sld [smem:$0x3FB2];
	_ =	sdelay $0x3  }
0x33: {  	p0 =	seq.s32 s10, $0x1;
	s10 =	sld [smem:$0x3FB4];
	_ =	sdelay $0x3  }
0x34: {  	[smem:$0x3FB4] =	sst s10  }
0x35: {  	s10 =	sld [smem:$0x3FB3];
	_ =	sdelay $0x3  }
0x36: {  	p1 =	seq.s32 s10, $0x1;
	s10 =	sld [smem:$0x3FB4];
	_ =	sdelay $0x3  }
0x37: {  	[smem:$0x3FB4] =	sst s10  }
0x38: {  	s10 =	sld [smem:$0x3FB5]  }
0x39: {  	_ = 	snop;
	(pc) =	sbr.ind lr, $3  }
0x3a: {  	_ = 	snop  }
0x3b: {  	_ = 	snop  }
0x3c: {  	p2 =	seq.s32 s10, $0x1;
	s10 =	sld [smem:$0x3FB4]  }
0x3d: {  	_ =	shalt  }
0x3e: {  	_ =	shalt  }
0x3f: {  	_ =	shalt  }
0x40: {  	_ =	shalt  }
0x41: {  	_ =	shalt  }
0x42: {  	_ =	shalt  }
0x43: {  	_ =	shalt  }
0x44: {  	_ =	shalt  }
0x45: {  	_ =	shalt  }
0x46: {  	_ =	shalt  }
0x47: {  	_ =	shalt  }
0x48: {  	_ =	shalt  }
0x49: {  	_ =	shalt  }
0x4a: {  	_ =	shalt  }
0x4b: {  	_ =	shalt  }
0x4c: {  	_ =	shalt  }
0x4d: {  	_ =	shalt  }
0x4e: {  	_ =	shalt  }
0x4f: {  	_ =	shalt  }
0x50: {  	_ =	shalt  }
0x51: {  	_ =	shalt  }
0x52: {  	_ =	shalt  }
0x53: {  	_ =	shalt  }
0x54: {  	_ =	shalt  }
0x55: {  	_ =	shalt  }
0x56: {  	_ =	shalt  }
0x57: {  	_ =	shalt  }
0x58: {  	_ =	shalt  }
0x59: {  	_ =	shalt  }
0x5a: {  	_ =	shalt  }
0x5b: {  	_ =	shalt  }
0x5c: {  	_ =	shalt  }
0x5d: {  	_ =	shalt  }
0x5e: {  	_ =	shalt  }
0x5f: {  	_ =	shalt  }
0x60: {  	_ =	shalt  }
0x61: {  	_ =	shalt  }
0x62: {  	_ =	shalt  }
0x63: {  	_ =	shalt  }
0x64: {  	_ =	shalt  }
0x65: {  	_ =	shalt  }
0x66: {  	_ =	shalt  }
0x67: {  	_ =	shalt  }
0x68: {  	_ =	shalt  }
0x69: {  	_ =	shalt  }
0x6a: {  	_ =	shalt  }
0x6b: {  	_ =	shalt  }
0x6c: {  	_ =	shalt  }
0x6d: {  	_ =	shalt  }
0x6e: {  	_ =	shalt  }
0x6f: {  	_ =	shalt  }
0x70: {  	_ =	shalt  }
0x71: {  	_ =	shalt  }
0x72: {  	_ =	shalt  }
0x73: {  	_ =	shalt  }
0x74: {  	_ =	shalt  }
0x75: {  	_ =	shalt  }
0x76: {  	_ =	shalt  }
0x77: {  	_ =	shalt  }
0x78: {  	_ =	shalt  }
0x79: {  	_ =	shalt  }
0x7a: {  	_ =	shalt  }
0x7b: {  	_ =	shalt  }
0x7c: {  	_ =	shalt  }
0x7d: {  	_ =	shalt  }
0x7e: {  	_ =	shalt  }
0x7f: {  	_ =	shalt  }
0x80: {  	_ =	shalt  }
0x81: {  	_ =	shalt  }
0x82: {  	_ =	shalt  }
0x83: {  	_ =	shalt  }
0x84: {  	_ =	shalt  }
0x85: {  	_ =	shalt  }
0x86: {  	_ =	shalt  }
0x87: {  	_ =	shalt  }
.Lfunc_end0:
.L_simem_size_0:
called_computation_lowered:
.L_overlay_start_0:
0x88: {  	s2 =	sld [smem:$0x3FD9]  }
0x89: {  	s3 =	sld [smem:$0x3FFE];
	_ =	sdelay $0x1  }
0x8a: {  	s1 =	srdreg.scid  }
0x8b: {  	s0 =	sand.u32 $0x1, s1  }
0x8c: {  	s14 =	sshll.u32 s0, $0xA;
	s2 =	sadd.s32 s3, s2  }
0x8d: {  	s2 =	sadd.s32 s2, s14  }
0x8e: {  	[smem:$0x3FC0] =	sst s2  }
0x8f: {  	_ = 	snop  }
0x90: {  	s2 =	sld [smem:$0x3FD0];
	_ =	sdelay $0x2  }
0x91: {  	s4 =	simm.s32 $0xA;
	s5 =	simm.s32 $0x10;
	s15 =	sld [smem:$0x3FC9]  }
0x92: {  	[smem:s5], [sflag:s4] =	dma.local [hbm:s2], $0x1  }
0x93: {  	_ =	swait.eq [sflag:s4], $0x1  }
0x94: {  	[sflag:s4] =	ssyncset.done $0x0  }
0x95: {  	s16 =	sld [smem:$0x10];
	[sflag:s4] =	ssyncadd.s32 $0xFFFFFFFF  }
0x96: {  	s17 =	sld [smem:$0x11];
	(tm) =	ssettm $0x1  }
0x97: {  	s18 =	sld [smem:$0x3FFB];
	_ =	sdelay $0x3  }
0x98: {  	_ =	strace s18  }
0x99: {  	s5 =	sld [smem:$0x3FFC];
	_ =	sdelay $0x3  }
0x9a: {  	_ =	strace s5  }
0x9b: {  	s5 =	sld [smem:$0x3FFD];
	_ =	sdelay $0x3  }
0x9c: {  	_ =	strace s5  }
0x9d: {  	_ =	strace $0x8FFFFFFF  }
0x9e: {  	s19 =	sld [smem:$0x3FDB];
	_ =	sdelay $0x1  }
0x9f: {  	s6 =	simm.s32 $_scs_section_size  }
0xa0: {  	s7 =	simm.s32 $_size__tile_overlayer_lowered;
	s8 =	simm.s32 $_tile_overlayer_lowered  }
0xa1: {  	s22 =	simm.s32 $0x1BFF;
	s21 =	sshll.u32 s8, $0x1;
	s5 =	sadd.s32 s6, s19  }
0xa2: {  	s9 =	simm.s32 $0x0;
	s20 =	sshll.u32 s7, $0x1;
	s7 =	sadd.s32 s21, s5  }
0xa3: {  	[timem:s9], [sflag:s22] =	dma.local [hbm:s7], s20  }
0xa4: {  	_ =	swait.ge [sflag:s22], s20  }
0xa5: {  	s6 =	ssub.s32 $0x0, s20;
	[sflag:s22] =	ssyncset.done $0x0  }
0xa6: {  	[sflag:s22] =	ssyncadd.s32 s6;
	_ =	sdelay $0x1  }
0xa7: {  	s23 =	simm.s32 $0x1B8B  }
0xa8: {  	_ =	swait.ge [sflag:s23], $0x1  }
0xa9: {  	[sflag:s23] =	ssyncset.done $0x0  }
0xaa: {  	s25 =	simm.s32 $0x1B8E;
	s24 =	sld [smem:$0x3FFE];
	[sflag:s23] =	ssyncadd.s32 $0xFFFFFFFF  }
0xab: {  	s26 =	simm.s32 $execute0_lowered;
	[smem:$0x3FD2] =	sst s25  }
0xac: {  	s7 =	sshll.u32 s26, $0x1;
	_ =	strace $0x80000046;
	[dreg:$0x1] =	wrdreg $0xFFFFFFFF  }
0xad: {  	s28 =	simm.s32 $_size_execute0_lowered;
	s5 =	sadd.s32 s5, s7;
	[dreg:$0x0] =	wrdreg $0x0  }
0xae: {  	s7 =	sshll.u32 s28, $0x1;
	[dreg:$0x2] =	wrdreg s5  }
0xaf: {  	[dreg:$0x3] =	wrdreg s7  }
0xb0: {  	[dreg:$0x4] =	wrdreg $0xC0  }
0xb1: {  	_ =	task [dreg:s9], $0x5FFFF  }
0xb2: {  	[dreg:$0x1] =	wrdreg $0xFFFFFFFF  }
0xb3: {  	[dreg:$0x0] =	wrdreg $0x60  }
0xb4: {  	[dreg:$0x2] =	wrdreg s15  }
0xb5: {  	[dreg:$0x3] =	wrdreg s24  }
0xb6: {  	[dreg:$0x4] =	wrdreg s16  }
0xb7: {  	[dreg:$0x5] =	wrdreg s17  }
0xb8: {  	[dreg:$0x6] =	wrdreg $0x96C80  }
0xb9: {  	[dreg:$0x7] =	wrdreg $0x1D2C80  }
0xba: {  	[dreg:$0x8] =	wrdreg $0x9  }
0xbb: {  	_ =	task.clear_ibuf [dreg:s9], $0x9FFFF;
	_ =	strace $0x90000046  }
0xbc: {  	s29 =	simm.s32 $0x9;
	_ =	strace $0x80000048  }
0xbd: {  	_ =	swait.ge [sflag:s29], $0x1  }
0xbe: {  	[sflag:s29] =	ssyncadd.s32 $0xFFFFFFFF  }
0xbf: {  	_ =	strace $0x90000048  }
0xc0: {  	_ =	sfence  }
0xc1: {  	s30 =	sld [smem:$0x0];
	_ =	sdelay $0x2  }
0xc2: {  	s31 =	sshll.u32 s1, $0xD;
	s1 =	sshrl.u32 s1, $0x2  }
0xc3: {  	s3 =	sand.u32 $0x4000, s31;
	s1 =	sadd.s32 s1, s30  }
0xc4: {  	s0 =	sor.u32 s3, s0;
	s1 =	sshll.u32 s1, $0x11  }
0xc5: {  	s0 =	sor.u32 s1, s0  }
0xc6: {  	s0 =	sadd.s32 $0x8F2B, s0  }
0xc7: {  	[sflag:s0] =	ssyncadd.remote.s32 $0x1  }
0xc8: {  	_ =	sfence.sel $0xFFFF  }
0xc9: {  	[dreg:$0x0] =	wrdreg $0xFFFFFFFF;
	(pc) =	sbr.abs _section_cstart, $3  }
0xca: {  	[dreg:$0x1] =	wrdreg $0xFFFFFFFF  }
0xcb: {  	_ =	task.clear_ibuf [dreg:s9], $0x2FFFF;
	_ =	strace $0x9FFFFFFF  }
0xcc: {  	(tm) =	ssettm $0x7FFFFFFF  }
0xcd: {  	_ =	shalt  }
tec
execute0_lowered:
.L_overlay_start_1:
0x0: {  	(tag) =	ssettag $0x1  }
0x1: {  	s0 =	rddreg [dreg:$0x0]  }
0x2: {  	s1 =	rddreg [dreg:$0x1];
	s14 =	stileid.u32  }
0x3: {  	s20 =	rddreg [dreg:$0x2];
	s4 =	smul.u32 $0x13C00, s14  }
0x4: {  	s2 =	srdreg.scid;
	s9 =	smul.u32 $0x2780, s14  }
0x5: {  	s15 =	rddreg [dreg:$0x3];
	s11 =	smul.u32 $0x278, s14  }
0x6: {  	s5 =	rddreg [dreg:$0x4];
	s2 =	sand.u32 $0x1, s2;
	s22 =	smul.u32 $0x5160, s14  }
0x7: {  	s6 =	rddreg [dreg:$0x5];
	s7 =	simm.s32 $0x0;
	s3 =	smul.u32 $0x271, s2  }
0x8: {  	s28 =	simm.s32 $0x1FC8;
	s29 =	simm.s32 $0x4;
	s8 =	smul.u32 $0x13C000, s2  }
0x9: {  	s30 =	simm.s32 $0x8FC8;
	[smem:$0x7FF] =	sst s7;
	s10 =	smul.u32 $0x27800, s2  }
0xa: {  	_ =	strace $0x80000047;
	s12 =	ssub.s32 $0x2, s2;
	s2 =	smul.u32 $0x51600, s2  }
0xb: {  	s31 =	sshrl.u32 s12, $0x1;
	s13 =	sadd.s32 $0x70, s11;
	s18 =	sadd.s32 $0xE0, s11  }
0xc: {  	s21 =	sadd.s32 $0x150, s11;
	s26 =	sadd.s32 $0x1C0, s11;
	s14 =	sadd.s32 $0x230, s11  }
0xd: {  	s11 =	simm.s32 $0x1E78;
	s3 =	sadd.s32 s3, s1;
	s8 =	sadd.s32 s4, s8  }
0xe: {  	s10 =	sadd.s32 s9, s10;
	s4 =	sadd.s32 s4, s5;
	s16 =	sshll.u32 s13, $0x7  }
0xf: {  	s9 =	sadd.s32 s9, s6;
	s17 =	sshll.u32 s13, $0x4;
	s19 =	sshll.u32 s18, $0x7  }
0x10: {  	s23 =	sshll.u32 s21, $0x7;
	s2 =	sadd.s32 s22, s2;
	s25 =	sshll.u32 s21, $0x4  }
0x11: {  	s13 =	sshll.u32 s26, $0x7;
	s21 =	simm.s32 $0x1628;
	[dreg:$0xa] =	wrdreg s4  }
0x12: {  	s8 =	sshrl.u32 s8, $0x3;
	s10 =	sshrl.u32 s10, $0x3;
	[dreg:$0xb] =	wrdreg s9  }
0x13: {  	s4 =	sadd.s32 s16, s5;
	s9 =	sadd.s32 s19, s5;
	s24 =	sadd.s32 s23, s5  }
0x14: {  	[dreg:$0x9] =	wrdreg s21;
	s22 =	sshrl.u32 s2, $0x3;
	s3 =	sadd.s32 $0x2000, s3  }
0x15: {  	s21 =	simm.s32 $0x1CB8;
	s8 =	sadd.s32 s8, s1;
	[dreg:$0xc] =	wrdreg s4  }
0x16: {  	s1 =	sadd.s32 s10, s1;
	s10 =	ssub.s32 s12, s31;
	[dreg:$0xe] =	wrdreg s9  }
0x17: {  	s4 =	sadd.s32 s17, s6;
	[dreg:$0x10] =	wrdreg s24;
	s31 =	sadd.s32 $0x2A0, s2  }
0x18: {  	s9 =	sshll.u32 s26, $0x4;
	s17 =	sshll.u32 s14, $0x7;
	[dreg:$0x16] =	wrdreg s3  }
0x19: {  	s23 =	sadd.s32 s20, s22;
	s24 =	sadd.s32 s15, s22;
	s3 =	simm.s32 $0x0  }
0x1a: {  	s22 =	simm.s32 $0x1D28;
	[dreg:$0xd] =	wrdreg s4;
	s4 =	sshll.u32 s18, $0x4  }
0x1b: {  	s12 =	sshrl.u32 s31, $0x3;
	s9 =	sadd.s32 s9, s6;
	[dreg:$0x17] =	wrdreg s23  }
0x1c: {  	s18 =	sadd.s32 s17, s5;
	[dreg:$0x18] =	wrdreg s24;
	s1 =	sadd.s32 $0x2600, s1  }
0x1d: {  	s26 =	smax.u32 s10, $0x1;
	s31 =	sadd.s32 $0x540, s2;
	[dreg:$0x13] =	wrdreg s9  }
0x1e: {  	s2 =	simm.s32 $0x70;
	s10 =	simm.s32 $0x1E08;
	[dreg:$0x14] =	wrdreg s18  }
0x1f: {  	s17 =	simm.s32 $0x1EE8;
	s23 =	simm.s32 $0x1D98;
	[dreg:$0x1a] =	wrdreg s1  }
0x20: {  	s24 =	simm.s32 $0x1388;
	s4 =	sadd.s32 s4, s6;
	[dreg:$0x1b] =	wrdreg s26  }
0x21: {  	s16 =	sadd.s32 s12, s15;
	s19 =	sadd.s32 s12, s20;
	[dreg:$0x1c] =	wrdreg s31  }
0x22: {  	s12 =	simm.s32 $0x57C8;
	s15 =	simm.s32 $0x2;
	[dreg:$0xf] =	wrdreg s4  }
0x23: {  	s18 =	simm.s32 $0x1F58;
	s26 =	simm.s32 $0x1AF8;
	[dreg:$0x7] =	wrdreg s16  }
0x24: {  	s9 =	simm.s32 $0x1C48;
	s4 =	sadd.s32 s25, s6;
	[dreg:$0x8] =	wrdreg s19  }
0x25: {  	s25 =	sadd.s32 $0xC400, s8;
	s16 =	simm.s32 $0x3;
	[dreg:$0x11] =	wrdreg s4  }
0x26: {  	s19 =	simm.s32 $0x1B68;
	s4 =	sadd.s32 s13, s5;
	[dreg:$0x19] =	wrdreg s25  }
0x27: {  	s8 =	simm.s32 $0x1BD8;
	[dreg:$0x12] =	wrdreg s4;
	s4 =	sshll.u32 s14, $0x4  }
0x28: {  	s13 =	simm.s32 $0x1;
	s25 =	simm.s32 $0x1A88;
	s4 =	sadd.s32 s4, s6  }
0x29: {  	v0 =	vimm.f32 $0.0e+00;
	v1 =	vimm.f32 $1.000000000e+00;
	s14 =	simm.s32 $0x1388;
	[dreg:$0x15] =	wrdreg s4;
	s4 =	simm.s32 $0x18C8  }
.LBB2_1:
0x2a: {  	s1 =	simm.s32 $0x2008  }
0x2b: {  	[tilespmem:s1+$0xFFFFFFD0] =	vst v0  }
0x2c: {  	[tilespmem:s1+$0xFFFFFFE0] =	vst v0  }
0x2d: {  	[tilespmem:s1+$0xFFFFFFF0] =	vst v0  }
0x2e: {  	[tilespmem:s1+$0x0] =	vst v0  }
0x2f: {  	[tilespmem:s1+$0x10] =	vst v0  }
0x30: {  	[tilespmem:s1+$0x20] =	vst v0  }
0x31: {  	[tilespmem:s1+$0x30] =	vst v0  }
0x32: {  	[dreg:$0x1d] =	wrdreg s3;
	s31 =	simm.s32 $0x0;
	s3 =	simm.s32 $0x40;
	[tilespmem:s1+$0xFFFFFFC0] =	vst v0  }
.LBB2_2:
0x33: {  	p0 =	sne.s32 s3, $0x1BC0;
	[tilespmem:s31+$0x8FC8] =	vst v0;
	s1 =	sadd.s32 $0x80, s1  }
0x34: {  	[tilespmem:s1+$0xFFFFFFD0] =	vst v0  }
0x35: {  	[tilespmem:s1+$0xFFFFFFE0] =	vst v0  }
0x36: {  	[tilespmem:s1+$0xFFFFFFF0] =	vst v0  }
.Ltmp0:
0x37: {  	[tilespmem:s1+$0x0] =	vst v0;
	(pc) =	sbr.rel @p0 .LBB2_2-.Ltmp0, $4  }
0x38: {  	[tilespmem:s1+$0x10] =	vst v0  }
0x39: {  	[tilespmem:s1+$0x20] =	vst v0  }
0x3a: {  	[tilespmem:s1+$0x30] =	vst v0  }
0x3b: {  	s31 =	sshra.s32 s3, $0x2;
	s3 =	sadd.s32 $0x40, s3;
	[tilespmem:s1+$0xFFFFFFC0] =	vst v0  }
0x3c: {  	[tilespmem:s31+$0x8FC8] =	vst v0;
	s1 =	rddreg [dreg:$0xa]  }
0x3d: {  	[spmem:s1] =	stream.linear.scatter [tilespmem:s28], [sflag:$0x4], $0x3800, $0x38;
	[tilespmem:$0x1FA48] =	vst v63  }
0x3e: {  	_ =	swait.ge [sflag:s29], $0x3800  }
0x3f: {  	[sflag:s29] =	ssyncset.done $0x0  }
0x40: {  	s31 =	rddreg [dreg:$0xb];
	[sflag:s29] =	ssyncadd.s32 $0xFFFFC800  }
0x41: {  	[spmem:s31] =	stream.linear.scatter [tilespmem:s30], [sflag:$0x4], $0x700, $0x38;
	[tilespmem:$0x1FA48] =	vst v63  }
0x42: {  	_ =	swait.ge [sflag:s29], $0x700  }
0x43: {  	[sflag:s29] =	ssyncset.done $0x0  }
0x44: {  	s3 =	rddreg [dreg:$0xc];
	[sflag:s29] =	ssyncadd.s32 $0xFFFFF900  }
0x45: {  	[spmem:s3] =	stream.linear.scatter [tilespmem:s28], [sflag:$0x4], $0x3800, $0x38;
	[tilespmem:$0x1FA48] =	vst v63  }
0x46: {  	_ =	swait.ge [sflag:s29], $0x3800  }
0x47: {  	[sflag:s29] =	ssyncset.done $0x0  }
0x48: {  	s31 =	rddreg [dreg:$0xd];
	[sflag:s29] =	ssyncadd.s32 $0xFFFFC800  }
0x49: {  	[spmem:s31] =	stream.linear.scatter [tilespmem:s30], [sflag:$0x4], $0x700, $0x38;
	[tilespmem:$0x1FA48] =	vst v63  }
0x4a: {  	_ =	swait.ge [sflag:s29], $0x700  }
0x4b: {  	[sflag:s29] =	ssyncset.done $0x0  }
0x4c: {  	s3 =	rddreg [dreg:$0xe];
	[sflag:s29] =	ssyncadd.s32 $0xFFFFF900  }
0x4d: {  	[spmem:s3] =	stream.linear.scatter [tilespmem:s28], [sflag:$0x4], $0x3800, $0x38;
	[tilespmem:$0x1FA48] =	vst v63  }
0x4e: {  	_ =	swait.ge [sflag:s29], $0x3800  }
0x4f: {  	[sflag:s29] =	ssyncset.done $0x0  }
0x50: {  	s31 =	rddreg [dreg:$0xf];
	[sflag:s29] =	ssyncadd.s32 $0xFFFFC800  }
0x51: {  	[spmem:s31] =	stream.linear.scatter [tilespmem:s30], [sflag:$0x4], $0x700, $0x38;
	[tilespmem:$0x1FA48] =	vst v63  }
0x52: {  	_ =	swait.ge [sflag:s29], $0x700  }
0x53: {  	[sflag:s29] =	ssyncset.done $0x0  }
0x54: {  	s3 =	rddreg [dreg:$0x10];
	[sflag:s29] =	ssyncadd.s32 $0xFFFFF900  }
0x55: {  	[spmem:s3] =	stream.linear.scatter [tilespmem:s28], [sflag:$0x4], $0x3800, $0x38;
	[tilespmem:$0x1FA48] =	vst v63  }
0x56: {  	_ =	swait.ge [sflag:s29], $0x3800  }
0x57: {  	[sflag:s29] =	ssyncset.done $0x0  }
0x58: {  	s31 =	rddreg [dreg:$0x11];
	[sflag:s29] =	ssyncadd.s32 $0xFFFFC800  }
0x59: {  	[spmem:s31] =	stream.linear.scatter [tilespmem:s30], [sflag:$0x4], $0x700, $0x38;
	[tilespmem:$0x1FA48] =	vst v63  }
0x5a: {  	_ =	swait.ge [sflag:s29], $0x700  }
0x5b: {  	[sflag:s29] =	ssyncset.done $0x0  }
0x5c: {  	s3 =	rddreg [dreg:$0x12];
	[sflag:s29] =	ssyncadd.s32 $0xFFFFF900  }
0x5d: {  	[spmem:s3] =	stream.linear.scatter [tilespmem:s28], [sflag:$0x4], $0x3800, $0x38;
	[tilespmem:$0x1FA48] =	vst v63  }
0x5e: {  	_ =	swait.ge [sflag:s29], $0x3800  }
0x5f: {  	[sflag:s29] =	ssyncset.done $0x0  }
0x60: {  	s31 =	rddreg [dreg:$0x13];
	[sflag:s29] =	ssyncadd.s32 $0xFFFFC800  }
0x61: {  	[spmem:s31] =	stream.linear.scatter [tilespmem:s30], [sflag:$0x4], $0x700, $0x38;
	[tilespmem:$0x1FA48] =	vst v63  }
0x62: {  	_ =	swait.ge [sflag:s29], $0x700  }
0x63: {  	[sflag:s29] =	ssyncset.done $0x0  }
0x64: {  	s3 =	rddreg [dreg:$0x14];
	[sflag:s29] =	ssyncadd.s32 $0xFFFFF900  }
0x65: {  	[spmem:s3] =	stream.linear.scatter [tilespmem:s28], [sflag:$0x4], $0x2400, $0x38;
	[tilespmem:$0x1FA48] =	vst v63  }
0x66: {  	_ =	swait.ge [sflag:s29], $0x2400  }
0x67: {  	[sflag:s29] =	ssyncset.done $0x0  }
0x68: {  	s31 =	rddreg [dreg:$0x15];
	[sflag:s29] =	ssyncadd.s32 $0xFFFFDC00  }
0x69: {  	[spmem:s31] =	stream.linear.scatter [tilespmem:s30], [sflag:$0x4], $0x480, $0x38;
	[tilespmem:$0x1FA48] =	vst v63  }
0x6a: {  	_ =	swait.ge [sflag:s29], $0x480  }
0x6b: {  	[sflag:s29] =	ssyncset.done $0x0  }
0x6c: {  	s1 =	simm.s32 $0x40;
	s3 =	simm.s32 $0x0;
	[sflag:s29] =	ssyncadd.s32 $0xFFFFFB80  }
.LBB2_4:
0x6d: {  	p0 =	sne.s32 s1, $0x1BC0;
	[tilespmem:s3+$0x8FC8] =	vst v1;
	s3 =	smov.u32 s1;
	s1 =	sadd.s32 $0x40, s1  }
.Ltmp1:
0x6e: {  	(pc) =	sbr.rel @p0 .LBB2_4-.Ltmp1, $2  }
0x6f: {  	_ =	sdelay $0x2  }
0x70: {  	s3 =	sshra.s32 s3, $0x2  }
0x71: {  	[tilespmem:s3+$0x8FC8] =	vst v1  }
0x72: {  	[bflag:$0x0] =	sbarrier.arrive $0xFFFF  }
0x73: {  	s1 =	simm.s32 $0x0;
	s31 =	rddreg [dreg:$0x16]  }
0x74: {  	[tilespmem:s1], [sflag:$0x4] =	stream.linear.gather [hbm4b:s31+s1], $0x1388, $0x38;
	[tilespmem:$0x1FA48] =	vst v63  }
0x75: {  	_ =	swait.ge [sflag:s29], $0x1388  }
0x76: {  	[sflag:s29] =	ssyncset.done $0x0  }
0x77: {  	s31 =	rddreg [dreg:$0x17];
	[sflag:s29] =	ssyncadd.s32 $0xFFFFEC78  }
0x78: {  	[tilespmem:s14], [sflag:$0x4] =	stream.linear.gather [hbm4b:s31+s1], $0x2A0, $0x38;
	[tilespmem:$0x1FA48] =	vst v63  }
0x79: {  	_ =	swait.ge [sflag:s29], $0x2A0  }
0x7a: {  	[sflag:s29] =	ssyncset.done $0x0  }
0x7b: {  	s31 =	rddreg [dreg:$0x18];
	[sflag:s29] =	ssyncadd.s32 $0xFFFFFD60  }
0x7c: {  	[tilespmem:s4], [sflag:$0x4] =	stream.linear.gather [hbm4b:s31+s1], $0x2A0, $0x38;
	[tilespmem:$0x1FA48] =	vst v63  }
0x7d: {  	_ =	swait.ge [sflag:s29], $0x2A0  }
0x7e: {  	[sflag:s29] =	ssyncset.done $0x0  }
0x7f: {  	[sflag:s29] =	ssyncadd.s32 $0xFFFFFD60  }
0x80: {  	v2 =	vld [tilespmem:$0x1388];
	_ =	sdelay $0x4  }
0x81: {  	v3 =	vshrl.u32 v2, $0x1;
	_ =	sdelay $0x2  }
0x82: {  	v4 =	vld [tilespmem:$0x1398];
	_ =	sdelay $0x1  }
0x83: {  	v3 =	vld.idx.msk [tilespmem:v3+s1+$0x0], $0xffff;
	_ =	sdelay $0x2  }
0x84: {  	v2 =	vshll.u32 v2, $0x4;
	v5 =	vshrl.u32 v4, $0x1  }
0x85: {  	v2 =	vand.u32 $0x10, v2  }
0x86: {  	v2 =	vshrl.u32 v3, v2  }
0x87: {  	v3 =	vld [tilespmem:$0x13A8];
	v2 =	vand.u32 $0xFFFF, v2  }
0x88: {  	[tilespmem:$0x1E08] =	vst v2  }
0x89: {  	v2 =	vld.idx.msk [tilespmem:v5+s1+$0x0], $0xffff;
	_ =	sdelay $0x2  }
0x8a: {  	v4 =	vshll.u32 v4, $0x4;
	v46 =	vshrl.u32 v3, $0x1  }
0x8b: {  	v4 =	vand.u32 $0x10, v4  }
0x8c: {  	v2 =	vshrl.u32 v2, v4  }
0x8d: {  	v47 =	vld [tilespmem:$0x13B8];
	v2 =	vand.u32 $0xFFFF, v2  }
0x8e: {  	[tilespmem:$0x1E18] =	vst v2  }
0x8f: {  	v2 =	vld.idx.msk [tilespmem:v46+s1+$0x0], $0xffff;
	_ =	sdelay $0x2  }
0x90: {  	v48 =	vshrl.u32 v47, $0x1;
	v3 =	vshll.u32 v3, $0x4  }
0x91: {  	v3 =	vand.u32 $0x10, v3  }
0x92: {  	v2 =	vshrl.u32 v2, v3  }
0x93: {  	v3 =	vld [tilespmem:$0x13C8];
	v2 =	vand.u32 $0xFFFF, v2  }
0x94: {  	[tilespmem:$0x1E28] =	vst v2  }
0x95: {  	v2 =	vld.idx.msk [tilespmem:v48+s1+$0x0], $0xffff;
	_ =	sdelay $0x2  }
0x96: {  	v4 =	vshll.u32 v47, $0x4;
	v49 =	vshrl.u32 v3, $0x1  }
0x97: {  	v4 =	vand.u32 $0x10, v4  }
0x98: {  	v2 =	vshrl.u32 v2, v4  }
0x99: {  	v50 =	vld [tilespmem:$0x13D8];
	v2 =	vand.u32 $0xFFFF, v2  }
0x9a: {  	[tilespmem:$0x1E38] =	vst v2  }
0x9b: {  	v2 =	vld.idx.msk [tilespmem:v49+s1+$0x0], $0xffff;
	_ =	sdelay $0x2  }
0x9c: {  	v51 =	vshrl.u32 v50, $0x1;
	v3 =	vshll.u32 v3, $0x4  }
0x9d: {  	v3 =	vand.u32 $0x10, v3  }
0x9e: {  	v2 =	vshrl.u32 v2, v3  }
0x9f: {  	v3 =	vld [tilespmem:$0x13E8];
	v2 =	vand.u32 $0xFFFF, v2  }
0xa0: {  	[tilespmem:$0x1E48] =	vst v2  }
0xa1: {  	v2 =	vld.idx.msk [tilespmem:v51+s1+$0x0], $0xffff;
	_ =	sdelay $0x2  }
0xa2: {  	v4 =	vshll.u32 v50, $0x4;
	v52 =	vshrl.u32 v3, $0x1  }
0xa3: {  	v4 =	vand.u32 $0x10, v4  }
0xa4: {  	v2 =	vshrl.u32 v2, v4  }
0xa5: {  	v53 =	vld [tilespmem:$0x13F8];
	v2 =	vand.u32 $0xFFFF, v2  }
0xa6: {  	[tilespmem:$0x1E58] =	vst v2  }
0xa7: {  	v2 =	vld.idx.msk [tilespmem:v52+s1+$0x0], $0xffff;
	_ =	sdelay $0x2  }
0xa8: {  	v54 =	vshrl.u32 v53, $0x1;
	v3 =	vshll.u32 v3, $0x4  }
0xa9: {  	v3 =	vand.u32 $0x10, v3  }
0xaa: {  	v2 =	vshrl.u32 v2, v3  }
0xab: {  	v3 =	vld [tilespmem:$0x1408];
	v2 =	vand.u32 $0xFFFF, v2  }
0xac: {  	[tilespmem:$0x1E68] =	vst v2  }
0xad: {  	v2 =	vld.idx.msk [tilespmem:v54+s1+$0x0], $0xffff;
	_ =	sdelay $0x2  }
0xae: {  	v4 =	vshll.u32 v53, $0x4;
	v55 =	vshrl.u32 v3, $0x1  }
0xaf: {  	v4 =	vand.u32 $0x10, v4  }
0xb0: {  	v2 =	vshrl.u32 v2, v4  }
0xb1: {  	v56 =	vld [tilespmem:$0x1418];
	v2 =	vand.u32 $0xFFFF, v2  }
0xb2: {  	[tilespmem:$0x1E78] =	vst v2  }
0xb3: {  	v2 =	vld.idx.msk [tilespmem:v55+s1+$0x0], $0xffff;
	_ =	sdelay $0x2  }
0xb4: {  	v57 =	vshrl.u32 v56, $0x1;
	v3 =	vshll.u32 v3, $0x4  }
0xb5: {  	v3 =	vand.u32 $0x10, v3  }
0xb6: {  	v2 =	vshrl.u32 v2, v3  }
0xb7: {  	v3 =	vld [tilespmem:$0x1428];
	v2 =	vand.u32 $0xFFFF, v2  }
0xb8: {  	[tilespmem:$0x1E88] =	vst v2  }
0xb9: {  	v2 =	vld.idx.msk [tilespmem:v57+s1+$0x0], $0xffff;
	_ =	sdelay $0x2  }
0xba: {  	v4 =	vshll.u32 v56, $0x4;
	v58 =	vshrl.u32 v3, $0x1  }
0xbb: {  	v4 =	vand.u32 $0x10, v4  }
0xbc: {  	v2 =	vshrl.u32 v2, v4  }
0xbd: {  	v59 =	vld [tilespmem:$0x1438];
	v2 =	vand.u32 $0xFFFF, v2  }
0xbe: {  	[tilespmem:$0x1E98] =	vst v2  }
0xbf: {  	v2 =	vld.idx.msk [tilespmem:v58+s1+$0x0], $0xffff;
	_ =	sdelay $0x2  }
0xc0: {  	v60 =	vshrl.u32 v59, $0x1;
	v3 =	vshll.u32 v3, $0x4  }
0xc1: {  	v3 =	vand.u32 $0x10, v3  }
0xc2: {  	v2 =	vshrl.u32 v2, v3  }
0xc3: {  	v3 =	vld [tilespmem:$0x1448];
	v2 =	vand.u32 $0xFFFF, v2  }
0xc4: {  	[tilespmem:$0x1EA8] =	vst v2  }
0xc5: {  	v2 =	vld.idx.msk [tilespmem:v60+s1+$0x0], $0xffff;
	_ =	sdelay $0x2  }
0xc6: {  	v4 =	vshll.u32 v59, $0x4;
	v61 =	vshrl.u32 v3, $0x1  }
0xc7: {  	v4 =	vand.u32 $0x10, v4  }
0xc8: {  	v2 =	vshrl.u32 v2, v4  }
0xc9: {  	v62 =	vld [tilespmem:$0x1458];
	v2 =	vand.u32 $0xFFFF, v2  }
0xca: {  	[tilespmem:$0x1EB8] =	vst v2  }
0xcb: {  	v2 =	vld.idx.msk [tilespmem:v61+s1+$0x0], $0xffff;
	_ =	sdelay $0x2  }
0xcc: {  	v63 =	vshrl.u32 v62, $0x1;
	v3 =	vshll.u32 v3, $0x4  }
0xcd: {  	v3 =	vand.u32 $0x10, v3  }
0xce: {  	v2 =	vshrl.u32 v2, v3  }
0xcf: {  	v2 =	vand.u32 $0xFFFF, v2  }
0xd0: {  	[tilespmem:$0x1EC8] =	vst v2  }
0xd1: {  	v2 =	vld.idx.msk [tilespmem:v63+s1+$0x0], $0xffff;
	_ =	sdelay $0x2  }
0xd2: {  	v3 =	vshll.u32 v62, $0x4  }
0xd3: {  	v3 =	vand.u32 $0x10, v3  }
0xd4: {  	v2 =	vshrl.u32 v2, v3  }
0xd5: {  	v2 =	vand.u32 $0xFFFF, v2  }
0xd6: {  	s3 =	rddreg [dreg:$0x1c];
	[tilespmem:$0x1ED8] =	vst v2  }
.LBB2_6:
0xd7: {  	p0 =	seq.s32 s1, $0x0  }
0xd8: {  	s31 =	simm.s32 @!p0 $0x2  }
0xd9: {  	_ =	swait.ge @!p0 [sflag:s31], $0x3800  }
0xda: {  	[sflag:s31] =	ssyncset.done @!p0 $0x0  }
0xdb: {  	s14 =	simm.s32 @!p0 $0x3;
	[sflag:s31] =	ssyncadd.s32 @!p0 $0xFFFFC800  }
0xdc: {  	_ =	swait.ge @!p0 [sflag:s14], $0x700  }
0xdd: {  	[sflag:s14] =	ssyncset.done @!p0 $0x0  }
0xde: {  	[sflag:s14] =	ssyncadd.s32 @!p0 $0xFFFFF900  }
0xdf: {  	_ =	swait.ge @!p0 [sflag:s31], $0x3800  }
0xe0: {  	[sflag:s31] =	ssyncset.done @!p0 $0x0  }
0xe1: {  	[sflag:s31] =	ssyncadd.s32 @!p0 $0xFFFFC800  }
0xe2: {  	_ =	swait.ge @!p0 [sflag:s14], $0x700  }
0xe3: {  	[sflag:s14] =	ssyncset.done @!p0 $0x0  }
0xe4: {  	[sflag:s14] =	ssyncadd.s32 @!p0 $0xFFFFF900  }
0xe5: {  	[tilespmem:s28], [sflag:$0x1] =	stream.indirect.gather [hbm4b:s0+s2], $0x80, s10, s2, $0xb8;
	[tilespmem:$0x1FA48] =	vst v63  }
0xe6: {  	_ = 	snop  }
0xe7: {  	[tilespmem:s12], [sflag:$0x1] =	stream.indirect.gather [hbm4b:s0+s2], $0x80, s11, s2, $0xb8;
	[tilespmem:$0x1FA48] =	vst v63  }
0xe8: {  	v2 =	vld [tilespmem:$0x1468];
	_ =	sdelay $0x4  }
0xe9: {  	v3 =	vshrl.u32 v2, $0x1;
	_ =	sdelay $0x2  }
0xea: {  	v4 =	vld [tilespmem:$0x1478];
	_ =	sdelay $0x1  }
0xeb: {  	v3 =	vld.idx.msk [tilespmem:v3+s7+$0x0], $0xffff;
	_ =	sdelay $0x2  }
0xec: {  	v2 =	vshll.u32 v2, $0x4;
	v5 =	vshrl.u32 v4, $0x1  }
0xed: {  	v2 =	vand.u32 $0x10, v2  }
0xee: {  	v2 =	vshrl.u32 v3, v2  }
0xef: {  	v3 =	vld [tilespmem:$0x1488];
	v2 =	vand.u32 $0xFFFF, v2  }
0xf0: {  	[tilespmem:$0x1EE8] =	vst v2  }
0xf1: {  	v2 =	vld.idx.msk [tilespmem:v5+s7+$0x0], $0xffff;
	_ =	sdelay $0x2  }
0xf2: {  	v4 =	vshll.u32 v4, $0x4;
	v58 =	vshrl.u32 v3, $0x1  }
0xf3: {  	v4 =	vand.u32 $0x10, v4  }
0xf4: {  	v2 =	vshrl.u32 v2, v4  }
0xf5: {  	v59 =	vld [tilespmem:$0x1498];
	v2 =	vand.u32 $0xFFFF, v2  }
0xf6: {  	[tilespmem:$0x1EF8] =	vst v2  }
0xf7: {  	v2 =	vld.idx.msk [tilespmem:v58+s7+$0x0], $0xffff;
	_ =	sdelay $0x2  }
0xf8: {  	v60 =	vshrl.u32 v59, $0x1;
	v3 =	vshll.u32 v3, $0x4  }
0xf9: {  	v3 =	vand.u32 $0x10, v3  }
0xfa: {  	v2 =	vshrl.u32 v2, v3  }
0xfb: {  	v3 =	vld [tilespmem:$0x14A8];
	v2 =	vand.u32 $0xFFFF, v2  }
0xfc: {  	[tilespmem:$0x1F08] =	vst v2  }
0xfd: {  	v2 =	vld.idx.msk [tilespmem:v60+s7+$0x0], $0xffff;
	_ =	sdelay $0x2  }
0xfe: {  	v4 =	vshll.u32 v59, $0x4;
	v61 =	vshrl.u32 v3, $0x1  }
0xff: {  	v4 =	vand.u32 $0x10, v4  }
0x100: {  	v2 =	vshrl.u32 v2, v4  }
0x101: {  	v62 =	vld [tilespmem:$0x14B8];
	v2 =	vand.u32 $0xFFFF, v2  }
0x102: {  	[tilespmem:$0x1F18] =	vst v2  }
0x103: {  	v2 =	vld.idx.msk [tilespmem:v61+s7+$0x0], $0xffff;
	_ =	sdelay $0x2  }
0x104: {  	v63 =	vshrl.u32 v62, $0x1;
	v3 =	vshll.u32 v3, $0x4  }
0x105: {  	v3 =	vand.u32 $0x10, v3  }
0x106: {  	v2 =	vshrl.u32 v2, v3  }
0x107: {  	v3 =	vld [tilespmem:$0x14C8];
	v2 =	vand.u32 $0xFFFF, v2  }
0x108: {  	[tilespmem:$0x1F28] =	vst v2  }
0x109: {  	v2 =	vld.idx.msk [tilespmem:v63+s7+$0x0], $0xffff;
	_ =	sdelay $0x2  }
0x10a: {  	v4 =	vshll.u32 v62, $0x4;
	v8 =	vshrl.u32 v3, $0x1  }
0x10b: {  	v4 =	vand.u32 $0x10, v4  }
0x10c: {  	v2 =	vshrl.u32 v2, v4  }
0x10d: {  	v9 =	vld [tilespmem:$0x14D8];
	v2 =	vand.u32 $0xFFFF, v2  }
0x10e: {  	[tilespmem:$0x1F38] =	vst v2  }
0x10f: {  	v2 =	vld.idx.msk [tilespmem:v8+s7+$0x0], $0xffff;
	_ =	sdelay $0x2  }
0x110: {  	v10 =	vshrl.u32 v9, $0x1;
	v3 =	vshll.u32 v3, $0x4  }
0x111: {  	v3 =	vand.u32 $0x10, v3  }
0x112: {  	v2 =	vshrl.u32 v2, v3  }
0x113: {  	v3 =	vld [tilespmem:$0x14E8];
	v2 =	vand.u32 $0xFFFF, v2  }
0x114: {  	[tilespmem:$0x1F48] =	vst v2  }
0x115: {  	v2 =	vld.idx.msk [tilespmem:v10+s7+$0x0], $0xffff;
	_ =	sdelay $0x2  }
0x116: {  	v4 =	vshll.u32 v9, $0x4;
	v11 =	vshrl.u32 v3, $0x1  }
0x117: {  	v4 =	vand.u32 $0x10, v4  }
0x118: {  	v2 =	vshrl.u32 v2, v4  }
0x119: {  	v12 =	vld [tilespmem:$0x14F8];
	v2 =	vand.u32 $0xFFFF, v2  }
0x11a: {  	[tilespmem:$0x1F58] =	vst v2  }
0x11b: {  	v2 =	vld.idx.msk [tilespmem:v11+s7+$0x0], $0xffff;
	_ =	sdelay $0x2  }
0x11c: {  	v13 =	vshrl.u32 v12, $0x1;
	v3 =	vshll.u32 v3, $0x4  }
0x11d: {  	v3 =	vand.u32 $0x10, v3  }
0x11e: {  	v2 =	vshrl.u32 v2, v3  }
0x11f: {  	v3 =	vld [tilespmem:$0x1508];
	v2 =	vand.u32 $0xFFFF, v2  }
0x120: {  	[tilespmem:$0x1F68] =	vst v2  }
0x121: {  	v2 =	vld.idx.msk [tilespmem:v13+s7+$0x0], $0xffff;
	_ =	sdelay $0x2  }
0x122: {  	v4 =	vshll.u32 v12, $0x4;
	v14 =	vshrl.u32 v3, $0x1  }
0x123: {  	v4 =	vand.u32 $0x10, v4  }
0x124: {  	v2 =	vshrl.u32 v2, v4  }
0x125: {  	v15 =	vld [tilespmem:$0x1518];
	v2 =	vand.u32 $0xFFFF, v2  }
0x126: {  	[tilespmem:$0x1F78] =	vst v2  }
0x127: {  	v2 =	vld.idx.msk [tilespmem:v14+s7+$0x0], $0xffff;
	_ =	sdelay $0x2  }
0x128: {  	v16 =	vshrl.u32 v15, $0x1;
	v3 =	vshll.u32 v3, $0x4  }
0x129: {  	v3 =	vand.u32 $0x10, v3  }
0x12a: {  	v2 =	vshrl.u32 v2, v3  }
0x12b: {  	v3 =	vld [tilespmem:$0x1528];
	v2 =	vand.u32 $0xFFFF, v2  }
0x12c: {  	[tilespmem:$0x1F88] =	vst v2  }
0x12d: {  	v2 =	vld.idx.msk [tilespmem:v16+s7+$0x0], $0xffff;
	_ =	sdelay $0x2  }
0x12e: {  	v4 =	vshll.u32 v15, $0x4;
	v17 =	vshrl.u32 v3, $0x1  }
0x12f: {  	v4 =	vand.u32 $0x10, v4  }
0x130: {  	v2 =	vshrl.u32 v2, v4  }
0x131: {  	v18 =	vld [tilespmem:$0x1538];
	v2 =	vand.u32 $0xFFFF, v2  }
0x132: {  	[tilespmem:$0x1F98] =	vst v2  }
0x133: {  	v2 =	vld.idx.msk [tilespmem:v17+s7+$0x0], $0xffff;
	_ =	sdelay $0x2  }
0x134: {  	v19 =	vshrl.u32 v18, $0x1;
	v3 =	vshll.u32 v3, $0x4  }
0x135: {  	v3 =	vand.u32 $0x10, v3  }
0x136: {  	v2 =	vshrl.u32 v2, v3  }
0x137: {  	v2 =	vand.u32 $0xFFFF, v2  }
0x138: {  	[tilespmem:$0x1FA8] =	vst v2  }
0x139: {  	v2 =	vld.idx.msk [tilespmem:v19+s7+$0x0], $0xffff;
	_ =	sdelay $0x2  }
0x13a: {  	v3 =	vshll.u32 v18, $0x4  }
0x13b: {  	v3 =	vand.u32 $0x10, v3  }
0x13c: {  	v2 =	vshrl.u32 v2, v3  }
0x13d: {  	v2 =	vand.u32 $0xFFFF, v2  }
0x13e: {  	[tilespmem:$0x1FB8] =	vst v2  }
0x13f: {  	_ =	swait.ge [sflag:s13], $0x3800  }
0x140: {  	[sflag:s13] =	ssyncset.done $0x0  }
0x141: {  	[sflag:s13] =	ssyncadd.s32 $0xFFFFC800  }
0x142: {  	_ =	swait.ge [sflag:s13], $0x3800  }
0x143: {  	[sflag:s13] =	ssyncset.done $0x0  }
0x144: {  	[sflag:s13] =	ssyncadd.s32 $0xFFFFC800  }
0x145: {  	[spmem:s5] =	stream.indirect.scatter.add.f32 [tilespmem:s28], [sflag:$0x2], $0x80, s4, s2, $0xb8;
	[tilespmem:$0x1FA48] =	vst v63  }
0x146: {  	_ = 	snop  }
0x147: {  	[spmem:s6] =	stream.indirect.scatter.add.f32 [tilespmem:s30], [sflag:$0x3], $0x10, s4, s2, $0xb8;
	[tilespmem:$0x1FA48] =	vst v63  }
0x148: {  	s31 =	simm.s32 $0x1938  }
0x149: {  	[spmem:s5] =	stream.indirect.scatter.add.f32 [tilespmem:s12], [sflag:$0x2], $0x80, s31, s2, $0xb8;
	[tilespmem:$0x1FA48] =	vst v63  }
0x14a: {  	_ = 	snop  }
0x14b: {  	[spmem:s6] =	stream.indirect.scatter.add.f32 [tilespmem:s30], [sflag:$0x3], $0x10, s31, s2, $0xb8;
	[tilespmem:$0x1FA48] =	vst v63  }
0x14c: {  	_ =	swait.ge [sflag:s15], $0x3800  }
0x14d: {  	[sflag:s15] =	ssyncset.done $0x0  }
0x14e: {  	[sflag:s15] =	ssyncadd.s32 $0xFFFFC800  }
0x14f: {  	_ =	swait.ge [sflag:s16], $0x700  }
0x150: {  	[sflag:s16] =	ssyncset.done $0x0  }
0x151: {  	[sflag:s16] =	ssyncadd.s32 $0xFFFFF900  }
0x152: {  	_ =	swait.ge [sflag:s15], $0x3800  }
0x153: {  	[sflag:s15] =	ssyncset.done $0x0  }
0x154: {  	[sflag:s15] =	ssyncadd.s32 $0xFFFFC800  }
0x155: {  	_ =	swait.ge [sflag:s16], $0x700  }
0x156: {  	[sflag:s16] =	ssyncset.done $0x0  }
0x157: {  	[sflag:s16] =	ssyncadd.s32 $0xFFFFF900  }
0x158: {  	[tilespmem:s28], [sflag:$0x1] =	stream.indirect.gather [hbm4b:s0+s2], $0x80, s17, s2, $0xb8;
	[tilespmem:$0x1FA48] =	vst v63  }
0x159: {  	_ = 	snop  }
0x15a: {  	[tilespmem:s12], [sflag:$0x1] =	stream.indirect.gather [hbm4b:s0+s2], $0x80, s18, s2, $0xb8;
	[tilespmem:$0x1FA48] =	vst v63  }
0x15b: {  	v2 =	vld [tilespmem:$0x1548];
	_ =	sdelay $0x4  }
0x15c: {  	v3 =	vshrl.u32 v2, $0x1;
	_ =	sdelay $0x2  }
0x15d: {  	v20 =	vld [tilespmem:$0x1558];
	_ =	sdelay $0x1  }
0x15e: {  	v3 =	vld.idx.msk [tilespmem:v3+s7+$0x0], $0xffff;
	_ =	sdelay $0x2  }
0x15f: {  	v2 =	vshll.u32 v2, $0x4;
	v21 =	vshrl.u32 v20, $0x1  }
0x160: {  	v2 =	vand.u32 $0x10, v2  }
0x161: {  	v2 =	vshrl.u32 v3, v2  }
0x162: {  	v3 =	vld [tilespmem:$0x1568];
	v2 =	vand.u32 $0xFFFF, v2  }
0x163: {  	[tilespmem:$0x1E08] =	vst v2  }
0x164: {  	v2 =	vld.idx.msk [tilespmem:v21+s7+$0x0], $0xffff;
	_ =	sdelay $0x2  }
0x165: {  	v4 =	vshll.u32 v20, $0x4;
	v22 =	vshrl.u32 v3, $0x1  }
0x166: {  	v4 =	vand.u32 $0x10, v4  }
0x167: {  	v2 =	vshrl.u32 v2, v4  }
0x168: {  	v23 =	vld [tilespmem:$0x1578];
	v2 =	vand.u32 $0xFFFF, v2  }
0x169: {  	[tilespmem:$0x1E18] =	vst v2  }
0x16a: {  	v2 =	vld.idx.msk [tilespmem:v22+s7+$0x0], $0xffff;
	_ =	sdelay $0x2  }
0x16b: {  	v24 =	vshrl.u32 v23, $0x1;
	v3 =	vshll.u32 v3, $0x4  }
0x16c: {  	v3 =	vand.u32 $0x10, v3  }
0x16d: {  	v2 =	vshrl.u32 v2, v3  }
0x16e: {  	v3 =	vld [tilespmem:$0x1588];
	v2 =	vand.u32 $0xFFFF, v2  }
0x16f: {  	[tilespmem:$0x1E28] =	vst v2  }
0x170: {  	v2 =	vld.idx.msk [tilespmem:v24+s7+$0x0], $0xffff;
	_ =	sdelay $0x2  }
0x171: {  	v4 =	vshll.u32 v23, $0x4;
	v25 =	vshrl.u32 v3, $0x1  }
0x172: {  	v4 =	vand.u32 $0x10, v4  }
0x173: {  	v2 =	vshrl.u32 v2, v4  }
0x174: {  	v26 =	vld [tilespmem:$0x1598];
	v2 =	vand.u32 $0xFFFF, v2  }
0x175: {  	[tilespmem:$0x1E38] =	vst v2  }
0x176: {  	v2 =	vld.idx.msk [tilespmem:v25+s7+$0x0], $0xffff;
	_ =	sdelay $0x2  }
0x177: {  	v27 =	vshrl.u32 v26, $0x1;
	v3 =	vshll.u32 v3, $0x4  }
0x178: {  	v3 =	vand.u32 $0x10, v3  }
0x179: {  	v2 =	vshrl.u32 v2, v3  }
0x17a: {  	v3 =	vld [tilespmem:$0x15A8];
	v2 =	vand.u32 $0xFFFF, v2  }
0x17b: {  	[tilespmem:$0x1E48] =	vst v2  }
0x17c: {  	v2 =	vld.idx.msk [tilespmem:v27+s7+$0x0], $0xffff;
	_ =	sdelay $0x2  }
0x17d: {  	v4 =	vshll.u32 v26, $0x4;
	v28 =	vshrl.u32 v3, $0x1  }
0x17e: {  	v4 =	vand.u32 $0x10, v4  }
0x17f: {  	v2 =	vshrl.u32 v2, v4  }
0x180: {  	v29 =	vld [tilespmem:$0x15B8];
	v2 =	vand.u32 $0xFFFF, v2  }
0x181: {  	[tilespmem:$0x1E58] =	vst v2  }
0x182: {  	v2 =	vld.idx.msk [tilespmem:v28+s7+$0x0], $0xffff;
	_ =	sdelay $0x2  }
0x183: {  	v30 =	vshrl.u32 v29, $0x1;
	v3 =	vshll.u32 v3, $0x4  }
0x184: {  	v3 =	vand.u32 $0x10, v3  }
0x185: {  	v2 =	vshrl.u32 v2, v3  }
0x186: {  	v3 =	vld [tilespmem:$0x15C8];
	v2 =	vand.u32 $0xFFFF, v2  }
0x187: {  	[tilespmem:$0x1E68] =	vst v2  }
0x188: {  	v2 =	vld.idx.msk [tilespmem:v30+s7+$0x0], $0xffff;
	_ =	sdelay $0x2  }
0x189: {  	v4 =	vshll.u32 v29, $0x4;
	v31 =	vshrl.u32 v3, $0x1  }
0x18a: {  	v4 =	vand.u32 $0x10, v4  }
0x18b: {  	v2 =	vshrl.u32 v2, v4  }
0x18c: {  	v32 =	vld [tilespmem:$0x15D8];
	v2 =	vand.u32 $0xFFFF, v2  }
0x18d: {  	[tilespmem:$0x1E78] =	vst v2  }
0x18e: {  	v2 =	vld.idx.msk [tilespmem:v31+s7+$0x0], $0xffff;
	_ =	sdelay $0x2  }
0x18f: {  	v33 =	vshrl.u32 v32, $0x1;
	v3 =	vshll.u32 v3, $0x4  }
0x190: {  	v3 =	vand.u32 $0x10, v3  }
0x191: {  	v2 =	vshrl.u32 v2, v3  }
0x192: {  	v3 =	vld [tilespmem:$0x15E8];
	v2 =	vand.u32 $0xFFFF, v2  }
0x193: {  	[tilespmem:$0x1E88] =	vst v2  }
0x194: {  	v2 =	vld.idx.msk [tilespmem:v33+s7+$0x0], $0xffff;
	_ =	sdelay $0x2  }
0x195: {  	v4 =	vshll.u32 v32, $0x4;
	v34 =	vshrl.u32 v3, $0x1  }
0x196: {  	v4 =	vand.u32 $0x10, v4  }
0x197: {  	v2 =	vshrl.u32 v2, v4  }
0x198: {  	v35 =	vld [tilespmem:$0x15F8];
	v2 =	vand.u32 $0xFFFF, v2  }
0x199: {  	[tilespmem:$0x1E98] =	vst v2  }
0x19a: {  	v2 =	vld.idx.msk [tilespmem:v34+s7+$0x0], $0xffff;
	_ =	sdelay $0x2  }
0x19b: {  	v36 =	vshrl.u32 v35, $0x1;
	v3 =	vshll.u32 v3, $0x4  }
0x19c: {  	v3 =	vand.u32 $0x10, v3  }
0x19d: {  	v2 =	vshrl.u32 v2, v3  }
0x19e: {  	v3 =	vld [tilespmem:$0x1608];
	v2 =	vand.u32 $0xFFFF, v2  }
0x19f: {  	[tilespmem:$0x1EA8] =	vst v2  }
0x1a0: {  	v2 =	vld.idx.msk [tilespmem:v36+s7+$0x0], $0xffff;
	_ =	sdelay $0x2  }
0x1a1: {  	v4 =	vshll.u32 v35, $0x4;
	v37 =	vshrl.u32 v3, $0x1  }
0x1a2: {  	v4 =	vand.u32 $0x10, v4  }
0x1a3: {  	v2 =	vshrl.u32 v2, v4  }
0x1a4: {  	v38 =	vld [tilespmem:$0x1618];
	v2 =	vand.u32 $0xFFFF, v2  }
0x1a5: {  	[tilespmem:$0x1EB8] =	vst v2  }
0x1a6: {  	v2 =	vld.idx.msk [tilespmem:v37+s7+$0x0], $0xffff;
	_ =	sdelay $0x2  }
0x1a7: {  	v39 =	vshrl.u32 v38, $0x1;
	v3 =	vshll.u32 v3, $0x4  }
0x1a8: {  	v3 =	vand.u32 $0x10, v3  }
0x1a9: {  	v2 =	vshrl.u32 v2, v3  }
0x1aa: {  	v2 =	vand.u32 $0xFFFF, v2  }
0x1ab: {  	[tilespmem:$0x1EC8] =	vst v2  }
0x1ac: {  	v2 =	vld.idx.msk [tilespmem:v39+s7+$0x0], $0xffff;
	_ =	sdelay $0x2  }
0x1ad: {  	v3 =	vshll.u32 v38, $0x4  }
0x1ae: {  	v3 =	vand.u32 $0x10, v3  }
0x1af: {  	v2 =	vshrl.u32 v2, v3  }
0x1b0: {  	s14 =	rddreg [dreg:$0x8];
	v2 =	vand.u32 $0xFFFF, v2  }
0x1b1: {  	s31 =	rddreg [dreg:$0x9];
	s14 =	sadd.s32 s1, s14;
	[tilespmem:$0x1ED8] =	vst v2  }
0x1b2: {  	[tilespmem:s31], [sflag:$0x4] =	stream.linear.gather [hbm4b:s14+s7], $0x2A0, $0x38;
	[tilespmem:$0x1FA48] =	vst v63  }
0x1b3: {  	_ =	swait.ge [sflag:s29], $0x2A0  }
0x1b4: {  	s31 =	rddreg [dreg:$0x7];
	[sflag:s29] =	ssyncset.done $0x0  }
0x1b5: {  	[sflag:s29] =	ssyncadd.s32 $0xFFFFFD60;
	s14 =	sadd.s32 s1, s31  }
0x1b6: {  	[tilespmem:s19], [sflag:$0x4] =	stream.linear.gather [hbm4b:s14+s7], $0x2A0, $0x38;
	[tilespmem:$0x1FA48] =	vst v63  }
0x1b7: {  	_ =	swait.ge [sflag:s29], $0x2A0  }
0x1b8: {  	[sflag:s29] =	ssyncset.done $0x0  }
0x1b9: {  	[sflag:s29] =	ssyncadd.s32 $0xFFFFFD60  }
0x1ba: {  	_ =	swait.ge [sflag:s13], $0x3800  }
0x1bb: {  	[sflag:s13] =	ssyncset.done $0x0  }
0x1bc: {  	[sflag:s13] =	ssyncadd.s32 $0xFFFFC800  }
0x1bd: {  	_ =	swait.ge [sflag:s13], $0x3800  }
0x1be: {  	[sflag:s13] =	ssyncset.done $0x0  }
0x1bf: {  	s31 =	simm.s32 $0x19A8;
	[sflag:s13] =	ssyncadd.s32 $0xFFFFC800  }
0x1c0: {  	[spmem:s5] =	stream.indirect.scatter.add.f32 [tilespmem:s28], [sflag:$0x2], $0x80, s31, s2, $0xb8;
	[tilespmem:$0x1FA48] =	vst v63  }
0x1c1: {  	_ = 	snop  }
0x1c2: {  	[spmem:s6] =	stream.indirect.scatter.add.f32 [tilespmem:s30], [sflag:$0x3], $0x10, s31, s2, $0xb8;
	[tilespmem:$0x1FA48] =	vst v63  }
0x1c3: {  	s31 =	simm.s32 $0x1A18  }
0x1c4: {  	[spmem:s5] =	stream.indirect.scatter.add.f32 [tilespmem:s12], [sflag:$0x2], $0x80, s31, s2, $0xb8;
	[tilespmem:$0x1FA48] =	vst v63  }
0x1c5: {  	_ = 	snop  }
0x1c6: {  	[spmem:s6] =	stream.indirect.scatter.add.f32 [tilespmem:s30], [sflag:$0x3], $0x10, s31, s2, $0xb8;
	[tilespmem:$0x1FA48] =	vst v63  }
0x1c7: {  	_ =	swait.ge [sflag:s15], $0x3800  }
0x1c8: {  	[sflag:s15] =	ssyncset.done $0x0  }
0x1c9: {  	[sflag:s15] =	ssyncadd.s32 $0xFFFFC800  }
0x1ca: {  	_ =	swait.ge [sflag:s16], $0x700  }
0x1cb: {  	[sflag:s16] =	ssyncset.done $0x0  }
0x1cc: {  	[sflag:s16] =	ssyncadd.s32 $0xFFFFF900  }
0x1cd: {  	_ =	swait.ge [sflag:s15], $0x3800  }
0x1ce: {  	[sflag:s15] =	ssyncset.done $0x0  }
0x1cf: {  	[sflag:s15] =	ssyncadd.s32 $0xFFFFC800  }
0x1d0: {  	_ =	swait.ge [sflag:s16], $0x700  }
0x1d1: {  	[sflag:s16] =	ssyncset.done $0x0  }
0x1d2: {  	[sflag:s16] =	ssyncadd.s32 $0xFFFFF900  }
0x1d3: {  	[tilespmem:s28], [sflag:$0x1] =	stream.indirect.gather [hbm4b:s0+s2], $0x80, s10, s2, $0xb8;
	[tilespmem:$0x1FA48] =	vst v63  }
0x1d4: {  	_ = 	snop  }
0x1d5: {  	[tilespmem:s12], [sflag:$0x1] =	stream.indirect.gather [hbm4b:s0+s2], $0x80, s11, s2, $0xb8;
	[tilespmem:$0x1FA48] =	vst v63  }
0x1d6: {  	v2 =	vld [tilespmem:$0x1628];
	_ =	sdelay $0x4  }
0x1d7: {  	v3 =	vshrl.u32 v2, $0x1;
	_ =	sdelay $0x2  }
0x1d8: {  	v40 =	vld [tilespmem:$0x1638];
	_ =	sdelay $0x1  }
0x1d9: {  	v3 =	vld.idx.msk [tilespmem:v3+s7+$0x0], $0xffff;
	_ =	sdelay $0x2  }
0x1da: {  	v2 =	vshll.u32 v2, $0x4;
	v41 =	vshrl.u32 v40, $0x1  }
0x1db: {  	v2 =	vand.u32 $0x10, v2  }
0x1dc: {  	v2 =	vshrl.u32 v3, v2  }
0x1dd: {  	v3 =	vld [tilespmem:$0x1648];
	v2 =	vand.u32 $0xFFFF, v2  }
0x1de: {  	[tilespmem:$0x1EE8] =	vst v2  }
0x1df: {  	v2 =	vld.idx.msk [tilespmem:v41+s7+$0x0], $0xffff;
	_ =	sdelay $0x2  }
0x1e0: {  	v4 =	vshll.u32 v40, $0x4;
	v42 =	vshrl.u32 v3, $0x1  }
0x1e1: {  	v4 =	vand.u32 $0x10, v4  }
0x1e2: {  	v2 =	vshrl.u32 v2, v4  }
0x1e3: {  	v43 =	vld [tilespmem:$0x1658];
	v2 =	vand.u32 $0xFFFF, v2  }
0x1e4: {  	[tilespmem:$0x1EF8] =	vst v2  }
0x1e5: {  	v2 =	vld.idx.msk [tilespmem:v42+s7+$0x0], $0xffff;
	_ =	sdelay $0x2  }
0x1e6: {  	v44 =	vshrl.u32 v43, $0x1;
	v3 =	vshll.u32 v3, $0x4  }
0x1e7: {  	v3 =	vand.u32 $0x10, v3  }
0x1e8: {  	v2 =	vshrl.u32 v2, v3  }
0x1e9: {  	v3 =	vld [tilespmem:$0x1668];
	v2 =	vand.u32 $0xFFFF, v2  }
0x1ea: {  	[tilespmem:$0x1F08] =	vst v2  }
0x1eb: {  	v2 =	vld.idx.msk [tilespmem:v44+s7+$0x0], $0xffff;
	_ =	sdelay $0x2  }
0x1ec: {  	v4 =	vshll.u32 v43, $0x4;
	v45 =	vshrl.u32 v3, $0x1  }
0x1ed: {  	v4 =	vand.u32 $0x10, v4  }
0x1ee: {  	v2 =	vshrl.u32 v2, v4  }
0x1ef: {  	v46 =	vld [tilespmem:$0x1678];
	v2 =	vand.u32 $0xFFFF, v2  }
0x1f0: {  	[tilespmem:$0x1F18] =	vst v2  }
0x1f1: {  	v2 =	vld.idx.msk [tilespmem:v45+s7+$0x0], $0xffff;
	_ =	sdelay $0x2  }
0x1f2: {  	v47 =	vshrl.u32 v46, $0x1;
	v3 =	vshll.u32 v3, $0x4  }
0x1f3: {  	v3 =	vand.u32 $0x10, v3  }
0x1f4: {  	v2 =	vshrl.u32 v2, v3  }
0x1f5: {  	v3 =	vld [tilespmem:$0x1688];
	v2 =	vand.u32 $0xFFFF, v2  }
0x1f6: {  	[tilespmem:$0x1F28] =	vst v2  }
0x1f7: {  	v2 =	vld.idx.msk [tilespmem:v47+s7+$0x0], $0xffff;
	_ =	sdelay $0x2  }
0x1f8: {  	v4 =	vshll.u32 v46, $0x4;
	v48 =	vshrl.u32 v3, $0x1  }
0x1f9: {  	v4 =	vand.u32 $0x10, v4  }
0x1fa: {  	v2 =	vshrl.u32 v2, v4  }
0x1fb: {  	v49 =	vld [tilespmem:$0x1698];
	v2 =	vand.u32 $0xFFFF, v2  }
0x1fc: {  	[tilespmem:$0x1F38] =	vst v2  }
0x1fd: {  	v2 =	vld.idx.msk [tilespmem:v48+s7+$0x0], $0xffff;
	_ =	sdelay $0x2  }
0x1fe: {  	v50 =	vshrl.u32 v49, $0x1;
	v3 =	vshll.u32 v3, $0x4  }
0x1ff: {  	v3 =	vand.u32 $0x10, v3  }
0x200: {  	v2 =	vshrl.u32 v2, v3  }
0x201: {  	v3 =	vld [tilespmem:$0x16A8];
	v2 =	vand.u32 $0xFFFF, v2  }
0x202: {  	[tilespmem:$0x1F48] =	vst v2  }
0x203: {  	v2 =	vld.idx.msk [tilespmem:v50+s7+$0x0], $0xffff;
	_ =	sdelay $0x2  }
0x204: {  	v4 =	vshll.u32 v49, $0x4;
	v51 =	vshrl.u32 v3, $0x1  }
0x205: {  	v4 =	vand.u32 $0x10, v4  }
0x206: {  	v2 =	vshrl.u32 v2, v4  }
0x207: {  	v52 =	vld [tilespmem:$0x16B8];
	v2 =	vand.u32 $0xFFFF, v2  }
0x208: {  	[tilespmem:$0x1F58] =	vst v2  }
0x209: {  	v2 =	vld.idx.msk [tilespmem:v51+s7+$0x0], $0xffff;
	_ =	sdelay $0x2  }
0x20a: {  	v53 =	vshrl.u32 v52, $0x1;
	v3 =	vshll.u32 v3, $0x4  }
0x20b: {  	v3 =	vand.u32 $0x10, v3  }
0x20c: {  	v2 =	vshrl.u32 v2, v3  }
0x20d: {  	v3 =	vld [tilespmem:$0x16C8];
	v2 =	vand.u32 $0xFFFF, v2  }
0x20e: {  	[tilespmem:$0x1F68] =	vst v2  }
0x20f: {  	v2 =	vld.idx.msk [tilespmem:v53+s7+$0x0], $0xffff;
	_ =	sdelay $0x2  }
0x210: {  	v4 =	vshll.u32 v52, $0x4;
	v54 =	vshrl.u32 v3, $0x1  }
0x211: {  	v4 =	vand.u32 $0x10, v4  }
0x212: {  	v2 =	vshrl.u32 v2, v4  }
0x213: {  	v55 =	vld [tilespmem:$0x16D8];
	v2 =	vand.u32 $0xFFFF, v2  }
0x214: {  	[tilespmem:$0x1F78] =	vst v2  }
0x215: {  	v2 =	vld.idx.msk [tilespmem:v54+s7+$0x0], $0xffff;
	_ =	sdelay $0x2  }
0x216: {  	v56 =	vshrl.u32 v55, $0x1;
	v3 =	vshll.u32 v3, $0x4  }
0x217: {  	v3 =	vand.u32 $0x10, v3  }
0x218: {  	v2 =	vshrl.u32 v2, v3  }
0x219: {  	v3 =	vld [tilespmem:$0x16E8];
	v2 =	vand.u32 $0xFFFF, v2  }
0x21a: {  	[tilespmem:$0x1F88] =	vst v2  }
0x21b: {  	v2 =	vld.idx.msk [tilespmem:v56+s7+$0x0], $0xffff;
	_ =	sdelay $0x2  }
0x21c: {  	v4 =	vshll.u32 v55, $0x4;
	v57 =	vshrl.u32 v3, $0x1  }
0x21d: {  	v4 =	vand.u32 $0x10, v4  }
0x21e: {  	v2 =	vshrl.u32 v2, v4  }
0x21f: {  	v58 =	vld [tilespmem:$0x16F8];
	v2 =	vand.u32 $0xFFFF, v2  }
0x220: {  	[tilespmem:$0x1F98] =	vst v2  }
0x221: {  	v2 =	vld.idx.msk [tilespmem:v57+s7+$0x0], $0xffff;
	_ =	sdelay $0x2  }
0x222: {  	v59 =	vshrl.u32 v58, $0x1;
	v3 =	vshll.u32 v3, $0x4  }
0x223: {  	v3 =	vand.u32 $0x10, v3  }
0x224: {  	v2 =	vshrl.u32 v2, v3  }
0x225: {  	v2 =	vand.u32 $0xFFFF, v2  }
0x226: {  	[tilespmem:$0x1FA8] =	vst v2  }
0x227: {  	v2 =	vld.idx.msk [tilespmem:v59+s7+$0x0], $0xffff;
	_ =	sdelay $0x2  }
0x228: {  	v3 =	vshll.u32 v58, $0x4  }
0x229: {  	v3 =	vand.u32 $0x10, v3  }
0x22a: {  	v2 =	vshrl.u32 v2, v3  }
0x22b: {  	v2 =	vand.u32 $0xFFFF, v2  }
0x22c: {  	[tilespmem:$0x1FB8] =	vst v2  }
0x22d: {  	_ =	swait.ge [sflag:s13], $0x3800  }
0x22e: {  	[sflag:s13] =	ssyncset.done $0x0  }
0x22f: {  	[sflag:s13] =	ssyncadd.s32 $0xFFFFC800  }
0x230: {  	_ =	swait.ge [sflag:s13], $0x3800  }
0x231: {  	[sflag:s13] =	ssyncset.done $0x0  }
0x232: {  	[sflag:s13] =	ssyncadd.s32 $0xFFFFC800  }
0x233: {  	[spmem:s5] =	stream.indirect.scatter.add.f32 [tilespmem:s28], [sflag:$0x2], $0x80, s25, s2, $0xb8;
	[tilespmem:$0x1FA48] =	vst v63  }
0x234: {  	_ = 	snop  }
0x235: {  	[spmem:s6] =	stream.indirect.scatter.add.f32 [tilespmem:s30], [sflag:$0x3], $0x10, s25, s2, $0xb8;
	[tilespmem:$0x1FA48] =	vst v63  }
0x236: {  	_ = 	snop  }
0x237: {  	[spmem:s5] =	stream.indirect.scatter.add.f32 [tilespmem:s12], [sflag:$0x2], $0x80, s26, s2, $0xb8;
	[tilespmem:$0x1FA48] =	vst v63  }
0x238: {  	_ = 	snop  }
0x239: {  	[spmem:s6] =	stream.indirect.scatter.add.f32 [tilespmem:s30], [sflag:$0x3], $0x10, s26, s2, $0xb8;
	[tilespmem:$0x1FA48] =	vst v63  }
0x23a: {  	_ =	swait.ge [sflag:s15], $0x3800  }
0x23b: {  	[sflag:s15] =	ssyncset.done $0x0  }
0x23c: {  	[sflag:s15] =	ssyncadd.s32 $0xFFFFC800  }
0x23d: {  	_ =	swait.ge [sflag:s16], $0x700  }
0x23e: {  	[sflag:s16] =	ssyncset.done $0x0  }
0x23f: {  	[sflag:s16] =	ssyncadd.s32 $0xFFFFF900  }
0x240: {  	_ =	swait.ge [sflag:s15], $0x3800  }
0x241: {  	[sflag:s15] =	ssyncset.done $0x0  }
0x242: {  	[sflag:s15] =	ssyncadd.s32 $0xFFFFC800  }
0x243: {  	_ =	swait.ge [sflag:s16], $0x700  }
0x244: {  	[sflag:s16] =	ssyncset.done $0x0  }
0x245: {  	[sflag:s16] =	ssyncadd.s32 $0xFFFFF900  }
0x246: {  	[tilespmem:s28], [sflag:$0x1] =	stream.indirect.gather [hbm4b:s0+s2], $0x80, s17, s2, $0xb8;
	[tilespmem:$0x1FA48] =	vst v63  }
0x247: {  	_ = 	snop  }
0x248: {  	[tilespmem:s12], [sflag:$0x1] =	stream.indirect.gather [hbm4b:s0+s2], $0x80, s18, s2, $0xb8;
	[tilespmem:$0x1FA48] =	vst v63  }
0x249: {  	v2 =	vld [tilespmem:$0x1708];
	_ =	sdelay $0x4  }
0x24a: {  	v3 =	vshrl.u32 v2, $0x1;
	_ =	sdelay $0x2  }
0x24b: {  	v60 =	vld [tilespmem:$0x1718];
	_ =	sdelay $0x1  }
0x24c: {  	v3 =	vld.idx.msk [tilespmem:v3+s7+$0x0], $0xffff;
	_ =	sdelay $0x2  }
0x24d: {  	v2 =	vshll.u32 v2, $0x4;
	v61 =	vshrl.u32 v60, $0x1  }
0x24e: {  	v2 =	vand.u32 $0x10, v2  }
0x24f: {  	v2 =	vshrl.u32 v3, v2  }
0x250: {  	v3 =	vld [tilespmem:$0x1728];
	v2 =	vand.u32 $0xFFFF, v2  }
0x251: {  	[tilespmem:$0x1E08] =	vst v2  }
0x252: {  	v2 =	vld.idx.msk [tilespmem:v61+s7+$0x0], $0xffff;
	_ =	sdelay $0x2  }
0x253: {  	v4 =	vshll.u32 v60, $0x4;
	v62 =	vshrl.u32 v3, $0x1  }
0x254: {  	v4 =	vand.u32 $0x10, v4  }
0x255: {  	v2 =	vshrl.u32 v2, v4  }
0x256: {  	v63 =	vld [tilespmem:$0x1738];
	v2 =	vand.u32 $0xFFFF, v2  }
0x257: {  	[tilespmem:$0x1E18] =	vst v2  }
0x258: {  	v2 =	vld.idx.msk [tilespmem:v62+s7+$0x0], $0xffff;
	_ =	sdelay $0x2  }
0x259: {  	v8 =	vshrl.u32 v63, $0x1;
	v3 =	vshll.u32 v3, $0x4  }
0x25a: {  	v3 =	vand.u32 $0x10, v3  }
0x25b: {  	v2 =	vshrl.u32 v2, v3  }
0x25c: {  	v3 =	vld [tilespmem:$0x1748];
	v2 =	vand.u32 $0xFFFF, v2  }
0x25d: {  	[tilespmem:$0x1E28] =	vst v2  }
0x25e: {  	v2 =	vld.idx.msk [tilespmem:v8+s7+$0x0], $0xffff;
	_ =	sdelay $0x2  }
0x25f: {  	v4 =	vshll.u32 v63, $0x4;
	v9 =	vshrl.u32 v3, $0x1  }
0x260: {  	v4 =	vand.u32 $0x10, v4  }
0x261: {  	v2 =	vshrl.u32 v2, v4  }
0x262: {  	v10 =	vld [tilespmem:$0x1758];
	v2 =	vand.u32 $0xFFFF, v2  }
0x263: {  	[tilespmem:$0x1E38] =	vst v2  }
0x264: {  	v2 =	vld.idx.msk [tilespmem:v9+s7+$0x0], $0xffff;
	_ =	sdelay $0x2  }
0x265: {  	v11 =	vshrl.u32 v10, $0x1;
	v3 =	vshll.u32 v3, $0x4  }
0x266: {  	v3 =	vand.u32 $0x10, v3  }
0x267: {  	v2 =	vshrl.u32 v2, v3  }
0x268: {  	v3 =	vld [tilespmem:$0x1768];
	v2 =	vand.u32 $0xFFFF, v2  }
0x269: {  	[tilespmem:$0x1E48] =	vst v2  }
0x26a: {  	v2 =	vld.idx.msk [tilespmem:v11+s7+$0x0], $0xffff;
	_ =	sdelay $0x2  }
0x26b: {  	v4 =	vshll.u32 v10, $0x4;
	v12 =	vshrl.u32 v3, $0x1  }
0x26c: {  	v4 =	vand.u32 $0x10, v4  }
0x26d: {  	v2 =	vshrl.u32 v2, v4  }
0x26e: {  	v13 =	vld [tilespmem:$0x1778];
	v2 =	vand.u32 $0xFFFF, v2  }
0x26f: {  	[tilespmem:$0x1E58] =	vst v2  }
0x270: {  	v2 =	vld.idx.msk [tilespmem:v12+s7+$0x0], $0xffff;
	_ =	sdelay $0x2  }
0x271: {  	v14 =	vshrl.u32 v13, $0x1;
	v3 =	vshll.u32 v3, $0x4  }
0x272: {  	v3 =	vand.u32 $0x10, v3  }
0x273: {  	v2 =	vshrl.u32 v2, v3  }
0x274: {  	v3 =	vld [tilespmem:$0x1788];
	v2 =	vand.u32 $0xFFFF, v2  }
0x275: {  	[tilespmem:$0x1E68] =	vst v2  }
0x276: {  	v2 =	vld.idx.msk [tilespmem:v14+s7+$0x0], $0xffff;
	_ =	sdelay $0x2  }
0x277: {  	v4 =	vshll.u32 v13, $0x4;
	v15 =	vshrl.u32 v3, $0x1  }
0x278: {  	v4 =	vand.u32 $0x10, v4  }
0x279: {  	v2 =	vshrl.u32 v2, v4  }
0x27a: {  	v16 =	vld [tilespmem:$0x1798];
	v2 =	vand.u32 $0xFFFF, v2  }
0x27b: {  	[tilespmem:$0x1E78] =	vst v2  }
0x27c: {  	v2 =	vld.idx.msk [tilespmem:v15+s7+$0x0], $0xffff;
	_ =	sdelay $0x2  }
0x27d: {  	v17 =	vshrl.u32 v16, $0x1;
	v3 =	vshll.u32 v3, $0x4  }
0x27e: {  	v3 =	vand.u32 $0x10, v3  }
0x27f: {  	v2 =	vshrl.u32 v2, v3  }
0x280: {  	v3 =	vld [tilespmem:$0x17A8];
	v2 =	vand.u32 $0xFFFF, v2  }
0x281: {  	[tilespmem:$0x1E88] =	vst v2  }
0x282: {  	v2 =	vld.idx.msk [tilespmem:v17+s7+$0x0], $0xffff;
	_ =	sdelay $0x2  }
0x283: {  	v4 =	vshll.u32 v16, $0x4;
	v18 =	vshrl.u32 v3, $0x1  }
0x284: {  	v4 =	vand.u32 $0x10, v4  }
0x285: {  	v2 =	vshrl.u32 v2, v4  }
0x286: {  	v19 =	vld [tilespmem:$0x17B8];
	v2 =	vand.u32 $0xFFFF, v2  }
0x287: {  	[tilespmem:$0x1E98] =	vst v2  }
0x288: {  	v2 =	vld.idx.msk [tilespmem:v18+s7+$0x0], $0xffff;
	_ =	sdelay $0x2  }
0x289: {  	v20 =	vshrl.u32 v19, $0x1;
	v3 =	vshll.u32 v3, $0x4  }
0x28a: {  	v3 =	vand.u32 $0x10, v3  }
0x28b: {  	v2 =	vshrl.u32 v2, v3  }
0x28c: {  	v3 =	vld [tilespmem:$0x17C8];
	v2 =	vand.u32 $0xFFFF, v2  }
0x28d: {  	[tilespmem:$0x1EA8] =	vst v2  }
0x28e: {  	v2 =	vld.idx.msk [tilespmem:v20+s7+$0x0], $0xffff;
	_ =	sdelay $0x2  }
0x28f: {  	v4 =	vshll.u32 v19, $0x4;
	v21 =	vshrl.u32 v3, $0x1  }
0x290: {  	v4 =	vand.u32 $0x10, v4  }
0x291: {  	v2 =	vshrl.u32 v2, v4  }
0x292: {  	v22 =	vld [tilespmem:$0x17D8];
	v2 =	vand.u32 $0xFFFF, v2  }
0x293: {  	[tilespmem:$0x1EB8] =	vst v2  }
0x294: {  	v2 =	vld.idx.msk [tilespmem:v21+s7+$0x0], $0xffff;
	_ =	sdelay $0x2  }
0x295: {  	v23 =	vshrl.u32 v22, $0x1;
	v3 =	vshll.u32 v3, $0x4  }
0x296: {  	v3 =	vand.u32 $0x10, v3  }
0x297: {  	v2 =	vshrl.u32 v2, v3  }
0x298: {  	v2 =	vand.u32 $0xFFFF, v2  }
0x299: {  	[tilespmem:$0x1EC8] =	vst v2  }
0x29a: {  	v2 =	vld.idx.msk [tilespmem:v23+s7+$0x0], $0xffff;
	_ =	sdelay $0x2  }
0x29b: {  	v3 =	vshll.u32 v22, $0x4  }
0x29c: {  	v3 =	vand.u32 $0x10, v3  }
0x29d: {  	v2 =	vshrl.u32 v2, v3  }
0x29e: {  	v2 =	vand.u32 $0xFFFF, v2  }
0x29f: {  	[tilespmem:$0x1ED8] =	vst v2  }
0x2a0: {  	_ =	swait.ge [sflag:s13], $0x3800  }
0x2a1: {  	[sflag:s13] =	ssyncset.done $0x0  }
0x2a2: {  	[sflag:s13] =	ssyncadd.s32 $0xFFFFC800  }
0x2a3: {  	_ =	swait.ge [sflag:s13], $0x3800  }
0x2a4: {  	[sflag:s13] =	ssyncset.done $0x0  }
0x2a5: {  	[sflag:s13] =	ssyncadd.s32 $0xFFFFC800  }
0x2a6: {  	[spmem:s5] =	stream.indirect.scatter.add.f32 [tilespmem:s28], [sflag:$0x2], $0x80, s19, s2, $0xb8;
	[tilespmem:$0x1FA48] =	vst v63  }
0x2a7: {  	_ = 	snop  }
0x2a8: {  	[spmem:s6] =	stream.indirect.scatter.add.f32 [tilespmem:s30], [sflag:$0x3], $0x10, s19, s2, $0xb8;
	[tilespmem:$0x1FA48] =	vst v63  }
0x2a9: {  	_ = 	snop  }
0x2aa: {  	[spmem:s5] =	stream.indirect.scatter.add.f32 [tilespmem:s12], [sflag:$0x2], $0x80, s8, s2, $0xb8;
	[tilespmem:$0x1FA48] =	vst v63  }
0x2ab: {  	_ = 	snop  }
0x2ac: {  	[spmem:s6] =	stream.indirect.scatter.add.f32 [tilespmem:s30], [sflag:$0x3], $0x10, s8, s2, $0xb8;
	[tilespmem:$0x1FA48] =	vst v63  }
0x2ad: {  	_ =	swait.ge [sflag:s15], $0x3800  }
0x2ae: {  	[sflag:s15] =	ssyncset.done $0x0  }
0x2af: {  	[sflag:s15] =	ssyncadd.s32 $0xFFFFC800  }
0x2b0: {  	_ =	swait.ge [sflag:s16], $0x700  }
0x2b1: {  	[sflag:s16] =	ssyncset.done $0x0  }
0x2b2: {  	[sflag:s16] =	ssyncadd.s32 $0xFFFFF900  }
0x2b3: {  	_ =	swait.ge [sflag:s15], $0x3800  }
0x2b4: {  	[sflag:s15] =	ssyncset.done $0x0  }
0x2b5: {  	[sflag:s15] =	ssyncadd.s32 $0xFFFFC800  }
0x2b6: {  	_ =	swait.ge [sflag:s16], $0x700  }
0x2b7: {  	[sflag:s16] =	ssyncset.done $0x0  }
0x2b8: {  	[sflag:s16] =	ssyncadd.s32 $0xFFFFF900  }
0x2b9: {  	[tilespmem:s28], [sflag:$0x1] =	stream.indirect.gather [hbm4b:s0+s2], $0x80, s10, s2, $0xb8;
	[tilespmem:$0x1FA48] =	vst v63  }
0x2ba: {  	_ = 	snop  }
0x2bb: {  	[tilespmem:s12], [sflag:$0x1] =	stream.indirect.gather [hbm4b:s0+s2], $0x80, s11, s2, $0xb8;
	[tilespmem:$0x1FA48] =	vst v63  }
0x2bc: {  	v2 =	vld [tilespmem:$0x17E8];
	_ =	sdelay $0x4  }
0x2bd: {  	v3 =	vshrl.u32 v2, $0x1;
	_ =	sdelay $0x2  }
0x2be: {  	v24 =	vld [tilespmem:$0x17F8];
	_ =	sdelay $0x1  }
0x2bf: {  	v3 =	vld.idx.msk [tilespmem:v3+s7+$0x0], $0xffff;
	_ =	sdelay $0x2  }
0x2c0: {  	v2 =	vshll.u32 v2, $0x4;
	v25 =	vshrl.u32 v24, $0x1  }
0x2c1: {  	v2 =	vand.u32 $0x10, v2  }
0x2c2: {  	v2 =	vshrl.u32 v3, v2  }
0x2c3: {  	v3 =	vld [tilespmem:$0x1808];
	v2 =	vand.u32 $0xFFFF, v2  }
0x2c4: {  	[tilespmem:$0x1EE8] =	vst v2  }
0x2c5: {  	v2 =	vld.idx.msk [tilespmem:v25+s7+$0x0], $0xffff;
	_ =	sdelay $0x2  }
0x2c6: {  	v4 =	vshll.u32 v24, $0x4;
	v26 =	vshrl.u32 v3, $0x1  }
0x2c7: {  	v4 =	vand.u32 $0x10, v4  }
0x2c8: {  	v2 =	vshrl.u32 v2, v4  }
0x2c9: {  	v27 =	vld [tilespmem:$0x1818];
	v2 =	vand.u32 $0xFFFF, v2  }
0x2ca: {  	[tilespmem:$0x1EF8] =	vst v2  }
0x2cb: {  	v2 =	vld.idx.msk [tilespmem:v26+s7+$0x0], $0xffff;
	_ =	sdelay $0x2  }
0x2cc: {  	v28 =	vshrl.u32 v27, $0x1;
	v3 =	vshll.u32 v3, $0x4  }
0x2cd: {  	v3 =	vand.u32 $0x10, v3  }
0x2ce: {  	v2 =	vshrl.u32 v2, v3  }
0x2cf: {  	v3 =	vld [tilespmem:$0x1828];
	v2 =	vand.u32 $0xFFFF, v2  }
0x2d0: {  	[tilespmem:$0x1F08] =	vst v2  }
0x2d1: {  	v2 =	vld.idx.msk [tilespmem:v28+s7+$0x0], $0xffff;
	_ =	sdelay $0x2  }
0x2d2: {  	v4 =	vshll.u32 v27, $0x4;
	v29 =	vshrl.u32 v3, $0x1  }
0x2d3: {  	v4 =	vand.u32 $0x10, v4  }
0x2d4: {  	v2 =	vshrl.u32 v2, v4  }
0x2d5: {  	v30 =	vld [tilespmem:$0x1838];
	v2 =	vand.u32 $0xFFFF, v2  }
0x2d6: {  	[tilespmem:$0x1F18] =	vst v2  }
0x2d7: {  	v2 =	vld.idx.msk [tilespmem:v29+s7+$0x0], $0xffff;
	_ =	sdelay $0x2  }
0x2d8: {  	v31 =	vshrl.u32 v30, $0x1;
	v3 =	vshll.u32 v3, $0x4  }
0x2d9: {  	v3 =	vand.u32 $0x10, v3  }
0x2da: {  	v2 =	vshrl.u32 v2, v3  }
0x2db: {  	v3 =	vld [tilespmem:$0x1848];
	v2 =	vand.u32 $0xFFFF, v2  }
0x2dc: {  	[tilespmem:$0x1F28] =	vst v2  }
0x2dd: {  	v2 =	vld.idx.msk [tilespmem:v31+s7+$0x0], $0xffff;
	_ =	sdelay $0x2  }
0x2de: {  	v4 =	vshll.u32 v30, $0x4;
	v32 =	vshrl.u32 v3, $0x1  }
0x2df: {  	v4 =	vand.u32 $0x10, v4  }
0x2e0: {  	v2 =	vshrl.u32 v2, v4  }
0x2e1: {  	v33 =	vld [tilespmem:$0x1858];
	v2 =	vand.u32 $0xFFFF, v2  }
0x2e2: {  	[tilespmem:$0x1F38] =	vst v2  }
0x2e3: {  	v2 =	vld.idx.msk [tilespmem:v32+s7+$0x0], $0xffff;
	_ =	sdelay $0x2  }
0x2e4: {  	v34 =	vshrl.u32 v33, $0x1;
	v3 =	vshll.u32 v3, $0x4  }
0x2e5: {  	v3 =	vand.u32 $0x10, v3  }
0x2e6: {  	v2 =	vshrl.u32 v2, v3  }
0x2e7: {  	v3 =	vld [tilespmem:$0x1868];
	v2 =	vand.u32 $0xFFFF, v2  }
0x2e8: {  	[tilespmem:$0x1F48] =	vst v2  }
0x2e9: {  	v2 =	vld.idx.msk [tilespmem:v34+s7+$0x0], $0xffff;
	_ =	sdelay $0x2  }
0x2ea: {  	v4 =	vshll.u32 v33, $0x4;
	v35 =	vshrl.u32 v3, $0x1  }
0x2eb: {  	v4 =	vand.u32 $0x10, v4  }
0x2ec: {  	v2 =	vshrl.u32 v2, v4  }
0x2ed: {  	v36 =	vld [tilespmem:$0x1878];
	v2 =	vand.u32 $0xFFFF, v2  }
0x2ee: {  	[tilespmem:$0x1F58] =	vst v2  }
0x2ef: {  	v2 =	vld.idx.msk [tilespmem:v35+s7+$0x0], $0xffff;
	_ =	sdelay $0x2  }
0x2f0: {  	v37 =	vshrl.u32 v36, $0x1;
	v3 =	vshll.u32 v3, $0x4  }
0x2f1: {  	v3 =	vand.u32 $0x10, v3  }
0x2f2: {  	v2 =	vshrl.u32 v2, v3  }
0x2f3: {  	v3 =	vld [tilespmem:$0x1888];
	v2 =	vand.u32 $0xFFFF, v2  }
0x2f4: {  	[tilespmem:$0x1F68] =	vst v2  }
0x2f5: {  	v2 =	vld.idx.msk [tilespmem:v37+s7+$0x0], $0xffff;
	_ =	sdelay $0x2  }
0x2f6: {  	v4 =	vshll.u32 v36, $0x4;
	v38 =	vshrl.u32 v3, $0x1  }
0x2f7: {  	v4 =	vand.u32 $0x10, v4  }
0x2f8: {  	v2 =	vshrl.u32 v2, v4  }
0x2f9: {  	v39 =	vld [tilespmem:$0x1898];
	v2 =	vand.u32 $0xFFFF, v2  }
0x2fa: {  	[tilespmem:$0x1F78] =	vst v2  }
0x2fb: {  	v2 =	vld.idx.msk [tilespmem:v38+s7+$0x0], $0xffff;
	_ =	sdelay $0x2  }
0x2fc: {  	v40 =	vshrl.u32 v39, $0x1;
	v3 =	vshll.u32 v3, $0x4  }
0x2fd: {  	v3 =	vand.u32 $0x10, v3  }
0x2fe: {  	v2 =	vshrl.u32 v2, v3  }
0x2ff: {  	v3 =	vld [tilespmem:$0x18A8];
	v2 =	vand.u32 $0xFFFF, v2  }
0x300: {  	[tilespmem:$0x1F88] =	vst v2  }
0x301: {  	v2 =	vld.idx.msk [tilespmem:v40+s7+$0x0], $0xffff;
	_ =	sdelay $0x2  }
0x302: {  	v4 =	vshll.u32 v39, $0x4;
	v41 =	vshrl.u32 v3, $0x1  }
0x303: {  	v4 =	vand.u32 $0x10, v4  }
0x304: {  	v2 =	vshrl.u32 v2, v4  }
0x305: {  	v42 =	vld [tilespmem:$0x18B8];
	v2 =	vand.u32 $0xFFFF, v2  }
0x306: {  	[tilespmem:$0x1F98] =	vst v2  }
0x307: {  	v2 =	vld.idx.msk [tilespmem:v41+s7+$0x0], $0xffff;
	_ =	sdelay $0x2  }
0x308: {  	v43 =	vshrl.u32 v42, $0x1;
	v3 =	vshll.u32 v3, $0x4  }
0x309: {  	v3 =	vand.u32 $0x10, v3  }
0x30a: {  	v2 =	vshrl.u32 v2, v3  }
0x30b: {  	v2 =	vand.u32 $0xFFFF, v2  }
0x30c: {  	[tilespmem:$0x1FA8] =	vst v2  }
0x30d: {  	v2 =	vld.idx.msk [tilespmem:v43+s7+$0x0], $0xffff;
	_ =	sdelay $0x2  }
0x30e: {  	v3 =	vshll.u32 v42, $0x4  }
0x30f: {  	v3 =	vand.u32 $0x10, v3  }
0x310: {  	v2 =	vshrl.u32 v2, v3  }
0x311: {  	s14 =	sshrl.u32 s3, $0x3;
	v2 =	vand.u32 $0xFFFF, v2  }
0x312: {  	s31 =	sadd.s32 s20, s14;
	[tilespmem:$0x1FB8] =	vst v2  }
0x313: {  	[tilespmem:s24], [sflag:$0x4] =	stream.linear.gather [hbm4b:s31+s7], $0x2A0, $0x38;
	[tilespmem:$0x1FA48] =	vst v63  }
0x314: {  	s31 =	rddreg [dreg:$0x3];
	_ =	swait.ge [sflag:s29], $0x2A0  }
0x315: {  	[sflag:s29] =	ssyncset.done $0x0  }
0x316: {  	s14 =	sadd.s32 s31, s14;
	[sflag:s29] =	ssyncadd.s32 $0xFFFFFD60  }
0x317: {  	[tilespmem:s4], [sflag:$0x4] =	stream.linear.gather [hbm4b:s14+s7], $0x2A0, $0x38;
	[tilespmem:$0x1FA48] =	vst v63  }
0x318: {  	_ =	swait.ge [sflag:s29], $0x2A0  }
0x319: {  	[sflag:s29] =	ssyncset.done $0x0  }
0x31a: {  	[sflag:s29] =	ssyncadd.s32 $0xFFFFFD60  }
0x31b: {  	_ =	swait.ge [sflag:s13], $0x3800  }
0x31c: {  	[sflag:s13] =	ssyncset.done $0x0  }
0x31d: {  	[sflag:s13] =	ssyncadd.s32 $0xFFFFC800  }
0x31e: {  	_ =	swait.ge [sflag:s13], $0x3800  }
0x31f: {  	[sflag:s13] =	ssyncset.done $0x0  }
0x320: {  	[sflag:s13] =	ssyncadd.s32 $0xFFFFC800  }
0x321: {  	[spmem:s5] =	stream.indirect.scatter.add.f32 [tilespmem:s28], [sflag:$0x2], $0x80, s9, s2, $0xb8;
	[tilespmem:$0x1FA48] =	vst v63  }
0x322: {  	_ = 	snop  }
0x323: {  	[spmem:s6] =	stream.indirect.scatter.add.f32 [tilespmem:s30], [sflag:$0x3], $0x10, s9, s2, $0xb8;
	[tilespmem:$0x1FA48] =	vst v63  }
0x324: {  	_ = 	snop  }
0x325: {  	[spmem:s5] =	stream.indirect.scatter.add.f32 [tilespmem:s12], [sflag:$0x2], $0x80, s21, s2, $0xb8;
	[tilespmem:$0x1FA48] =	vst v63  }
0x326: {  	_ = 	snop  }
0x327: {  	[spmem:s6] =	stream.indirect.scatter.add.f32 [tilespmem:s30], [sflag:$0x3], $0x10, s21, s2, $0xb8;
	[tilespmem:$0x1FA48] =	vst v63  }
0x328: {  	_ =	swait.ge [sflag:s15], $0x3800  }
0x329: {  	[sflag:s15] =	ssyncset.done $0x0  }
0x32a: {  	[sflag:s15] =	ssyncadd.s32 $0xFFFFC800  }
0x32b: {  	_ =	swait.ge [sflag:s16], $0x700  }
0x32c: {  	[sflag:s16] =	ssyncset.done $0x0  }
0x32d: {  	[sflag:s16] =	ssyncadd.s32 $0xFFFFF900  }
0x32e: {  	_ =	swait.ge [sflag:s15], $0x3800  }
0x32f: {  	[sflag:s15] =	ssyncset.done $0x0  }
0x330: {  	[sflag:s15] =	ssyncadd.s32 $0xFFFFC800  }
0x331: {  	_ =	swait.ge [sflag:s16], $0x700  }
0x332: {  	[sflag:s16] =	ssyncset.done $0x0  }
0x333: {  	[sflag:s16] =	ssyncadd.s32 $0xFFFFF900  }
0x334: {  	[tilespmem:s28], [sflag:$0x1] =	stream.indirect.gather [hbm4b:s0+s2], $0x80, s17, s2, $0xb8;
	[tilespmem:$0x1FA48] =	vst v63  }
0x335: {  	_ = 	snop  }
0x336: {  	[tilespmem:s12], [sflag:$0x1] =	stream.indirect.gather [hbm4b:s0+s2], $0x80, s18, s2, $0xb8;
	[tilespmem:$0x1FA48] =	vst v63  }
0x337: {  	v2 =	vld [tilespmem:$0x1388];
	_ =	sdelay $0x4  }
0x338: {  	v3 =	vshrl.u32 v2, $0x1;
	_ =	sdelay $0x2  }
0x339: {  	v44 =	vld [tilespmem:$0x1398];
	_ =	sdelay $0x1  }
0x33a: {  	v3 =	vld.idx.msk [tilespmem:v3+s7+$0x0], $0xffff;
	_ =	sdelay $0x2  }
0x33b: {  	v2 =	vshll.u32 v2, $0x4;
	v45 =	vshrl.u32 v44, $0x1  }
0x33c: {  	v2 =	vand.u32 $0x10, v2  }
0x33d: {  	v2 =	vshrl.u32 v3, v2  }
0x33e: {  	v3 =	vld [tilespmem:$0x13A8];
	v2 =	vand.u32 $0xFFFF, v2  }
0x33f: {  	[tilespmem:$0x1E08] =	vst v2  }
0x340: {  	v2 =	vld.idx.msk [tilespmem:v45+s7+$0x0], $0xffff;
	_ =	sdelay $0x2  }
0x341: {  	v4 =	vshll.u32 v44, $0x4;
	v46 =	vshrl.u32 v3, $0x1  }
0x342: {  	v4 =	vand.u32 $0x10, v4  }
0x343: {  	v2 =	vshrl.u32 v2, v4  }
0x344: {  	v47 =	vld [tilespmem:$0x13B8];
	v2 =	vand.u32 $0xFFFF, v2  }
0x345: {  	[tilespmem:$0x1E18] =	vst v2  }
0x346: {  	v2 =	vld.idx.msk [tilespmem:v46+s7+$0x0], $0xffff;
	_ =	sdelay $0x2  }
0x347: {  	v48 =	vshrl.u32 v47, $0x1;
	v3 =	vshll.u32 v3, $0x4  }
0x348: {  	v3 =	vand.u32 $0x10, v3  }
0x349: {  	v2 =	vshrl.u32 v2, v3  }
0x34a: {  	v3 =	vld [tilespmem:$0x13C8];
	v2 =	vand.u32 $0xFFFF, v2  }
0x34b: {  	[tilespmem:$0x1E28] =	vst v2  }
0x34c: {  	v2 =	vld.idx.msk [tilespmem:v48+s7+$0x0], $0xffff;
	_ =	sdelay $0x2  }
0x34d: {  	v4 =	vshll.u32 v47, $0x4;
	v49 =	vshrl.u32 v3, $0x1  }
0x34e: {  	v4 =	vand.u32 $0x10, v4  }
0x34f: {  	v2 =	vshrl.u32 v2, v4  }
0x350: {  	v50 =	vld [tilespmem:$0x13D8];
	v2 =	vand.u32 $0xFFFF, v2  }
0x351: {  	[tilespmem:$0x1E38] =	vst v2  }
0x352: {  	v2 =	vld.idx.msk [tilespmem:v49+s7+$0x0], $0xffff;
	_ =	sdelay $0x2  }
0x353: {  	v51 =	vshrl.u32 v50, $0x1;
	v3 =	vshll.u32 v3, $0x4  }
0x354: {  	v3 =	vand.u32 $0x10, v3  }
0x355: {  	v2 =	vshrl.u32 v2, v3  }
0x356: {  	v3 =	vld [tilespmem:$0x13E8];
	v2 =	vand.u32 $0xFFFF, v2  }
0x357: {  	[tilespmem:$0x1E48] =	vst v2  }
0x358: {  	v2 =	vld.idx.msk [tilespmem:v51+s7+$0x0], $0xffff;
	_ =	sdelay $0x2  }
0x359: {  	v4 =	vshll.u32 v50, $0x4;
	v52 =	vshrl.u32 v3, $0x1  }
0x35a: {  	v4 =	vand.u32 $0x10, v4  }
0x35b: {  	v2 =	vshrl.u32 v2, v4  }
0x35c: {  	v53 =	vld [tilespmem:$0x13F8];
	v2 =	vand.u32 $0xFFFF, v2  }
0x35d: {  	[tilespmem:$0x1E58] =	vst v2  }
0x35e: {  	v2 =	vld.idx.msk [tilespmem:v52+s7+$0x0], $0xffff;
	_ =	sdelay $0x2  }
0x35f: {  	v54 =	vshrl.u32 v53, $0x1;
	v3 =	vshll.u32 v3, $0x4  }
0x360: {  	v3 =	vand.u32 $0x10, v3  }
0x361: {  	v2 =	vshrl.u32 v2, v3  }
0x362: {  	v3 =	vld [tilespmem:$0x1408];
	v2 =	vand.u32 $0xFFFF, v2  }
0x363: {  	[tilespmem:$0x1E68] =	vst v2  }
0x364: {  	v2 =	vld.idx.msk [tilespmem:v54+s7+$0x0], $0xffff;
	_ =	sdelay $0x2  }
0x365: {  	v4 =	vshll.u32 v53, $0x4;
	v55 =	vshrl.u32 v3, $0x1  }
0x366: {  	v4 =	vand.u32 $0x10, v4  }
0x367: {  	v2 =	vshrl.u32 v2, v4  }
0x368: {  	v56 =	vld [tilespmem:$0x1418];
	v2 =	vand.u32 $0xFFFF, v2  }
0x369: {  	[tilespmem:$0x1E78] =	vst v2  }
0x36a: {  	v2 =	vld.idx.msk [tilespmem:v55+s7+$0x0], $0xffff;
	_ =	sdelay $0x2  }
0x36b: {  	v57 =	vshrl.u32 v56, $0x1;
	v3 =	vshll.u32 v3, $0x4  }
0x36c: {  	v3 =	vand.u32 $0x10, v3  }
0x36d: {  	v2 =	vshrl.u32 v2, v3  }
0x36e: {  	v3 =	vld [tilespmem:$0x1428];
	v2 =	vand.u32 $0xFFFF, v2  }
0x36f: {  	[tilespmem:$0x1E88] =	vst v2  }
0x370: {  	v2 =	vld.idx.msk [tilespmem:v57+s7+$0x0], $0xffff;
	_ =	sdelay $0x2  }
0x371: {  	v4 =	vshll.u32 v56, $0x4;
	v58 =	vshrl.u32 v3, $0x1  }
0x372: {  	v4 =	vand.u32 $0x10, v4  }
0x373: {  	v2 =	vshrl.u32 v2, v4  }
0x374: {  	v59 =	vld [tilespmem:$0x1438];
	v2 =	vand.u32 $0xFFFF, v2  }
0x375: {  	[tilespmem:$0x1E98] =	vst v2  }
0x376: {  	v2 =	vld.idx.msk [tilespmem:v58+s7+$0x0], $0xffff;
	_ =	sdelay $0x2  }
0x377: {  	v60 =	vshrl.u32 v59, $0x1;
	v3 =	vshll.u32 v3, $0x4  }
0x378: {  	v3 =	vand.u32 $0x10, v3  }
0x379: {  	v2 =	vshrl.u32 v2, v3  }
0x37a: {  	v3 =	vld [tilespmem:$0x1448];
	v2 =	vand.u32 $0xFFFF, v2  }
0x37b: {  	[tilespmem:$0x1EA8] =	vst v2  }
0x37c: {  	v2 =	vld.idx.msk [tilespmem:v60+s7+$0x0], $0xffff;
	_ =	sdelay $0x2  }
0x37d: {  	v4 =	vshll.u32 v59, $0x4;
	v61 =	vshrl.u32 v3, $0x1  }
0x37e: {  	v4 =	vand.u32 $0x10, v4  }
0x37f: {  	v2 =	vshrl.u32 v2, v4  }
0x380: {  	v62 =	vld [tilespmem:$0x1458];
	v2 =	vand.u32 $0xFFFF, v2  }
0x381: {  	[tilespmem:$0x1EB8] =	vst v2  }
0x382: {  	v2 =	vld.idx.msk [tilespmem:v61+s7+$0x0], $0xffff;
	_ =	sdelay $0x2  }
0x383: {  	v63 =	vshrl.u32 v62, $0x1;
	v3 =	vshll.u32 v3, $0x4  }
0x384: {  	v3 =	vand.u32 $0x10, v3  }
0x385: {  	v2 =	vshrl.u32 v2, v3  }
0x386: {  	v2 =	vand.u32 $0xFFFF, v2  }
0x387: {  	[tilespmem:$0x1EC8] =	vst v2  }
0x388: {  	v2 =	vld.idx.msk [tilespmem:v63+s7+$0x0], $0xffff;
	_ =	sdelay $0x2  }
0x389: {  	v3 =	vshll.u32 v62, $0x4  }
0x38a: {  	v3 =	vand.u32 $0x10, v3  }
0x38b: {  	v2 =	vshrl.u32 v2, v3  }
0x38c: {  	v2 =	vand.u32 $0xFFFF, v2  }
0x38d: {  	[tilespmem:$0x1ED8] =	vst v2  }
0x38e: {  	_ =	swait.ge [sflag:s13], $0x3800  }
0x38f: {  	[sflag:s13] =	ssyncset.done $0x0  }
0x390: {  	[sflag:s13] =	ssyncadd.s32 $0xFFFFC800  }
0x391: {  	_ =	swait.ge [sflag:s13], $0x3800  }
0x392: {  	[sflag:s13] =	ssyncset.done $0x0  }
0x393: {  	s1 =	sadd.s32 $0xA8, s1;
	[sflag:s13] =	ssyncadd.s32 $0xFFFFC800  }
0x394: {  	[spmem:s5] =	stream.indirect.scatter.add.f32 [tilespmem:s28], [sflag:$0x2], $0x80, s22, s2, $0xb8;
	[tilespmem:$0x1FA48] =	vst v63  }
0x395: {  	p0 =	sne.s32 s1, $0x9D8  }
0x396: {  	[spmem:s6] =	stream.indirect.scatter.add.f32 [tilespmem:s30], [sflag:$0x3], $0x10, s22, s2, $0xb8;
	[tilespmem:$0x1FA48] =	vst v63  }
.Ltmp2:
0x397: {  	_ = 	snop;
	(pc) =	sbr.rel @p0 .LBB2_6-.Ltmp2, $4  }
0x398: {  	_ = 	snop  }
0x399: {  	[spmem:s5] =	stream.indirect.scatter.add.f32 [tilespmem:s12], [sflag:$0x2], $0x80, s23, s2, $0xb8;
	[tilespmem:$0x1FA48] =	vst v63  }
0x39a: {  	s3 =	sadd.s32 $0x540, s3  }
0x39b: {  	[spmem:s6] =	stream.indirect.scatter.add.f32 [tilespmem:s30], [sflag:$0x3], $0x10, s23, s2, $0xb8;
	[tilespmem:$0x1FA48] =	vst v63  }
0x39c: {  	_ =	swait.ge [sflag:s15], $0x3800  }
0x39d: {  	[sflag:s15] =	ssyncset.done $0x0  }
0x39e: {  	[sflag:s15] =	ssyncadd.s32 $0xFFFFC800  }
0x39f: {  	_ =	swait.ge [sflag:s16], $0x700  }
0x3a0: {  	[sflag:s16] =	ssyncset.done $0x0  }
0x3a1: {  	[sflag:s16] =	ssyncadd.s32 $0xFFFFF900  }
0x3a2: {  	_ =	swait.ge [sflag:s15], $0x3800  }
0x3a3: {  	[sflag:s15] =	ssyncset.done $0x0  }
0x3a4: {  	[sflag:s15] =	ssyncadd.s32 $0xFFFFC800  }
0x3a5: {  	_ =	swait.ge [sflag:s16], $0x700  }
0x3a6: {  	[sflag:s16] =	ssyncset.done $0x0  }
0x3a7: {  	[sflag:s16] =	ssyncadd.s32 $0xFFFFF900  }
0x3a8: {  	s1 =	stileid.u32;
	[bflag:$0x0] =	sbarrier.arrive $0xFFFF  }
0x3a9: {  	s1 =	sshll.u32 s1, $0x6;
	s3 =	rddreg [dreg:$0xa]  }
0x3aa: {  	s1 =	sor.u32 $0x1C04, s1;
	s14 =	rddreg [dreg:$0x19];
	s3 =	sshrl.u32 s3, $0x3  }
0x3ab: {  	[hbm:s14], [sflag:s1] =	dma.local [spmem:s3], $0x2780  }
0x3ac: {  	_ =	swait.ge [sflag:s29], $0x2780  }
0x3ad: {  	[sflag:s29] =	ssyncset.done $0x0;
	s14 =	rddreg [dreg:$0xb]  }
0x3ae: {  	s31 =	rddreg [dreg:$0x1a];
	[sflag:s29] =	ssyncadd.s32 $0xFFFFD880;
	s3 =	sshrl.u32 s14, $0x3  }
0x3af: {  	[hbm:s31], [sflag:s1] =	dma.local [spmem:s3], $0x4F0  }
0x3b0: {  	_ =	swait.ge [sflag:s29], $0x4F0  }
0x3b1: {  	s14 =	rddreg [dreg:$0x1d]  }
0x3b2: {  	s31 =	rddreg [dreg:$0x1b];
	s3 =	sadd.s32 $0x1, s14  }
0x3b3: {  	p0 =	sne.s32 s3, s31  }
.Ltmp3:
0x3b4: {  	_ = 	snop;
	(pc) =	sbr.rel @p0 .LBB2_1-.Ltmp3, $3  }
0x3b5: {  	_ =	sdelay $0x1  }
0x3b6: {  	[sflag:s29] =	ssyncset.done $0x0  }
0x3b7: {  	[sflag:s29] =	ssyncadd.s32 $0xFFFFFB10;
	s14 =	simm.s32 $0x1388  }
0x3b8: {  	_ =	sfence.sel $0x180000  }
0x3b9: {  	[bflag:$0x0] =	sbarrier.arrive $0xFFFF  }
0x3ba: {  	_ =	strace $0x90000047  }
0x3bb: {  	s0 =	stileid.u32;
	[bflag:$0x2] =	sbarrier.arrive $0xFFFF  }
0x3bc: {  	p0 =	sne.s32 s0, $0x0;
	s0 =	rddreg [dreg:$0x6]  }
0x3bd: {  	s0 =	sadd.s32 @!p0 $0x100000, s0  }
0x3be: {  	[sflag:s0] =	ssyncadd.tile.s32 @!p0 $0x1;
	_ =	shalt  }
.Lfunc_end2:
_tile_overlayer_lowered:
.L_overlay_start_2:
0x3bf: {  	(tag) =	ssettag $0x2  }
0x3c0: {  	s0 =	rddreg [dreg:$0x0];
	s2 =	stileid.u32  }
0x3c1: {  	s1 =	rddreg [dreg:$0x1];
	p0 =	sne.s32 s2, $0x0  }
0x3c2: {  	s3 =	rddreg [dreg:$0x2];
	[bflag:$0x3] =	sbarrier.arrive $0xFFFF;
	s2 =	simm.s32 @!p0 $0x1C04  }
0x3c3: {  	[timem:s3], [sflag:s2] =	dma.local @!p0 [hbm:s0], s1  }
0x3c4: {  	s0 =	simm.s32 @!p0 $0x4  }
0x3c5: {  	_ =	swait.ge @!p0 [sflag:s0], s1  }
0x3c6: {  	s1 =	ssub.s32 @!p0 $0x0, s1;
	[sflag:s0] =	ssyncset.done @!p0 $0x0  }
0x3c7: {  	[sflag:s0] =	ssyncadd.s32 @!p0 s1  }
0x3c8: {  	[bflag:$0x3] =	sbarrier.arrive $0xFFFF  }
0x3c9: {  	_ =	shalt  }

</sc_bundles>
